<compile_context>
chip_gen: v7x
topology: tpu7x:2x2x1
jax: 0.10.2.dev20260603
libtpu: 0.0.44.dev20260713+nightly
codegen_flags: <defaults>
</compile_context>

<pallas_src>
import jax
import jax.numpy as jnp
from jax import lax
from jax.experimental import pallas as pl
from jax.experimental.pallas import tpu as pltpu
from jax.experimental.pallas import tpu_sc as plsc

N = 10000
E = 320000
D = 128
DE = 16

NC = 2
NS = 16
L = 16
NW = NC * NS
BE = 32
EPW = 10048
EP = EPW * NW
NIT = EPW // BE
NPAD = 10112
RPT = NPAD // NS
RFC = (RPT // BE) * BE

BN = 1264
BNC = 1000
BEB = 5024


def _proj_body(x_ref, w_ref, b_ref, xk_ref, xq_ref, xv_ref, sk_ref):
    acc = jnp.dot(x_ref[...], w_ref[...], preferred_element_type=jnp.float32)
    xk_ref[...] = acc[:, 0:D]
    xq_ref[...] = acc[:, D:2 * D]
    xv_ref[...] = acc[:, 2 * D:3 * D]
    sk_ref[...] = acc[:, 3 * D:4 * D] + b_ref[...]


def _edge_body(ea_ref, wg_ref, wv_ref, bg_ref, bv_ref, eg_ref, ev_ref):
    ea = ea_ref[...]
    eg_ref[...] = jnp.dot(ea, wg_ref[...], preferred_element_type=jnp.float32) + bg_ref[...]
    ev_ref[...] = jnp.dot(ea, wv_ref[...], preferred_element_type=jnp.float32) + bv_ref[...]


def _comb_body(p_ref, s_ref, o_ref):
    o_ref[...] = p_ref[0] + p_ref[1] + s_ref[...]


def _sc_body(xk_hbm, xq_hbm, xv_hbm, eg_hbm, ev_hbm, src_hbm, dst_hbm, out_hbm,
             di0, si0, sc0, kb0, qb0, vb0, gb0, eb0, mb0,
             di1, si1, sc1, kb1, qb1, vb1, gb1, eb1, mb1,
             shared, semi0, semd0, sems0, semi1, semd1, sems1):
    core = lax.axis_index("c")
    sid = lax.axis_index("s")
    wid = core * NS + sid
    ebase = wid * EPW

    sets = (
        (di0, si0, kb0, qb0, vb0, gb0, eb0, semi0, semd0, sc0, mb0, sems0),
        (di1, si1, kb1, qb1, vb1, gb1, eb1, semi1, semd1, sc1, mb1, sems1),
    )

    def zrow(r, carry):
        for c in range(D // L):
            kb0[r, pl.ds(c * L, L)] = jnp.zeros((L,), jnp.float32)
        return carry

    lax.fori_loop(0, BE, zrow, 0)
    r0 = sid * RPT
    for j in range(RPT // BE):
        pltpu.sync_copy(kb0, shared.at[pl.ds(r0 + j * BE, BE)])
    if RPT > RFC:
        pltpu.sync_copy(kb0.at[pl.ds(0, RPT - RFC)],
                        shared.at[pl.ds(r0 + RFC, RPT - RFC)])
    plsc.subcore_barrier()

    def batch_off(j):
        return ebase + lax.rem(j, NIT) * BE

    def issue_idx(j, s):
        e0 = batch_off(j)
        pltpu.async_copy(dst_hbm.at[pl.ds(e0, BE)], s[0], s[7])
        pltpu.async_copy(src_hbm.at[pl.ds(e0, BE)], s[1], s[7])

    def wait_idx(s):
        pltpu.make_async_copy(dst_hbm.at[pl.ds(0, BE)], s[0], s[7]).wait()
        pltpu.make_async_copy(src_hbm.at[pl.ds(0, BE)], s[1], s[7]).wait()

    def issue_data(j, s):
        e0 = batch_off(j)
        pltpu.async_copy(eg_hbm.at[pl.ds(e0, BE)], s[5], s[8])
        pltpu.async_copy(ev_hbm.at[pl.ds(e0, BE)], s[6], s[8])
        pltpu.async_copy(xk_hbm.at[s[0]], s[2], s[8])
        pltpu.async_copy(xq_hbm.at[s[1]], s[3], s[8])
        pltpu.async_copy(xv_hbm.at[s[1]], s[4], s[8])

    def wait_data(s):
        pltpu.make_async_copy(eg_hbm.at[pl.ds(0, BE)], s[5], s[8]).wait()
        pltpu.make_async_copy(ev_hbm.at[pl.ds(0, BE)], s[6], s[8]).wait()
        pltpu.make_async_copy(xk_hbm.at[s[0]], s[2], s[8]).wait()
        pltpu.make_async_copy(xq_hbm.at[s[1]], s[3], s[8]).wait()
        pltpu.make_async_copy(xv_hbm.at[s[1]], s[4], s[8]).wait()

    def wait_scatter(s):
        pltpu.make_async_copy(s[10], shared.at[s[9]], s[11]).wait()

    def compute_scatter(s):
        didx, kb, qb, vb, gb, eb = s[0], s[2], s[3], s[4], s[5], s[6]
        scidx, mb = s[9], s[10]

        def edge(e, carry):
            for c in range(D // L):
                sl = pl.ds(L * c, L)
                z = kb[e, sl] + qb[e, sl] + gb[e, sl]
                g = 1.0 / (1.0 + jnp.exp(-z))
                mb[e, sl] = g * (vb[e, sl] + eb[e, sl])
            return carry

        lax.fori_loop(0, BE, edge, 0)
        for c in range(BE // L):
            scidx[pl.ds(c * L, L)] = didx[pl.ds(c * L, L)]
        pltpu.async_copy(mb, shared.at[scidx], s[11], add=True)

    def body(j, cur, nxt, first=False):
        wait_idx(nxt)
        issue_data(j + 1, nxt)
        wait_data(cur)
        if not first:
            wait_scatter(cur)
        compute_scatter(cur)
        issue_idx(j + 2, cur)

    issue_idx(0, sets[0])
    issue_idx(1, sets[1])
    wait_idx(sets[0])
    issue_data(0, sets[0])
    body(0, sets[0], sets[1], first=True)
    body(1, sets[1], sets[0], first=True)

    def loop_body(jj, carry):
        body(2 * jj + 2, sets[0], sets[1])
        body(2 * jj + 3, sets[1], sets[0])
        return carry

    lax.fori_loop(0, (NIT - 2) // 2, loop_body, 0)

    wait_data(sets[NIT % 2])
    wait_idx(sets[(NIT + 1) % 2])
    wait_scatter(sets[0])
    wait_scatter(sets[1])
    plsc.subcore_barrier()

    for j in range(RPT // BE):
        rr = pl.ds(r0 + j * BE, BE)
        pltpu.sync_copy(shared.at[rr], kb0)
        pltpu.sync_copy(kb0, out_hbm.at[core, rr])
    if RPT > RFC:
        rr = pl.ds(r0 + RFC, RPT - RFC)
        pltpu.sync_copy(shared.at[rr], kb0.at[pl.ds(0, RPT - RFC)])
        pltpu.sync_copy(kb0.at[pl.ds(0, RPT - RFC)], out_hbm.at[core, rr])


_sc_call = pl.kernel(
    _sc_body,
    out_type=jax.ShapeDtypeStruct((NC, NPAD, D), jnp.float32),
    mesh=plsc.VectorSubcoreMesh(core_axis_name="c", subcore_axis_name="s"),
    scratch_types=(
        [
            pltpu.VMEM((BE,), jnp.int32),
            pltpu.VMEM((BE,), jnp.int32),
            pltpu.VMEM((BE,), jnp.int32),
            pltpu.VMEM((BE, D), jnp.float32),
            pltpu.VMEM((BE, D), jnp.float32),
            pltpu.VMEM((BE, D), jnp.float32),
            pltpu.VMEM((BE, D), jnp.float32),
            pltpu.VMEM((BE, D), jnp.float32),
            pltpu.VMEM((BE, D), jnp.float32),
        ] * 2
        + [
            pltpu.VMEM_SHARED((NPAD, D), jnp.float32),
            pltpu.SemaphoreType.DMA,
            pltpu.SemaphoreType.DMA,
            pltpu.SemaphoreType.DMA,
            pltpu.SemaphoreType.DMA,
            pltpu.SemaphoreType.DMA,
            pltpu.SemaphoreType.DMA,
        ]
    ),
)


def kernel(x, edge_index, edge_attr, Wk, bk, Wq, bq, Wv, bv, Wskip, bias):
    w_all = jnp.concatenate([Wk[:D], Wq[:D], Wv[:D], Wskip], axis=1)
    xk, xq, xv, skip = pl.pallas_call(
        _proj_body,
        grid=(NPAD // BN,),
        in_specs=[
            pl.BlockSpec((BN, D), lambda i: (i, 0)),
            pl.BlockSpec((D, 4 * D), lambda i: (0, 0)),
            pl.BlockSpec((1, D), lambda i: (0, 0)),
        ],
        out_specs=[pl.BlockSpec((BN, D), lambda i: (i, 0))] * 4,
        out_shape=[jax.ShapeDtypeStruct((NPAD, D), jnp.float32)] * 4,
    )(x, w_all, bias.reshape(1, D))

    src_pad = jnp.pad(edge_index[0], (0, EP - E), constant_values=N)
    dst_pad = jnp.pad(edge_index[1], (0, EP - E), constant_values=N)
    wg = Wk[D:] + Wq[D:]
    bg = bk + bq
    eg, ev = pl.pallas_call(
        _edge_body,
        grid=(EP // BEB,),
        in_specs=[
            pl.BlockSpec((BEB, DE), lambda i: (i, 0)),
            pl.BlockSpec((DE, D), lambda i: (0, 0)),
            pl.BlockSpec((DE, D), lambda i: (0, 0)),
            pl.BlockSpec((1, D), lambda i: (0, 0)),
            pl.BlockSpec((1, D), lambda i: (0, 0)),
        ],
        out_specs=[pl.BlockSpec((BEB, D), lambda i: (i, 0))] * 2,
        out_shape=[jax.ShapeDtypeStruct((EP, D), jnp.float32)] * 2,
    )(edge_attr, wg, Wv[D:], bg.reshape(1, D), bv.reshape(1, D))

    partial = _sc_call(xk, xq, xv, eg, ev, src_pad, dst_pad)

    out = pl.pallas_call(
        _comb_body,
        grid=(N // BNC,),
        in_specs=[
            pl.BlockSpec((NC, BNC, D), lambda i: (0, i, 0)),
            pl.BlockSpec((BNC, D), lambda i: (i, 0)),
        ],
        out_specs=pl.BlockSpec((BNC, D), lambda i: (i, 0)),
        out_shape=jax.ShapeDtypeStruct((N, D), jnp.float32),
    )(partial, skip)
    return out

# --- scband reference (transcript-rebuilt; emitter-appended) ---
"""Pipeline reference for scband-edge-aggregator-gated-16595753632163 (READ-ONLY COPY).

The authoritative reference and input builder live on the scoring server;
editing this copy changes nothing except your own understanding.
"""

import jax, jax.numpy as jnp
import numpy as np

N = 10000
E = 320000
D = 128
DE = 16

def setup_inputs(seed: int = 0):
    key = jax.random.key(seed)
    ks = jax.random.split(key, 12)
    s = 1.0 / np.sqrt(D + DE)
    s2 = 1.0 / np.sqrt(D)
    return {
        "x": jax.random.normal(ks[0], (N, D), dtype=jnp.float32),
        "edge_index": jax.random.randint(ks[1], (2, E), 0, N, dtype=jnp.int32),
        "edge_attr": jax.random.normal(ks[2], (E, DE), dtype=jnp.float32),
        "Wk": jax.random.uniform(ks[3], (D + DE, D), dtype=jnp.float32, minval=-s, maxval=s),
        "bk": jnp.zeros((D,), dtype=jnp.float32),
        "Wq": jax.random.uniform(ks[4], (D + DE, D), dtype=jnp.float32, minval=-s, maxval=s),
        "bq": jnp.zeros((D,), dtype=jnp.float32),
        "Wv": jax.random.uniform(ks[5], (D + DE, D), dtype=jnp.float32, minval=-s, maxval=s),
        "bv": jnp.zeros((D,), dtype=jnp.float32),
        "Wskip": jax.random.uniform(ks[6], (D, D), dtype=jnp.float32, minval=-s2, maxval=s2),
        "bias": jnp.zeros((D,), dtype=jnp.float32),
    }

def reference(x, edge_index, edge_attr, Wk, bk, Wq, bq, Wv, bv, Wskip, bias):
    # PyG ResGatedGraphConv with edge_dim: per-edge gather, concat edge_attr,
    # per-edge linear projections, gated message, scatter-add to target nodes.
    src = edge_index[0]  # j (source)
    dst = edge_index[1]  # i (target)
    k_i = jnp.take(x, dst, axis=0)
    q_j = jnp.take(x, src, axis=0)
    v_j = jnp.take(x, src, axis=0)
    k = jnp.concatenate([k_i, edge_attr], axis=-1) @ Wk + bk
    q = jnp.concatenate([q_j, edge_attr], axis=-1) @ Wq + bq
    v = jnp.concatenate([v_j, edge_attr], axis=-1) @ Wv + bv
    msg = jax.nn.sigmoid(k + q) * v
    agg = jax.ops.segment_sum(msg, dst, num_segments=N)
    out = agg + x @ Wskip + bias
    return out

if __name__ == "__main__":
    import jax
    _d = setup_inputs()
    print(jax.jit(kernel)(*tuple(_d.values())))

</pallas_src>

<mosaic_0001>
#map = affine_map<(d0, d1) -> (0, 0)>
#map1 = affine_map<(d0, d1) -> (0)>
#map2 = affine_map<(d0, d1) -> (0, 0, 0)>
module attributes {stable_mosaic.version = 14 : i64} {
  func.func @_sc_body(%arg0: i32, %arg1: i32, %arg2: memref<10112x128xf32, #tpu.memory_space<hbm>>, %arg3: memref<10112x128xf32, #tpu.memory_space<hbm>>, %arg4: memref<10112x128xf32, #tpu.memory_space<hbm>>, %arg5: memref<321536x128xf32, #tpu.memory_space<hbm>>, %arg6: memref<321536x128xf32, #tpu.memory_space<hbm>>, %arg7: memref<321536xi32, #tpu.memory_space<hbm>>, %arg8: memref<321536xi32, #tpu.memory_space<hbm>>, %arg9: memref<2x10112x128xf32, #tpu.memory_space<hbm>>, %arg10: memref<32xi32, #tpu.memory_space<vmem>>, %arg11: memref<32xi32, #tpu.memory_space<vmem>>, %arg12: memref<32xi32, #tpu.memory_space<vmem>>, %arg13: memref<32x128xf32, #tpu.memory_space<vmem>>, %arg14: memref<32x128xf32, #tpu.memory_space<vmem>>, %arg15: memref<32x128xf32, #tpu.memory_space<vmem>>, %arg16: memref<32x128xf32, #tpu.memory_space<vmem>>, %arg17: memref<32x128xf32, #tpu.memory_space<vmem>>, %arg18: memref<32x128xf32, #tpu.memory_space<vmem>>, %arg19: memref<32xi32, #tpu.memory_space<vmem>>, %arg20: memref<32xi32, #tpu.memory_space<vmem>>, %arg21: memref<32xi32, #tpu.memory_space<vmem>>, %arg22: memref<32x128xf32, #tpu.memory_space<vmem>>, %arg23: memref<32x128xf32, #tpu.memory_space<vmem>>, %arg24: memref<32x128xf32, #tpu.memory_space<vmem>>, %arg25: memref<32x128xf32, #tpu.memory_space<vmem>>, %arg26: memref<32x128xf32, #tpu.memory_space<vmem>>, %arg27: memref<32x128xf32, #tpu.memory_space<vmem>>, %arg28: memref<10112x128xf32, #tpu.memory_space<vmem_shared>>, %arg29: memref<!tpu.dma_semaphore, #tpu.memory_space<semaphore_mem>>, %arg30: memref<!tpu.dma_semaphore, #tpu.memory_space<semaphore_mem>>, %arg31: memref<!tpu.dma_semaphore, #tpu.memory_space<semaphore_mem>>, %arg32: memref<!tpu.dma_semaphore, #tpu.memory_space<semaphore_mem>>, %arg33: memref<!tpu.dma_semaphore, #tpu.memory_space<semaphore_mem>>, %arg34: memref<!tpu.dma_semaphore, #tpu.memory_space<semaphore_mem>>) attributes {dimension_semantics = [#tpu.dimension_semantics<core_parallel>, #tpu.dimension_semantics<subcore_parallel>], iteration_bounds = array<i64: 2, 16>, scalar_prefetch = 0 : i64, scratch_operands = 25 : i64, tpu.core_type = #tpu.core_type<sc_vector_subcore>, window_params = [{transform_indices = #map}, {transform_indices = #map}, {transform_indices = #map}, {transform_indices = #map}, {transform_indices = #map}, {transform_indices = #map1}, {transform_indices = #map1}, {transform_indices = #map2}]} {
    %mul3A = arith.constant 16 : i32
    %mul3A_0 = arith.muli %arg0, %mul3A : i32
    %add3A = arith.addi %mul3A_0, %arg1 : i32
    %mul3A_1 = arith.constant 10048 : i32
    %mul3A_2 = arith.muli %add3A, %mul3A_1 : i32
    %scan3A = arith.constant 0 : i32
    %scan3A_3 = arith.constant 0 : i32
    %scan3A_4 = arith.constant 32 : i32
    %scan3A_5 = arith.addi %scan3A_3, %scan3A_4 : i32
    %scan3A_6 = arith.constant 1 : i32
    scf.for %scan3A_348 = %scan3A_3 to %scan3A_5 step %scan3A_6  : i32 {
      %broadcast_in_dim3A = arith.constant 0.000000e+00 : f32
      %broadcast_in_dim3A_349 = vector.broadcast %broadcast_in_dim3A : f32 to vector<16xf32>
      %swap3A_350 = arith.index_cast %scan3A_348 : i32 to index
      %swap3A_351 = arith.constant 0 : index
      %swap3A_352 = tpu.vector_load %arg13[%swap3A_350, %swap3A_351] {strides = array<i32>} : memref<32x128xf32, #tpu.memory_space<vmem>>, vector<1x16xf32>,
      %swap3A_353 = vector.shape_cast %swap3A_352 : vector<1x16xf32> to vector<16xf32>
      %swap3A_354 = vector.shape_cast %broadcast_in_dim3A_349 : vector<16xf32> to vector<1x16xf32>
      tpu.vector_store %arg13[%swap3A_350, %swap3A_351], %swap3A_354 {strides = array<i32>} : memref<32x128xf32, #tpu.memory_space<vmem>>, vector<1x16xf32>,
      %broadcast_in_dim3A_355 = arith.constant 0.000000e+00 : f32
      %broadcast_in_dim3A_356 = vector.broadcast %broadcast_in_dim3A_355 : f32 to vector<16xf32>
      %swap3A_357 = arith.index_cast %scan3A_348 : i32 to index
      %swap3A_358 = arith.constant 16 : index
      %swap3A_359 = tpu.vector_load %arg13[%swap3A_357, %swap3A_358] {strides = array<i32>} : memref<32x128xf32, #tpu.memory_space<vmem>>, vector<1x16xf32>,
      %swap3A_360 = vector.shape_cast %swap3A_359 : vector<1x16xf32> to vector<16xf32>
      %swap3A_361 = vector.shape_cast %broadcast_in_dim3A_356 : vector<16xf32> to vector<1x16xf32>
      tpu.vector_store %arg13[%swap3A_357, %swap3A_358], %swap3A_361 {strides = array<i32>} : memref<32x128xf32, #tpu.memory_space<vmem>>, vector<1x16xf32>,
      %broadcast_in_dim3A_362 = arith.constant 0.000000e+00 : f32
      %broadcast_in_dim3A_363 = vector.broadcast %broadcast_in_dim3A_362 : f32 to vector<16xf32>
      %swap3A_364 = arith.index_cast %scan3A_348 : i32 to index
      %swap3A_365 = arith.constant 32 : index
      %swap3A_366 = tpu.vector_load %arg13[%swap3A_364, %swap3A_365] {strides = array<i32>} : memref<32x128xf32, #tpu.memory_space<vmem>>, vector<1x16xf32>,
      %swap3A_367 = vector.shape_cast %swap3A_366 : vector<1x16xf32> to vector<16xf32>
      %swap3A_368 = vector.shape_cast %broadcast_in_dim3A_363 : vector<16xf32> to vector<1x16xf32>
      tpu.vector_store %arg13[%swap3A_364, %swap3A_365], %swap3A_368 {strides = array<i32>} : memref<32x128xf32, #tpu.memory_space<vmem>>, vector<1x16xf32>,
      %broadcast_in_dim3A_369 = arith.constant 0.000000e+00 : f32
      %broadcast_in_dim3A_370 = vector.broadcast %broadcast_in_dim3A_369 : f32 to vector<16xf32>
      %swap3A_371 = arith.index_cast %scan3A_348 : i32 to index
      %swap3A_372 = arith.constant 48 : index
      %swap3A_373 = tpu.vector_load %arg13[%swap3A_371, %swap3A_372] {strides = array<i32>} : memref<32x128xf32, #tpu.memory_space<vmem>>, vector<1x16xf32>,
      %swap3A_374 = vector.shape_cast %swap3A_373 : vector<1x16xf32> to vector<16xf32>
      %swap3A_375 = vector.shape_cast %broadcast_in_dim3A_370 : vector<16xf32> to vector<1x16xf32>
      tpu.vector_store %arg13[%swap3A_371, %swap3A_372], %swap3A_375 {strides = array<i32>} : memref<32x128xf32, #tpu.memory_space<vmem>>, vector<1x16xf32>,
      %broadcast_in_dim3A_376 = arith.constant 0.000000e+00 : f32
      %broadcast_in_dim3A_377 = vector.broadcast %broadcast_in_dim3A_376 : f32 to vector<16xf32>
      %swap3A_378 = arith.index_cast %scan3A_348 : i32 to index
      %swap3A_379 = arith.constant 64 : index
      %swap3A_380 = tpu.vector_load %arg13[%swap3A_378, %swap3A_379] {strides = array<i32>} : memref<32x128xf32, #tpu.memory_space<vmem>>, vector<1x16xf32>,
      %swap3A_381 = vector.shape_cast %swap3A_380 : vector<1x16xf32> to vector<16xf32>
      %swap3A_382 = vector.shape_cast %broadcast_in_dim3A_377 : vector<16xf32> to vector<1x16xf32>
      tpu.vector_store %arg13[%swap3A_378, %swap3A_379], %swap3A_382 {strides = array<i32>} : memref<32x128xf32, #tpu.memory_space<vmem>>, vector<1x16xf32>,
      %broadcast_in_dim3A_383 = arith.constant 0.000000e+00 : f32
      %broadcast_in_dim3A_384 = vector.broadcast %broadcast_in_dim3A_383 : f32 to vector<16xf32>
      %swap3A_385 = arith.index_cast %scan3A_348 : i32 to index
      %swap3A_386 = arith.constant 80 : index
      %swap3A_387 = tpu.vector_load %arg13[%swap3A_385, %swap3A_386] {strides = array<i32>} : memref<32x128xf32, #tpu.memory_space<vmem>>, vector<1x16xf32>,
      %swap3A_388 = vector.shape_cast %swap3A_387 : vector<1x16xf32> to vector<16xf32>
      %swap3A_389 = vector.shape_cast %broadcast_in_dim3A_384 : vector<16xf32> to vector<1x16xf32>
      tpu.vector_store %arg13[%swap3A_385, %swap3A_386], %swap3A_389 {strides = array<i32>} : memref<32x128xf32, #tpu.memory_space<vmem>>, vector<1x16xf32>,
      %broadcast_in_dim3A_390 = arith.constant 0.000000e+00 : f32
      %broadcast_in_dim3A_391 = vector.broadcast %broadcast_in_dim3A_390 : f32 to vector<16xf32>
      %swap3A_392 = arith.index_cast %scan3A_348 : i32 to index
      %swap3A_393 = arith.constant 96 : index
      %swap3A_394 = tpu.vector_load %arg13[%swap3A_392, %swap3A_393] {strides = array<i32>} : memref<32x128xf32, #tpu.memory_space<vmem>>, vector<1x16xf32>,
      %swap3A_395 = vector.shape_cast %swap3A_394 : vector<1x16xf32> to vector<16xf32>
      %swap3A_396 = vector.shape_cast %broadcast_in_dim3A_391 : vector<16xf32> to vector<1x16xf32>
      tpu.vector_store %arg13[%swap3A_392, %swap3A_393], %swap3A_396 {strides = array<i32>} : memref<32x128xf32, #tpu.memory_space<vmem>>, vector<1x16xf32>,
      %broadcast_in_dim3A_397 = arith.constant 0.000000e+00 : f32
      %broadcast_in_dim3A_398 = vector.broadcast %broadcast_in_dim3A_397 : f32 to vector<16xf32>
      %swap3A_399 = arith.index_cast %scan3A_348 : i32 to index
      %swap3A_400 = arith.constant 112 : index
      %swap3A_401 = tpu.vector_load %arg13[%swap3A_399, %swap3A_400] {strides = array<i32>} : memref<32x128xf32, #tpu.memory_space<vmem>>, vector<1x16xf32>,
      %swap3A_402 = vector.shape_cast %swap3A_401 : vector<1x16xf32> to vector<16xf32>
      %swap3A_403 = vector.shape_cast %broadcast_in_dim3A_398 : vector<16xf32> to vector<1x16xf32>
      tpu.vector_store %arg13[%swap3A_399, %swap3A_400], %swap3A_403 {strides = array<i32>} : memref<32x128xf32, #tpu.memory_space<vmem>>, vector<1x16xf32>,
    }
    %scan3A_7 = arith.constant 32 : i32
    %mul3A_8 = arith.constant 632 : i32
    %mul3A_9 = arith.muli %arg1, %mul3A_8 : i32
    %add3A_10 = arith.constant 0 : i32
    %add3A_11 = arith.addi %mul3A_9, %add3A_10 : i32
    "tpu.region"() ({
      %run_scoped3A = tpu.sem_alloc : memref<!tpu.dma_semaphore, #tpu.memory_space<semaphore_mem>>
      %dma_start3A_348 = arith.constant 0 : i32
      %dma_start3A_349 = tpu.memref_slice %arg28[%add3A_11, %dma_start3A_348] : memref<10112x128xf32, #tpu.memory_space<vmem_shared>> -> memref<32x128xf32, #tpu.memory_space<vmem_shared>>
      %dma_start3A_350 = arith.constant 0 : i32
      %dma_start3A_351 = tpu.memref_slice %arg28[%add3A_11, %dma_start3A_350] : memref<10112x128xf32, #tpu.memory_space<vmem_shared>> -> memref<32x128xf32, #tpu.memory_space<vmem_shared>>
      tpu.enqueue_dma source(%arg13 : memref<32x128xf32, #tpu.memory_space<vmem>>) target(%dma_start3A_351 : memref<32x128xf32, #tpu.memory_space<vmem_shared>>) target_semaphore(%run_scoped3A : memref<!tpu.dma_semaphore, #tpu.memory_space<semaphore_mem>>)
      %dma_wait3A_352 = arith.constant 0 : i32
      %dma_wait3A_353 = tpu.memref_slice %arg28[%add3A_11, %dma_wait3A_352] : memref<10112x128xf32, #tpu.memory_space<vmem_shared>> -> memref<32x128xf32, #tpu.memory_space<vmem_shared>>
      %dma_wait3A_354 = arith.constant 0 : i32
      %dma_wait3A_355 = tpu.memref_slice %arg28[%add3A_11, %dma_wait3A_354] : memref<10112x128xf32, #tpu.memory_space<vmem_shared>> -> memref<32x128xf32, #tpu.memory_space<vmem_shared>>
      tpu.wait_dma2 semaphore(%run_scoped3A : memref<!tpu.dma_semaphore, #tpu.memory_space<semaphore_mem>>) src(%arg13 : memref<32x128xf32, #tpu.memory_space<vmem>>) dst(%dma_wait3A_355 : memref<32x128xf32, #tpu.memory_space<vmem_shared>>)
      tpu.yield
    }) : () -> ()
    %add3A_12 = arith.constant 32 : i32
    %add3A_13 = arith.addi %mul3A_9, %add3A_12 : i32
    "tpu.region"() ({
      %run_scoped3A = tpu.sem_alloc : memref<!tpu.dma_semaphore, #tpu.memory_space<semaphore_mem>>
      %dma_start3A_348 = arith.constant 0 : i32
      %dma_start3A_349 = tpu.memref_slice %arg28[%add3A_13, %dma_start3A_348] : memref<10112x128xf32, #tpu.memory_space<vmem_shared>> -> memref<32x128xf32, #tpu.memory_space<vmem_shared>>
      %dma_start3A_350 = arith.constant 0 : i32
      %dma_start3A_351 = tpu.memref_slice %arg28[%add3A_13, %dma_start3A_350] : memref<10112x128xf32, #tpu.memory_space<vmem_shared>> -> memref<32x128xf32, #tpu.memory_space<vmem_shared>>
      tpu.enqueue_dma source(%arg13 : memref<32x128xf32, #tpu.memory_space<vmem>>) target(%dma_start3A_351 : memref<32x128xf32, #tpu.memory_space<vmem_shared>>) target_semaphore(%run_scoped3A : memref<!tpu.dma_semaphore, #tpu.memory_space<semaphore_mem>>)
      %dma_wait3A_352 = arith.constant 0 : i32
      %dma_wait3A_353 = tpu.memref_slice %arg28[%add3A_13, %dma_wait3A_352] : memref<10112x128xf32, #tpu.memory_space<vmem_shared>> -> memref<32x128xf32, #tpu.memory_space<vmem_shared>>
      %dma_wait3A_354 = arith.constant 0 : i32
      %dma_wait3A_355 = tpu.memref_slice %arg28[%add3A_13, %dma_wait3A_354] : memref<10112x128xf32, #tpu.memory_space<vmem_shared>> -> memref<32x128xf32, #tpu.memory_space<vmem_shared>>
      tpu.wait_dma2 semaphore(%run_scoped3A : memref<!tpu.dma_semaphore, #tpu.memory_space<semaphore_mem>>) src(%arg13 : memref<32x128xf32, #tpu.memory_space<vmem>>) dst(%dma_wait3A_355 : memref<32x128xf32, #tpu.memory_space<vmem_shared>>)
      tpu.yield
    }) : () -> ()
    %add3A_14 = arith.constant 64 : i32
    %add3A_15 = arith.addi %mul3A_9, %add3A_14 : i32
    "tpu.region"() ({
      %run_scoped3A = tpu.sem_alloc : memref<!tpu.dma_semaphore, #tpu.memory_space<semaphore_mem>>
      %dma_start3A_348 = arith.constant 0 : i32
      %dma_start3A_349 = tpu.memref_slice %arg28[%add3A_15, %dma_start3A_348] : memref<10112x128xf32, #tpu.memory_space<vmem_shared>> -> memref<32x128xf32, #tpu.memory_space<vmem_shared>>
      %dma_start3A_350 = arith.constant 0 : i32
      %dma_start3A_351 = tpu.memref_slice %arg28[%add3A_15, %dma_start3A_350] : memref<10112x128xf32, #tpu.memory_space<vmem_shared>> -> memref<32x128xf32, #tpu.memory_space<vmem_shared>>
      tpu.enqueue_dma source(%arg13 : memref<32x128xf32, #tpu.memory_space<vmem>>) target(%dma_start3A_351 : memref<32x128xf32, #tpu.memory_space<vmem_shared>>) target_semaphore(%run_scoped3A : memref<!tpu.dma_semaphore, #tpu.memory_space<semaphore_mem>>)
      %dma_wait3A_352 = arith.constant 0 : i32
      %dma_wait3A_353 = tpu.memref_slice %arg28[%add3A_15, %dma_wait3A_352] : memref<10112x128xf32, #tpu.memory_space<vmem_shared>> -> memref<32x128xf32, #tpu.memory_space<vmem_shared>>
      %dma_wait3A_354 = arith.constant 0 : i32
      %dma_wait3A_355 = tpu.memref_slice %arg28[%add3A_15, %dma_wait3A_354] : memref<10112x128xf32, #tpu.memory_space<vmem_shared>> -> memref<32x128xf32, #tpu.memory_space<vmem_shared>>
      tpu.wait_dma2 semaphore(%run_scoped3A : memref<!tpu.dma_semaphore, #tpu.memory_space<semaphore_mem>>) src(%arg13 : memref<32x128xf32, #tpu.memory_space<vmem>>) dst(%dma_wait3A_355 : memref<32x128xf32, #tpu.memory_space<vmem_shared>>)
      tpu.yield
    }) : () -> ()
    %add3A_16 = arith.constant 96 : i32
    %add3A_17 = arith.addi %mul3A_9, %add3A_16 : i32
    "tpu.region"() ({
      %run_scoped3A = tpu.sem_alloc : memref<!tpu.dma_semaphore, #tpu.memory_space<semaphore_mem>>
      %dma_start3A_348 = arith.constant 0 : i32
      %dma_start3A_349 = tpu.memref_slice %arg28[%add3A_17, %dma_start3A_348] : memref<10112x128xf32, #tpu.memory_space<vmem_shared>> -> memref<32x128xf32, #tpu.memory_space<vmem_shared>>
      %dma_start3A_350 = arith.constant 0 : i32
      %dma_start3A_351 = tpu.memref_slice %arg28[%add3A_17, %dma_start3A_350] : memref<10112x128xf32, #tpu.memory_space<vmem_shared>> -> memref<32x128xf32, #tpu.memory_space<vmem_shared>>
      tpu.enqueue_dma source(%arg13 : memref<32x128xf32, #tpu.memory_space<vmem>>) target(%dma_start3A_351 : memref<32x128xf32, #tpu.memory_space<vmem_shared>>) target_semaphore(%run_scoped3A : memref<!tpu.dma_semaphore, #tpu.memory_space<semaphore_mem>>)
      %dma_wait3A_352 = arith.constant 0 : i32
      %dma_wait3A_353 = tpu.memref_slice %arg28[%add3A_17, %dma_wait3A_352] : memref<10112x128xf32, #tpu.memory_space<vmem_shared>> -> memref<32x128xf32, #tpu.memory_space<vmem_shared>>
      %dma_wait3A_354 = arith.constant 0 : i32
      %dma_wait3A_355 = tpu.memref_slice %arg28[%add3A_17, %dma_wait3A_354] : memref<10112x128xf32, #tpu.memory_space<vmem_shared>> -> memref<32x128xf32, #tpu.memory_space<vmem_shared>>
      tpu.wait_dma2 semaphore(%run_scoped3A : memref<!tpu.dma_semaphore, #tpu.memory_space<semaphore_mem>>) src(%arg13 : memref<32x128xf32, #tpu.memory_space<vmem>>) dst(%dma_wait3A_355 : memref<32x128xf32, #tpu.memory_space<vmem_shared>>)
      tpu.yield
    }) : () -> ()
    %add3A_18 = arith.constant 128 : i32
    %add3A_19 = arith.addi %mul3A_9, %add3A_18 : i32
    "tpu.region"() ({
      %run_scoped3A = tpu.sem_alloc : memref<!tpu.dma_semaphore, #tpu.memory_space<semaphore_mem>>
      %dma_start3A_348 = arith.constant 0 : i32
      %dma_start3A_349 = tpu.memref_slice %arg28[%add3A_19, %dma_start3A_348] : memref<10112x128xf32, #tpu.memory_space<vmem_shared>> -> memref<32x128xf32, #tpu.memory_space<vmem_shared>>
      %dma_start3A_350 = arith.constant 0 : i32
      %dma_start3A_351 = tpu.memref_slice %arg28[%add3A_19, %dma_start3A_350] : memref<10112x128xf32, #tpu.memory_space<vmem_shared>> -> memref<32x128xf32, #tpu.memory_space<vmem_shared>>
      tpu.enqueue_dma source(%arg13 : memref<32x128xf32, #tpu.memory_space<vmem>>) target(%dma_start3A_351 : memref<32x128xf32, #tpu.memory_space<vmem_shared>>) target_semaphore(%run_scoped3A : memref<!tpu.dma_semaphore, #tpu.memory_space<semaphore_mem>>)
      %dma_wait3A_352 = arith.constant 0 : i32
      %dma_wait3A_353 = tpu.memref_slice %arg28[%add3A_19, %dma_wait3A_352] : memref<10112x128xf32, #tpu.memory_space<vmem_shared>> -> memref<32x128xf32, #tpu.memory_space<vmem_shared>>
      %dma_wait3A_354 = arith.constant 0 : i32
      %dma_wait3A_355 = tpu.memref_slice %arg28[%add3A_19, %dma_wait3A_354] : memref<10112x128xf32, #tpu.memory_space<vmem_shared>> -> memref<32x128xf32, #tpu.memory_space<vmem_shared>>
      tpu.wait_dma2 semaphore(%run_scoped3A : memref<!tpu.dma_semaphore, #tpu.memory_space<semaphore_mem>>) src(%arg13 : memref<32x128xf32, #tpu.memory_space<vmem>>) dst(%dma_wait3A_355 : memref<32x128xf32, #tpu.memory_space<vmem_shared>>)
      tpu.yield
    }) : () -> ()
    %add3A_20 = arith.constant 160 : i32
    %add3A_21 = arith.addi %mul3A_9, %add3A_20 : i32
    "tpu.region"() ({
      %run_scoped3A = tpu.sem_alloc : memref<!tpu.dma_semaphore, #tpu.memory_space<semaphore_mem>>
      %dma_start3A_348 = arith.constant 0 : i32
      %dma_start3A_349 = tpu.memref_slice %arg28[%add3A_21, %dma_start3A_348] : memref<10112x128xf32, #tpu.memory_space<vmem_shared>> -> memref<32x128xf32, #tpu.memory_space<vmem_shared>>
      %dma_start3A_350 = arith.constant 0 : i32
      %dma_start3A_351 = tpu.memref_slice %arg28[%add3A_21, %dma_start3A_350] : memref<10112x128xf32, #tpu.memory_space<vmem_shared>> -> memref<32x128xf32, #tpu.memory_space<vmem_shared>>
      tpu.enqueue_dma source(%arg13 : memref<32x128xf32, #tpu.memory_space<vmem>>) target(%dma_start3A_351 : memref<32x128xf32, #tpu.memory_space<vmem_shared>>) target_semaphore(%run_scoped3A : memref<!tpu.dma_semaphore, #tpu.memory_space<semaphore_mem>>)
      %dma_wait3A_352 = arith.constant 0 : i32
      %dma_wait3A_353 = tpu.memref_slice %arg28[%add3A_21, %dma_wait3A_352] : memref<10112x128xf32, #tpu.memory_space<vmem_shared>> -> memref<32x128xf32, #tpu.memory_space<vmem_shared>>
      %dma_wait3A_354 = arith.constant 0 : i32
      %dma_wait3A_355 = tpu.memref_slice %arg28[%add3A_21, %dma_wait3A_354] : memref<10112x128xf32, #tpu.memory_space<vmem_shared>> -> memref<32x128xf32, #tpu.memory_space<vmem_shared>>
      tpu.wait_dma2 semaphore(%run_scoped3A : memref<!tpu.dma_semaphore, #tpu.memory_space<semaphore_mem>>) src(%arg13 : memref<32x128xf32, #tpu.memory_space<vmem>>) dst(%dma_wait3A_355 : memref<32x128xf32, #tpu.memory_space<vmem_shared>>)
      tpu.yield
    }) : () -> ()
    %add3A_22 = arith.constant 192 : i32
    %add3A_23 = arith.addi %mul3A_9, %add3A_22 : i32
    "tpu.region"() ({
      %run_scoped3A = tpu.sem_alloc : memref<!tpu.dma_semaphore, #tpu.memory_space<semaphore_mem>>
      %dma_start3A_348 = arith.constant 0 : i32
      %dma_start3A_349 = tpu.memref_slice %arg28[%add3A_23, %dma_start3A_348] : memref<10112x128xf32, #tpu.memory_space<vmem_shared>> -> memref<32x128xf32, #tpu.memory_space<vmem_shared>>
      %dma_start3A_350 = arith.constant 0 : i32
      %dma_start3A_351 = tpu.memref_slice %arg28[%add3A_23, %dma_start3A_350] : memref<10112x128xf32, #tpu.memory_space<vmem_shared>> -> memref<32x128xf32, #tpu.memory_space<vmem_shared>>
      tpu.enqueue_dma source(%arg13 : memref<32x128xf32, #tpu.memory_space<vmem>>) target(%dma_start3A_351 : memref<32x128xf32, #tpu.memory_space<vmem_shared>>) target_semaphore(%run_scoped3A : memref<!tpu.dma_semaphore, #tpu.memory_space<semaphore_mem>>)
      %dma_wait3A_352 = arith.constant 0 : i32
      %dma_wait3A_353 = tpu.memref_slice %arg28[%add3A_23, %dma_wait3A_352] : memref<10112x128xf32, #tpu.memory_space<vmem_shared>> -> memref<32x128xf32, #tpu.memory_space<vmem_shared>>
      %dma_wait3A_354 = arith.constant 0 : i32
      %dma_wait3A_355 = tpu.memref_slice %arg28[%add3A_23, %dma_wait3A_354] : memref<10112x128xf32, #tpu.memory_space<vmem_shared>> -> memref<32x128xf32, #tpu.memory_space<vmem_shared>>
      tpu.wait_dma2 semaphore(%run_scoped3A : memref<!tpu.dma_semaphore, #tpu.memory_space<semaphore_mem>>) src(%arg13 : memref<32x128xf32, #tpu.memory_space<vmem>>) dst(%dma_wait3A_355 : memref<32x128xf32, #tpu.memory_space<vmem_shared>>)
      tpu.yield
    }) : () -> ()
    %add3A_24 = arith.constant 224 : i32
    %add3A_25 = arith.addi %mul3A_9, %add3A_24 : i32
    "tpu.region"() ({
      %run_scoped3A = tpu.sem_alloc : memref<!tpu.dma_semaphore, #tpu.memory_space<semaphore_mem>>
      %dma_start3A_348 = arith.constant 0 : i32
      %dma_start3A_349 = tpu.memref_slice %arg28[%add3A_25, %dma_start3A_348] : memref<10112x128xf32, #tpu.memory_space<vmem_shared>> -> memref<32x128xf32, #tpu.memory_space<vmem_shared>>
      %dma_start3A_350 = arith.constant 0 : i32
      %dma_start3A_351 = tpu.memref_slice %arg28[%add3A_25, %dma_start3A_350] : memref<10112x128xf32, #tpu.memory_space<vmem_shared>> -> memref<32x128xf32, #tpu.memory_space<vmem_shared>>
      tpu.enqueue_dma source(%arg13 : memref<32x128xf32, #tpu.memory_space<vmem>>) target(%dma_start3A_351 : memref<32x128xf32, #tpu.memory_space<vmem_shared>>) target_semaphore(%run_scoped3A : memref<!tpu.dma_semaphore, #tpu.memory_space<semaphore_mem>>)
      %dma_wait3A_352 = arith.constant 0 : i32
      %dma_wait3A_353 = tpu.memref_slice %arg28[%add3A_25, %dma_wait3A_352] : memref<10112x128xf32, #tpu.memory_space<vmem_shared>> -> memref<32x128xf32, #tpu.memory_space<vmem_shared>>
      %dma_wait3A_354 = arith.constant 0 : i32
      %dma_wait3A_355 = tpu.memref_slice %arg28[%add3A_25, %dma_wait3A_354] : memref<10112x128xf32, #tpu.memory_space<vmem_shared>> -> memref<32x128xf32, #tpu.memory_space<vmem_shared>>
      tpu.wait_dma2 semaphore(%run_scoped3A : memref<!tpu.dma_semaphore, #tpu.memory_space<semaphore_mem>>) src(%arg13 : memref<32x128xf32, #tpu.memory_space<vmem>>) dst(%dma_wait3A_355 : memref<32x128xf32, #tpu.memory_space<vmem_shared>>)
      tpu.yield
    }) : () -> ()
    %add3A_26 = arith.constant 256 : i32
    %add3A_27 = arith.addi %mul3A_9, %add3A_26 : i32
    "tpu.region"() ({
      %run_scoped3A = tpu.sem_alloc : memref<!tpu.dma_semaphore, #tpu.memory_space<semaphore_mem>>
      %dma_start3A_348 = arith.constant 0 : i32
      %dma_start3A_349 = tpu.memref_slice %arg28[%add3A_27, %dma_start3A_348] : memref<10112x128xf32, #tpu.memory_space<vmem_shared>> -> memref<32x128xf32, #tpu.memory_space<vmem_shared>>
      %dma_start3A_350 = arith.constant 0 : i32
      %dma_start3A_351 = tpu.memref_slice %arg28[%add3A_27, %dma_start3A_350] : memref<10112x128xf32, #tpu.memory_space<vmem_shared>> -> memref<32x128xf32, #tpu.memory_space<vmem_shared>>
      tpu.enqueue_dma source(%arg13 : memref<32x128xf32, #tpu.memory_space<vmem>>) target(%dma_start3A_351 : memref<32x128xf32, #tpu.memory_space<vmem_shared>>) target_semaphore(%run_scoped3A : memref<!tpu.dma_semaphore, #tpu.memory_space<semaphore_mem>>)
      %dma_wait3A_352 = arith.constant 0 : i32
      %dma_wait3A_353 = tpu.memref_slice %arg28[%add3A_27, %dma_wait3A_352] : memref<10112x128xf32, #tpu.memory_space<vmem_shared>> -> memref<32x128xf32, #tpu.memory_space<vmem_shared>>
      %dma_wait3A_354 = arith.constant 0 : i32
      %dma_wait3A_355 = tpu.memref_slice %arg28[%add3A_27, %dma_wait3A_354] : memref<10112x128xf32, #tpu.memory_space<vmem_shared>> -> memref<32x128xf32, #tpu.memory_space<vmem_shared>>
      tpu.wait_dma2 semaphore(%run_scoped3A : memref<!tpu.dma_semaphore, #tpu.memory_space<semaphore_mem>>) src(%arg13 : memref<32x128xf32, #tpu.memory_space<vmem>>) dst(%dma_wait3A_355 : memref<32x128xf32, #tpu.memory_space<vmem_shared>>)
      tpu.yield
    }) : () -> ()
    %add3A_28 = arith.constant 288 : i32
    %add3A_29 = arith.addi %mul3A_9, %add3A_28 : i32
    "tpu.region"() ({
      %run_scoped3A = tpu.sem_alloc : memref<!tpu.dma_semaphore, #tpu.memory_space<semaphore_mem>>
      %dma_start3A_348 = arith.constant 0 : i32
      %dma_start3A_349 = tpu.memref_slice %arg28[%add3A_29, %dma_start3A_348] : memref<10112x128xf32, #tpu.memory_space<vmem_shared>> -> memref<32x128xf32, #tpu.memory_space<vmem_shared>>
      %dma_start3A_350 = arith.constant 0 : i32
      %dma_start3A_351 = tpu.memref_slice %arg28[%add3A_29, %dma_start3A_350] : memref<10112x128xf32, #tpu.memory_space<vmem_shared>> -> memref<32x128xf32, #tpu.memory_space<vmem_shared>>
      tpu.enqueue_dma source(%arg13 : memref<32x128xf32, #tpu.memory_space<vmem>>) target(%dma_start3A_351 : memref<32x128xf32, #tpu.memory_space<vmem_shared>>) target_semaphore(%run_scoped3A : memref<!tpu.dma_semaphore, #tpu.memory_space<semaphore_mem>>)
      %dma_wait3A_352 = arith.constant 0 : i32
      %dma_wait3A_353 = tpu.memref_slice %arg28[%add3A_29, %dma_wait3A_352] : memref<10112x128xf32, #tpu.memory_space<vmem_shared>> -> memref<32x128xf32, #tpu.memory_space<vmem_shared>>
      %dma_wait3A_354 = arith.constant 0 : i32
      %dma_wait3A_355 = tpu.memref_slice %arg28[%add3A_29, %dma_wait3A_354] : memref<10112x128xf32, #tpu.memory_space<vmem_shared>> -> memref<32x128xf32, #tpu.memory_space<vmem_shared>>
      tpu.wait_dma2 semaphore(%run_scoped3A : memref<!tpu.dma_semaphore, #tpu.memory_space<semaphore_mem>>) src(%arg13 : memref<32x128xf32, #tpu.memory_space<vmem>>) dst(%dma_wait3A_355 : memref<32x128xf32, #tpu.memory_space<vmem_shared>>)
      tpu.yield
    }) : () -> ()
    %add3A_30 = arith.constant 320 : i32
    %add3A_31 = arith.addi %mul3A_9, %add3A_30 : i32
    "tpu.region"() ({
      %run_scoped3A = tpu.sem_alloc : memref<!tpu.dma_semaphore, #tpu.memory_space<semaphore_mem>>
      %dma_start3A_348 = arith.constant 0 : i32
      %dma_start3A_349 = tpu.memref_slice %arg28[%add3A_31, %dma_start3A_348] : memref<10112x128xf32, #tpu.memory_space<vmem_shared>> -> memref<32x128xf32, #tpu.memory_space<vmem_shared>>
      %dma_start3A_350 = arith.constant 0 : i32
      %dma_start3A_351 = tpu.memref_slice %arg28[%add3A_31, %dma_start3A_350] : memref<10112x128xf32, #tpu.memory_space<vmem_shared>> -> memref<32x128xf32, #tpu.memory_space<vmem_shared>>
      tpu.enqueue_dma source(%arg13 : memref<32x128xf32, #tpu.memory_space<vmem>>) target(%dma_start3A_351 : memref<32x128xf32, #tpu.memory_space<vmem_shared>>) target_semaphore(%run_scoped3A : memref<!tpu.dma_semaphore, #tpu.memory_space<semaphore_mem>>)
      %dma_wait3A_352 = arith.constant 0 : i32
      %dma_wait3A_353 = tpu.memref_slice %arg28[%add3A_31, %dma_wait3A_352] : memref<10112x128xf32, #tpu.memory_space<vmem_shared>> -> memref<32x128xf32, #tpu.memory_space<vmem_shared>>
      %dma_wait3A_354 = arith.constant 0 : i32
      %dma_wait3A_355 = tpu.memref_slice %arg28[%add3A_31, %dma_wait3A_354] : memref<10112x128xf32, #tpu.memory_space<vmem_shared>> -> memref<32x128xf32, #tpu.memory_space<vmem_shared>>
      tpu.wait_dma2 semaphore(%run_scoped3A : memref<!tpu.dma_semaphore, #tpu.memory_space<semaphore_mem>>) src(%arg13 : memref<32x128xf32, #tpu.memory_space<vmem>>) dst(%dma_wait3A_355 : memref<32x128xf32, #tpu.memory_space<vmem_shared>>)
      tpu.yield
    }) : () -> ()
    %add3A_32 = arith.constant 352 : i32
    %add3A_33 = arith.addi %mul3A_9, %add3A_32 : i32
    "tpu.region"() ({
      %run_scoped3A = tpu.sem_alloc : memref<!tpu.dma_semaphore, #tpu.memory_space<semaphore_mem>>
      %dma_start3A_348 = arith.constant 0 : i32
      %dma_start3A_349 = tpu.memref_slice %arg28[%add3A_33, %dma_start3A_348] : memref<10112x128xf32, #tpu.memory_space<vmem_shared>> -> memref<32x128xf32, #tpu.memory_space<vmem_shared>>
      %dma_start3A_350 = arith.constant 0 : i32
      %dma_start3A_351 = tpu.memref_slice %arg28[%add3A_33, %dma_start3A_350] : memref<10112x128xf32, #tpu.memory_space<vmem_shared>> -> memref<32x128xf32, #tpu.memory_space<vmem_shared>>
      tpu.enqueue_dma source(%arg13 : memref<32x128xf32, #tpu.memory_space<vmem>>) target(%dma_start3A_351 : memref<32x128xf32, #tpu.memory_space<vmem_shared>>) target_semaphore(%run_scoped3A : memref<!tpu.dma_semaphore, #tpu.memory_space<semaphore_mem>>)
      %dma_wait3A_352 = arith.constant 0 : i32
      %dma_wait3A_353 = tpu.memref_slice %arg28[%add3A_33, %dma_wait3A_352] : memref<10112x128xf32, #tpu.memory_space<vmem_shared>> -> memref<32x128xf32, #tpu.memory_space<vmem_shared>>
      %dma_wait3A_354 = arith.constant 0 : i32
      %dma_wait3A_355 = tpu.memref_slice %arg28[%add3A_33, %dma_wait3A_354] : memref<10112x128xf32, #tpu.memory_space<vmem_shared>> -> memref<32x128xf32, #tpu.memory_space<vmem_shared>>
      tpu.wait_dma2 semaphore(%run_scoped3A : memref<!tpu.dma_semaphore, #tpu.memory_space<semaphore_mem>>) src(%arg13 : memref<32x128xf32, #tpu.memory_space<vmem>>) dst(%dma_wait3A_355 : memref<32x128xf32, #tpu.memory_space<vmem_shared>>)
      tpu.yield
    }) : () -> ()
    %add3A_34 = arith.constant 384 : i32
    %add3A_35 = arith.addi %mul3A_9, %add3A_34 : i32
    "tpu.region"() ({
      %run_scoped3A = tpu.sem_alloc : memref<!tpu.dma_semaphore, #tpu.memory_space<semaphore_mem>>
      %dma_start3A_348 = arith.constant 0 : i32
      %dma_start3A_349 = tpu.memref_slice %arg28[%add3A_35, %dma_start3A_348] : memref<10112x128xf32, #tpu.memory_space<vmem_shared>> -> memref<32x128xf32, #tpu.memory_space<vmem_shared>>
      %dma_start3A_350 = arith.constant 0 : i32
      %dma_start3A_351 = tpu.memref_slice %arg28[%add3A_35, %dma_start3A_350] : memref<10112x128xf32, #tpu.memory_space<vmem_shared>> -> memref<32x128xf32, #tpu.memory_space<vmem_shared>>
      tpu.enqueue_dma source(%arg13 : memref<32x128xf32, #tpu.memory_space<vmem>>) target(%dma_start3A_351 : memref<32x128xf32, #tpu.memory_space<vmem_shared>>) target_semaphore(%run_scoped3A : memref<!tpu.dma_semaphore, #tpu.memory_space<semaphore_mem>>)
      %dma_wait3A_352 = arith.constant 0 : i32
      %dma_wait3A_353 = tpu.memref_slice %arg28[%add3A_35, %dma_wait3A_352] : memref<10112x128xf32, #tpu.memory_space<vmem_shared>> -> memref<32x128xf32, #tpu.memory_space<vmem_shared>>
      %dma_wait3A_354 = arith.constant 0 : i32
      %dma_wait3A_355 = tpu.memref_slice %arg28[%add3A_35, %dma_wait3A_354] : memref<10112x128xf32, #tpu.memory_space<vmem_shared>> -> memref<32x128xf32, #tpu.memory_space<vmem_shared>>
      tpu.wait_dma2 semaphore(%run_scoped3A : memref<!tpu.dma_semaphore, #tpu.memory_space<semaphore_mem>>) src(%arg13 : memref<32x128xf32, #tpu.memory_space<vmem>>) dst(%dma_wait3A_355 : memref<32x128xf32, #tpu.memory_space<vmem_shared>>)
      tpu.yield
    }) : () -> ()
    %add3A_36 = arith.constant 416 : i32
    %add3A_37 = arith.addi %mul3A_9, %add3A_36 : i32
    "tpu.region"() ({
      %run_scoped3A = tpu.sem_alloc : memref<!tpu.dma_semaphore, #tpu.memory_space<semaphore_mem>>
      %dma_start3A_348 = arith.constant 0 : i32
      %dma_start3A_349 = tpu.memref_slice %arg28[%add3A_37, %dma_start3A_348] : memref<10112x128xf32, #tpu.memory_space<vmem_shared>> -> memref<32x128xf32, #tpu.memory_space<vmem_shared>>
      %dma_start3A_350 = arith.constant 0 : i32
      %dma_start3A_351 = tpu.memref_slice %arg28[%add3A_37, %dma_start3A_350] : memref<10112x128xf32, #tpu.memory_space<vmem_shared>> -> memref<32x128xf32, #tpu.memory_space<vmem_shared>>
      tpu.enqueue_dma source(%arg13 : memref<32x128xf32, #tpu.memory_space<vmem>>) target(%dma_start3A_351 : memref<32x128xf32, #tpu.memory_space<vmem_shared>>) target_semaphore(%run_scoped3A : memref<!tpu.dma_semaphore, #tpu.memory_space<semaphore_mem>>)
      %dma_wait3A_352 = arith.constant 0 : i32
      %dma_wait3A_353 = tpu.memref_slice %arg28[%add3A_37, %dma_wait3A_352] : memref<10112x128xf32, #tpu.memory_space<vmem_shared>> -> memref<32x128xf32, #tpu.memory_space<vmem_shared>>
      %dma_wait3A_354 = arith.constant 0 : i32
      %dma_wait3A_355 = tpu.memref_slice %arg28[%add3A_37, %dma_wait3A_354] : memref<10112x128xf32, #tpu.memory_space<vmem_shared>> -> memref<32x128xf32, #tpu.memory_space<vmem_shared>>
      tpu.wait_dma2 semaphore(%run_scoped3A : memref<!tpu.dma_semaphore, #tpu.memory_space<semaphore_mem>>) src(%arg13 : memref<32x128xf32, #tpu.memory_space<vmem>>) dst(%dma_wait3A_355 : memref<32x128xf32, #tpu.memory_space<vmem_shared>>)
      tpu.yield
    }) : () -> ()
    %add3A_38 = arith.constant 448 : i32
    %add3A_39 = arith.addi %mul3A_9, %add3A_38 : i32
    "tpu.region"() ({
      %run_scoped3A = tpu.sem_alloc : memref<!tpu.dma_semaphore, #tpu.memory_space<semaphore_mem>>
      %dma_start3A_348 = arith.constant 0 : i32
      %dma_start3A_349 = tpu.memref_slice %arg28[%add3A_39, %dma_start3A_348] : memref<10112x128xf32, #tpu.memory_space<vmem_shared>> -> memref<32x128xf32, #tpu.memory_space<vmem_shared>>
      %dma_start3A_350 = arith.constant 0 : i32
      %dma_start3A_351 = tpu.memref_slice %arg28[%add3A_39, %dma_start3A_350] : memref<10112x128xf32, #tpu.memory_space<vmem_shared>> -> memref<32x128xf32, #tpu.memory_space<vmem_shared>>
      tpu.enqueue_dma source(%arg13 : memref<32x128xf32, #tpu.memory_space<vmem>>) target(%dma_start3A_351 : memref<32x128xf32, #tpu.memory_space<vmem_shared>>) target_semaphore(%run_scoped3A : memref<!tpu.dma_semaphore, #tpu.memory_space<semaphore_mem>>)
      %dma_wait3A_352 = arith.constant 0 : i32
      %dma_wait3A_353 = tpu.memref_slice %arg28[%add3A_39, %dma_wait3A_352] : memref<10112x128xf32, #tpu.memory_space<vmem_shared>> -> memref<32x128xf32, #tpu.memory_space<vmem_shared>>
      %dma_wait3A_354 = arith.constant 0 : i32
      %dma_wait3A_355 = tpu.memref_slice %arg28[%add3A_39, %dma_wait3A_354] : memref<10112x128xf32, #tpu.memory_space<vmem_shared>> -> memref<32x128xf32, #tpu.memory_space<vmem_shared>>
      tpu.wait_dma2 semaphore(%run_scoped3A : memref<!tpu.dma_semaphore, #tpu.memory_space<semaphore_mem>>) src(%arg13 : memref<32x128xf32, #tpu.memory_space<vmem>>) dst(%dma_wait3A_355 : memref<32x128xf32, #tpu.memory_space<vmem_shared>>)
      tpu.yield
    }) : () -> ()
    %add3A_40 = arith.constant 480 : i32
    %add3A_41 = arith.addi %mul3A_9, %add3A_40 : i32
    "tpu.region"() ({
      %run_scoped3A = tpu.sem_alloc : memref<!tpu.dma_semaphore, #tpu.memory_space<semaphore_mem>>
      %dma_start3A_348 = arith.constant 0 : i32
      %dma_start3A_349 = tpu.memref_slice %arg28[%add3A_41, %dma_start3A_348] : memref<10112x128xf32, #tpu.memory_space<vmem_shared>> -> memref<32x128xf32, #tpu.memory_space<vmem_shared>>
      %dma_start3A_350 = arith.constant 0 : i32
      %dma_start3A_351 = tpu.memref_slice %arg28[%add3A_41, %dma_start3A_350] : memref<10112x128xf32, #tpu.memory_space<vmem_shared>> -> memref<32x128xf32, #tpu.memory_space<vmem_shared>>
      tpu.enqueue_dma source(%arg13 : memref<32x128xf32, #tpu.memory_space<vmem>>) target(%dma_start3A_351 : memref<32x128xf32, #tpu.memory_space<vmem_shared>>) target_semaphore(%run_scoped3A : memref<!tpu.dma_semaphore, #tpu.memory_space<semaphore_mem>>)
      %dma_wait3A_352 = arith.constant 0 : i32
      %dma_wait3A_353 = tpu.memref_slice %arg28[%add3A_41, %dma_wait3A_352] : memref<10112x128xf32, #tpu.memory_space<vmem_shared>> -> memref<32x128xf32, #tpu.memory_space<vmem_shared>>
      %dma_wait3A_354 = arith.constant 0 : i32
      %dma_wait3A_355 = tpu.memref_slice %arg28[%add3A_41, %dma_wait3A_354] : memref<10112x128xf32, #tpu.memory_space<vmem_shared>> -> memref<32x128xf32, #tpu.memory_space<vmem_shared>>
      tpu.wait_dma2 semaphore(%run_scoped3A : memref<!tpu.dma_semaphore, #tpu.memory_space<semaphore_mem>>) src(%arg13 : memref<32x128xf32, #tpu.memory_space<vmem>>) dst(%dma_wait3A_355 : memref<32x128xf32, #tpu.memory_space<vmem_shared>>)
      tpu.yield
    }) : () -> ()
    %add3A_42 = arith.constant 512 : i32
    %add3A_43 = arith.addi %mul3A_9, %add3A_42 : i32
    "tpu.region"() ({
      %run_scoped3A = tpu.sem_alloc : memref<!tpu.dma_semaphore, #tpu.memory_space<semaphore_mem>>
      %dma_start3A_348 = arith.constant 0 : i32
      %dma_start3A_349 = tpu.memref_slice %arg28[%add3A_43, %dma_start3A_348] : memref<10112x128xf32, #tpu.memory_space<vmem_shared>> -> memref<32x128xf32, #tpu.memory_space<vmem_shared>>
      %dma_start3A_350 = arith.constant 0 : i32
      %dma_start3A_351 = tpu.memref_slice %arg28[%add3A_43, %dma_start3A_350] : memref<10112x128xf32, #tpu.memory_space<vmem_shared>> -> memref<32x128xf32, #tpu.memory_space<vmem_shared>>
      tpu.enqueue_dma source(%arg13 : memref<32x128xf32, #tpu.memory_space<vmem>>) target(%dma_start3A_351 : memref<32x128xf32, #tpu.memory_space<vmem_shared>>) target_semaphore(%run_scoped3A : memref<!tpu.dma_semaphore, #tpu.memory_space<semaphore_mem>>)
      %dma_wait3A_352 = arith.constant 0 : i32
      %dma_wait3A_353 = tpu.memref_slice %arg28[%add3A_43, %dma_wait3A_352] : memref<10112x128xf32, #tpu.memory_space<vmem_shared>> -> memref<32x128xf32, #tpu.memory_space<vmem_shared>>
      %dma_wait3A_354 = arith.constant 0 : i32
      %dma_wait3A_355 = tpu.memref_slice %arg28[%add3A_43, %dma_wait3A_354] : memref<10112x128xf32, #tpu.memory_space<vmem_shared>> -> memref<32x128xf32, #tpu.memory_space<vmem_shared>>
      tpu.wait_dma2 semaphore(%run_scoped3A : memref<!tpu.dma_semaphore, #tpu.memory_space<semaphore_mem>>) src(%arg13 : memref<32x128xf32, #tpu.memory_space<vmem>>) dst(%dma_wait3A_355 : memref<32x128xf32, #tpu.memory_space<vmem_shared>>)
      tpu.yield
    }) : () -> ()
    %add3A_44 = arith.constant 544 : i32
    %add3A_45 = arith.addi %mul3A_9, %add3A_44 : i32
    "tpu.region"() ({
      %run_scoped3A = tpu.sem_alloc : memref<!tpu.dma_semaphore, #tpu.memory_space<semaphore_mem>>
      %dma_start3A_348 = arith.constant 0 : i32
      %dma_start3A_349 = tpu.memref_slice %arg28[%add3A_45, %dma_start3A_348] : memref<10112x128xf32, #tpu.memory_space<vmem_shared>> -> memref<32x128xf32, #tpu.memory_space<vmem_shared>>
      %dma_start3A_350 = arith.constant 0 : i32
      %dma_start3A_351 = tpu.memref_slice %arg28[%add3A_45, %dma_start3A_350] : memref<10112x128xf32, #tpu.memory_space<vmem_shared>> -> memref<32x128xf32, #tpu.memory_space<vmem_shared>>
      tpu.enqueue_dma source(%arg13 : memref<32x128xf32, #tpu.memory_space<vmem>>) target(%dma_start3A_351 : memref<32x128xf32, #tpu.memory_space<vmem_shared>>) target_semaphore(%run_scoped3A : memref<!tpu.dma_semaphore, #tpu.memory_space<semaphore_mem>>)
      %dma_wait3A_352 = arith.constant 0 : i32
      %dma_wait3A_353 = tpu.memref_slice %arg28[%add3A_45, %dma_wait3A_352] : memref<10112x128xf32, #tpu.memory_space<vmem_shared>> -> memref<32x128xf32, #tpu.memory_space<vmem_shared>>
      %dma_wait3A_354 = arith.constant 0 : i32
      %dma_wait3A_355 = tpu.memref_slice %arg28[%add3A_45, %dma_wait3A_354] : memref<10112x128xf32, #tpu.memory_space<vmem_shared>> -> memref<32x128xf32, #tpu.memory_space<vmem_shared>>
      tpu.wait_dma2 semaphore(%run_scoped3A : memref<!tpu.dma_semaphore, #tpu.memory_space<semaphore_mem>>) src(%arg13 : memref<32x128xf32, #tpu.memory_space<vmem>>) dst(%dma_wait3A_355 : memref<32x128xf32, #tpu.memory_space<vmem_shared>>)
      tpu.yield
    }) : () -> ()
    %add3A_46 = arith.constant 576 : i32
    %add3A_47 = arith.addi %mul3A_9, %add3A_46 : i32
    "tpu.region"() ({
      %run_scoped3A = tpu.sem_alloc : memref<!tpu.dma_semaphore, #tpu.memory_space<semaphore_mem>>
      %dma_start3A_348 = arith.constant 0 : i32
      %dma_start3A_349 = tpu.memref_slice %arg28[%add3A_47, %dma_start3A_348] : memref<10112x128xf32, #tpu.memory_space<vmem_shared>> -> memref<32x128xf32, #tpu.memory_space<vmem_shared>>
      %dma_start3A_350 = arith.constant 0 : i32
      %dma_start3A_351 = tpu.memref_slice %arg28[%add3A_47, %dma_start3A_350] : memref<10112x128xf32, #tpu.memory_space<vmem_shared>> -> memref<32x128xf32, #tpu.memory_space<vmem_shared>>
      tpu.enqueue_dma source(%arg13 : memref<32x128xf32, #tpu.memory_space<vmem>>) target(%dma_start3A_351 : memref<32x128xf32, #tpu.memory_space<vmem_shared>>) target_semaphore(%run_scoped3A : memref<!tpu.dma_semaphore, #tpu.memory_space<semaphore_mem>>)
      %dma_wait3A_352 = arith.constant 0 : i32
      %dma_wait3A_353 = tpu.memref_slice %arg28[%add3A_47, %dma_wait3A_352] : memref<10112x128xf32, #tpu.memory_space<vmem_shared>> -> memref<32x128xf32, #tpu.memory_space<vmem_shared>>
      %dma_wait3A_354 = arith.constant 0 : i32
      %dma_wait3A_355 = tpu.memref_slice %arg28[%add3A_47, %dma_wait3A_354] : memref<10112x128xf32, #tpu.memory_space<vmem_shared>> -> memref<32x128xf32, #tpu.memory_space<vmem_shared>>
      tpu.wait_dma2 semaphore(%run_scoped3A : memref<!tpu.dma_semaphore, #tpu.memory_space<semaphore_mem>>) src(%arg13 : memref<32x128xf32, #tpu.memory_space<vmem>>) dst(%dma_wait3A_355 : memref<32x128xf32, #tpu.memory_space<vmem_shared>>)
      tpu.yield
    }) : () -> ()
    %add3A_48 = arith.constant 608 : i32
    %add3A_49 = arith.addi %mul3A_9, %add3A_48 : i32
    "tpu.region"() ({
      %run_scoped3A = tpu.sem_alloc : memref<!tpu.dma_semaphore, #tpu.memory_space<semaphore_mem>>
      %dma_start3A_348 = arith.constant 0 : i32
      %dma_start3A_349 = arith.constant 0 : i32
      %dma_start3A_350 = tpu.memref_slice %arg13[%dma_start3A_348, %dma_start3A_349] : memref<32x128xf32, #tpu.memory_space<vmem>> -> memref<24x128xf32, #tpu.memory_space<vmem>>
      %dma_start3A_351 = arith.constant 0 : i32
      %dma_start3A_352 = tpu.memref_slice %arg28[%add3A_49, %dma_start3A_351] : memref<10112x128xf32, #tpu.memory_space<vmem_shared>> -> memref<24x128xf32, #tpu.memory_space<vmem_shared>>
      %dma_start3A_353 = arith.constant 0 : i32
      %dma_start3A_354 = tpu.memref_slice %arg28[%add3A_49, %dma_start3A_353] : memref<10112x128xf32, #tpu.memory_space<vmem_shared>> -> memref<24x128xf32, #tpu.memory_space<vmem_shared>>
      %dma_start3A_355 = arith.constant 0 : i32
      %dma_start3A_356 = arith.constant 0 : i32
      %dma_start3A_357 = tpu.memref_slice %arg13[%dma_start3A_355, %dma_start3A_356] : memref<32x128xf32, #tpu.memory_space<vmem>> -> memref<24x128xf32, #tpu.memory_space<vmem>>
      tpu.enqueue_dma source(%dma_start3A_357 : memref<24x128xf32, #tpu.memory_space<vmem>>) target(%dma_start3A_354 : memref<24x128xf32, #tpu.memory_space<vmem_shared>>) target_semaphore(%run_scoped3A : memref<!tpu.dma_semaphore, #tpu.memory_space<semaphore_mem>>)
      %dma_wait3A_358 = arith.constant 0 : i32
      %dma_wait3A_359 = arith.constant 0 : i32
      %dma_wait3A_360 = tpu.memref_slice %arg13[%dma_wait3A_358, %dma_wait3A_359] : memref<32x128xf32, #tpu.memory_space<vmem>> -> memref<24x128xf32, #tpu.memory_space<vmem>>
      %dma_wait3A_361 = arith.constant 0 : i32
      %dma_wait3A_362 = tpu.memref_slice %arg28[%add3A_49, %dma_wait3A_361] : memref<10112x128xf32, #tpu.memory_space<vmem_shared>> -> memref<24x128xf32, #tpu.memory_space<vmem_shared>>
      %dma_wait3A_363 = arith.constant 0 : i32
      %dma_wait3A_364 = tpu.memref_slice %arg28[%add3A_49, %dma_wait3A_363] : memref<10112x128xf32, #tpu.memory_space<vmem_shared>> -> memref<24x128xf32, #tpu.memory_space<vmem_shared>>
      %dma_wait3A_365 = arith.constant 0 : i32
      %dma_wait3A_366 = arith.constant 0 : i32
      %dma_wait3A_367 = tpu.memref_slice %arg13[%dma_wait3A_365, %dma_wait3A_366] : memref<32x128xf32, #tpu.memory_space<vmem>> -> memref<24x128xf32, #tpu.memory_space<vmem>>
      tpu.wait_dma2 semaphore(%run_scoped3A : memref<!tpu.dma_semaphore, #tpu.memory_space<semaphore_mem>>) src(%dma_wait3A_367 : memref<24x128xf32, #tpu.memory_space<vmem>>) dst(%dma_wait3A_364 : memref<24x128xf32, #tpu.memory_space<vmem_shared>>)
      tpu.yield
    }) : () -> ()
    %barrier3A = arith.constant 0 : index
    tpu.barrier barrier_id(%barrier3A)
    %rem3A = arith.constant 0 : i32
    %rem3A_50 = arith.constant 314 : i32
    %rem3A_51 = arith.remsi %rem3A, %rem3A_50 : i32
    %mul3A_52 = arith.constant 32 : i32
    %mul3A_53 = arith.muli %rem3A_51, %mul3A_52 : i32
    %add3A_54 = arith.addi %mul3A_2, %mul3A_53 : i32
    %dma_start3A = tpu.memref_slice %arg8[%add3A_54] : memref<321536xi32, #tpu.memory_space<hbm>> -> memref<32xi32, #tpu.memory_space<hbm>>
    %dma_start3A_55 = tpu.memref_slice %arg8[%add3A_54] : memref<321536xi32, #tpu.memory_space<hbm>> -> memref<32xi32, #tpu.memory_space<hbm>>
    tpu.enqueue_dma source(%dma_start3A_55 : memref<32xi32, #tpu.memory_space<hbm>>) target(%arg10 : memref<32xi32, #tpu.memory_space<vmem>>) target_semaphore(%arg29 : memref<!tpu.dma_semaphore, #tpu.memory_space<semaphore_mem>>)
    %dma_start3A_56 = tpu.memref_slice %arg7[%add3A_54] : memref<321536xi32, #tpu.memory_space<hbm>> -> memref<32xi32, #tpu.memory_space<hbm>>
    %dma_start3A_57 = tpu.memref_slice %arg7[%add3A_54] : memref<321536xi32, #tpu.memory_space<hbm>> -> memref<32xi32, #tpu.memory_space<hbm>>
    tpu.enqueue_dma source(%dma_start3A_57 : memref<32xi32, #tpu.memory_space<hbm>>) target(%arg11 : memref<32xi32, #tpu.memory_space<vmem>>) target_semaphore(%arg29 : memref<!tpu.dma_semaphore, #tpu.memory_space<semaphore_mem>>)
    %rem3A_58 = arith.constant 1 : i32
    %rem3A_59 = arith.constant 314 : i32
    %rem3A_60 = arith.remsi %rem3A_58, %rem3A_59 : i32
    %mul3A_61 = arith.constant 32 : i32
    %mul3A_62 = arith.muli %rem3A_60, %mul3A_61 : i32
    %add3A_63 = arith.addi %mul3A_2, %mul3A_62 : i32
    %dma_start3A_64 = tpu.memref_slice %arg8[%add3A_63] : memref<321536xi32, #tpu.memory_space<hbm>> -> memref<32xi32, #tpu.memory_space<hbm>>
    %dma_start3A_65 = tpu.memref_slice %arg8[%add3A_63] : memref<321536xi32, #tpu.memory_space<hbm>> -> memref<32xi32, #tpu.memory_space<hbm>>
    tpu.enqueue_dma source(%dma_start3A_65 : memref<32xi32, #tpu.memory_space<hbm>>) target(%arg19 : memref<32xi32, #tpu.memory_space<vmem>>) target_semaphore(%arg32 : memref<!tpu.dma_semaphore, #tpu.memory_space<semaphore_mem>>)
    %dma_start3A_66 = tpu.memref_slice %arg7[%add3A_63] : memref<321536xi32, #tpu.memory_space<hbm>> -> memref<32xi32, #tpu.memory_space<hbm>>
    %dma_start3A_67 = tpu.memref_slice %arg7[%add3A_63] : memref<321536xi32, #tpu.memory_space<hbm>> -> memref<32xi32, #tpu.memory_space<hbm>>
    tpu.enqueue_dma source(%dma_start3A_67 : memref<32xi32, #tpu.memory_space<hbm>>) target(%arg20 : memref<32xi32, #tpu.memory_space<vmem>>) target_semaphore(%arg32 : memref<!tpu.dma_semaphore, #tpu.memory_space<semaphore_mem>>)
    %dma_wait3A = arith.constant 0 : i32
    %dma_wait3A_68 = tpu.memref_slice %arg8[%dma_wait3A] : memref<321536xi32, #tpu.memory_space<hbm>> -> memref<32xi32, #tpu.memory_space<hbm>>
    %dma_wait3A_69 = arith.constant 0 : i32
    %dma_wait3A_70 = tpu.memref_slice %arg8[%dma_wait3A_69] : memref<321536xi32, #tpu.memory_space<hbm>> -> memref<32xi32, #tpu.memory_space<hbm>>
    tpu.wait_dma2 semaphore(%arg29 : memref<!tpu.dma_semaphore, #tpu.memory_space<semaphore_mem>>) src(%dma_wait3A_70 : memref<32xi32, #tpu.memory_space<hbm>>) dst(%arg10 : memref<32xi32, #tpu.memory_space<vmem>>)
    %dma_wait3A_71 = arith.constant 0 : i32
    %dma_wait3A_72 = tpu.memref_slice %arg7[%dma_wait3A_71] : memref<321536xi32, #tpu.memory_space<hbm>> -> memref<32xi32, #tpu.memory_space<hbm>>
    %dma_wait3A_73 = arith.constant 0 : i32
    %dma_wait3A_74 = tpu.memref_slice %arg7[%dma_wait3A_73] : memref<321536xi32, #tpu.memory_space<hbm>> -> memref<32xi32, #tpu.memory_space<hbm>>
    tpu.wait_dma2 semaphore(%arg29 : memref<!tpu.dma_semaphore, #tpu.memory_space<semaphore_mem>>) src(%dma_wait3A_74 : memref<32xi32, #tpu.memory_space<hbm>>) dst(%arg11 : memref<32xi32, #tpu.memory_space<vmem>>)
    %rem3A_75 = arith.constant 0 : i32
    %rem3A_76 = arith.constant 314 : i32
    %rem3A_77 = arith.remsi %rem3A_75, %rem3A_76 : i32
    %mul3A_78 = arith.constant 32 : i32
    %mul3A_79 = arith.muli %rem3A_77, %mul3A_78 : i32
    %add3A_80 = arith.addi %mul3A_2, %mul3A_79 : i32
    %dma_start3A_81 = arith.constant 0 : i32
    %dma_start3A_82 = tpu.memref_slice %arg5[%add3A_80, %dma_start3A_81] : memref<321536x128xf32, #tpu.memory_space<hbm>> -> memref<32x128xf32, #tpu.memory_space<hbm>>
    %dma_start3A_83 = arith.constant 0 : i32
    %dma_start3A_84 = tpu.memref_slice %arg5[%add3A_80, %dma_start3A_83] : memref<321536x128xf32, #tpu.memory_space<hbm>> -> memref<32x128xf32, #tpu.memory_space<hbm>>
    tpu.enqueue_dma source(%dma_start3A_84 : memref<32x128xf32, #tpu.memory_space<hbm>>) target(%arg16 : memref<32x128xf32, #tpu.memory_space<vmem>>) target_semaphore(%arg30 : memref<!tpu.dma_semaphore, #tpu.memory_space<semaphore_mem>>)
    %dma_start3A_85 = arith.constant 0 : i32
    %dma_start3A_86 = tpu.memref_slice %arg6[%add3A_80, %dma_start3A_85] : memref<321536x128xf32, #tpu.memory_space<hbm>> -> memref<32x128xf32, #tpu.memory_space<hbm>>
    %dma_start3A_87 = arith.constant 0 : i32
    %dma_start3A_88 = tpu.memref_slice %arg6[%add3A_80, %dma_start3A_87] : memref<321536x128xf32, #tpu.memory_space<hbm>> -> memref<32x128xf32, #tpu.memory_space<hbm>>
    tpu.enqueue_dma source(%dma_start3A_88 : memref<32x128xf32, #tpu.memory_space<hbm>>) target(%arg17 : memref<32x128xf32, #tpu.memory_space<vmem>>) target_semaphore(%arg30 : memref<!tpu.dma_semaphore, #tpu.memory_space<semaphore_mem>>)
    %dma_start3A_89 = arith.constant 0 : i32
    %dma_start3A_90 = arith.constant 0 : i32
    %dma_start3A_91 = tpu.memref_slice %arg2[%dma_start3A_89, %dma_start3A_90] : memref<10112x128xf32, #tpu.memory_space<hbm>> -> memref<10112x128xf32, #tpu.memory_space<hbm>>
    tpu.enqueue_indirect_dma source(%dma_start3A_91 : memref<10112x128xf32, #tpu.memory_space<hbm>>) target(%arg13 : memref<32x128xf32, #tpu.memory_space<vmem>>) offsets(%arg10 : memref<32xi32, #tpu.memory_space<vmem>>) semaphore(%arg30 : memref<!tpu.dma_semaphore, #tpu.memory_space<semaphore_mem>>)
    %dma_start3A_92 = arith.constant 0 : i32
    %dma_start3A_93 = arith.constant 0 : i32
    %dma_start3A_94 = tpu.memref_slice %arg3[%dma_start3A_92, %dma_start3A_93] : memref<10112x128xf32, #tpu.memory_space<hbm>> -> memref<10112x128xf32, #tpu.memory_space<hbm>>
    tpu.enqueue_indirect_dma source(%dma_start3A_94 : memref<10112x128xf32, #tpu.memory_space<hbm>>) target(%arg14 : memref<32x128xf32, #tpu.memory_space<vmem>>) offsets(%arg11 : memref<32xi32, #tpu.memory_space<vmem>>) semaphore(%arg30 : memref<!tpu.dma_semaphore, #tpu.memory_space<semaphore_mem>>)
    %dma_start3A_95 = arith.constant 0 : i32
    %dma_start3A_96 = arith.constant 0 : i32
    %dma_start3A_97 = tpu.memref_slice %arg4[%dma_start3A_95, %dma_start3A_96] : memref<10112x128xf32, #tpu.memory_space<hbm>> -> memref<10112x128xf32, #tpu.memory_space<hbm>>
    tpu.enqueue_indirect_dma source(%dma_start3A_97 : memref<10112x128xf32, #tpu.memory_space<hbm>>) target(%arg15 : memref<32x128xf32, #tpu.memory_space<vmem>>) offsets(%arg11 : memref<32xi32, #tpu.memory_space<vmem>>) semaphore(%arg30 : memref<!tpu.dma_semaphore, #tpu.memory_space<semaphore_mem>>)
    %dma_wait3A_98 = arith.constant 0 : i32
    %dma_wait3A_99 = tpu.memref_slice %arg8[%dma_wait3A_98] : memref<321536xi32, #tpu.memory_space<hbm>> -> memref<32xi32, #tpu.memory_space<hbm>>
    %dma_wait3A_100 = arith.constant 0 : i32
    %dma_wait3A_101 = tpu.memref_slice %arg8[%dma_wait3A_100] : memref<321536xi32, #tpu.memory_space<hbm>> -> memref<32xi32, #tpu.memory_space<hbm>>
    tpu.wait_dma2 semaphore(%arg32 : memref<!tpu.dma_semaphore, #tpu.memory_space<semaphore_mem>>) src(%dma_wait3A_101 : memref<32xi32, #tpu.memory_space<hbm>>) dst(%arg19 : memref<32xi32, #tpu.memory_space<vmem>>)
    %dma_wait3A_102 = arith.constant 0 : i32
    %dma_wait3A_103 = tpu.memref_slice %arg7[%dma_wait3A_102] : memref<321536xi32, #tpu.memory_space<hbm>> -> memref<32xi32, #tpu.memory_space<hbm>>
    %dma_wait3A_104 = arith.constant 0 : i32
    %dma_wait3A_105 = tpu.memref_slice %arg7[%dma_wait3A_104] : memref<321536xi32, #tpu.memory_space<hbm>> -> memref<32xi32, #tpu.memory_space<hbm>>
    tpu.wait_dma2 semaphore(%arg32 : memref<!tpu.dma_semaphore, #tpu.memory_space<semaphore_mem>>) src(%dma_wait3A_105 : memref<32xi32, #tpu.memory_space<hbm>>) dst(%arg20 : memref<32xi32, #tpu.memory_space<vmem>>)
    %rem3A_106 = arith.constant 1 : i32
    %rem3A_107 = arith.constant 314 : i32
    %rem3A_108 = arith.remsi %rem3A_106, %rem3A_107 : i32
    %mul3A_109 = arith.constant 32 : i32
    %mul3A_110 = arith.muli %rem3A_108, %mul3A_109 : i32
    %add3A_111 = arith.addi %mul3A_2, %mul3A_110 : i32
    %dma_start3A_112 = arith.constant 0 : i32
    %dma_start3A_113 = tpu.memref_slice %arg5[%add3A_111, %dma_start3A_112] : memref<321536x128xf32, #tpu.memory_space<hbm>> -> memref<32x128xf32, #tpu.memory_space<hbm>>
    %dma_start3A_114 = arith.constant 0 : i32
    %dma_start3A_115 = tpu.memref_slice %arg5[%add3A_111, %dma_start3A_114] : memref<321536x128xf32, #tpu.memory_space<hbm>> -> memref<32x128xf32, #tpu.memory_space<hbm>>
    tpu.enqueue_dma source(%dma_start3A_115 : memref<32x128xf32, #tpu.memory_space<hbm>>) target(%arg25 : memref<32x128xf32, #tpu.memory_space<vmem>>) target_semaphore(%arg33 : memref<!tpu.dma_semaphore, #tpu.memory_space<semaphore_mem>>)
    %dma_start3A_116 = arith.constant 0 : i32
    %dma_start3A_117 = tpu.memref_slice %arg6[%add3A_111, %dma_start3A_116] : memref<321536x128xf32, #tpu.memory_space<hbm>> -> memref<32x128xf32, #tpu.memory_space<hbm>>
    %dma_start3A_118 = arith.constant 0 : i32
    %dma_start3A_119 = tpu.memref_slice %arg6[%add3A_111, %dma_start3A_118] : memref<321536x128xf32, #tpu.memory_space<hbm>> -> memref<32x128xf32, #tpu.memory_space<hbm>>
    tpu.enqueue_dma source(%dma_start3A_119 : memref<32x128xf32, #tpu.memory_space<hbm>>) target(%arg26 : memref<32x128xf32, #tpu.memory_space<vmem>>) target_semaphore(%arg33 : memref<!tpu.dma_semaphore, #tpu.memory_space<semaphore_mem>>)
    %dma_start3A_120 = arith.constant 0 : i32
    %dma_start3A_121 = arith.constant 0 : i32
    %dma_start3A_122 = tpu.memref_slice %arg2[%dma_start3A_120, %dma_start3A_121] : memref<10112x128xf32, #tpu.memory_space<hbm>> -> memref<10112x128xf32, #tpu.memory_space<hbm>>
    tpu.enqueue_indirect_dma source(%dma_start3A_122 : memref<10112x128xf32, #tpu.memory_space<hbm>>) target(%arg22 : memref<32x128xf32, #tpu.memory_space<vmem>>) offsets(%arg19 : memref<32xi32, #tpu.memory_space<vmem>>) semaphore(%arg33 : memref<!tpu.dma_semaphore, #tpu.memory_space<semaphore_mem>>)
    %dma_start3A_123 = arith.constant 0 : i32
    %dma_start3A_124 = arith.constant 0 : i32
    %dma_start3A_125 = tpu.memref_slice %arg3[%dma_start3A_123, %dma_start3A_124] : memref<10112x128xf32, #tpu.memory_space<hbm>> -> memref<10112x128xf32, #tpu.memory_space<hbm>>
    tpu.enqueue_indirect_dma source(%dma_start3A_125 : memref<10112x128xf32, #tpu.memory_space<hbm>>) target(%arg23 : memref<32x128xf32, #tpu.memory_space<vmem>>) offsets(%arg20 : memref<32xi32, #tpu.memory_space<vmem>>) semaphore(%arg33 : memref<!tpu.dma_semaphore, #tpu.memory_space<semaphore_mem>>)
    %dma_start3A_126 = arith.constant 0 : i32
    %dma_start3A_127 = arith.constant 0 : i32
    %dma_start3A_128 = tpu.memref_slice %arg4[%dma_start3A_126, %dma_start3A_127] : memref<10112x128xf32, #tpu.memory_space<hbm>> -> memref<10112x128xf32, #tpu.memory_space<hbm>>
    tpu.enqueue_indirect_dma source(%dma_start3A_128 : memref<10112x128xf32, #tpu.memory_space<hbm>>) target(%arg24 : memref<32x128xf32, #tpu.memory_space<vmem>>) offsets(%arg20 : memref<32xi32, #tpu.memory_space<vmem>>) semaphore(%arg33 : memref<!tpu.dma_semaphore, #tpu.memory_space<semaphore_mem>>)
    %dma_wait3A_129 = arith.constant 0 : i32
    %dma_wait3A_130 = arith.constant 0 : i32
    %dma_wait3A_131 = tpu.memref_slice %arg5[%dma_wait3A_129, %dma_wait3A_130] : memref<321536x128xf32, #tpu.memory_space<hbm>> -> memref<32x128xf32, #tpu.memory_space<hbm>>
    %dma_wait3A_132 = arith.constant 0 : i32
    %dma_wait3A_133 = arith.constant 0 : i32
    %dma_wait3A_134 = tpu.memref_slice %arg5[%dma_wait3A_132, %dma_wait3A_133] : memref<321536x128xf32, #tpu.memory_space<hbm>> -> memref<32x128xf32, #tpu.memory_space<hbm>>
    tpu.wait_dma2 semaphore(%arg30 : memref<!tpu.dma_semaphore, #tpu.memory_space<semaphore_mem>>) src(%dma_wait3A_134 : memref<32x128xf32, #tpu.memory_space<hbm>>) dst(%arg16 : memref<32x128xf32, #tpu.memory_space<vmem>>)
    %dma_wait3A_135 = arith.constant 0 : i32
    %dma_wait3A_136 = arith.constant 0 : i32
    %dma_wait3A_137 = tpu.memref_slice %arg6[%dma_wait3A_135, %dma_wait3A_136] : memref<321536x128xf32, #tpu.memory_space<hbm>> -> memref<32x128xf32, #tpu.memory_space<hbm>>
    %dma_wait3A_138 = arith.constant 0 : i32
    %dma_wait3A_139 = arith.constant 0 : i32
    %dma_wait3A_140 = tpu.memref_slice %arg6[%dma_wait3A_138, %dma_wait3A_139] : memref<321536x128xf32, #tpu.memory_space<hbm>> -> memref<32x128xf32, #tpu.memory_space<hbm>>
    tpu.wait_dma2 semaphore(%arg30 : memref<!tpu.dma_semaphore, #tpu.memory_space<semaphore_mem>>) src(%dma_wait3A_140 : memref<32x128xf32, #tpu.memory_space<hbm>>) dst(%arg17 : memref<32x128xf32, #tpu.memory_space<vmem>>)
    %dma_wait3A_141 = arith.constant 0 : i32
    %dma_wait3A_142 = arith.constant 0 : i32
    %dma_wait3A_143 = tpu.memref_slice %arg2[%dma_wait3A_141, %dma_wait3A_142] : memref<10112x128xf32, #tpu.memory_space<hbm>> -> memref<10112x128xf32, #tpu.memory_space<hbm>>
    tpu.wait_indirect_dma semaphore(%arg30 : memref<!tpu.dma_semaphore, #tpu.memory_space<semaphore_mem>>) src(%dma_wait3A_143 : memref<10112x128xf32, #tpu.memory_space<hbm>>) dst(%arg13 : memref<32x128xf32, #tpu.memory_space<vmem>>)
    %dma_wait3A_144 = arith.constant 0 : i32
    %dma_wait3A_145 = arith.constant 0 : i32
    %dma_wait3A_146 = tpu.memref_slice %arg3[%dma_wait3A_144, %dma_wait3A_145] : memref<10112x128xf32, #tpu.memory_space<hbm>> -> memref<10112x128xf32, #tpu.memory_space<hbm>>
    tpu.wait_indirect_dma semaphore(%arg30 : memref<!tpu.dma_semaphore, #tpu.memory_space<semaphore_mem>>) src(%dma_wait3A_146 : memref<10112x128xf32, #tpu.memory_space<hbm>>) dst(%arg14 : memref<32x128xf32, #tpu.memory_space<vmem>>)
    %dma_wait3A_147 = arith.constant 0 : i32
    %dma_wait3A_148 = arith.constant 0 : i32
    %dma_wait3A_149 = tpu.memref_slice %arg4[%dma_wait3A_147, %dma_wait3A_148] : memref<10112x128xf32, #tpu.memory_space<hbm>> -> memref<10112x128xf32, #tpu.memory_space<hbm>>
    tpu.wait_indirect_dma semaphore(%arg30 : memref<!tpu.dma_semaphore, #tpu.memory_space<semaphore_mem>>) src(%dma_wait3A_149 : memref<10112x128xf32, #tpu.memory_space<hbm>>) dst(%arg15 : memref<32x128xf32, #tpu.memory_space<vmem>>)
    %scan3A_150 = arith.constant 0 : i32
    %scan3A_151 = arith.constant 0 : i32
    %scan3A_152 = arith.constant 32 : i32
    %scan3A_153 = arith.addi %scan3A_151, %scan3A_152 : i32
    %scan3A_154 = arith.constant 1 : i32
    scf.for %scan3A_348 = %scan3A_151 to %scan3A_153 step %scan3A_154  : i32 {
      %get3A_349 = arith.index_cast %scan3A_348 : i32 to index
      %get3A_350 = arith.constant 0 : index
      %get3A_351 = tpu.vector_load %arg13[%get3A_349, %get3A_350] {strides = array<i32>} : memref<32x128xf32, #tpu.memory_space<vmem>>, vector<1x16xf32>,
      %get3A_352 = vector.shape_cast %get3A_351 : vector<1x16xf32> to vector<16xf32>
      %get3A_353 = arith.index_cast %scan3A_348 : i32 to index
      %get3A_354 = arith.constant 0 : index
      %get3A_355 = tpu.vector_load %arg14[%get3A_353, %get3A_354] {strides = array<i32>} : memref<32x128xf32, #tpu.memory_space<vmem>>, vector<1x16xf32>,
      %get3A_356 = vector.shape_cast %get3A_355 : vector<1x16xf32> to vector<16xf32>
      %add3A_357 = arith.addf %get3A_352, %get3A_356 : vector<16xf32>
      %get3A_358 = arith.index_cast %scan3A_348 : i32 to index
      %get3A_359 = arith.constant 0 : index
      %get3A_360 = tpu.vector_load %arg16[%get3A_358, %get3A_359] {strides = array<i32>} : memref<32x128xf32, #tpu.memory_space<vmem>>, vector<1x16xf32>,
      %get3A_361 = vector.shape_cast %get3A_360 : vector<1x16xf32> to vector<16xf32>
      %add3A_362 = arith.addf %add3A_357, %get3A_361 : vector<16xf32>
      %neg3A = arith.constant 0.000000e+00 : f32
      %neg3A_363 = vector.broadcast %neg3A : f32 to vector<16xf32>
      %neg3A_364 = arith.subf %neg3A_363, %add3A_362 : vector<16xf32>
      %exp3A = math.exp %neg3A_364 : vector<16xf32>
      %add3A_365 = arith.constant 1.000000e+00 : f32
      %add3A_366 = vector.broadcast %add3A_365 : f32 to vector<16xf32>
      %add3A_367 = arith.addf %add3A_366, %exp3A : vector<16xf32>
      %div3A = arith.constant 1.000000e+00 : f32
      %div3A_368 = vector.broadcast %div3A : f32 to vector<16xf32>
      %div3A_369 = arith.divf %div3A_368, %add3A_367 : vector<16xf32>
      %get3A_370 = arith.index_cast %scan3A_348 : i32 to index
      %get3A_371 = arith.constant 0 : index
      %get3A_372 = tpu.vector_load %arg15[%get3A_370, %get3A_371] {strides = array<i32>} : memref<32x128xf32, #tpu.memory_space<vmem>>, vector<1x16xf32>,
      %get3A_373 = vector.shape_cast %get3A_372 : vector<1x16xf32> to vector<16xf32>
      %get3A_374 = arith.index_cast %scan3A_348 : i32 to index
      %get3A_375 = arith.constant 0 : index
      %get3A_376 = tpu.vector_load %arg17[%get3A_374, %get3A_375] {strides = array<i32>} : memref<32x128xf32, #tpu.memory_space<vmem>>, vector<1x16xf32>,
      %get3A_377 = vector.shape_cast %get3A_376 : vector<1x16xf32> to vector<16xf32>
      %add3A_378 = arith.addf %get3A_373, %get3A_377 : vector<16xf32>
      %mul3A_379 = arith.mulf %div3A_369, %add3A_378 : vector<16xf32>
      %swap3A_380 = arith.index_cast %scan3A_348 : i32 to index
      %swap3A_381 = arith.constant 0 : index
      %swap3A_382 = tpu.vector_load %arg18[%swap3A_380, %swap3A_381] {strides = array<i32>} : memref<32x128xf32, #tpu.memory_space<vmem>>, vector<1x16xf32>,
      %swap3A_383 = vector.shape_cast %swap3A_382 : vector<1x16xf32> to vector<16xf32>
      %swap3A_384 = vector.shape_cast %mul3A_379 : vector<16xf32> to vector<1x16xf32>
      tpu.vector_store %arg18[%swap3A_380, %swap3A_381], %swap3A_384 {strides = array<i32>} : memref<32x128xf32, #tpu.memory_space<vmem>>, vector<1x16xf32>,
      %get3A_385 = arith.index_cast %scan3A_348 : i32 to index
      %get3A_386 = arith.constant 16 : index
      %get3A_387 = tpu.vector_load %arg13[%get3A_385, %get3A_386] {strides = array<i32>} : memref<32x128xf32, #tpu.memory_space<vmem>>, vector<1x16xf32>,
      %get3A_388 = vector.shape_cast %get3A_387 : vector<1x16xf32> to vector<16xf32>
      %get3A_389 = arith.index_cast %scan3A_348 : i32 to index
      %get3A_390 = arith.constant 16 : index
      %get3A_391 = tpu.vector_load %arg14[%get3A_389, %get3A_390] {strides = array<i32>} : memref<32x128xf32, #tpu.memory_space<vmem>>, vector<1x16xf32>,
      %get3A_392 = vector.shape_cast %get3A_391 : vector<1x16xf32> to vector<16xf32>
      %add3A_393 = arith.addf %get3A_388, %get3A_392 : vector<16xf32>
      %get3A_394 = arith.index_cast %scan3A_348 : i32 to index
      %get3A_395 = arith.constant 16 : index
      %get3A_396 = tpu.vector_load %arg16[%get3A_394, %get3A_395] {strides = array<i32>} : memref<32x128xf32, #tpu.memory_space<vmem>>, vector<1x16xf32>,
      %get3A_397 = vector.shape_cast %get3A_396 : vector<1x16xf32> to vector<16xf32>
      %add3A_398 = arith.addf %add3A_393, %get3A_397 : vector<16xf32>
      %neg3A_399 = arith.constant 0.000000e+00 : f32
      %neg3A_400 = vector.broadcast %neg3A_399 : f32 to vector<16xf32>
      %neg3A_401 = arith.subf %neg3A_400, %add3A_398 : vector<16xf32>
      %exp3A_402 = math.exp %neg3A_401 : vector<16xf32>
      %add3A_403 = arith.constant 1.000000e+00 : f32
      %add3A_404 = vector.broadcast %add3A_403 : f32 to vector<16xf32>
      %add3A_405 = arith.addf %add3A_404, %exp3A_402 : vector<16xf32>
      %div3A_406 = arith.constant 1.000000e+00 : f32
      %div3A_407 = vector.broadcast %div3A_406 : f32 to vector<16xf32>
      %div3A_408 = arith.divf %div3A_407, %add3A_405 : vector<16xf32>
      %get3A_409 = arith.index_cast %scan3A_348 : i32 to index
      %get3A_410 = arith.constant 16 : index
      %get3A_411 = tpu.vector_load %arg15[%get3A_409, %get3A_410] {strides = array<i32>} : memref<32x128xf32, #tpu.memory_space<vmem>>, vector<1x16xf32>,
      %get3A_412 = vector.shape_cast %get3A_411 : vector<1x16xf32> to vector<16xf32>
      %get3A_413 = arith.index_cast %scan3A_348 : i32 to index
      %get3A_414 = arith.constant 16 : index
      %get3A_415 = tpu.vector_load %arg17[%get3A_413, %get3A_414] {strides = array<i32>} : memref<32x128xf32, #tpu.memory_space<vmem>>, vector<1x16xf32>,
      %get3A_416 = vector.shape_cast %get3A_415 : vector<1x16xf32> to vector<16xf32>
      %add3A_417 = arith.addf %get3A_412, %get3A_416 : vector<16xf32>
      %mul3A_418 = arith.mulf %div3A_408, %add3A_417 : vector<16xf32>
      %swap3A_419 = arith.index_cast %scan3A_348 : i32 to index
      %swap3A_420 = arith.constant 16 : index
      %swap3A_421 = tpu.vector_load %arg18[%swap3A_419, %swap3A_420] {strides = array<i32>} : memref<32x128xf32, #tpu.memory_space<vmem>>, vector<1x16xf32>,
      %swap3A_422 = vector.shape_cast %swap3A_421 : vector<1x16xf32> to vector<16xf32>
      %swap3A_423 = vector.shape_cast %mul3A_418 : vector<16xf32> to vector<1x16xf32>
      tpu.vector_store %arg18[%swap3A_419, %swap3A_420], %swap3A_423 {strides = array<i32>} : memref<32x128xf32, #tpu.memory_space<vmem>>, vector<1x16xf32>,
      %get3A_424 = arith.index_cast %scan3A_348 : i32 to index
      %get3A_425 = arith.constant 32 : index
      %get3A_426 = tpu.vector_load %arg13[%get3A_424, %get3A_425] {strides = array<i32>} : memref<32x128xf32, #tpu.memory_space<vmem>>, vector<1x16xf32>,
      %get3A_427 = vector.shape_cast %get3A_426 : vector<1x16xf32> to vector<16xf32>
      %get3A_428 = arith.index_cast %scan3A_348 : i32 to index
      %get3A_429 = arith.constant 32 : index
      %get3A_430 = tpu.vector_load %arg14[%get3A_428, %get3A_429] {strides = array<i32>} : memref<32x128xf32, #tpu.memory_space<vmem>>, vector<1x16xf32>,
      %get3A_431 = vector.shape_cast %get3A_430 : vector<1x16xf32> to vector<16xf32>
      %add3A_432 = arith.addf %get3A_427, %get3A_431 : vector<16xf32>
      %get3A_433 = arith.index_cast %scan3A_348 : i32 to index
      %get3A_434 = arith.constant 32 : index
      %get3A_435 = tpu.vector_load %arg16[%get3A_433, %get3A_434] {strides = array<i32>} : memref<32x128xf32, #tpu.memory_space<vmem>>, vector<1x16xf32>,
      %get3A_436 = vector.shape_cast %get3A_435 : vector<1x16xf32> to vector<16xf32>
      %add3A_437 = arith.addf %add3A_432, %get3A_436 : vector<16xf32>
      %neg3A_438 = arith.constant 0.000000e+00 : f32
      %neg3A_439 = vector.broadcast %neg3A_438 : f32 to vector<16xf32>
      %neg3A_440 = arith.subf %neg3A_439, %add3A_437 : vector<16xf32>
      %exp3A_441 = math.exp %neg3A_440 : vector<16xf32>
      %add3A_442 = arith.constant 1.000000e+00 : f32
      %add3A_443 = vector.broadcast %add3A_442 : f32 to vector<16xf32>
      %add3A_444 = arith.addf %add3A_443, %exp3A_441 : vector<16xf32>
      %div3A_445 = arith.constant 1.000000e+00 : f32
      %div3A_446 = vector.broadcast %div3A_445 : f32 to vector<16xf32>
      %div3A_447 = arith.divf %div3A_446, %add3A_444 : vector<16xf32>
      %get3A_448 = arith.index_cast %scan3A_348 : i32 to index
      %get3A_449 = arith.constant 32 : index
      %get3A_450 = tpu.vector_load %arg15[%get3A_448, %get3A_449] {strides = array<i32>} : memref<32x128xf32, #tpu.memory_space<vmem>>, vector<1x16xf32>,
      %get3A_451 = vector.shape_cast %get3A_450 : vector<1x16xf32> to vector<16xf32>
      %get3A_452 = arith.index_cast %scan3A_348 : i32 to index
      %get3A_453 = arith.constant 32 : index
      %get3A_454 = tpu.vector_load %arg17[%get3A_452, %get3A_453] {strides = array<i32>} : memref<32x128xf32, #tpu.memory_space<vmem>>, vector<1x16xf32>,
      %get3A_455 = vector.shape_cast %get3A_454 : vector<1x16xf32> to vector<16xf32>
      %add3A_456 = arith.addf %get3A_451, %get3A_455 : vector<16xf32>
      %mul3A_457 = arith.mulf %div3A_447, %add3A_456 : vector<16xf32>
      %swap3A_458 = arith.index_cast %scan3A_348 : i32 to index
      %swap3A_459 = arith.constant 32 : index
      %swap3A_460 = tpu.vector_load %arg18[%swap3A_458, %swap3A_459] {strides = array<i32>} : memref<32x128xf32, #tpu.memory_space<vmem>>, vector<1x16xf32>,
      %swap3A_461 = vector.shape_cast %swap3A_460 : vector<1x16xf32> to vector<16xf32>
      %swap3A_462 = vector.shape_cast %mul3A_457 : vector<16xf32> to vector<1x16xf32>
      tpu.vector_store %arg18[%swap3A_458, %swap3A_459], %swap3A_462 {strides = array<i32>} : memref<32x128xf32, #tpu.memory_space<vmem>>, vector<1x16xf32>,
      %get3A_463 = arith.index_cast %scan3A_348 : i32 to index
      %get3A_464 = arith.constant 48 : index
      %get3A_465 = tpu.vector_load %arg13[%get3A_463, %get3A_464] {strides = array<i32>} : memref<32x128xf32, #tpu.memory_space<vmem>>, vector<1x16xf32>,
      %get3A_466 = vector.shape_cast %get3A_465 : vector<1x16xf32> to vector<16xf32>
      %get3A_467 = arith.index_cast %scan3A_348 : i32 to index
      %get3A_468 = arith.constant 48 : index
      %get3A_469 = tpu.vector_load %arg14[%get3A_467, %get3A_468] {strides = array<i32>} : memref<32x128xf32, #tpu.memory_space<vmem>>, vector<1x16xf32>,
      %get3A_470 = vector.shape_cast %get3A_469 : vector<1x16xf32> to vector<16xf32>
      %add3A_471 = arith.addf %get3A_466, %get3A_470 : vector<16xf32>
      %get3A_472 = arith.index_cast %scan3A_348 : i32 to index
      %get3A_473 = arith.constant 48 : index
      %get3A_474 = tpu.vector_load %arg16[%get3A_472, %get3A_473] {strides = array<i32>} : memref<32x128xf32, #tpu.memory_space<vmem>>, vector<1x16xf32>,
      %get3A_475 = vector.shape_cast %get3A_474 : vector<1x16xf32> to vector<16xf32>
      %add3A_476 = arith.addf %add3A_471, %get3A_475 : vector<16xf32>
      %neg3A_477 = arith.constant 0.000000e+00 : f32
      %neg3A_478 = vector.broadcast %neg3A_477 : f32 to vector<16xf32>
      %neg3A_479 = arith.subf %neg3A_478, %add3A_476 : vector<16xf32>
      %exp3A_480 = math.exp %neg3A_479 : vector<16xf32>
      %add3A_481 = arith.constant 1.000000e+00 : f32
      %add3A_482 = vector.broadcast %add3A_481 : f32 to vector<16xf32>
      %add3A_483 = arith.addf %add3A_482, %exp3A_480 : vector<16xf32>
      %div3A_484 = arith.constant 1.000000e+00 : f32
      %div3A_485 = vector.broadcast %div3A_484 : f32 to vector<16xf32>
      %div3A_486 = arith.divf %div3A_485, %add3A_483 : vector<16xf32>
      %get3A_487 = arith.index_cast %scan3A_348 : i32 to index
      %get3A_488 = arith.constant 48 : index
      %get3A_489 = tpu.vector_load %arg15[%get3A_487, %get3A_488] {strides = array<i32>} : memref<32x128xf32, #tpu.memory_space<vmem>>, vector<1x16xf32>,
      %get3A_490 = vector.shape_cast %get3A_489 : vector<1x16xf32> to vector<16xf32>
      %get3A_491 = arith.index_cast %scan3A_348 : i32 to index
      %get3A_492 = arith.constant 48 : index
      %get3A_493 = tpu.vector_load %arg17[%get3A_491, %get3A_492] {strides = array<i32>} : memref<32x128xf32, #tpu.memory_space<vmem>>, vector<1x16xf32>,
      %get3A_494 = vector.shape_cast %get3A_493 : vector<1x16xf32> to vector<16xf32>
      %add3A_495 = arith.addf %get3A_490, %get3A_494 : vector<16xf32>
      %mul3A_496 = arith.mulf %div3A_486, %add3A_495 : vector<16xf32>
      %swap3A_497 = arith.index_cast %scan3A_348 : i32 to index
      %swap3A_498 = arith.constant 48 : index
      %swap3A_499 = tpu.vector_load %arg18[%swap3A_497, %swap3A_498] {strides = array<i32>} : memref<32x128xf32, #tpu.memory_space<vmem>>, vector<1x16xf32>,
      %swap3A_500 = vector.shape_cast %swap3A_499 : vector<1x16xf32> to vector<16xf32>
      %swap3A_501 = vector.shape_cast %mul3A_496 : vector<16xf32> to vector<1x16xf32>
      tpu.vector_store %arg18[%swap3A_497, %swap3A_498], %swap3A_501 {strides = array<i32>} : memref<32x128xf32, #tpu.memory_space<vmem>>, vector<1x16xf32>,
      %get3A_502 = arith.index_cast %scan3A_348 : i32 to index
      %get3A_503 = arith.constant 64 : index
      %get3A_504 = tpu.vector_load %arg13[%get3A_502, %get3A_503] {strides = array<i32>} : memref<32x128xf32, #tpu.memory_space<vmem>>, vector<1x16xf32>,
      %get3A_505 = vector.shape_cast %get3A_504 : vector<1x16xf32> to vector<16xf32>
      %get3A_506 = arith.index_cast %scan3A_348 : i32 to index
      %get3A_507 = arith.constant 64 : index
      %get3A_508 = tpu.vector_load %arg14[%get3A_506, %get3A_507] {strides = array<i32>} : memref<32x128xf32, #tpu.memory_space<vmem>>, vector<1x16xf32>,
      %get3A_509 = vector.shape_cast %get3A_508 : vector<1x16xf32> to vector<16xf32>
      %add3A_510 = arith.addf %get3A_505, %get3A_509 : vector<16xf32>
      %get3A_511 = arith.index_cast %scan3A_348 : i32 to index
      %get3A_512 = arith.constant 64 : index
      %get3A_513 = tpu.vector_load %arg16[%get3A_511, %get3A_512] {strides = array<i32>} : memref<32x128xf32, #tpu.memory_space<vmem>>, vector<1x16xf32>,
      %get3A_514 = vector.shape_cast %get3A_513 : vector<1x16xf32> to vector<16xf32>
      %add3A_515 = arith.addf %add3A_510, %get3A_514 : vector<16xf32>
      %neg3A_516 = arith.constant 0.000000e+00 : f32
      %neg3A_517 = vector.broadcast %neg3A_516 : f32 to vector<16xf32>
      %neg3A_518 = arith.subf %neg3A_517, %add3A_515 : vector<16xf32>
      %exp3A_519 = math.exp %neg3A_518 : vector<16xf32>
      %add3A_520 = arith.constant 1.000000e+00 : f32
      %add3A_521 = vector.broadcast %add3A_520 : f32 to vector<16xf32>
      %add3A_522 = arith.addf %add3A_521, %exp3A_519 : vector<16xf32>
      %div3A_523 = arith.constant 1.000000e+00 : f32
      %div3A_524 = vector.broadcast %div3A_523 : f32 to vector<16xf32>
      %div3A_525 = arith.divf %div3A_524, %add3A_522 : vector<16xf32>
      %get3A_526 = arith.index_cast %scan3A_348 : i32 to index
      %get3A_527 = arith.constant 64 : index
      %get3A_528 = tpu.vector_load %arg15[%get3A_526, %get3A_527] {strides = array<i32>} : memref<32x128xf32, #tpu.memory_space<vmem>>, vector<1x16xf32>,
      %get3A_529 = vector.shape_cast %get3A_528 : vector<1x16xf32> to vector<16xf32>
      %get3A_530 = arith.index_cast %scan3A_348 : i32 to index
      %get3A_531 = arith.constant 64 : index
      %get3A_532 = tpu.vector_load %arg17[%get3A_530, %get3A_531] {strides = array<i32>} : memref<32x128xf32, #tpu.memory_space<vmem>>, vector<1x16xf32>,
      %get3A_533 = vector.shape_cast %get3A_532 : vector<1x16xf32> to vector<16xf32>
      %add3A_534 = arith.addf %get3A_529, %get3A_533 : vector<16xf32>
      %mul3A_535 = arith.mulf %div3A_525, %add3A_534 : vector<16xf32>
      %swap3A_536 = arith.index_cast %scan3A_348 : i32 to index
      %swap3A_537 = arith.constant 64 : index
      %swap3A_538 = tpu.vector_load %arg18[%swap3A_536, %swap3A_537] {strides = array<i32>} : memref<32x128xf32, #tpu.memory_space<vmem>>, vector<1x16xf32>,
      %swap3A_539 = vector.shape_cast %swap3A_538 : vector<1x16xf32> to vector<16xf32>
      %swap3A_540 = vector.shape_cast %mul3A_535 : vector<16xf32> to vector<1x16xf32>
      tpu.vector_store %arg18[%swap3A_536, %swap3A_537], %swap3A_540 {strides = array<i32>} : memref<32x128xf32, #tpu.memory_space<vmem>>, vector<1x16xf32>,
      %get3A_541 = arith.index_cast %scan3A_348 : i32 to index
      %get3A_542 = arith.constant 80 : index
      %get3A_543 = tpu.vector_load %arg13[%get3A_541, %get3A_542] {strides = array<i32>} : memref<32x128xf32, #tpu.memory_space<vmem>>, vector<1x16xf32>,
      %get3A_544 = vector.shape_cast %get3A_543 : vector<1x16xf32> to vector<16xf32>
      %get3A_545 = arith.index_cast %scan3A_348 : i32 to index
      %get3A_546 = arith.constant 80 : index
      %get3A_547 = tpu.vector_load %arg14[%get3A_545, %get3A_546] {strides = array<i32>} : memref<32x128xf32, #tpu.memory_space<vmem>>, vector<1x16xf32>,
      %get3A_548 = vector.shape_cast %get3A_547 : vector<1x16xf32> to vector<16xf32>
      %add3A_549 = arith.addf %get3A_544, %get3A_548 : vector<16xf32>
      %get3A_550 = arith.index_cast %scan3A_348 : i32 to index
      %get3A_551 = arith.constant 80 : index
      %get3A_552 = tpu.vector_load %arg16[%get3A_550, %get3A_551] {strides = array<i32>} : memref<32x128xf32, #tpu.memory_space<vmem>>, vector<1x16xf32>,
      %get3A_553 = vector.shape_cast %get3A_552 : vector<1x16xf32> to vector<16xf32>
      %add3A_554 = arith.addf %add3A_549, %get3A_553 : vector<16xf32>
      %neg3A_555 = arith.constant 0.000000e+00 : f32
      %neg3A_556 = vector.broadcast %neg3A_555 : f32 to vector<16xf32>
      %neg3A_557 = arith.subf %neg3A_556, %add3A_554 : vector<16xf32>
      %exp3A_558 = math.exp %neg3A_557 : vector<16xf32>
      %add3A_559 = arith.constant 1.000000e+00 : f32
      %add3A_560 = vector.broadcast %add3A_559 : f32 to vector<16xf32>
      %add3A_561 = arith.addf %add3A_560, %exp3A_558 : vector<16xf32>
      %div3A_562 = arith.constant 1.000000e+00 : f32
      %div3A_563 = vector.broadcast %div3A_562 : f32 to vector<16xf32>
      %div3A_564 = arith.divf %div3A_563, %add3A_561 : vector<16xf32>
      %get3A_565 = arith.index_cast %scan3A_348 : i32 to index
      %get3A_566 = arith.constant 80 : index
      %get3A_567 = tpu.vector_load %arg15[%get3A_565, %get3A_566] {strides = array<i32>} : memref<32x128xf32, #tpu.memory_space<vmem>>, vector<1x16xf32>,
      %get3A_568 = vector.shape_cast %get3A_567 : vector<1x16xf32> to vector<16xf32>
      %get3A_569 = arith.index_cast %scan3A_348 : i32 to index
      %get3A_570 = arith.constant 80 : index
      %get3A_571 = tpu.vector_load %arg17[%get3A_569, %get3A_570] {strides = array<i32>} : memref<32x128xf32, #tpu.memory_space<vmem>>, vector<1x16xf32>,
      %get3A_572 = vector.shape_cast %get3A_571 : vector<1x16xf32> to vector<16xf32>
      %add3A_573 = arith.addf %get3A_568, %get3A_572 : vector<16xf32>
      %mul3A_574 = arith.mulf %div3A_564, %add3A_573 : vector<16xf32>
      %swap3A_575 = arith.index_cast %scan3A_348 : i32 to index
      %swap3A_576 = arith.constant 80 : index
      %swap3A_577 = tpu.vector_load %arg18[%swap3A_575, %swap3A_576] {strides = array<i32>} : memref<32x128xf32, #tpu.memory_space<vmem>>, vector<1x16xf32>,
      %swap3A_578 = vector.shape_cast %swap3A_577 : vector<1x16xf32> to vector<16xf32>
      %swap3A_579 = vector.shape_cast %mul3A_574 : vector<16xf32> to vector<1x16xf32>
      tpu.vector_store %arg18[%swap3A_575, %swap3A_576], %swap3A_579 {strides = array<i32>} : memref<32x128xf32, #tpu.memory_space<vmem>>, vector<1x16xf32>,
      %get3A_580 = arith.index_cast %scan3A_348 : i32 to index
      %get3A_581 = arith.constant 96 : index
      %get3A_582 = tpu.vector_load %arg13[%get3A_580, %get3A_581] {strides = array<i32>} : memref<32x128xf32, #tpu.memory_space<vmem>>, vector<1x16xf32>,
      %get3A_583 = vector.shape_cast %get3A_582 : vector<1x16xf32> to vector<16xf32>
      %get3A_584 = arith.index_cast %scan3A_348 : i32 to index
      %get3A_585 = arith.constant 96 : index
      %get3A_586 = tpu.vector_load %arg14[%get3A_584, %get3A_585] {strides = array<i32>} : memref<32x128xf32, #tpu.memory_space<vmem>>, vector<1x16xf32>,
      %get3A_587 = vector.shape_cast %get3A_586 : vector<1x16xf32> to vector<16xf32>
      %add3A_588 = arith.addf %get3A_583, %get3A_587 : vector<16xf32>
      %get3A_589 = arith.index_cast %scan3A_348 : i32 to index
      %get3A_590 = arith.constant 96 : index
      %get3A_591 = tpu.vector_load %arg16[%get3A_589, %get3A_590] {strides = array<i32>} : memref<32x128xf32, #tpu.memory_space<vmem>>, vector<1x16xf32>,
      %get3A_592 = vector.shape_cast %get3A_591 : vector<1x16xf32> to vector<16xf32>
      %add3A_593 = arith.addf %add3A_588, %get3A_592 : vector<16xf32>
      %neg3A_594 = arith.constant 0.000000e+00 : f32
      %neg3A_595 = vector.broadcast %neg3A_594 : f32 to vector<16xf32>
      %neg3A_596 = arith.subf %neg3A_595, %add3A_593 : vector<16xf32>
      %exp3A_597 = math.exp %neg3A_596 : vector<16xf32>
      %add3A_598 = arith.constant 1.000000e+00 : f32
      %add3A_599 = vector.broadcast %add3A_598 : f32 to vector<16xf32>
      %add3A_600 = arith.addf %add3A_599, %exp3A_597 : vector<16xf32>
      %div3A_601 = arith.constant 1.000000e+00 : f32
      %div3A_602 = vector.broadcast %div3A_601 : f32 to vector<16xf32>
      %div3A_603 = arith.divf %div3A_602, %add3A_600 : vector<16xf32>
      %get3A_604 = arith.index_cast %scan3A_348 : i32 to index
      %get3A_605 = arith.constant 96 : index
      %get3A_606 = tpu.vector_load %arg15[%get3A_604, %get3A_605] {strides = array<i32>} : memref<32x128xf32, #tpu.memory_space<vmem>>, vector<1x16xf32>,
      %get3A_607 = vector.shape_cast %get3A_606 : vector<1x16xf32> to vector<16xf32>
      %get3A_608 = arith.index_cast %scan3A_348 : i32 to index
      %get3A_609 = arith.constant 96 : index
      %get3A_610 = tpu.vector_load %arg17[%get3A_608, %get3A_609] {strides = array<i32>} : memref<32x128xf32, #tpu.memory_space<vmem>>, vector<1x16xf32>,
      %get3A_611 = vector.shape_cast %get3A_610 : vector<1x16xf32> to vector<16xf32>
      %add3A_612 = arith.addf %get3A_607, %get3A_611 : vector<16xf32>
      %mul3A_613 = arith.mulf %div3A_603, %add3A_612 : vector<16xf32>
      %swap3A_614 = arith.index_cast %scan3A_348 : i32 to index
      %swap3A_615 = arith.constant 96 : index
      %swap3A_616 = tpu.vector_load %arg18[%swap3A_614, %swap3A_615] {strides = array<i32>} : memref<32x128xf32, #tpu.memory_space<vmem>>, vector<1x16xf32>,
      %swap3A_617 = vector.shape_cast %swap3A_616 : vector<1x16xf32> to vector<16xf32>
      %swap3A_618 = vector.shape_cast %mul3A_613 : vector<16xf32> to vector<1x16xf32>
      tpu.vector_store %arg18[%swap3A_614, %swap3A_615], %swap3A_618 {strides = array<i32>} : memref<32x128xf32, #tpu.memory_space<vmem>>, vector<1x16xf32>,
      %get3A_619 = arith.index_cast %scan3A_348 : i32 to index
      %get3A_620 = arith.constant 112 : index
      %get3A_621 = tpu.vector_load %arg13[%get3A_619, %get3A_620] {strides = array<i32>} : memref<32x128xf32, #tpu.memory_space<vmem>>, vector<1x16xf32>,
      %get3A_622 = vector.shape_cast %get3A_621 : vector<1x16xf32> to vector<16xf32>
      %get3A_623 = arith.index_cast %scan3A_348 : i32 to index
      %get3A_624 = arith.constant 112 : index
      %get3A_625 = tpu.vector_load %arg14[%get3A_623, %get3A_624] {strides = array<i32>} : memref<32x128xf32, #tpu.memory_space<vmem>>, vector<1x16xf32>,
      %get3A_626 = vector.shape_cast %get3A_625 : vector<1x16xf32> to vector<16xf32>
      %add3A_627 = arith.addf %get3A_622, %get3A_626 : vector<16xf32>
      %get3A_628 = arith.index_cast %scan3A_348 : i32 to index
      %get3A_629 = arith.constant 112 : index
      %get3A_630 = tpu.vector_load %arg16[%get3A_628, %get3A_629] {strides = array<i32>} : memref<32x128xf32, #tpu.memory_space<vmem>>, vector<1x16xf32>,
      %get3A_631 = vector.shape_cast %get3A_630 : vector<1x16xf32> to vector<16xf32>
      %add3A_632 = arith.addf %add3A_627, %get3A_631 : vector<16xf32>
      %neg3A_633 = arith.constant 0.000000e+00 : f32
      %neg3A_634 = vector.broadcast %neg3A_633 : f32 to vector<16xf32>
      %neg3A_635 = arith.subf %neg3A_634, %add3A_632 : vector<16xf32>
      %exp3A_636 = math.exp %neg3A_635 : vector<16xf32>
      %add3A_637 = arith.constant 1.000000e+00 : f32
      %add3A_638 = vector.broadcast %add3A_637 : f32 to vector<16xf32>
      %add3A_639 = arith.addf %add3A_638, %exp3A_636 : vector<16xf32>
      %div3A_640 = arith.constant 1.000000e+00 : f32
      %div3A_641 = vector.broadcast %div3A_640 : f32 to vector<16xf32>
      %div3A_642 = arith.divf %div3A_641, %add3A_639 : vector<16xf32>
      %get3A_643 = arith.index_cast %scan3A_348 : i32 to index
      %get3A_644 = arith.constant 112 : index
      %get3A_645 = tpu.vector_load %arg15[%get3A_643, %get3A_644] {strides = array<i32>} : memref<32x128xf32, #tpu.memory_space<vmem>>, vector<1x16xf32>,
      %get3A_646 = vector.shape_cast %get3A_645 : vector<1x16xf32> to vector<16xf32>
      %get3A_647 = arith.index_cast %scan3A_348 : i32 to index
      %get3A_648 = arith.constant 112 : index
      %get3A_649 = tpu.vector_load %arg17[%get3A_647, %get3A_648] {strides = array<i32>} : memref<32x128xf32, #tpu.memory_space<vmem>>, vector<1x16xf32>,
      %get3A_650 = vector.shape_cast %get3A_649 : vector<1x16xf32> to vector<16xf32>
      %add3A_651 = arith.addf %get3A_646, %get3A_650 : vector<16xf32>
      %mul3A_652 = arith.mulf %div3A_642, %add3A_651 : vector<16xf32>
      %swap3A_653 = arith.index_cast %scan3A_348 : i32 to index
      %swap3A_654 = arith.constant 112 : index
      %swap3A_655 = tpu.vector_load %arg18[%swap3A_653, %swap3A_654] {strides = array<i32>} : memref<32x128xf32, #tpu.memory_space<vmem>>, vector<1x16xf32>,
      %swap3A_656 = vector.shape_cast %swap3A_655 : vector<1x16xf32> to vector<16xf32>
      %swap3A_657 = vector.shape_cast %mul3A_652 : vector<16xf32> to vector<1x16xf32>
      tpu.vector_store %arg18[%swap3A_653, %swap3A_654], %swap3A_657 {strides = array<i32>} : memref<32x128xf32, #tpu.memory_space<vmem>>, vector<1x16xf32>,
    }
    %scan3A_155 = arith.constant 32 : i32
    %get3A = arith.constant 0 : index
    %get3A_156 = tpu.vector_load %arg10[%get3A] {strides = array<i32>} : memref<32xi32, #tpu.memory_space<vmem>>, vector<16xi32>,
    %get3A_157 = vector.shape_cast %get3A_156 : vector<16xi32> to vector<16xi32>
    %swap3A = arith.constant 0 : index
    %swap3A_158 = tpu.vector_load %arg12[%swap3A] {strides = array<i32>} : memref<32xi32, #tpu.memory_space<vmem>>, vector<16xi32>,
    %swap3A_159 = vector.shape_cast %swap3A_158 : vector<16xi32> to vector<16xi32>
    %swap3A_160 = vector.shape_cast %get3A_157 : vector<16xi32> to vector<16xi32>
    tpu.vector_store %arg12[%swap3A], %swap3A_160 {strides = array<i32>} : memref<32xi32, #tpu.memory_space<vmem>>, vector<16xi32>,
    %get3A_161 = arith.constant 16 : index
    %get3A_162 = tpu.vector_load %arg10[%get3A_161] {strides = array<i32>} : memref<32xi32, #tpu.memory_space<vmem>>, vector<16xi32>,
    %get3A_163 = vector.shape_cast %get3A_162 : vector<16xi32> to vector<16xi32>
    %swap3A_164 = arith.constant 16 : index
    %swap3A_165 = tpu.vector_load %arg12[%swap3A_164] {strides = array<i32>} : memref<32xi32, #tpu.memory_space<vmem>>, vector<16xi32>,
    %swap3A_166 = vector.shape_cast %swap3A_165 : vector<16xi32> to vector<16xi32>
    %swap3A_167 = vector.shape_cast %get3A_163 : vector<16xi32> to vector<16xi32>
    tpu.vector_store %arg12[%swap3A_164], %swap3A_167 {strides = array<i32>} : memref<32xi32, #tpu.memory_space<vmem>>, vector<16xi32>,
    %dma_start3A_168 = arith.constant 0 : i32
    %dma_start3A_169 = arith.constant 0 : i32
    %dma_start3A_170 = tpu.memref_slice %arg28[%dma_start3A_168, %dma_start3A_169] : memref<10112x128xf32, #tpu.memory_space<vmem_shared>> -> memref<10112x128xf32, #tpu.memory_space<vmem_shared>>
    tpu.enqueue_indirect_dma source(%arg18 : memref<32x128xf32, #tpu.memory_space<vmem>>) target(%dma_start3A_170 : memref<10112x128xf32, #tpu.memory_space<vmem_shared>>) offsets(%arg12 : memref<32xi32, #tpu.memory_space<vmem>>) semaphore(%arg31 : memref<!tpu.dma_semaphore, #tpu.memory_space<semaphore_mem>>) {add = true}
    %rem3A_171 = arith.constant 2 : i32
    %rem3A_172 = arith.constant 314 : i32
    %rem3A_173 = arith.remsi %rem3A_171, %rem3A_172 : i32
    %mul3A_174 = arith.constant 32 : i32
    %mul3A_175 = arith.muli %rem3A_173, %mul3A_174 : i32
    %add3A_176 = arith.addi %mul3A_2, %mul3A_175 : i32
    %dma_start3A_177 = tpu.memref_slice %arg8[%add3A_176] : memref<321536xi32, #tpu.memory_space<hbm>> -> memref<32xi32, #tpu.memory_space<hbm>>
    %dma_start3A_178 = tpu.memref_slice %arg8[%add3A_176] : memref<321536xi32, #tpu.memory_space<hbm>> -> memref<32xi32, #tpu.memory_space<hbm>>
    tpu.enqueue_dma source(%dma_start3A_178 : memref<32xi32, #tpu.memory_space<hbm>>) target(%arg10 : memref<32xi32, #tpu.memory_space<vmem>>) target_semaphore(%arg29 : memref<!tpu.dma_semaphore, #tpu.memory_space<semaphore_mem>>)
    %dma_start3A_179 = tpu.memref_slice %arg7[%add3A_176] : memref<321536xi32, #tpu.memory_space<hbm>> -> memref<32xi32, #tpu.memory_space<hbm>>
    %dma_start3A_180 = tpu.memref_slice %arg7[%add3A_176] : memref<321536xi32, #tpu.memory_space<hbm>> -> memref<32xi32, #tpu.memory_space<hbm>>
    tpu.enqueue_dma source(%dma_start3A_180 : memref<32xi32, #tpu.memory_space<hbm>>) target(%arg11 : memref<32xi32, #tpu.memory_space<vmem>>) target_semaphore(%arg29 : memref<!tpu.dma_semaphore, #tpu.memory_space<semaphore_mem>>)
    %dma_wait3A_181 = arith.constant 0 : i32
    %dma_wait3A_182 = tpu.memref_slice %arg8[%dma_wait3A_181] : memref<321536xi32, #tpu.memory_space<hbm>> -> memref<32xi32, #tpu.memory_space<hbm>>
    %dma_wait3A_183 = arith.constant 0 : i32
    %dma_wait3A_184 = tpu.memref_slice %arg8[%dma_wait3A_183] : memref<321536xi32, #tpu.memory_space<hbm>> -> memref<32xi32, #tpu.memory_space<hbm>>
    tpu.wait_dma2 semaphore(%arg29 : memref<!tpu.dma_semaphore, #tpu.memory_space<semaphore_mem>>) src(%dma_wait3A_184 : memref<32xi32, #tpu.memory_space<hbm>>) dst(%arg10 : memref<32xi32, #tpu.memory_space<vmem>>)
    %dma_wait3A_185 = arith.constant 0 : i32
    %dma_wait3A_186 = tpu.memref_slice %arg7[%dma_wait3A_185] : memref<321536xi32, #tpu.memory_space<hbm>> -> memref<32xi32, #tpu.memory_space<hbm>>
    %dma_wait3A_187 = arith.constant 0 : i32
    %dma_wait3A_188 = tpu.memref_slice %arg7[%dma_wait3A_187] : memref<321536xi32, #tpu.memory_space<hbm>> -> memref<32xi32, #tpu.memory_space<hbm>>
    tpu.wait_dma2 semaphore(%arg29 : memref<!tpu.dma_semaphore, #tpu.memory_space<semaphore_mem>>) src(%dma_wait3A_188 : memref<32xi32, #tpu.memory_space<hbm>>) dst(%arg11 : memref<32xi32, #tpu.memory_space<vmem>>)
    %rem3A_189 = arith.constant 2 : i32
    %rem3A_190 = arith.constant 314 : i32
    %rem3A_191 = arith.remsi %rem3A_189, %rem3A_190 : i32
    %mul3A_192 = arith.constant 32 : i32
    %mul3A_193 = arith.muli %rem3A_191, %mul3A_192 : i32
    %add3A_194 = arith.addi %mul3A_2, %mul3A_193 : i32
    %dma_start3A_195 = arith.constant 0 : i32
    %dma_start3A_196 = tpu.memref_slice %arg5[%add3A_194, %dma_start3A_195] : memref<321536x128xf32, #tpu.memory_space<hbm>> -> memref<32x128xf32, #tpu.memory_space<hbm>>
    %dma_start3A_197 = arith.constant 0 : i32
    %dma_start3A_198 = tpu.memref_slice %arg5[%add3A_194, %dma_start3A_197] : memref<321536x128xf32, #tpu.memory_space<hbm>> -> memref<32x128xf32, #tpu.memory_space<hbm>>
    tpu.enqueue_dma source(%dma_start3A_198 : memref<32x128xf32, #tpu.memory_space<hbm>>) target(%arg16 : memref<32x128xf32, #tpu.memory_space<vmem>>) target_semaphore(%arg30 : memref<!tpu.dma_semaphore, #tpu.memory_space<semaphore_mem>>)
    %dma_start3A_199 = arith.constant 0 : i32
    %dma_start3A_200 = tpu.memref_slice %arg6[%add3A_194, %dma_start3A_199] : memref<321536x128xf32, #tpu.memory_space<hbm>> -> memref<32x128xf32, #tpu.memory_space<hbm>>
    %dma_start3A_201 = arith.constant 0 : i32
    %dma_start3A_202 = tpu.memref_slice %arg6[%add3A_194, %dma_start3A_201] : memref<321536x128xf32, #tpu.memory_space<hbm>> -> memref<32x128xf32, #tpu.memory_space<hbm>>
    tpu.enqueue_dma source(%dma_start3A_202 : memref<32x128xf32, #tpu.memory_space<hbm>>) target(%arg17 : memref<32x128xf32, #tpu.memory_space<vmem>>) target_semaphore(%arg30 : memref<!tpu.dma_semaphore, #tpu.memory_space<semaphore_mem>>)
    %dma_start3A_203 = arith.constant 0 : i32
    %dma_start3A_204 = arith.constant 0 : i32
    %dma_start3A_205 = tpu.memref_slice %arg2[%dma_start3A_203, %dma_start3A_204] : memref<10112x128xf32, #tpu.memory_space<hbm>> -> memref<10112x128xf32, #tpu.memory_space<hbm>>
    tpu.enqueue_indirect_dma source(%dma_start3A_205 : memref<10112x128xf32, #tpu.memory_space<hbm>>) target(%arg13 : memref<32x128xf32, #tpu.memory_space<vmem>>) offsets(%arg10 : memref<32xi32, #tpu.memory_space<vmem>>) semaphore(%arg30 : memref<!tpu.dma_semaphore, #tpu.memory_space<semaphore_mem>>)
    %dma_start3A_206 = arith.constant 0 : i32
    %dma_start3A_207 = arith.constant 0 : i32
    %dma_start3A_208 = tpu.memref_slice %arg3[%dma_start3A_206, %dma_start3A_207] : memref<10112x128xf32, #tpu.memory_space<hbm>> -> memref<10112x128xf32, #tpu.memory_space<hbm>>
    tpu.enqueue_indirect_dma source(%dma_start3A_208 : memref<10112x128xf32, #tpu.memory_space<hbm>>) target(%arg14 : memref<32x128xf32, #tpu.memory_space<vmem>>) offsets(%arg11 : memref<32xi32, #tpu.memory_space<vmem>>) semaphore(%arg30 : memref<!tpu.dma_semaphore, #tpu.memory_space<semaphore_mem>>)
    %dma_start3A_209 = arith.constant 0 : i32
    %dma_start3A_210 = arith.constant 0 : i32
    %dma_start3A_211 = tpu.memref_slice %arg4[%dma_start3A_209, %dma_start3A_210] : memref<10112x128xf32, #tpu.memory_space<hbm>> -> memref<10112x128xf32, #tpu.memory_space<hbm>>
    tpu.enqueue_indirect_dma source(%dma_start3A_211 : memref<10112x128xf32, #tpu.memory_space<hbm>>) target(%arg15 : memref<32x128xf32, #tpu.memory_space<vmem>>) offsets(%arg11 : memref<32xi32, #tpu.memory_space<vmem>>) semaphore(%arg30 : memref<!tpu.dma_semaphore, #tpu.memory_space<semaphore_mem>>)
    %dma_wait3A_212 = arith.constant 0 : i32
    %dma_wait3A_213 = arith.constant 0 : i32
    %dma_wait3A_214 = tpu.memref_slice %arg5[%dma_wait3A_212, %dma_wait3A_213] : memref<321536x128xf32, #tpu.memory_space<hbm>> -> memref<32x128xf32, #tpu.memory_space<hbm>>
    %dma_wait3A_215 = arith.constant 0 : i32
    %dma_wait3A_216 = arith.constant 0 : i32
    %dma_wait3A_217 = tpu.memref_slice %arg5[%dma_wait3A_215, %dma_wait3A_216] : memref<321536x128xf32, #tpu.memory_space<hbm>> -> memref<32x128xf32, #tpu.memory_space<hbm>>
    tpu.wait_dma2 semaphore(%arg33 : memref<!tpu.dma_semaphore, #tpu.memory_space<semaphore_mem>>) src(%dma_wait3A_217 : memref<32x128xf32, #tpu.memory_space<hbm>>) dst(%arg25 : memref<32x128xf32, #tpu.memory_space<vmem>>)
    %dma_wait3A_218 = arith.constant 0 : i32
    %dma_wait3A_219 = arith.constant 0 : i32
    %dma_wait3A_220 = tpu.memref_slice %arg6[%dma_wait3A_218, %dma_wait3A_219] : memref<321536x128xf32, #tpu.memory_space<hbm>> -> memref<32x128xf32, #tpu.memory_space<hbm>>
    %dma_wait3A_221 = arith.constant 0 : i32
    %dma_wait3A_222 = arith.constant 0 : i32
    %dma_wait3A_223 = tpu.memref_slice %arg6[%dma_wait3A_221, %dma_wait3A_222] : memref<321536x128xf32, #tpu.memory_space<hbm>> -> memref<32x128xf32, #tpu.memory_space<hbm>>
    tpu.wait_dma2 semaphore(%arg33 : memref<!tpu.dma_semaphore, #tpu.memory_space<semaphore_mem>>) src(%dma_wait3A_223 : memref<32x128xf32, #tpu.memory_space<hbm>>) dst(%arg26 : memref<32x128xf32, #tpu.memory_space<vmem>>)
    %dma_wait3A_224 = arith.constant 0 : i32
    %dma_wait3A_225 = arith.constant 0 : i32
    %dma_wait3A_226 = tpu.memref_slice %arg2[%dma_wait3A_224, %dma_wait3A_225] : memref<10112x128xf32, #tpu.memory_space<hbm>> -> memref<10112x128xf32, #tpu.memory_space<hbm>>
    tpu.wait_indirect_dma semaphore(%arg33 : memref<!tpu.dma_semaphore, #tpu.memory_space<semaphore_mem>>) src(%dma_wait3A_226 : memref<10112x128xf32, #tpu.memory_space<hbm>>) dst(%arg22 : memref<32x128xf32, #tpu.memory_space<vmem>>)
    %dma_wait3A_227 = arith.constant 0 : i32
    %dma_wait3A_228 = arith.constant 0 : i32
    %dma_wait3A_229 = tpu.memref_slice %arg3[%dma_wait3A_227, %dma_wait3A_228] : memref<10112x128xf32, #tpu.memory_space<hbm>> -> memref<10112x128xf32, #tpu.memory_space<hbm>>
    tpu.wait_indirect_dma semaphore(%arg33 : memref<!tpu.dma_semaphore, #tpu.memory_space<semaphore_mem>>) src(%dma_wait3A_229 : memref<10112x128xf32, #tpu.memory_space<hbm>>) dst(%arg23 : memref<32x128xf32, #tpu.memory_space<vmem>>)
    %dma_wait3A_230 = arith.constant 0 : i32
    %dma_wait3A_231 = arith.constant 0 : i32
    %dma_wait3A_232 = tpu.memref_slice %arg4[%dma_wait3A_230, %dma_wait3A_231] : memref<10112x128xf32, #tpu.memory_space<hbm>> -> memref<10112x128xf32, #tpu.memory_space<hbm>>
    tpu.wait_indirect_dma semaphore(%arg33 : memref<!tpu.dma_semaphore, #tpu.memory_space<semaphore_mem>>) src(%dma_wait3A_232 : memref<10112x128xf32, #tpu.memory_space<hbm>>) dst(%arg24 : memref<32x128xf32, #tpu.memory_space<vmem>>)
    %scan3A_233 = arith.constant 0 : i32
    %scan3A_234 = arith.constant 0 : i32
    %scan3A_235 = arith.constant 32 : i32
    %scan3A_236 = arith.addi %scan3A_234, %scan3A_235 : i32
    %scan3A_237 = arith.constant 1 : i32
    scf.for %scan3A_348 = %scan3A_234 to %scan3A_236 step %scan3A_237  : i32 {
      %get3A_349 = arith.index_cast %scan3A_348 : i32 to index
      %get3A_350 = arith.constant 0 : index
      %get3A_351 = tpu.vector_load %arg22[%get3A_349, %get3A_350] {strides = array<i32>} : memref<32x128xf32, #tpu.memory_space<vmem>>, vector<1x16xf32>,
      %get3A_352 = vector.shape_cast %get3A_351 : vector<1x16xf32> to vector<16xf32>
      %get3A_353 = arith.index_cast %scan3A_348 : i32 to index
      %get3A_354 = arith.constant 0 : index
      %get3A_355 = tpu.vector_load %arg23[%get3A_353, %get3A_354] {strides = array<i32>} : memref<32x128xf32, #tpu.memory_space<vmem>>, vector<1x16xf32>,
      %get3A_356 = vector.shape_cast %get3A_355 : vector<1x16xf32> to vector<16xf32>
      %add3A_357 = arith.addf %get3A_352, %get3A_356 : vector<16xf32>
      %get3A_358 = arith.index_cast %scan3A_348 : i32 to index
      %get3A_359 = arith.constant 0 : index
      %get3A_360 = tpu.vector_load %arg25[%get3A_358, %get3A_359] {strides = array<i32>} : memref<32x128xf32, #tpu.memory_space<vmem>>, vector<1x16xf32>,
      %get3A_361 = vector.shape_cast %get3A_360 : vector<1x16xf32> to vector<16xf32>
      %add3A_362 = arith.addf %add3A_357, %get3A_361 : vector<16xf32>
      %neg3A = arith.constant 0.000000e+00 : f32
      %neg3A_363 = vector.broadcast %neg3A : f32 to vector<16xf32>
      %neg3A_364 = arith.subf %neg3A_363, %add3A_362 : vector<16xf32>
      %exp3A = math.exp %neg3A_364 : vector<16xf32>
      %add3A_365 = arith.constant 1.000000e+00 : f32
      %add3A_366 = vector.broadcast %add3A_365 : f32 to vector<16xf32>
      %add3A_367 = arith.addf %add3A_366, %exp3A : vector<16xf32>
      %div3A = arith.constant 1.000000e+00 : f32
      %div3A_368 = vector.broadcast %div3A : f32 to vector<16xf32>
      %div3A_369 = arith.divf %div3A_368, %add3A_367 : vector<16xf32>
      %get3A_370 = arith.index_cast %scan3A_348 : i32 to index
      %get3A_371 = arith.constant 0 : index
      %get3A_372 = tpu.vector_load %arg24[%get3A_370, %get3A_371] {strides = array<i32>} : memref<32x128xf32, #tpu.memory_space<vmem>>, vector<1x16xf32>,
      %get3A_373 = vector.shape_cast %get3A_372 : vector<1x16xf32> to vector<16xf32>
      %get3A_374 = arith.index_cast %scan3A_348 : i32 to index
      %get3A_375 = arith.constant 0 : index
      %get3A_376 = tpu.vector_load %arg26[%get3A_374, %get3A_375] {strides = array<i32>} : memref<32x128xf32, #tpu.memory_space<vmem>>, vector<1x16xf32>,
      %get3A_377 = vector.shape_cast %get3A_376 : vector<1x16xf32> to vector<16xf32>
      %add3A_378 = arith.addf %get3A_373, %get3A_377 : vector<16xf32>
      %mul3A_379 = arith.mulf %div3A_369, %add3A_378 : vector<16xf32>
      %swap3A_380 = arith.index_cast %scan3A_348 : i32 to index
      %swap3A_381 = arith.constant 0 : index
      %swap3A_382 = tpu.vector_load %arg27[%swap3A_380, %swap3A_381] {strides = array<i32>} : memref<32x128xf32, #tpu.memory_space<vmem>>, vector<1x16xf32>,
      %swap3A_383 = vector.shape_cast %swap3A_382 : vector<1x16xf32> to vector<16xf32>
      %swap3A_384 = vector.shape_cast %mul3A_379 : vector<16xf32> to vector<1x16xf32>
      tpu.vector_store %arg27[%swap3A_380, %swap3A_381], %swap3A_384 {strides = array<i32>} : memref<32x128xf32, #tpu.memory_space<vmem>>, vector<1x16xf32>,
      %get3A_385 = arith.index_cast %scan3A_348 : i32 to index
      %get3A_386 = arith.constant 16 : index
      %get3A_387 = tpu.vector_load %arg22[%get3A_385, %get3A_386] {strides = array<i32>} : memref<32x128xf32, #tpu.memory_space<vmem>>, vector<1x16xf32>,
      %get3A_388 = vector.shape_cast %get3A_387 : vector<1x16xf32> to vector<16xf32>
      %get3A_389 = arith.index_cast %scan3A_348 : i32 to index
      %get3A_390 = arith.constant 16 : index
      %get3A_391 = tpu.vector_load %arg23[%get3A_389, %get3A_390] {strides = array<i32>} : memref<32x128xf32, #tpu.memory_space<vmem>>, vector<1x16xf32>,
      %get3A_392 = vector.shape_cast %get3A_391 : vector<1x16xf32> to vector<16xf32>
      %add3A_393 = arith.addf %get3A_388, %get3A_392 : vector<16xf32>
      %get3A_394 = arith.index_cast %scan3A_348 : i32 to index
      %get3A_395 = arith.constant 16 : index
      %get3A_396 = tpu.vector_load %arg25[%get3A_394, %get3A_395] {strides = array<i32>} : memref<32x128xf32, #tpu.memory_space<vmem>>, vector<1x16xf32>,
      %get3A_397 = vector.shape_cast %get3A_396 : vector<1x16xf32> to vector<16xf32>
      %add3A_398 = arith.addf %add3A_393, %get3A_397 : vector<16xf32>
      %neg3A_399 = arith.constant 0.000000e+00 : f32
      %neg3A_400 = vector.broadcast %neg3A_399 : f32 to vector<16xf32>
      %neg3A_401 = arith.subf %neg3A_400, %add3A_398 : vector<16xf32>
      %exp3A_402 = math.exp %neg3A_401 : vector<16xf32>
      %add3A_403 = arith.constant 1.000000e+00 : f32
      %add3A_404 = vector.broadcast %add3A_403 : f32 to vector<16xf32>
      %add3A_405 = arith.addf %add3A_404, %exp3A_402 : vector<16xf32>
      %div3A_406 = arith.constant 1.000000e+00 : f32
      %div3A_407 = vector.broadcast %div3A_406 : f32 to vector<16xf32>
      %div3A_408 = arith.divf %div3A_407, %add3A_405 : vector<16xf32>
      %get3A_409 = arith.index_cast %scan3A_348 : i32 to index
      %get3A_410 = arith.constant 16 : index
      %get3A_411 = tpu.vector_load %arg24[%get3A_409, %get3A_410] {strides = array<i32>} : memref<32x128xf32, #tpu.memory_space<vmem>>, vector<1x16xf32>,
      %get3A_412 = vector.shape_cast %get3A_411 : vector<1x16xf32> to vector<16xf32>
      %get3A_413 = arith.index_cast %scan3A_348 : i32 to index
      %get3A_414 = arith.constant 16 : index
      %get3A_415 = tpu.vector_load %arg26[%get3A_413, %get3A_414] {strides = array<i32>} : memref<32x128xf32, #tpu.memory_space<vmem>>, vector<1x16xf32>,
      %get3A_416 = vector.shape_cast %get3A_415 : vector<1x16xf32> to vector<16xf32>
      %add3A_417 = arith.addf %get3A_412, %get3A_416 : vector<16xf32>
      %mul3A_418 = arith.mulf %div3A_408, %add3A_417 : vector<16xf32>
      %swap3A_419 = arith.index_cast %scan3A_348 : i32 to index
      %swap3A_420 = arith.constant 16 : index
      %swap3A_421 = tpu.vector_load %arg27[%swap3A_419, %swap3A_420] {strides = array<i32>} : memref<32x128xf32, #tpu.memory_space<vmem>>, vector<1x16xf32>,
      %swap3A_422 = vector.shape_cast %swap3A_421 : vector<1x16xf32> to vector<16xf32>
      %swap3A_423 = vector.shape_cast %mul3A_418 : vector<16xf32> to vector<1x16xf32>
      tpu.vector_store %arg27[%swap3A_419, %swap3A_420], %swap3A_423 {strides = array<i32>} : memref<32x128xf32, #tpu.memory_space<vmem>>, vector<1x16xf32>,
      %get3A_424 = arith.index_cast %scan3A_348 : i32 to index
      %get3A_425 = arith.constant 32 : index
      %get3A_426 = tpu.vector_load %arg22[%get3A_424, %get3A_425] {strides = array<i32>} : memref<32x128xf32, #tpu.memory_space<vmem>>, vector<1x16xf32>,
      %get3A_427 = vector.shape_cast %get3A_426 : vector<1x16xf32> to vector<16xf32>
      %get3A_428 = arith.index_cast %scan3A_348 : i32 to index
      %get3A_429 = arith.constant 32 : index
      %get3A_430 = tpu.vector_load %arg23[%get3A_428, %get3A_429] {strides = array<i32>} : memref<32x128xf32, #tpu.memory_space<vmem>>, vector<1x16xf32>,
      %get3A_431 = vector.shape_cast %get3A_430 : vector<1x16xf32> to vector<16xf32>
      %add3A_432 = arith.addf %get3A_427, %get3A_431 : vector<16xf32>
      %get3A_433 = arith.index_cast %scan3A_348 : i32 to index
      %get3A_434 = arith.constant 32 : index
      %get3A_435 = tpu.vector_load %arg25[%get3A_433, %get3A_434] {strides = array<i32>} : memref<32x128xf32, #tpu.memory_space<vmem>>, vector<1x16xf32>,
      %get3A_436 = vector.shape_cast %get3A_435 : vector<1x16xf32> to vector<16xf32>
      %add3A_437 = arith.addf %add3A_432, %get3A_436 : vector<16xf32>
      %neg3A_438 = arith.constant 0.000000e+00 : f32
      %neg3A_439 = vector.broadcast %neg3A_438 : f32 to vector<16xf32>
      %neg3A_440 = arith.subf %neg3A_439, %add3A_437 : vector<16xf32>
      %exp3A_441 = math.exp %neg3A_440 : vector<16xf32>
      %add3A_442 = arith.constant 1.000000e+00 : f32
      %add3A_443 = vector.broadcast %add3A_442 : f32 to vector<16xf32>
      %add3A_444 = arith.addf %add3A_443, %exp3A_441 : vector<16xf32>
      %div3A_445 = arith.constant 1.000000e+00 : f32
      %div3A_446 = vector.broadcast %div3A_445 : f32 to vector<16xf32>
      %div3A_447 = arith.divf %div3A_446, %add3A_444 : vector<16xf32>
      %get3A_448 = arith.index_cast %scan3A_348 : i32 to index
      %get3A_449 = arith.constant 32 : index
      %get3A_450 = tpu.vector_load %arg24[%get3A_448, %get3A_449] {strides = array<i32>} : memref<32x128xf32, #tpu.memory_space<vmem>>, vector<1x16xf32>,
      %get3A_451 = vector.shape_cast %get3A_450 : vector<1x16xf32> to vector<16xf32>
      %get3A_452 = arith.index_cast %scan3A_348 : i32 to index
      %get3A_453 = arith.constant 32 : index
      %get3A_454 = tpu.vector_load %arg26[%get3A_452, %get3A_453] {strides = array<i32>} : memref<32x128xf32, #tpu.memory_space<vmem>>, vector<1x16xf32>,
      %get3A_455 = vector.shape_cast %get3A_454 : vector<1x16xf32> to vector<16xf32>
      %add3A_456 = arith.addf %get3A_451, %get3A_455 : vector<16xf32>
      %mul3A_457 = arith.mulf %div3A_447, %add3A_456 : vector<16xf32>
      %swap3A_458 = arith.index_cast %scan3A_348 : i32 to index
      %swap3A_459 = arith.constant 32 : index
      %swap3A_460 = tpu.vector_load %arg27[%swap3A_458, %swap3A_459] {strides = array<i32>} : memref<32x128xf32, #tpu.memory_space<vmem>>, vector<1x16xf32>,
      %swap3A_461 = vector.shape_cast %swap3A_460 : vector<1x16xf32> to vector<16xf32>
      %swap3A_462 = vector.shape_cast %mul3A_457 : vector<16xf32> to vector<1x16xf32>
      tpu.vector_store %arg27[%swap3A_458, %swap3A_459], %swap3A_462 {strides = array<i32>} : memref<32x128xf32, #tpu.memory_space<vmem>>, vector<1x16xf32>,
      %get3A_463 = arith.index_cast %scan3A_348 : i32 to index
      %get3A_464 = arith.constant 48 : index
      %get3A_465 = tpu.vector_load %arg22[%get3A_463, %get3A_464] {strides = array<i32>} : memref<32x128xf32, #tpu.memory_space<vmem>>, vector<1x16xf32>,
      %get3A_466 = vector.shape_cast %get3A_465 : vector<1x16xf32> to vector<16xf32>
      %get3A_467 = arith.index_cast %scan3A_348 : i32 to index
      %get3A_468 = arith.constant 48 : index
      %get3A_469 = tpu.vector_load %arg23[%get3A_467, %get3A_468] {strides = array<i32>} : memref<32x128xf32, #tpu.memory_space<vmem>>, vector<1x16xf32>,
      %get3A_470 = vector.shape_cast %get3A_469 : vector<1x16xf32> to vector<16xf32>
      %add3A_471 = arith.addf %get3A_466, %get3A_470 : vector<16xf32>
      %get3A_472 = arith.index_cast %scan3A_348 : i32 to index
      %get3A_473 = arith.constant 48 : index
      %get3A_474 = tpu.vector_load %arg25[%get3A_472, %get3A_473] {strides = array<i32>} : memref<32x128xf32, #tpu.memory_space<vmem>>, vector<1x16xf32>,
      %get3A_475 = vector.shape_cast %get3A_474 : vector<1x16xf32> to vector<16xf32>
      %add3A_476 = arith.addf %add3A_471, %get3A_475 : vector<16xf32>
      %neg3A_477 = arith.constant 0.000000e+00 : f32
      %neg3A_478 = vector.broadcast %neg3A_477 : f32 to vector<16xf32>
      %neg3A_479 = arith.subf %neg3A_478, %add3A_476 : vector<16xf32>
      %exp3A_480 = math.exp %neg3A_479 : vector<16xf32>
      %add3A_481 = arith.constant 1.000000e+00 : f32
      %add3A_482 = vector.broadcast %add3A_481 : f32 to vector<16xf32>
      %add3A_483 = arith.addf %add3A_482, %exp3A_480 : vector<16xf32>
      %div3A_484 = arith.constant 1.000000e+00 : f32
      %div3A_485 = vector.broadcast %div3A_484 : f32 to vector<16xf32>
      %div3A_486 = arith.divf %div3A_485, %add3A_483 : vector<16xf32>
      %get3A_487 = arith.index_cast %scan3A_348 : i32 to index
      %get3A_488 = arith.constant 48 : index
      %get3A_489 = tpu.vector_load %arg24[%get3A_487, %get3A_488] {strides = array<i32>} : memref<32x128xf32, #tpu.memory_space<vmem>>, vector<1x16xf32>,
      %get3A_490 = vector.shape_cast %get3A_489 : vector<1x16xf32> to vector<16xf32>
      %get3A_491 = arith.index_cast %scan3A_348 : i32 to index
      %get3A_492 = arith.constant 48 : index
      %get3A_493 = tpu.vector_load %arg26[%get3A_491, %get3A_492] {strides = array<i32>} : memref<32x128xf32, #tpu.memory_space<vmem>>, vector<1x16xf32>,
      %get3A_494 = vector.shape_cast %get3A_493 : vector<1x16xf32> to vector<16xf32>
      %add3A_495 = arith.addf %get3A_490, %get3A_494 : vector<16xf32>
      %mul3A_496 = arith.mulf %div3A_486, %add3A_495 : vector<16xf32>
      %swap3A_497 = arith.index_cast %scan3A_348 : i32 to index
      %swap3A_498 = arith.constant 48 : index
      %swap3A_499 = tpu.vector_load %arg27[%swap3A_497, %swap3A_498] {strides = array<i32>} : memref<32x128xf32, #tpu.memory_space<vmem>>, vector<1x16xf32>,
      %swap3A_500 = vector.shape_cast %swap3A_499 : vector<1x16xf32> to vector<16xf32>
      %swap3A_501 = vector.shape_cast %mul3A_496 : vector<16xf32> to vector<1x16xf32>
      tpu.vector_store %arg27[%swap3A_497, %swap3A_498], %swap3A_501 {strides = array<i32>} : memref<32x128xf32, #tpu.memory_space<vmem>>, vector<1x16xf32>,
      %get3A_502 = arith.index_cast %scan3A_348 : i32 to index
      %get3A_503 = arith.constant 64 : index
      %get3A_504 = tpu.vector_load %arg22[%get3A_502, %get3A_503] {strides = array<i32>} : memref<32x128xf32, #tpu.memory_space<vmem>>, vector<1x16xf32>,
      %get3A_505 = vector.shape_cast %get3A_504 : vector<1x16xf32> to vector<16xf32>
      %get3A_506 = arith.index_cast %scan3A_348 : i32 to index
      %get3A_507 = arith.constant 64 : index
      %get3A_508 = tpu.vector_load %arg23[%get3A_506, %get3A_507] {strides = array<i32>} : memref<32x128xf32, #tpu.memory_space<vmem>>, vector<1x16xf32>,
      %get3A_509 = vector.shape_cast %get3A_508 : vector<1x16xf32> to vector<16xf32>
      %add3A_510 = arith.addf %get3A_505, %get3A_509 : vector<16xf32>
      %get3A_511 = arith.index_cast %scan3A_348 : i32 to index
      %get3A_512 = arith.constant 64 : index
      %get3A_513 = tpu.vector_load %arg25[%get3A_511, %get3A_512] {strides = array<i32>} : memref<32x128xf32, #tpu.memory_space<vmem>>, vector<1x16xf32>,
      %get3A_514 = vector.shape_cast %get3A_513 : vector<1x16xf32> to vector<16xf32>
      %add3A_515 = arith.addf %add3A_510, %get3A_514 : vector<16xf32>
      %neg3A_516 = arith.constant 0.000000e+00 : f32
      %neg3A_517 = vector.broadcast %neg3A_516 : f32 to vector<16xf32>
      %neg3A_518 = arith.subf %neg3A_517, %add3A_515 : vector<16xf32>
      %exp3A_519 = math.exp %neg3A_518 : vector<16xf32>
      %add3A_520 = arith.constant 1.000000e+00 : f32
      %add3A_521 = vector.broadcast %add3A_520 : f32 to vector<16xf32>
      %add3A_522 = arith.addf %add3A_521, %exp3A_519 : vector<16xf32>
      %div3A_523 = arith.constant 1.000000e+00 : f32
      %div3A_524 = vector.broadcast %div3A_523 : f32 to vector<16xf32>
      %div3A_525 = arith.divf %div3A_524, %add3A_522 : vector<16xf32>
      %get3A_526 = arith.index_cast %scan3A_348 : i32 to index
      %get3A_527 = arith.constant 64 : index
      %get3A_528 = tpu.vector_load %arg24[%get3A_526, %get3A_527] {strides = array<i32>} : memref<32x128xf32, #tpu.memory_space<vmem>>, vector<1x16xf32>,
      %get3A_529 = vector.shape_cast %get3A_528 : vector<1x16xf32> to vector<16xf32>
      %get3A_530 = arith.index_cast %scan3A_348 : i32 to index
      %get3A_531 = arith.constant 64 : index
      %get3A_532 = tpu.vector_load %arg26[%get3A_530, %get3A_531] {strides = array<i32>} : memref<32x128xf32, #tpu.memory_space<vmem>>, vector<1x16xf32>,
      %get3A_533 = vector.shape_cast %get3A_532 : vector<1x16xf32> to vector<16xf32>
      %add3A_534 = arith.addf %get3A_529, %get3A_533 : vector<16xf32>
      %mul3A_535 = arith.mulf %div3A_525, %add3A_534 : vector<16xf32>
      %swap3A_536 = arith.index_cast %scan3A_348 : i32 to index
      %swap3A_537 = arith.constant 64 : index
      %swap3A_538 = tpu.vector_load %arg27[%swap3A_536, %swap3A_537] {strides = array<i32>} : memref<32x128xf32, #tpu.memory_space<vmem>>, vector<1x16xf32>,
      %swap3A_539 = vector.shape_cast %swap3A_538 : vector<1x16xf32> to vector<16xf32>
      %swap3A_540 = vector.shape_cast %mul3A_535 : vector<16xf32> to vector<1x16xf32>
      tpu.vector_store %arg27[%swap3A_536, %swap3A_537], %swap3A_540 {strides = array<i32>} : memref<32x128xf32, #tpu.memory_space<vmem>>, vector<1x16xf32>,
      %get3A_541 = arith.index_cast %scan3A_348 : i32 to index
      %get3A_542 = arith.constant 80 : index
      %get3A_543 = tpu.vector_load %arg22[%get3A_541, %get3A_542] {strides = array<i32>} : memref<32x128xf32, #tpu.memory_space<vmem>>, vector<1x16xf32>,
      %get3A_544 = vector.shape_cast %get3A_543 : vector<1x16xf32> to vector<16xf32>
      %get3A_545 = arith.index_cast %scan3A_348 : i32 to index
      %get3A_546 = arith.constant 80 : index
      %get3A_547 = tpu.vector_load %arg23[%get3A_545, %get3A_546] {strides = array<i32>} : memref<32x128xf32, #tpu.memory_space<vmem>>, vector<1x16xf32>,
      %get3A_548 = vector.shape_cast %get3A_547 : vector<1x16xf32> to vector<16xf32>
      %add3A_549 = arith.addf %get3A_544, %get3A_548 : vector<16xf32>
      %get3A_550 = arith.index_cast %scan3A_348 : i32 to index
      %get3A_551 = arith.constant 80 : index
      %get3A_552 = tpu.vector_load %arg25[%get3A_550, %get3A_551] {strides = array<i32>} : memref<32x128xf32, #tpu.memory_space<vmem>>, vector<1x16xf32>,
      %get3A_553 = vector.shape_cast %get3A_552 : vector<1x16xf32> to vector<16xf32>
      %add3A_554 = arith.addf %add3A_549, %get3A_553 : vector<16xf32>
      %neg3A_555 = arith.constant 0.000000e+00 : f32
      %neg3A_556 = vector.broadcast %neg3A_555 : f32 to vector<16xf32>
      %neg3A_557 = arith.subf %neg3A_556, %add3A_554 : vector<16xf32>
      %exp3A_558 = math.exp %neg3A_557 : vector<16xf32>
      %add3A_559 = arith.constant 1.000000e+00 : f32
      %add3A_560 = vector.broadcast %add3A_559 : f32 to vector<16xf32>
      %add3A_561 = arith.addf %add3A_560, %exp3A_558 : vector<16xf32>
      %div3A_562 = arith.constant 1.000000e+00 : f32
      %div3A_563 = vector.broadcast %div3A_562 : f32 to vector<16xf32>
      %div3A_564 = arith.divf %div3A_563, %add3A_561 : vector<16xf32>
      %get3A_565 = arith.index_cast %scan3A_348 : i32 to index
      %get3A_566 = arith.constant 80 : index
      %get3A_567 = tpu.vector_load %arg24[%get3A_565, %get3A_566] {strides = array<i32>} : memref<32x128xf32, #tpu.memory_space<vmem>>, vector<1x16xf32>,
      %get3A_568 = vector.shape_cast %get3A_567 : vector<1x16xf32> to vector<16xf32>
      %get3A_569 = arith.index_cast %scan3A_348 : i32 to index
      %get3A_570 = arith.constant 80 : index
      %get3A_571 = tpu.vector_load %arg26[%get3A_569, %get3A_570] {strides = array<i32>} : memref<32x128xf32, #tpu.memory_space<vmem>>, vector<1x16xf32>,
      %get3A_572 = vector.shape_cast %get3A_571 : vector<1x16xf32> to vector<16xf32>
      %add3A_573 = arith.addf %get3A_568, %get3A_572 : vector<16xf32>
      %mul3A_574 = arith.mulf %div3A_564, %add3A_573 : vector<16xf32>
      %swap3A_575 = arith.index_cast %scan3A_348 : i32 to index
      %swap3A_576 = arith.constant 80 : index
      %swap3A_577 = tpu.vector_load %arg27[%swap3A_575, %swap3A_576] {strides = array<i32>} : memref<32x128xf32, #tpu.memory_space<vmem>>, vector<1x16xf32>,
      %swap3A_578 = vector.shape_cast %swap3A_577 : vector<1x16xf32> to vector<16xf32>
      %swap3A_579 = vector.shape_cast %mul3A_574 : vector<16xf32> to vector<1x16xf32>
      tpu.vector_store %arg27[%swap3A_575, %swap3A_576], %swap3A_579 {strides = array<i32>} : memref<32x128xf32, #tpu.memory_space<vmem>>, vector<1x16xf32>,
      %get3A_580 = arith.index_cast %scan3A_348 : i32 to index
      %get3A_581 = arith.constant 96 : index
      %get3A_582 = tpu.vector_load %arg22[%get3A_580, %get3A_581] {strides = array<i32>} : memref<32x128xf32, #tpu.memory_space<vmem>>, vector<1x16xf32>,
      %get3A_583 = vector.shape_cast %get3A_582 : vector<1x16xf32> to vector<16xf32>
      %get3A_584 = arith.index_cast %scan3A_348 : i32 to index
      %get3A_585 = arith.constant 96 : index
      %get3A_586 = tpu.vector_load %arg23[%get3A_584, %get3A_585] {strides = array<i32>} : memref<32x128xf32, #tpu.memory_space<vmem>>, vector<1x16xf32>,
      %get3A_587 = vector.shape_cast %get3A_586 : vector<1x16xf32> to vector<16xf32>
      %add3A_588 = arith.addf %get3A_583, %get3A_587 : vector<16xf32>
      %get3A_589 = arith.index_cast %scan3A_348 : i32 to index
      %get3A_590 = arith.constant 96 : index
      %get3A_591 = tpu.vector_load %arg25[%get3A_589, %get3A_590] {strides = array<i32>} : memref<32x128xf32, #tpu.memory_space<vmem>>, vector<1x16xf32>,
      %get3A_592 = vector.shape_cast %get3A_591 : vector<1x16xf32> to vector<16xf32>
      %add3A_593 = arith.addf %add3A_588, %get3A_592 : vector<16xf32>
      %neg3A_594 = arith.constant 0.000000e+00 : f32
      %neg3A_595 = vector.broadcast %neg3A_594 : f32 to vector<16xf32>
      %neg3A_596 = arith.subf %neg3A_595, %add3A_593 : vector<16xf32>
      %exp3A_597 = math.exp %neg3A_596 : vector<16xf32>
      %add3A_598 = arith.constant 1.000000e+00 : f32
      %add3A_599 = vector.broadcast %add3A_598 : f32 to vector<16xf32>
      %add3A_600 = arith.addf %add3A_599, %exp3A_597 : vector<16xf32>
      %div3A_601 = arith.constant 1.000000e+00 : f32
      %div3A_602 = vector.broadcast %div3A_601 : f32 to vector<16xf32>
      %div3A_603 = arith.divf %div3A_602, %add3A_600 : vector<16xf32>
      %get3A_604 = arith.index_cast %scan3A_348 : i32 to index
      %get3A_605 = arith.constant 96 : index
      %get3A_606 = tpu.vector_load %arg24[%get3A_604, %get3A_605] {strides = array<i32>} : memref<32x128xf32, #tpu.memory_space<vmem>>, vector<1x16xf32>,
      %get3A_607 = vector.shape_cast %get3A_606 : vector<1x16xf32> to vector<16xf32>
      %get3A_608 = arith.index_cast %scan3A_348 : i32 to index
      %get3A_609 = arith.constant 96 : index
      %get3A_610 = tpu.vector_load %arg26[%get3A_608, %get3A_609] {strides = array<i32>} : memref<32x128xf32, #tpu.memory_space<vmem>>, vector<1x16xf32>,
      %get3A_611 = vector.shape_cast %get3A_610 : vector<1x16xf32> to vector<16xf32>
      %add3A_612 = arith.addf %get3A_607, %get3A_611 : vector<16xf32>
      %mul3A_613 = arith.mulf %div3A_603, %add3A_612 : vector<16xf32>
      %swap3A_614 = arith.index_cast %scan3A_348 : i32 to index
      %swap3A_615 = arith.constant 96 : index
      %swap3A_616 = tpu.vector_load %arg27[%swap3A_614, %swap3A_615] {strides = array<i32>} : memref<32x128xf32, #tpu.memory_space<vmem>>, vector<1x16xf32>,
      %swap3A_617 = vector.shape_cast %swap3A_616 : vector<1x16xf32> to vector<16xf32>
      %swap3A_618 = vector.shape_cast %mul3A_613 : vector<16xf32> to vector<1x16xf32>
      tpu.vector_store %arg27[%swap3A_614, %swap3A_615], %swap3A_618 {strides = array<i32>} : memref<32x128xf32, #tpu.memory_space<vmem>>, vector<1x16xf32>,
      %get3A_619 = arith.index_cast %scan3A_348 : i32 to index
      %get3A_620 = arith.constant 112 : index
      %get3A_621 = tpu.vector_load %arg22[%get3A_619, %get3A_620] {strides = array<i32>} : memref<32x128xf32, #tpu.memory_space<vmem>>, vector<1x16xf32>,
      %get3A_622 = vector.shape_cast %get3A_621 : vector<1x16xf32> to vector<16xf32>
      %get3A_623 = arith.index_cast %scan3A_348 : i32 to index
      %get3A_624 = arith.constant 112 : index
      %get3A_625 = tpu.vector_load %arg23[%get3A_623, %get3A_624] {strides = array<i32>} : memref<32x128xf32, #tpu.memory_space<vmem>>, vector<1x16xf32>,
      %get3A_626 = vector.shape_cast %get3A_625 : vector<1x16xf32> to vector<16xf32>
      %add3A_627 = arith.addf %get3A_622, %get3A_626 : vector<16xf32>
      %get3A_628 = arith.index_cast %scan3A_348 : i32 to index
      %get3A_629 = arith.constant 112 : index
      %get3A_630 = tpu.vector_load %arg25[%get3A_628, %get3A_629] {strides = array<i32>} : memref<32x128xf32, #tpu.memory_space<vmem>>, vector<1x16xf32>,
      %get3A_631 = vector.shape_cast %get3A_630 : vector<1x16xf32> to vector<16xf32>
      %add3A_632 = arith.addf %add3A_627, %get3A_631 : vector<16xf32>
      %neg3A_633 = arith.constant 0.000000e+00 : f32
      %neg3A_634 = vector.broadcast %neg3A_633 : f32 to vector<16xf32>
      %neg3A_635 = arith.subf %neg3A_634, %add3A_632 : vector<16xf32>
      %exp3A_636 = math.exp %neg3A_635 : vector<16xf32>
      %add3A_637 = arith.constant 1.000000e+00 : f32
      %add3A_638 = vector.broadcast %add3A_637 : f32 to vector<16xf32>
      %add3A_639 = arith.addf %add3A_638, %exp3A_636 : vector<16xf32>
      %div3A_640 = arith.constant 1.000000e+00 : f32
      %div3A_641 = vector.broadcast %div3A_640 : f32 to vector<16xf32>
      %div3A_642 = arith.divf %div3A_641, %add3A_639 : vector<16xf32>
      %get3A_643 = arith.index_cast %scan3A_348 : i32 to index
      %get3A_644 = arith.constant 112 : index
      %get3A_645 = tpu.vector_load %arg24[%get3A_643, %get3A_644] {strides = array<i32>} : memref<32x128xf32, #tpu.memory_space<vmem>>, vector<1x16xf32>,
      %get3A_646 = vector.shape_cast %get3A_645 : vector<1x16xf32> to vector<16xf32>
      %get3A_647 = arith.index_cast %scan3A_348 : i32 to index
      %get3A_648 = arith.constant 112 : index
      %get3A_649 = tpu.vector_load %arg26[%get3A_647, %get3A_648] {strides = array<i32>} : memref<32x128xf32, #tpu.memory_space<vmem>>, vector<1x16xf32>,
      %get3A_650 = vector.shape_cast %get3A_649 : vector<1x16xf32> to vector<16xf32>
      %add3A_651 = arith.addf %get3A_646, %get3A_650 : vector<16xf32>
      %mul3A_652 = arith.mulf %div3A_642, %add3A_651 : vector<16xf32>
      %swap3A_653 = arith.index_cast %scan3A_348 : i32 to index
      %swap3A_654 = arith.constant 112 : index
      %swap3A_655 = tpu.vector_load %arg27[%swap3A_653, %swap3A_654] {strides = array<i32>} : memref<32x128xf32, #tpu.memory_space<vmem>>, vector<1x16xf32>,
      %swap3A_656 = vector.shape_cast %swap3A_655 : vector<1x16xf32> to vector<16xf32>
      %swap3A_657 = vector.shape_cast %mul3A_652 : vector<16xf32> to vector<1x16xf32>
      tpu.vector_store %arg27[%swap3A_653, %swap3A_654], %swap3A_657 {strides = array<i32>} : memref<32x128xf32, #tpu.memory_space<vmem>>, vector<1x16xf32>,
    }
    %scan3A_238 = arith.constant 32 : i32
    %get3A_239 = arith.constant 0 : index
    %get3A_240 = tpu.vector_load %arg19[%get3A_239] {strides = array<i32>} : memref<32xi32, #tpu.memory_space<vmem>>, vector<16xi32>,
    %get3A_241 = vector.shape_cast %get3A_240 : vector<16xi32> to vector<16xi32>
    %swap3A_242 = arith.constant 0 : index
    %swap3A_243 = tpu.vector_load %arg21[%swap3A_242] {strides = array<i32>} : memref<32xi32, #tpu.memory_space<vmem>>, vector<16xi32>,
    %swap3A_244 = vector.shape_cast %swap3A_243 : vector<16xi32> to vector<16xi32>
    %swap3A_245 = vector.shape_cast %get3A_241 : vector<16xi32> to vector<16xi32>
    tpu.vector_store %arg21[%swap3A_242], %swap3A_245 {strides = array<i32>} : memref<32xi32, #tpu.memory_space<vmem>>, vector<16xi32>,
    %get3A_246 = arith.constant 16 : index
    %get3A_247 = tpu.vector_load %arg19[%get3A_246] {strides = array<i32>} : memref<32xi32, #tpu.memory_space<vmem>>, vector<16xi32>,
    %get3A_248 = vector.shape_cast %get3A_247 : vector<16xi32> to vector<16xi32>
    %swap3A_249 = arith.constant 16 : index
    %swap3A_250 = tpu.vector_load %arg21[%swap3A_249] {strides = array<i32>} : memref<32xi32, #tpu.memory_space<vmem>>, vector<16xi32>,
    %swap3A_251 = vector.shape_cast %swap3A_250 : vector<16xi32> to vector<16xi32>
    %swap3A_252 = vector.shape_cast %get3A_248 : vector<16xi32> to vector<16xi32>
    tpu.vector_store %arg21[%swap3A_249], %swap3A_252 {strides = array<i32>} : memref<32xi32, #tpu.memory_space<vmem>>, vector<16xi32>,
    %dma_start3A_253 = arith.constant 0 : i32
    %dma_start3A_254 = arith.constant 0 : i32
    %dma_start3A_255 = tpu.memref_slice %arg28[%dma_start3A_253, %dma_start3A_254] : memref<10112x128xf32, #tpu.memory_space<vmem_shared>> -> memref<10112x128xf32, #tpu.memory_space<vmem_shared>>
    tpu.enqueue_indirect_dma source(%arg27 : memref<32x128xf32, #tpu.memory_space<vmem>>) target(%dma_start3A_255 : memref<10112x128xf32, #tpu.memory_space<vmem_shared>>) offsets(%arg21 : memref<32xi32, #tpu.memory_space<vmem>>) semaphore(%arg34 : memref<!tpu.dma_semaphore, #tpu.memory_space<semaphore_mem>>) {add = true}
    %rem3A_256 = arith.constant 3 : i32
    %rem3A_257 = arith.constant 314 : i32
    %rem3A_258 = arith.remsi %rem3A_256, %rem3A_257 : i32
    %mul3A_259 = arith.constant 32 : i32
    %mul3A_260 = arith.muli %rem3A_258, %mul3A_259 : i32
    %add3A_261 = arith.addi %mul3A_2, %mul3A_260 : i32
    %dma_start3A_262 = tpu.memref_slice %arg8[%add3A_261] : memref<321536xi32, #tpu.memory_space<hbm>> -> memref<32xi32, #tpu.memory_space<hbm>>
    %dma_start3A_263 = tpu.memref_slice %arg8[%add3A_261] : memref<321536xi32, #tpu.memory_space<hbm>> -> memref<32xi32, #tpu.memory_space<hbm>>
    tpu.enqueue_dma source(%dma_start3A_263 : memref<32xi32, #tpu.memory_space<hbm>>) target(%arg19 : memref<32xi32, #tpu.memory_space<vmem>>) target_semaphore(%arg32 : memref<!tpu.dma_semaphore, #tpu.memory_space<semaphore_mem>>)
    %dma_start3A_264 = tpu.memref_slice %arg7[%add3A_261] : memref<321536xi32, #tpu.memory_space<hbm>> -> memref<32xi32, #tpu.memory_space<hbm>>
    %dma_start3A_265 = tpu.memref_slice %arg7[%add3A_261] : memref<321536xi32, #tpu.memory_space<hbm>> -> memref<32xi32, #tpu.memory_space<hbm>>
    tpu.enqueue_dma source(%dma_start3A_265 : memref<32xi32, #tpu.memory_space<hbm>>) target(%arg20 : memref<32xi32, #tpu.memory_space<vmem>>) target_semaphore(%arg32 : memref<!tpu.dma_semaphore, #tpu.memory_space<semaphore_mem>>)
    %scan3A_266 = arith.constant 0 : i32
    %scan3A_267 = arith.constant 0 : i32
    %scan3A_268 = arith.constant 156 : i32
    %scan3A_269 = arith.addi %scan3A_267, %scan3A_268 : i32
    %scan3A_270 = arith.constant 1 : i32
    scf.for %scan3A_348 = %scan3A_267 to %scan3A_269 step %scan3A_270  : i32 {
      %mul3A_349 = arith.constant 2 : i32
      %mul3A_350 = arith.muli %mul3A_349, %scan3A_348 : i32
      %add3A_351 = arith.constant 2 : i32
      %add3A_352 = arith.addi %mul3A_350, %add3A_351 : i32
      %dma_wait3A_353 = arith.constant 0 : i32
      %dma_wait3A_354 = tpu.memref_slice %arg8[%dma_wait3A_353] : memref<321536xi32, #tpu.memory_space<hbm>> -> memref<32xi32, #tpu.memory_space<hbm>>
      %dma_wait3A_355 = arith.constant 0 : i32
      %dma_wait3A_356 = tpu.memref_slice %arg8[%dma_wait3A_355] : memref<321536xi32, #tpu.memory_space<hbm>> -> memref<32xi32, #tpu.memory_space<hbm>>
      tpu.wait_dma2 semaphore(%arg32 : memref<!tpu.dma_semaphore, #tpu.memory_space<semaphore_mem>>) src(%dma_wait3A_356 : memref<32xi32, #tpu.memory_space<hbm>>) dst(%arg19 : memref<32xi32, #tpu.memory_space<vmem>>)
      %dma_wait3A_357 = arith.constant 0 : i32
      %dma_wait3A_358 = tpu.memref_slice %arg7[%dma_wait3A_357] : memref<321536xi32, #tpu.memory_space<hbm>> -> memref<32xi32, #tpu.memory_space<hbm>>
      %dma_wait3A_359 = arith.constant 0 : i32
      %dma_wait3A_360 = tpu.memref_slice %arg7[%dma_wait3A_359] : memref<321536xi32, #tpu.memory_space<hbm>> -> memref<32xi32, #tpu.memory_space<hbm>>
      tpu.wait_dma2 semaphore(%arg32 : memref<!tpu.dma_semaphore, #tpu.memory_space<semaphore_mem>>) src(%dma_wait3A_360 : memref<32xi32, #tpu.memory_space<hbm>>) dst(%arg20 : memref<32xi32, #tpu.memory_space<vmem>>)
      %add3A_361 = arith.constant 1 : i32
      %add3A_362 = arith.addi %add3A_352, %add3A_361 : i32
      %rem3A_363 = arith.constant 314 : i32
      %rem3A_364 = arith.remsi %add3A_362, %rem3A_363 : i32
      %mul3A_365 = arith.constant 32 : i32
      %mul3A_366 = arith.muli %rem3A_364, %mul3A_365 : i32
      %add3A_367 = arith.addi %mul3A_2, %mul3A_366 : i32
      %dma_start3A_368 = arith.constant 0 : i32
      %dma_start3A_369 = tpu.memref_slice %arg5[%add3A_367, %dma_start3A_368] : memref<321536x128xf32, #tpu.memory_space<hbm>> -> memref<32x128xf32, #tpu.memory_space<hbm>>
      %dma_start3A_370 = arith.constant 0 : i32
      %dma_start3A_371 = tpu.memref_slice %arg5[%add3A_367, %dma_start3A_370] : memref<321536x128xf32, #tpu.memory_space<hbm>> -> memref<32x128xf32, #tpu.memory_space<hbm>>
      tpu.enqueue_dma source(%dma_start3A_371 : memref<32x128xf32, #tpu.memory_space<hbm>>) target(%arg25 : memref<32x128xf32, #tpu.memory_space<vmem>>) target_semaphore(%arg33 : memref<!tpu.dma_semaphore, #tpu.memory_space<semaphore_mem>>)
      %dma_start3A_372 = arith.constant 0 : i32
      %dma_start3A_373 = tpu.memref_slice %arg6[%add3A_367, %dma_start3A_372] : memref<321536x128xf32, #tpu.memory_space<hbm>> -> memref<32x128xf32, #tpu.memory_space<hbm>>
      %dma_start3A_374 = arith.constant 0 : i32
      %dma_start3A_375 = tpu.memref_slice %arg6[%add3A_367, %dma_start3A_374] : memref<321536x128xf32, #tpu.memory_space<hbm>> -> memref<32x128xf32, #tpu.memory_space<hbm>>
      tpu.enqueue_dma source(%dma_start3A_375 : memref<32x128xf32, #tpu.memory_space<hbm>>) target(%arg26 : memref<32x128xf32, #tpu.memory_space<vmem>>) target_semaphore(%arg33 : memref<!tpu.dma_semaphore, #tpu.memory_space<semaphore_mem>>)
      %dma_start3A_376 = arith.constant 0 : i32
      %dma_start3A_377 = arith.constant 0 : i32
      %dma_start3A_378 = tpu.memref_slice %arg2[%dma_start3A_376, %dma_start3A_377] : memref<10112x128xf32, #tpu.memory_space<hbm>> -> memref<10112x128xf32, #tpu.memory_space<hbm>>
      tpu.enqueue_indirect_dma source(%dma_start3A_378 : memref<10112x128xf32, #tpu.memory_space<hbm>>) target(%arg22 : memref<32x128xf32, #tpu.memory_space<vmem>>) offsets(%arg19 : memref<32xi32, #tpu.memory_space<vmem>>) semaphore(%arg33 : memref<!tpu.dma_semaphore, #tpu.memory_space<semaphore_mem>>)
      %dma_start3A_379 = arith.constant 0 : i32
      %dma_start3A_380 = arith.constant 0 : i32
      %dma_start3A_381 = tpu.memref_slice %arg3[%dma_start3A_379, %dma_start3A_380] : memref<10112x128xf32, #tpu.memory_space<hbm>> -> memref<10112x128xf32, #tpu.memory_space<hbm>>
      tpu.enqueue_indirect_dma source(%dma_start3A_381 : memref<10112x128xf32, #tpu.memory_space<hbm>>) target(%arg23 : memref<32x128xf32, #tpu.memory_space<vmem>>) offsets(%arg20 : memref<32xi32, #tpu.memory_space<vmem>>) semaphore(%arg33 : memref<!tpu.dma_semaphore, #tpu.memory_space<semaphore_mem>>)
      %dma_start3A_382 = arith.constant 0 : i32
      %dma_start3A_383 = arith.constant 0 : i32
      %dma_start3A_384 = tpu.memref_slice %arg4[%dma_start3A_382, %dma_start3A_383] : memref<10112x128xf32, #tpu.memory_space<hbm>> -> memref<10112x128xf32, #tpu.memory_space<hbm>>
      tpu.enqueue_indirect_dma source(%dma_start3A_384 : memref<10112x128xf32, #tpu.memory_space<hbm>>) target(%arg24 : memref<32x128xf32, #tpu.memory_space<vmem>>) offsets(%arg20 : memref<32xi32, #tpu.memory_space<vmem>>) semaphore(%arg33 : memref<!tpu.dma_semaphore, #tpu.memory_space<semaphore_mem>>)
      %dma_wait3A_385 = arith.constant 0 : i32
      %dma_wait3A_386 = arith.constant 0 : i32
      %dma_wait3A_387 = tpu.memref_slice %arg5[%dma_wait3A_385, %dma_wait3A_386] : memref<321536x128xf32, #tpu.memory_space<hbm>> -> memref<32x128xf32, #tpu.memory_space<hbm>>
      %dma_wait3A_388 = arith.constant 0 : i32
      %dma_wait3A_389 = arith.constant 0 : i32
      %dma_wait3A_390 = tpu.memref_slice %arg5[%dma_wait3A_388, %dma_wait3A_389] : memref<321536x128xf32, #tpu.memory_space<hbm>> -> memref<32x128xf32, #tpu.memory_space<hbm>>
      tpu.wait_dma2 semaphore(%arg30 : memref<!tpu.dma_semaphore, #tpu.memory_space<semaphore_mem>>) src(%dma_wait3A_390 : memref<32x128xf32, #tpu.memory_space<hbm>>) dst(%arg16 : memref<32x128xf32, #tpu.memory_space<vmem>>)
      %dma_wait3A_391 = arith.constant 0 : i32
      %dma_wait3A_392 = arith.constant 0 : i32
      %dma_wait3A_393 = tpu.memref_slice %arg6[%dma_wait3A_391, %dma_wait3A_392] : memref<321536x128xf32, #tpu.memory_space<hbm>> -> memref<32x128xf32, #tpu.memory_space<hbm>>
      %dma_wait3A_394 = arith.constant 0 : i32
      %dma_wait3A_395 = arith.constant 0 : i32
      %dma_wait3A_396 = tpu.memref_slice %arg6[%dma_wait3A_394, %dma_wait3A_395] : memref<321536x128xf32, #tpu.memory_space<hbm>> -> memref<32x128xf32, #tpu.memory_space<hbm>>
      tpu.wait_dma2 semaphore(%arg30 : memref<!tpu.dma_semaphore, #tpu.memory_space<semaphore_mem>>) src(%dma_wait3A_396 : memref<32x128xf32, #tpu.memory_space<hbm>>) dst(%arg17 : memref<32x128xf32, #tpu.memory_space<vmem>>)
      %dma_wait3A_397 = arith.constant 0 : i32
      %dma_wait3A_398 = arith.constant 0 : i32
      %dma_wait3A_399 = tpu.memref_slice %arg2[%dma_wait3A_397, %dma_wait3A_398] : memref<10112x128xf32, #tpu.memory_space<hbm>> -> memref<10112x128xf32, #tpu.memory_space<hbm>>
      tpu.wait_indirect_dma semaphore(%arg30 : memref<!tpu.dma_semaphore, #tpu.memory_space<semaphore_mem>>) src(%dma_wait3A_399 : memref<10112x128xf32, #tpu.memory_space<hbm>>) dst(%arg13 : memref<32x128xf32, #tpu.memory_space<vmem>>)
      %dma_wait3A_400 = arith.constant 0 : i32
      %dma_wait3A_401 = arith.constant 0 : i32
      %dma_wait3A_402 = tpu.memref_slice %arg3[%dma_wait3A_400, %dma_wait3A_401] : memref<10112x128xf32, #tpu.memory_space<hbm>> -> memref<10112x128xf32, #tpu.memory_space<hbm>>
      tpu.wait_indirect_dma semaphore(%arg30 : memref<!tpu.dma_semaphore, #tpu.memory_space<semaphore_mem>>) src(%dma_wait3A_402 : memref<10112x128xf32, #tpu.memory_space<hbm>>) dst(%arg14 : memref<32x128xf32, #tpu.memory_space<vmem>>)
      %dma_wait3A_403 = arith.constant 0 : i32
      %dma_wait3A_404 = arith.constant 0 : i32
      %dma_wait3A_405 = tpu.memref_slice %arg4[%dma_wait3A_403, %dma_wait3A_404] : memref<10112x128xf32, #tpu.memory_space<hbm>> -> memref<10112x128xf32, #tpu.memory_space<hbm>>
      tpu.wait_indirect_dma semaphore(%arg30 : memref<!tpu.dma_semaphore, #tpu.memory_space<semaphore_mem>>) src(%dma_wait3A_405 : memref<10112x128xf32, #tpu.memory_space<hbm>>) dst(%arg15 : memref<32x128xf32, #tpu.memory_space<vmem>>)
      %dma_wait3A_406 = arith.constant 0 : i32
      %dma_wait3A_407 = arith.constant 0 : i32
      %dma_wait3A_408 = tpu.memref_slice %arg28[%dma_wait3A_406, %dma_wait3A_407] : memref<10112x128xf32, #tpu.memory_space<vmem_shared>> -> memref<10112x128xf32, #tpu.memory_space<vmem_shared>>
      tpu.wait_indirect_dma semaphore(%arg31 : memref<!tpu.dma_semaphore, #tpu.memory_space<semaphore_mem>>) src(%arg18 : memref<32x128xf32, #tpu.memory_space<vmem>>) dst(%dma_wait3A_408 : memref<10112x128xf32, #tpu.memory_space<vmem_shared>>)
      %scan3A_409 = arith.constant 0 : i32
      %scan3A_410 = arith.constant 0 : i32
      %scan3A_411 = arith.constant 32 : i32
      %scan3A_412 = arith.addi %scan3A_410, %scan3A_411 : i32
      %scan3A_413 = arith.constant 1 : i32
      scf.for %scan3A_537 = %scan3A_410 to %scan3A_412 step %scan3A_413  : i32 {
        %get3A_538 = arith.index_cast %scan3A_537 : i32 to index
        %get3A_539 = arith.constant 0 : index
        %get3A_540 = tpu.vector_load %arg13[%get3A_538, %get3A_539] {strides = array<i32>} : memref<32x128xf32, #tpu.memory_space<vmem>>, vector<1x16xf32>,
        %get3A_541 = vector.shape_cast %get3A_540 : vector<1x16xf32> to vector<16xf32>
        %get3A_542 = arith.index_cast %scan3A_537 : i32 to index
        %get3A_543 = arith.constant 0 : index
        %get3A_544 = tpu.vector_load %arg14[%get3A_542, %get3A_543] {strides = array<i32>} : memref<32x128xf32, #tpu.memory_space<vmem>>, vector<1x16xf32>,
        %get3A_545 = vector.shape_cast %get3A_544 : vector<1x16xf32> to vector<16xf32>
        %add3A_546 = arith.addf %get3A_541, %get3A_545 : vector<16xf32>
        %get3A_547 = arith.index_cast %scan3A_537 : i32 to index
        %get3A_548 = arith.constant 0 : index
        %get3A_549 = tpu.vector_load %arg16[%get3A_547, %get3A_548] {strides = array<i32>} : memref<32x128xf32, #tpu.memory_space<vmem>>, vector<1x16xf32>,
        %get3A_550 = vector.shape_cast %get3A_549 : vector<1x16xf32> to vector<16xf32>
        %add3A_551 = arith.addf %add3A_546, %get3A_550 : vector<16xf32>
        %neg3A = arith.constant 0.000000e+00 : f32
        %neg3A_552 = vector.broadcast %neg3A : f32 to vector<16xf32>
        %neg3A_553 = arith.subf %neg3A_552, %add3A_551 : vector<16xf32>
        %exp3A = math.exp %neg3A_553 : vector<16xf32>
        %add3A_554 = arith.constant 1.000000e+00 : f32
        %add3A_555 = vector.broadcast %add3A_554 : f32 to vector<16xf32>
        %add3A_556 = arith.addf %add3A_555, %exp3A : vector<16xf32>
        %div3A = arith.constant 1.000000e+00 : f32
        %div3A_557 = vector.broadcast %div3A : f32 to vector<16xf32>
        %div3A_558 = arith.divf %div3A_557, %add3A_556 : vector<16xf32>
        %get3A_559 = arith.index_cast %scan3A_537 : i32 to index
        %get3A_560 = arith.constant 0 : index
        %get3A_561 = tpu.vector_load %arg15[%get3A_559, %get3A_560] {strides = array<i32>} : memref<32x128xf32, #tpu.memory_space<vmem>>, vector<1x16xf32>,
        %get3A_562 = vector.shape_cast %get3A_561 : vector<1x16xf32> to vector<16xf32>
        %get3A_563 = arith.index_cast %scan3A_537 : i32 to index
        %get3A_564 = arith.constant 0 : index
        %get3A_565 = tpu.vector_load %arg17[%get3A_563, %get3A_564] {strides = array<i32>} : memref<32x128xf32, #tpu.memory_space<vmem>>, vector<1x16xf32>,
        %get3A_566 = vector.shape_cast %get3A_565 : vector<1x16xf32> to vector<16xf32>
        %add3A_567 = arith.addf %get3A_562, %get3A_566 : vector<16xf32>
        %mul3A_568 = arith.mulf %div3A_558, %add3A_567 : vector<16xf32>
        %swap3A_569 = arith.index_cast %scan3A_537 : i32 to index
        %swap3A_570 = arith.constant 0 : index
        %swap3A_571 = tpu.vector_load %arg18[%swap3A_569, %swap3A_570] {strides = array<i32>} : memref<32x128xf32, #tpu.memory_space<vmem>>, vector<1x16xf32>,
        %swap3A_572 = vector.shape_cast %swap3A_571 : vector<1x16xf32> to vector<16xf32>
        %swap3A_573 = vector.shape_cast %mul3A_568 : vector<16xf32> to vector<1x16xf32>
        tpu.vector_store %arg18[%swap3A_569, %swap3A_570], %swap3A_573 {strides = array<i32>} : memref<32x128xf32, #tpu.memory_space<vmem>>, vector<1x16xf32>,
        %get3A_574 = arith.index_cast %scan3A_537 : i32 to index
        %get3A_575 = arith.constant 16 : index
        %get3A_576 = tpu.vector_load %arg13[%get3A_574, %get3A_575] {strides = array<i32>} : memref<32x128xf32, #tpu.memory_space<vmem>>, vector<1x16xf32>,
        %get3A_577 = vector.shape_cast %get3A_576 : vector<1x16xf32> to vector<16xf32>
        %get3A_578 = arith.index_cast %scan3A_537 : i32 to index
        %get3A_579 = arith.constant 16 : index
        %get3A_580 = tpu.vector_load %arg14[%get3A_578, %get3A_579] {strides = array<i32>} : memref<32x128xf32, #tpu.memory_space<vmem>>, vector<1x16xf32>,
        %get3A_581 = vector.shape_cast %get3A_580 : vector<1x16xf32> to vector<16xf32>
        %add3A_582 = arith.addf %get3A_577, %get3A_581 : vector<16xf32>
        %get3A_583 = arith.index_cast %scan3A_537 : i32 to index
        %get3A_584 = arith.constant 16 : index
        %get3A_585 = tpu.vector_load %arg16[%get3A_583, %get3A_584] {strides = array<i32>} : memref<32x128xf32, #tpu.memory_space<vmem>>, vector<1x16xf32>,
        %get3A_586 = vector.shape_cast %get3A_585 : vector<1x16xf32> to vector<16xf32>
        %add3A_587 = arith.addf %add3A_582, %get3A_586 : vector<16xf32>
        %neg3A_588 = arith.constant 0.000000e+00 : f32
        %neg3A_589 = vector.broadcast %neg3A_588 : f32 to vector<16xf32>
        %neg3A_590 = arith.subf %neg3A_589, %add3A_587 : vector<16xf32>
        %exp3A_591 = math.exp %neg3A_590 : vector<16xf32>
        %add3A_592 = arith.constant 1.000000e+00 : f32
        %add3A_593 = vector.broadcast %add3A_592 : f32 to vector<16xf32>
        %add3A_594 = arith.addf %add3A_593, %exp3A_591 : vector<16xf32>
        %div3A_595 = arith.constant 1.000000e+00 : f32
        %div3A_596 = vector.broadcast %div3A_595 : f32 to vector<16xf32>
        %div3A_597 = arith.divf %div3A_596, %add3A_594 : vector<16xf32>
        %get3A_598 = arith.index_cast %scan3A_537 : i32 to index
        %get3A_599 = arith.constant 16 : index
        %get3A_600 = tpu.vector_load %arg15[%get3A_598, %get3A_599] {strides = array<i32>} : memref<32x128xf32, #tpu.memory_space<vmem>>, vector<1x16xf32>,
        %get3A_601 = vector.shape_cast %get3A_600 : vector<1x16xf32> to vector<16xf32>
        %get3A_602 = arith.index_cast %scan3A_537 : i32 to index
        %get3A_603 = arith.constant 16 : index
        %get3A_604 = tpu.vector_load %arg17[%get3A_602, %get3A_603] {strides = array<i32>} : memref<32x128xf32, #tpu.memory_space<vmem>>, vector<1x16xf32>,
        %get3A_605 = vector.shape_cast %get3A_604 : vector<1x16xf32> to vector<16xf32>
        %add3A_606 = arith.addf %get3A_601, %get3A_605 : vector<16xf32>
        %mul3A_607 = arith.mulf %div3A_597, %add3A_606 : vector<16xf32>
        %swap3A_608 = arith.index_cast %scan3A_537 : i32 to index
        %swap3A_609 = arith.constant 16 : index
        %swap3A_610 = tpu.vector_load %arg18[%swap3A_608, %swap3A_609] {strides = array<i32>} : memref<32x128xf32, #tpu.memory_space<vmem>>, vector<1x16xf32>,
        %swap3A_611 = vector.shape_cast %swap3A_610 : vector<1x16xf32> to vector<16xf32>
        %swap3A_612 = vector.shape_cast %mul3A_607 : vector<16xf32> to vector<1x16xf32>
        tpu.vector_store %arg18[%swap3A_608, %swap3A_609], %swap3A_612 {strides = array<i32>} : memref<32x128xf32, #tpu.memory_space<vmem>>, vector<1x16xf32>,
        %get3A_613 = arith.index_cast %scan3A_537 : i32 to index
        %get3A_614 = arith.constant 32 : index
        %get3A_615 = tpu.vector_load %arg13[%get3A_613, %get3A_614] {strides = array<i32>} : memref<32x128xf32, #tpu.memory_space<vmem>>, vector<1x16xf32>,
        %get3A_616 = vector.shape_cast %get3A_615 : vector<1x16xf32> to vector<16xf32>
        %get3A_617 = arith.index_cast %scan3A_537 : i32 to index
        %get3A_618 = arith.constant 32 : index
        %get3A_619 = tpu.vector_load %arg14[%get3A_617, %get3A_618] {strides = array<i32>} : memref<32x128xf32, #tpu.memory_space<vmem>>, vector<1x16xf32>,
        %get3A_620 = vector.shape_cast %get3A_619 : vector<1x16xf32> to vector<16xf32>
        %add3A_621 = arith.addf %get3A_616, %get3A_620 : vector<16xf32>
        %get3A_622 = arith.index_cast %scan3A_537 : i32 to index
        %get3A_623 = arith.constant 32 : index
        %get3A_624 = tpu.vector_load %arg16[%get3A_622, %get3A_623] {strides = array<i32>} : memref<32x128xf32, #tpu.memory_space<vmem>>, vector<1x16xf32>,
        %get3A_625 = vector.shape_cast %get3A_624 : vector<1x16xf32> to vector<16xf32>
        %add3A_626 = arith.addf %add3A_621, %get3A_625 : vector<16xf32>
        %neg3A_627 = arith.constant 0.000000e+00 : f32
        %neg3A_628 = vector.broadcast %neg3A_627 : f32 to vector<16xf32>
        %neg3A_629 = arith.subf %neg3A_628, %add3A_626 : vector<16xf32>
        %exp3A_630 = math.exp %neg3A_629 : vector<16xf32>
        %add3A_631 = arith.constant 1.000000e+00 : f32
        %add3A_632 = vector.broadcast %add3A_631 : f32 to vector<16xf32>
        %add3A_633 = arith.addf %add3A_632, %exp3A_630 : vector<16xf32>
        %div3A_634 = arith.constant 1.000000e+00 : f32
        %div3A_635 = vector.broadcast %div3A_634 : f32 to vector<16xf32>
        %div3A_636 = arith.divf %div3A_635, %add3A_633 : vector<16xf32>
        %get3A_637 = arith.index_cast %scan3A_537 : i32 to index
        %get3A_638 = arith.constant 32 : index
        %get3A_639 = tpu.vector_load %arg15[%get3A_637, %get3A_638] {strides = array<i32>} : memref<32x128xf32, #tpu.memory_space<vmem>>, vector<1x16xf32>,
        %get3A_640 = vector.shape_cast %get3A_639 : vector<1x16xf32> to vector<16xf32>
        %get3A_641 = arith.index_cast %scan3A_537 : i32 to index
        %get3A_642 = arith.constant 32 : index
        %get3A_643 = tpu.vector_load %arg17[%get3A_641, %get3A_642] {strides = array<i32>} : memref<32x128xf32, #tpu.memory_space<vmem>>, vector<1x16xf32>,
        %get3A_644 = vector.shape_cast %get3A_643 : vector<1x16xf32> to vector<16xf32>
        %add3A_645 = arith.addf %get3A_640, %get3A_644 : vector<16xf32>
        %mul3A_646 = arith.mulf %div3A_636, %add3A_645 : vector<16xf32>
        %swap3A_647 = arith.index_cast %scan3A_537 : i32 to index
        %swap3A_648 = arith.constant 32 : index
        %swap3A_649 = tpu.vector_load %arg18[%swap3A_647, %swap3A_648] {strides = array<i32>} : memref<32x128xf32, #tpu.memory_space<vmem>>, vector<1x16xf32>,
        %swap3A_650 = vector.shape_cast %swap3A_649 : vector<1x16xf32> to vector<16xf32>
        %swap3A_651 = vector.shape_cast %mul3A_646 : vector<16xf32> to vector<1x16xf32>
        tpu.vector_store %arg18[%swap3A_647, %swap3A_648], %swap3A_651 {strides = array<i32>} : memref<32x128xf32, #tpu.memory_space<vmem>>, vector<1x16xf32>,
        %get3A_652 = arith.index_cast %scan3A_537 : i32 to index
        %get3A_653 = arith.constant 48 : index
        %get3A_654 = tpu.vector_load %arg13[%get3A_652, %get3A_653] {strides = array<i32>} : memref<32x128xf32, #tpu.memory_space<vmem>>, vector<1x16xf32>,
        %get3A_655 = vector.shape_cast %get3A_654 : vector<1x16xf32> to vector<16xf32>
        %get3A_656 = arith.index_cast %scan3A_537 : i32 to index
        %get3A_657 = arith.constant 48 : index
        %get3A_658 = tpu.vector_load %arg14[%get3A_656, %get3A_657] {strides = array<i32>} : memref<32x128xf32, #tpu.memory_space<vmem>>, vector<1x16xf32>,
        %get3A_659 = vector.shape_cast %get3A_658 : vector<1x16xf32> to vector<16xf32>
        %add3A_660 = arith.addf %get3A_655, %get3A_659 : vector<16xf32>
        %get3A_661 = arith.index_cast %scan3A_537 : i32 to index
        %get3A_662 = arith.constant 48 : index
        %get3A_663 = tpu.vector_load %arg16[%get3A_661, %get3A_662] {strides = array<i32>} : memref<32x128xf32, #tpu.memory_space<vmem>>, vector<1x16xf32>,
        %get3A_664 = vector.shape_cast %get3A_663 : vector<1x16xf32> to vector<16xf32>
        %add3A_665 = arith.addf %add3A_660, %get3A_664 : vector<16xf32>
        %neg3A_666 = arith.constant 0.000000e+00 : f32
        %neg3A_667 = vector.broadcast %neg3A_666 : f32 to vector<16xf32>
        %neg3A_668 = arith.subf %neg3A_667, %add3A_665 : vector<16xf32>
        %exp3A_669 = math.exp %neg3A_668 : vector<16xf32>
        %add3A_670 = arith.constant 1.000000e+00 : f32
        %add3A_671 = vector.broadcast %add3A_670 : f32 to vector<16xf32>
        %add3A_672 = arith.addf %add3A_671, %exp3A_669 : vector<16xf32>
        %div3A_673 = arith.constant 1.000000e+00 : f32
        %div3A_674 = vector.broadcast %div3A_673 : f32 to vector<16xf32>
        %div3A_675 = arith.divf %div3A_674, %add3A_672 : vector<16xf32>
        %get3A_676 = arith.index_cast %scan3A_537 : i32 to index
        %get3A_677 = arith.constant 48 : index
        %get3A_678 = tpu.vector_load %arg15[%get3A_676, %get3A_677] {strides = array<i32>} : memref<32x128xf32, #tpu.memory_space<vmem>>, vector<1x16xf32>,
        %get3A_679 = vector.shape_cast %get3A_678 : vector<1x16xf32> to vector<16xf32>
        %get3A_680 = arith.index_cast %scan3A_537 : i32 to index
        %get3A_681 = arith.constant 48 : index
        %get3A_682 = tpu.vector_load %arg17[%get3A_680, %get3A_681] {strides = array<i32>} : memref<32x128xf32, #tpu.memory_space<vmem>>, vector<1x16xf32>,
        %get3A_683 = vector.shape_cast %get3A_682 : vector<1x16xf32> to vector<16xf32>
        %add3A_684 = arith.addf %get3A_679, %get3A_683 : vector<16xf32>
        %mul3A_685 = arith.mulf %div3A_675, %add3A_684 : vector<16xf32>
        %swap3A_686 = arith.index_cast %scan3A_537 : i32 to index
        %swap3A_687 = arith.constant 48 : index
        %swap3A_688 = tpu.vector_load %arg18[%swap3A_686, %swap3A_687] {strides = array<i32>} : memref<32x128xf32, #tpu.memory_space<vmem>>, vector<1x16xf32>,
        %swap3A_689 = vector.shape_cast %swap3A_688 : vector<1x16xf32> to vector<16xf32>
        %swap3A_690 = vector.shape_cast %mul3A_685 : vector<16xf32> to vector<1x16xf32>
        tpu.vector_store %arg18[%swap3A_686, %swap3A_687], %swap3A_690 {strides = array<i32>} : memref<32x128xf32, #tpu.memory_space<vmem>>, vector<1x16xf32>,
        %get3A_691 = arith.index_cast %scan3A_537 : i32 to index
        %get3A_692 = arith.constant 64 : index
        %get3A_693 = tpu.vector_load %arg13[%get3A_691, %get3A_692] {strides = array<i32>} : memref<32x128xf32, #tpu.memory_space<vmem>>, vector<1x16xf32>,
        %get3A_694 = vector.shape_cast %get3A_693 : vector<1x16xf32> to vector<16xf32>
        %get3A_695 = arith.index_cast %scan3A_537 : i32 to index
        %get3A_696 = arith.constant 64 : index
        %get3A_697 = tpu.vector_load %arg14[%get3A_695, %get3A_696] {strides = array<i32>} : memref<32x128xf32, #tpu.memory_space<vmem>>, vector<1x16xf32>,
        %get3A_698 = vector.shape_cast %get3A_697 : vector<1x16xf32> to vector<16xf32>
        %add3A_699 = arith.addf %get3A_694, %get3A_698 : vector<16xf32>
        %get3A_700 = arith.index_cast %scan3A_537 : i32 to index
        %get3A_701 = arith.constant 64 : index
        %get3A_702 = tpu.vector_load %arg16[%get3A_700, %get3A_701] {strides = array<i32>} : memref<32x128xf32, #tpu.memory_space<vmem>>, vector<1x16xf32>,
        %get3A_703 = vector.shape_cast %get3A_702 : vector<1x16xf32> to vector<16xf32>
        %add3A_704 = arith.addf %add3A_699, %get3A_703 : vector<16xf32>
        %neg3A_705 = arith.constant 0.000000e+00 : f32
        %neg3A_706 = vector.broadcast %neg3A_705 : f32 to vector<16xf32>
        %neg3A_707 = arith.subf %neg3A_706, %add3A_704 : vector<16xf32>
        %exp3A_708 = math.exp %neg3A_707 : vector<16xf32>
        %add3A_709 = arith.constant 1.000000e+00 : f32
        %add3A_710 = vector.broadcast %add3A_709 : f32 to vector<16xf32>
        %add3A_711 = arith.addf %add3A_710, %exp3A_708 : vector<16xf32>
        %div3A_712 = arith.constant 1.000000e+00 : f32
        %div3A_713 = vector.broadcast %div3A_712 : f32 to vector<16xf32>
        %div3A_714 = arith.divf %div3A_713, %add3A_711 : vector<16xf32>
        %get3A_715 = arith.index_cast %scan3A_537 : i32 to index
        %get3A_716 = arith.constant 64 : index
        %get3A_717 = tpu.vector_load %arg15[%get3A_715, %get3A_716] {strides = array<i32>} : memref<32x128xf32, #tpu.memory_space<vmem>>, vector<1x16xf32>,
        %get3A_718 = vector.shape_cast %get3A_717 : vector<1x16xf32> to vector<16xf32>
        %get3A_719 = arith.index_cast %scan3A_537 : i32 to index
        %get3A_720 = arith.constant 64 : index
        %get3A_721 = tpu.vector_load %arg17[%get3A_719, %get3A_720] {strides = array<i32>} : memref<32x128xf32, #tpu.memory_space<vmem>>, vector<1x16xf32>,
        %get3A_722 = vector.shape_cast %get3A_721 : vector<1x16xf32> to vector<16xf32>
        %add3A_723 = arith.addf %get3A_718, %get3A_722 : vector<16xf32>
        %mul3A_724 = arith.mulf %div3A_714, %add3A_723 : vector<16xf32>
        %swap3A_725 = arith.index_cast %scan3A_537 : i32 to index
        %swap3A_726 = arith.constant 64 : index
        %swap3A_727 = tpu.vector_load %arg18[%swap3A_725, %swap3A_726] {strides = array<i32>} : memref<32x128xf32, #tpu.memory_space<vmem>>, vector<1x16xf32>,
        %swap3A_728 = vector.shape_cast %swap3A_727 : vector<1x16xf32> to vector<16xf32>
        %swap3A_729 = vector.shape_cast %mul3A_724 : vector<16xf32> to vector<1x16xf32>
        tpu.vector_store %arg18[%swap3A_725, %swap3A_726], %swap3A_729 {strides = array<i32>} : memref<32x128xf32, #tpu.memory_space<vmem>>, vector<1x16xf32>,
        %get3A_730 = arith.index_cast %scan3A_537 : i32 to index
        %get3A_731 = arith.constant 80 : index
        %get3A_732 = tpu.vector_load %arg13[%get3A_730, %get3A_731] {strides = array<i32>} : memref<32x128xf32, #tpu.memory_space<vmem>>, vector<1x16xf32>,
        %get3A_733 = vector.shape_cast %get3A_732 : vector<1x16xf32> to vector<16xf32>
        %get3A_734 = arith.index_cast %scan3A_537 : i32 to index
        %get3A_735 = arith.constant 80 : index
        %get3A_736 = tpu.vector_load %arg14[%get3A_734, %get3A_735] {strides = array<i32>} : memref<32x128xf32, #tpu.memory_space<vmem>>, vector<1x16xf32>,
        %get3A_737 = vector.shape_cast %get3A_736 : vector<1x16xf32> to vector<16xf32>
        %add3A_738 = arith.addf %get3A_733, %get3A_737 : vector<16xf32>
        %get3A_739 = arith.index_cast %scan3A_537 : i32 to index
        %get3A_740 = arith.constant 80 : index
        %get3A_741 = tpu.vector_load %arg16[%get3A_739, %get3A_740] {strides = array<i32>} : memref<32x128xf32, #tpu.memory_space<vmem>>, vector<1x16xf32>,
        %get3A_742 = vector.shape_cast %get3A_741 : vector<1x16xf32> to vector<16xf32>
        %add3A_743 = arith.addf %add3A_738, %get3A_742 : vector<16xf32>
        %neg3A_744 = arith.constant 0.000000e+00 : f32
        %neg3A_745 = vector.broadcast %neg3A_744 : f32 to vector<16xf32>
        %neg3A_746 = arith.subf %neg3A_745, %add3A_743 : vector<16xf32>
        %exp3A_747 = math.exp %neg3A_746 : vector<16xf32>
        %add3A_748 = arith.constant 1.000000e+00 : f32
        %add3A_749 = vector.broadcast %add3A_748 : f32 to vector<16xf32>
        %add3A_750 = arith.addf %add3A_749, %exp3A_747 : vector<16xf32>
        %div3A_751 = arith.constant 1.000000e+00 : f32
        %div3A_752 = vector.broadcast %div3A_751 : f32 to vector<16xf32>
        %div3A_753 = arith.divf %div3A_752, %add3A_750 : vector<16xf32>
        %get3A_754 = arith.index_cast %scan3A_537 : i32 to index
        %get3A_755 = arith.constant 80 : index
        %get3A_756 = tpu.vector_load %arg15[%get3A_754, %get3A_755] {strides = array<i32>} : memref<32x128xf32, #tpu.memory_space<vmem>>, vector<1x16xf32>,
        %get3A_757 = vector.shape_cast %get3A_756 : vector<1x16xf32> to vector<16xf32>
        %get3A_758 = arith.index_cast %scan3A_537 : i32 to index
        %get3A_759 = arith.constant 80 : index
        %get3A_760 = tpu.vector_load %arg17[%get3A_758, %get3A_759] {strides = array<i32>} : memref<32x128xf32, #tpu.memory_space<vmem>>, vector<1x16xf32>,
        %get3A_761 = vector.shape_cast %get3A_760 : vector<1x16xf32> to vector<16xf32>
        %add3A_762 = arith.addf %get3A_757, %get3A_761 : vector<16xf32>
        %mul3A_763 = arith.mulf %div3A_753, %add3A_762 : vector<16xf32>
        %swap3A_764 = arith.index_cast %scan3A_537 : i32 to index
        %swap3A_765 = arith.constant 80 : index
        %swap3A_766 = tpu.vector_load %arg18[%swap3A_764, %swap3A_765] {strides = array<i32>} : memref<32x128xf32, #tpu.memory_space<vmem>>, vector<1x16xf32>,
        %swap3A_767 = vector.shape_cast %swap3A_766 : vector<1x16xf32> to vector<16xf32>
        %swap3A_768 = vector.shape_cast %mul3A_763 : vector<16xf32> to vector<1x16xf32>
        tpu.vector_store %arg18[%swap3A_764, %swap3A_765], %swap3A_768 {strides = array<i32>} : memref<32x128xf32, #tpu.memory_space<vmem>>, vector<1x16xf32>,
        %get3A_769 = arith.index_cast %scan3A_537 : i32 to index
        %get3A_770 = arith.constant 96 : index
        %get3A_771 = tpu.vector_load %arg13[%get3A_769, %get3A_770] {strides = array<i32>} : memref<32x128xf32, #tpu.memory_space<vmem>>, vector<1x16xf32>,
        %get3A_772 = vector.shape_cast %get3A_771 : vector<1x16xf32> to vector<16xf32>
        %get3A_773 = arith.index_cast %scan3A_537 : i32 to index
        %get3A_774 = arith.constant 96 : index
        %get3A_775 = tpu.vector_load %arg14[%get3A_773, %get3A_774] {strides = array<i32>} : memref<32x128xf32, #tpu.memory_space<vmem>>, vector<1x16xf32>,
        %get3A_776 = vector.shape_cast %get3A_775 : vector<1x16xf32> to vector<16xf32>
        %add3A_777 = arith.addf %get3A_772, %get3A_776 : vector<16xf32>
        %get3A_778 = arith.index_cast %scan3A_537 : i32 to index
        %get3A_779 = arith.constant 96 : index
        %get3A_780 = tpu.vector_load %arg16[%get3A_778, %get3A_779] {strides = array<i32>} : memref<32x128xf32, #tpu.memory_space<vmem>>, vector<1x16xf32>,
        %get3A_781 = vector.shape_cast %get3A_780 : vector<1x16xf32> to vector<16xf32>
        %add3A_782 = arith.addf %add3A_777, %get3A_781 : vector<16xf32>
        %neg3A_783 = arith.constant 0.000000e+00 : f32
        %neg3A_784 = vector.broadcast %neg3A_783 : f32 to vector<16xf32>
        %neg3A_785 = arith.subf %neg3A_784, %add3A_782 : vector<16xf32>
        %exp3A_786 = math.exp %neg3A_785 : vector<16xf32>
        %add3A_787 = arith.constant 1.000000e+00 : f32
        %add3A_788 = vector.broadcast %add3A_787 : f32 to vector<16xf32>
        %add3A_789 = arith.addf %add3A_788, %exp3A_786 : vector<16xf32>
        %div3A_790 = arith.constant 1.000000e+00 : f32
        %div3A_791 = vector.broadcast %div3A_790 : f32 to vector<16xf32>
        %div3A_792 = arith.divf %div3A_791, %add3A_789 : vector<16xf32>
        %get3A_793 = arith.index_cast %scan3A_537 : i32 to index
        %get3A_794 = arith.constant 96 : index
        %get3A_795 = tpu.vector_load %arg15[%get3A_793, %get3A_794] {strides = array<i32>} : memref<32x128xf32, #tpu.memory_space<vmem>>, vector<1x16xf32>,
        %get3A_796 = vector.shape_cast %get3A_795 : vector<1x16xf32> to vector<16xf32>
        %get3A_797 = arith.index_cast %scan3A_537 : i32 to index
        %get3A_798 = arith.constant 96 : index
        %get3A_799 = tpu.vector_load %arg17[%get3A_797, %get3A_798] {strides = array<i32>} : memref<32x128xf32, #tpu.memory_space<vmem>>, vector<1x16xf32>,
        %get3A_800 = vector.shape_cast %get3A_799 : vector<1x16xf32> to vector<16xf32>
        %add3A_801 = arith.addf %get3A_796, %get3A_800 : vector<16xf32>
        %mul3A_802 = arith.mulf %div3A_792, %add3A_801 : vector<16xf32>
        %swap3A_803 = arith.index_cast %scan3A_537 : i32 to index
        %swap3A_804 = arith.constant 96 : index
        %swap3A_805 = tpu.vector_load %arg18[%swap3A_803, %swap3A_804] {strides = array<i32>} : memref<32x128xf32, #tpu.memory_space<vmem>>, vector<1x16xf32>,
        %swap3A_806 = vector.shape_cast %swap3A_805 : vector<1x16xf32> to vector<16xf32>
        %swap3A_807 = vector.shape_cast %mul3A_802 : vector<16xf32> to vector<1x16xf32>
        tpu.vector_store %arg18[%swap3A_803, %swap3A_804], %swap3A_807 {strides = array<i32>} : memref<32x128xf32, #tpu.memory_space<vmem>>, vector<1x16xf32>,
        %get3A_808 = arith.index_cast %scan3A_537 : i32 to index
        %get3A_809 = arith.constant 112 : index
        %get3A_810 = tpu.vector_load %arg13[%get3A_808, %get3A_809] {strides = array<i32>} : memref<32x128xf32, #tpu.memory_space<vmem>>, vector<1x16xf32>,
        %get3A_811 = vector.shape_cast %get3A_810 : vector<1x16xf32> to vector<16xf32>
        %get3A_812 = arith.index_cast %scan3A_537 : i32 to index
        %get3A_813 = arith.constant 112 : index
        %get3A_814 = tpu.vector_load %arg14[%get3A_812, %get3A_813] {strides = array<i32>} : memref<32x128xf32, #tpu.memory_space<vmem>>, vector<1x16xf32>,
        %get3A_815 = vector.shape_cast %get3A_814 : vector<1x16xf32> to vector<16xf32>
        %add3A_816 = arith.addf %get3A_811, %get3A_815 : vector<16xf32>
        %get3A_817 = arith.index_cast %scan3A_537 : i32 to index
        %get3A_818 = arith.constant 112 : index
        %get3A_819 = tpu.vector_load %arg16[%get3A_817, %get3A_818] {strides = array<i32>} : memref<32x128xf32, #tpu.memory_space<vmem>>, vector<1x16xf32>,
        %get3A_820 = vector.shape_cast %get3A_819 : vector<1x16xf32> to vector<16xf32>
        %add3A_821 = arith.addf %add3A_816, %get3A_820 : vector<16xf32>
        %neg3A_822 = arith.constant 0.000000e+00 : f32
        %neg3A_823 = vector.broadcast %neg3A_822 : f32 to vector<16xf32>
        %neg3A_824 = arith.subf %neg3A_823, %add3A_821 : vector<16xf32>
        %exp3A_825 = math.exp %neg3A_824 : vector<16xf32>
        %add3A_826 = arith.constant 1.000000e+00 : f32
        %add3A_827 = vector.broadcast %add3A_826 : f32 to vector<16xf32>
        %add3A_828 = arith.addf %add3A_827, %exp3A_825 : vector<16xf32>
        %div3A_829 = arith.constant 1.000000e+00 : f32
        %div3A_830 = vector.broadcast %div3A_829 : f32 to vector<16xf32>
        %div3A_831 = arith.divf %div3A_830, %add3A_828 : vector<16xf32>
        %get3A_832 = arith.index_cast %scan3A_537 : i32 to index
        %get3A_833 = arith.constant 112 : index
        %get3A_834 = tpu.vector_load %arg15[%get3A_832, %get3A_833] {strides = array<i32>} : memref<32x128xf32, #tpu.memory_space<vmem>>, vector<1x16xf32>,
        %get3A_835 = vector.shape_cast %get3A_834 : vector<1x16xf32> to vector<16xf32>
        %get3A_836 = arith.index_cast %scan3A_537 : i32 to index
        %get3A_837 = arith.constant 112 : index
        %get3A_838 = tpu.vector_load %arg17[%get3A_836, %get3A_837] {strides = array<i32>} : memref<32x128xf32, #tpu.memory_space<vmem>>, vector<1x16xf32>,
        %get3A_839 = vector.shape_cast %get3A_838 : vector<1x16xf32> to vector<16xf32>
        %add3A_840 = arith.addf %get3A_835, %get3A_839 : vector<16xf32>
        %mul3A_841 = arith.mulf %div3A_831, %add3A_840 : vector<16xf32>
        %swap3A_842 = arith.index_cast %scan3A_537 : i32 to index
        %swap3A_843 = arith.constant 112 : index
        %swap3A_844 = tpu.vector_load %arg18[%swap3A_842, %swap3A_843] {strides = array<i32>} : memref<32x128xf32, #tpu.memory_space<vmem>>, vector<1x16xf32>,
        %swap3A_845 = vector.shape_cast %swap3A_844 : vector<1x16xf32> to vector<16xf32>
        %swap3A_846 = vector.shape_cast %mul3A_841 : vector<16xf32> to vector<1x16xf32>
        tpu.vector_store %arg18[%swap3A_842, %swap3A_843], %swap3A_846 {strides = array<i32>} : memref<32x128xf32, #tpu.memory_space<vmem>>, vector<1x16xf32>,
      }
      %scan3A_414 = arith.constant 32 : i32
      %get3A_415 = arith.constant 0 : index
      %get3A_416 = tpu.vector_load %arg10[%get3A_415] {strides = array<i32>} : memref<32xi32, #tpu.memory_space<vmem>>, vector<16xi32>,
      %get3A_417 = vector.shape_cast %get3A_416 : vector<16xi32> to vector<16xi32>
      %swap3A_418 = arith.constant 0 : index
      %swap3A_419 = tpu.vector_load %arg12[%swap3A_418] {strides = array<i32>} : memref<32xi32, #tpu.memory_space<vmem>>, vector<16xi32>,
      %swap3A_420 = vector.shape_cast %swap3A_419 : vector<16xi32> to vector<16xi32>
      %swap3A_421 = vector.shape_cast %get3A_417 : vector<16xi32> to vector<16xi32>
      tpu.vector_store %arg12[%swap3A_418], %swap3A_421 {strides = array<i32>} : memref<32xi32, #tpu.memory_space<vmem>>, vector<16xi32>,
      %get3A_422 = arith.constant 16 : index
      %get3A_423 = tpu.vector_load %arg10[%get3A_422] {strides = array<i32>} : memref<32xi32, #tpu.memory_space<vmem>>, vector<16xi32>,
      %get3A_424 = vector.shape_cast %get3A_423 : vector<16xi32> to vector<16xi32>
      %swap3A_425 = arith.constant 16 : index
      %swap3A_426 = tpu.vector_load %arg12[%swap3A_425] {strides = array<i32>} : memref<32xi32, #tpu.memory_space<vmem>>, vector<16xi32>,
      %swap3A_427 = vector.shape_cast %swap3A_426 : vector<16xi32> to vector<16xi32>
      %swap3A_428 = vector.shape_cast %get3A_424 : vector<16xi32> to vector<16xi32>
      tpu.vector_store %arg12[%swap3A_425], %swap3A_428 {strides = array<i32>} : memref<32xi32, #tpu.memory_space<vmem>>, vector<16xi32>,
      %dma_start3A_429 = arith.constant 0 : i32
      %dma_start3A_430 = arith.constant 0 : i32
      %dma_start3A_431 = tpu.memref_slice %arg28[%dma_start3A_429, %dma_start3A_430] : memref<10112x128xf32, #tpu.memory_space<vmem_shared>> -> memref<10112x128xf32, #tpu.memory_space<vmem_shared>>
      tpu.enqueue_indirect_dma source(%arg18 : memref<32x128xf32, #tpu.memory_space<vmem>>) target(%dma_start3A_431 : memref<10112x128xf32, #tpu.memory_space<vmem_shared>>) offsets(%arg12 : memref<32xi32, #tpu.memory_space<vmem>>) semaphore(%arg31 : memref<!tpu.dma_semaphore, #tpu.memory_space<semaphore_mem>>) {add = true}
      %add3A_432 = arith.constant 2 : i32
      %add3A_433 = arith.addi %add3A_352, %add3A_432 : i32
      %rem3A_434 = arith.constant 314 : i32
      %rem3A_435 = arith.remsi %add3A_433, %rem3A_434 : i32
      %mul3A_436 = arith.constant 32 : i32
      %mul3A_437 = arith.muli %rem3A_435, %mul3A_436 : i32
      %add3A_438 = arith.addi %mul3A_2, %mul3A_437 : i32
      %dma_start3A_439 = tpu.memref_slice %arg8[%add3A_438] : memref<321536xi32, #tpu.memory_space<hbm>> -> memref<32xi32, #tpu.memory_space<hbm>>
      %dma_start3A_440 = tpu.memref_slice %arg8[%add3A_438] : memref<321536xi32, #tpu.memory_space<hbm>> -> memref<32xi32, #tpu.memory_space<hbm>>
      tpu.enqueue_dma source(%dma_start3A_440 : memref<32xi32, #tpu.memory_space<hbm>>) target(%arg10 : memref<32xi32, #tpu.memory_space<vmem>>) target_semaphore(%arg29 : memref<!tpu.dma_semaphore, #tpu.memory_space<semaphore_mem>>)
      %dma_start3A_441 = tpu.memref_slice %arg7[%add3A_438] : memref<321536xi32, #tpu.memory_space<hbm>> -> memref<32xi32, #tpu.memory_space<hbm>>
      %dma_start3A_442 = tpu.memref_slice %arg7[%add3A_438] : memref<321536xi32, #tpu.memory_space<hbm>> -> memref<32xi32, #tpu.memory_space<hbm>>
      tpu.enqueue_dma source(%dma_start3A_442 : memref<32xi32, #tpu.memory_space<hbm>>) target(%arg11 : memref<32xi32, #tpu.memory_space<vmem>>) target_semaphore(%arg29 : memref<!tpu.dma_semaphore, #tpu.memory_space<semaphore_mem>>)
      %mul3A_443 = arith.constant 2 : i32
      %mul3A_444 = arith.muli %mul3A_443, %scan3A_348 : i32
      %add3A_445 = arith.constant 3 : i32
      %add3A_446 = arith.addi %mul3A_444, %add3A_445 : i32
      %dma_wait3A_447 = arith.constant 0 : i32
      %dma_wait3A_448 = tpu.memref_slice %arg8[%dma_wait3A_447] : memref<321536xi32, #tpu.memory_space<hbm>> -> memref<32xi32, #tpu.memory_space<hbm>>
      %dma_wait3A_449 = arith.constant 0 : i32
      %dma_wait3A_450 = tpu.memref_slice %arg8[%dma_wait3A_449] : memref<321536xi32, #tpu.memory_space<hbm>> -> memref<32xi32, #tpu.memory_space<hbm>>
      tpu.wait_dma2 semaphore(%arg29 : memref<!tpu.dma_semaphore, #tpu.memory_space<semaphore_mem>>) src(%dma_wait3A_450 : memref<32xi32, #tpu.memory_space<hbm>>) dst(%arg10 : memref<32xi32, #tpu.memory_space<vmem>>)
      %dma_wait3A_451 = arith.constant 0 : i32
      %dma_wait3A_452 = tpu.memref_slice %arg7[%dma_wait3A_451] : memref<321536xi32, #tpu.memory_space<hbm>> -> memref<32xi32, #tpu.memory_space<hbm>>
      %dma_wait3A_453 = arith.constant 0 : i32
      %dma_wait3A_454 = tpu.memref_slice %arg7[%dma_wait3A_453] : memref<321536xi32, #tpu.memory_space<hbm>> -> memref<32xi32, #tpu.memory_space<hbm>>
      tpu.wait_dma2 semaphore(%arg29 : memref<!tpu.dma_semaphore, #tpu.memory_space<semaphore_mem>>) src(%dma_wait3A_454 : memref<32xi32, #tpu.memory_space<hbm>>) dst(%arg11 : memref<32xi32, #tpu.memory_space<vmem>>)
      %add3A_455 = arith.constant 1 : i32
      %add3A_456 = arith.addi %add3A_446, %add3A_455 : i32
      %rem3A_457 = arith.constant 314 : i32
      %rem3A_458 = arith.remsi %add3A_456, %rem3A_457 : i32
      %mul3A_459 = arith.constant 32 : i32
      %mul3A_460 = arith.muli %rem3A_458, %mul3A_459 : i32
      %add3A_461 = arith.addi %mul3A_2, %mul3A_460 : i32
      %dma_start3A_462 = arith.constant 0 : i32
      %dma_start3A_463 = tpu.memref_slice %arg5[%add3A_461, %dma_start3A_462] : memref<321536x128xf32, #tpu.memory_space<hbm>> -> memref<32x128xf32, #tpu.memory_space<hbm>>
      %dma_start3A_464 = arith.constant 0 : i32
      %dma_start3A_465 = tpu.memref_slice %arg5[%add3A_461, %dma_start3A_464] : memref<321536x128xf32, #tpu.memory_space<hbm>> -> memref<32x128xf32, #tpu.memory_space<hbm>>
      tpu.enqueue_dma source(%dma_start3A_465 : memref<32x128xf32, #tpu.memory_space<hbm>>) target(%arg16 : memref<32x128xf32, #tpu.memory_space<vmem>>) target_semaphore(%arg30 : memref<!tpu.dma_semaphore, #tpu.memory_space<semaphore_mem>>)
      %dma_start3A_466 = arith.constant 0 : i32
      %dma_start3A_467 = tpu.memref_slice %arg6[%add3A_461, %dma_start3A_466] : memref<321536x128xf32, #tpu.memory_space<hbm>> -> memref<32x128xf32, #tpu.memory_space<hbm>>
      %dma_start3A_468 = arith.constant 0 : i32
      %dma_start3A_469 = tpu.memref_slice %arg6[%add3A_461, %dma_start3A_468] : memref<321536x128xf32, #tpu.memory_space<hbm>> -> memref<32x128xf32, #tpu.memory_space<hbm>>
      tpu.enqueue_dma source(%dma_start3A_469 : memref<32x128xf32, #tpu.memory_space<hbm>>) target(%arg17 : memref<32x128xf32, #tpu.memory_space<vmem>>) target_semaphore(%arg30 : memref<!tpu.dma_semaphore, #tpu.memory_space<semaphore_mem>>)
      %dma_start3A_470 = arith.constant 0 : i32
      %dma_start3A_471 = arith.constant 0 : i32
      %dma_start3A_472 = tpu.memref_slice %arg2[%dma_start3A_470, %dma_start3A_471] : memref<10112x128xf32, #tpu.memory_space<hbm>> -> memref<10112x128xf32, #tpu.memory_space<hbm>>
      tpu.enqueue_indirect_dma source(%dma_start3A_472 : memref<10112x128xf32, #tpu.memory_space<hbm>>) target(%arg13 : memref<32x128xf32, #tpu.memory_space<vmem>>) offsets(%arg10 : memref<32xi32, #tpu.memory_space<vmem>>) semaphore(%arg30 : memref<!tpu.dma_semaphore, #tpu.memory_space<semaphore_mem>>)
      %dma_start3A_473 = arith.constant 0 : i32
      %dma_start3A_474 = arith.constant 0 : i32
      %dma_start3A_475 = tpu.memref_slice %arg3[%dma_start3A_473, %dma_start3A_474] : memref<10112x128xf32, #tpu.memory_space<hbm>> -> memref<10112x128xf32, #tpu.memory_space<hbm>>
      tpu.enqueue_indirect_dma source(%dma_start3A_475 : memref<10112x128xf32, #tpu.memory_space<hbm>>) target(%arg14 : memref<32x128xf32, #tpu.memory_space<vmem>>) offsets(%arg11 : memref<32xi32, #tpu.memory_space<vmem>>) semaphore(%arg30 : memref<!tpu.dma_semaphore, #tpu.memory_space<semaphore_mem>>)
      %dma_start3A_476 = arith.constant 0 : i32
      %dma_start3A_477 = arith.constant 0 : i32
      %dma_start3A_478 = tpu.memref_slice %arg4[%dma_start3A_476, %dma_start3A_477] : memref<10112x128xf32, #tpu.memory_space<hbm>> -> memref<10112x128xf32, #tpu.memory_space<hbm>>
      tpu.enqueue_indirect_dma source(%dma_start3A_478 : memref<10112x128xf32, #tpu.memory_space<hbm>>) target(%arg15 : memref<32x128xf32, #tpu.memory_space<vmem>>) offsets(%arg11 : memref<32xi32, #tpu.memory_space<vmem>>) semaphore(%arg30 : memref<!tpu.dma_semaphore, #tpu.memory_space<semaphore_mem>>)
      %dma_wait3A_479 = arith.constant 0 : i32
      %dma_wait3A_480 = arith.constant 0 : i32
      %dma_wait3A_481 = tpu.memref_slice %arg5[%dma_wait3A_479, %dma_wait3A_480] : memref<321536x128xf32, #tpu.memory_space<hbm>> -> memref<32x128xf32, #tpu.memory_space<hbm>>
      %dma_wait3A_482 = arith.constant 0 : i32
      %dma_wait3A_483 = arith.constant 0 : i32
      %dma_wait3A_484 = tpu.memref_slice %arg5[%dma_wait3A_482, %dma_wait3A_483] : memref<321536x128xf32, #tpu.memory_space<hbm>> -> memref<32x128xf32, #tpu.memory_space<hbm>>
      tpu.wait_dma2 semaphore(%arg33 : memref<!tpu.dma_semaphore, #tpu.memory_space<semaphore_mem>>) src(%dma_wait3A_484 : memref<32x128xf32, #tpu.memory_space<hbm>>) dst(%arg25 : memref<32x128xf32, #tpu.memory_space<vmem>>)
      %dma_wait3A_485 = arith.constant 0 : i32
      %dma_wait3A_486 = arith.constant 0 : i32
      %dma_wait3A_487 = tpu.memref_slice %arg6[%dma_wait3A_485, %dma_wait3A_486] : memref<321536x128xf32, #tpu.memory_space<hbm>> -> memref<32x128xf32, #tpu.memory_space<hbm>>
      %dma_wait3A_488 = arith.constant 0 : i32
      %dma_wait3A_489 = arith.constant 0 : i32
      %dma_wait3A_490 = tpu.memref_slice %arg6[%dma_wait3A_488, %dma_wait3A_489] : memref<321536x128xf32, #tpu.memory_space<hbm>> -> memref<32x128xf32, #tpu.memory_space<hbm>>
      tpu.wait_dma2 semaphore(%arg33 : memref<!tpu.dma_semaphore, #tpu.memory_space<semaphore_mem>>) src(%dma_wait3A_490 : memref<32x128xf32, #tpu.memory_space<hbm>>) dst(%arg26 : memref<32x128xf32, #tpu.memory_space<vmem>>)
      %dma_wait3A_491 = arith.constant 0 : i32
      %dma_wait3A_492 = arith.constant 0 : i32
      %dma_wait3A_493 = tpu.memref_slice %arg2[%dma_wait3A_491, %dma_wait3A_492] : memref<10112x128xf32, #tpu.memory_space<hbm>> -> memref<10112x128xf32, #tpu.memory_space<hbm>>
      tpu.wait_indirect_dma semaphore(%arg33 : memref<!tpu.dma_semaphore, #tpu.memory_space<semaphore_mem>>) src(%dma_wait3A_493 : memref<10112x128xf32, #tpu.memory_space<hbm>>) dst(%arg22 : memref<32x128xf32, #tpu.memory_space<vmem>>)
      %dma_wait3A_494 = arith.constant 0 : i32
      %dma_wait3A_495 = arith.constant 0 : i32
      %dma_wait3A_496 = tpu.memref_slice %arg3[%dma_wait3A_494, %dma_wait3A_495] : memref<10112x128xf32, #tpu.memory_space<hbm>> -> memref<10112x128xf32, #tpu.memory_space<hbm>>
      tpu.wait_indirect_dma semaphore(%arg33 : memref<!tpu.dma_semaphore, #tpu.memory_space<semaphore_mem>>) src(%dma_wait3A_496 : memref<10112x128xf32, #tpu.memory_space<hbm>>) dst(%arg23 : memref<32x128xf32, #tpu.memory_space<vmem>>)
      %dma_wait3A_497 = arith.constant 0 : i32
      %dma_wait3A_498 = arith.constant 0 : i32
      %dma_wait3A_499 = tpu.memref_slice %arg4[%dma_wait3A_497, %dma_wait3A_498] : memref<10112x128xf32, #tpu.memory_space<hbm>> -> memref<10112x128xf32, #tpu.memory_space<hbm>>
      tpu.wait_indirect_dma semaphore(%arg33 : memref<!tpu.dma_semaphore, #tpu.memory_space<semaphore_mem>>) src(%dma_wait3A_499 : memref<10112x128xf32, #tpu.memory_space<hbm>>) dst(%arg24 : memref<32x128xf32, #tpu.memory_space<vmem>>)
      %dma_wait3A_500 = arith.constant 0 : i32
      %dma_wait3A_501 = arith.constant 0 : i32
      %dma_wait3A_502 = tpu.memref_slice %arg28[%dma_wait3A_500, %dma_wait3A_501] : memref<10112x128xf32, #tpu.memory_space<vmem_shared>> -> memref<10112x128xf32, #tpu.memory_space<vmem_shared>>
      tpu.wait_indirect_dma semaphore(%arg34 : memref<!tpu.dma_semaphore, #tpu.memory_space<semaphore_mem>>) src(%arg27 : memref<32x128xf32, #tpu.memory_space<vmem>>) dst(%dma_wait3A_502 : memref<10112x128xf32, #tpu.memory_space<vmem_shared>>)
      %scan3A_503 = arith.constant 0 : i32
      %scan3A_504 = arith.constant 0 : i32
      %scan3A_505 = arith.constant 32 : i32
      %scan3A_506 = arith.addi %scan3A_504, %scan3A_505 : i32
      %scan3A_507 = arith.constant 1 : i32
      scf.for %scan3A_537 = %scan3A_504 to %scan3A_506 step %scan3A_507  : i32 {
        %get3A_538 = arith.index_cast %scan3A_537 : i32 to index
        %get3A_539 = arith.constant 0 : index
        %get3A_540 = tpu.vector_load %arg22[%get3A_538, %get3A_539] {strides = array<i32>} : memref<32x128xf32, #tpu.memory_space<vmem>>, vector<1x16xf32>,
        %get3A_541 = vector.shape_cast %get3A_540 : vector<1x16xf32> to vector<16xf32>
        %get3A_542 = arith.index_cast %scan3A_537 : i32 to index
        %get3A_543 = arith.constant 0 : index
        %get3A_544 = tpu.vector_load %arg23[%get3A_542, %get3A_543] {strides = array<i32>} : memref<32x128xf32, #tpu.memory_space<vmem>>, vector<1x16xf32>,
        %get3A_545 = vector.shape_cast %get3A_544 : vector<1x16xf32> to vector<16xf32>
        %add3A_546 = arith.addf %get3A_541, %get3A_545 : vector<16xf32>
        %get3A_547 = arith.index_cast %scan3A_537 : i32 to index
        %get3A_548 = arith.constant 0 : index
        %get3A_549 = tpu.vector_load %arg25[%get3A_547, %get3A_548] {strides = array<i32>} : memref<32x128xf32, #tpu.memory_space<vmem>>, vector<1x16xf32>,
        %get3A_550 = vector.shape_cast %get3A_549 : vector<1x16xf32> to vector<16xf32>
        %add3A_551 = arith.addf %add3A_546, %get3A_550 : vector<16xf32>
        %neg3A = arith.constant 0.000000e+00 : f32
        %neg3A_552 = vector.broadcast %neg3A : f32 to vector<16xf32>
        %neg3A_553 = arith.subf %neg3A_552, %add3A_551 : vector<16xf32>
        %exp3A = math.exp %neg3A_553 : vector<16xf32>
        %add3A_554 = arith.constant 1.000000e+00 : f32
        %add3A_555 = vector.broadcast %add3A_554 : f32 to vector<16xf32>
        %add3A_556 = arith.addf %add3A_555, %exp3A : vector<16xf32>
        %div3A = arith.constant 1.000000e+00 : f32
        %div3A_557 = vector.broadcast %div3A : f32 to vector<16xf32>
        %div3A_558 = arith.divf %div3A_557, %add3A_556 : vector<16xf32>
        %get3A_559 = arith.index_cast %scan3A_537 : i32 to index
        %get3A_560 = arith.constant 0 : index
        %get3A_561 = tpu.vector_load %arg24[%get3A_559, %get3A_560] {strides = array<i32>} : memref<32x128xf32, #tpu.memory_space<vmem>>, vector<1x16xf32>,
        %get3A_562 = vector.shape_cast %get3A_561 : vector<1x16xf32> to vector<16xf32>
        %get3A_563 = arith.index_cast %scan3A_537 : i32 to index
        %get3A_564 = arith.constant 0 : index
        %get3A_565 = tpu.vector_load %arg26[%get3A_563, %get3A_564] {strides = array<i32>} : memref<32x128xf32, #tpu.memory_space<vmem>>, vector<1x16xf32>,
        %get3A_566 = vector.shape_cast %get3A_565 : vector<1x16xf32> to vector<16xf32>
        %add3A_567 = arith.addf %get3A_562, %get3A_566 : vector<16xf32>
        %mul3A_568 = arith.mulf %div3A_558, %add3A_567 : vector<16xf32>
        %swap3A_569 = arith.index_cast %scan3A_537 : i32 to index
        %swap3A_570 = arith.constant 0 : index
        %swap3A_571 = tpu.vector_load %arg27[%swap3A_569, %swap3A_570] {strides = array<i32>} : memref<32x128xf32, #tpu.memory_space<vmem>>, vector<1x16xf32>,
        %swap3A_572 = vector.shape_cast %swap3A_571 : vector<1x16xf32> to vector<16xf32>
        %swap3A_573 = vector.shape_cast %mul3A_568 : vector<16xf32> to vector<1x16xf32>
        tpu.vector_store %arg27[%swap3A_569, %swap3A_570], %swap3A_573 {strides = array<i32>} : memref<32x128xf32, #tpu.memory_space<vmem>>, vector<1x16xf32>,
        %get3A_574 = arith.index_cast %scan3A_537 : i32 to index
        %get3A_575 = arith.constant 16 : index
        %get3A_576 = tpu.vector_load %arg22[%get3A_574, %get3A_575] {strides = array<i32>} : memref<32x128xf32, #tpu.memory_space<vmem>>, vector<1x16xf32>,
        %get3A_577 = vector.shape_cast %get3A_576 : vector<1x16xf32> to vector<16xf32>
        %get3A_578 = arith.index_cast %scan3A_537 : i32 to index
        %get3A_579 = arith.constant 16 : index
        %get3A_580 = tpu.vector_load %arg23[%get3A_578, %get3A_579] {strides = array<i32>} : memref<32x128xf32, #tpu.memory_space<vmem>>, vector<1x16xf32>,
        %get3A_581 = vector.shape_cast %get3A_580 : vector<1x16xf32> to vector<16xf32>
        %add3A_582 = arith.addf %get3A_577, %get3A_581 : vector<16xf32>
        %get3A_583 = arith.index_cast %scan3A_537 : i32 to index
        %get3A_584 = arith.constant 16 : index
        %get3A_585 = tpu.vector_load %arg25[%get3A_583, %get3A_584] {strides = array<i32>} : memref<32x128xf32, #tpu.memory_space<vmem>>, vector<1x16xf32>,
        %get3A_586 = vector.shape_cast %get3A_585 : vector<1x16xf32> to vector<16xf32>
        %add3A_587 = arith.addf %add3A_582, %get3A_586 : vector<16xf32>
        %neg3A_588 = arith.constant 0.000000e+00 : f32
        %neg3A_589 = vector.broadcast %neg3A_588 : f32 to vector<16xf32>
        %neg3A_590 = arith.subf %neg3A_589, %add3A_587 : vector<16xf32>
        %exp3A_591 = math.exp %neg3A_590 : vector<16xf32>
        %add3A_592 = arith.constant 1.000000e+00 : f32
        %add3A_593 = vector.broadcast %add3A_592 : f32 to vector<16xf32>
        %add3A_594 = arith.addf %add3A_593, %exp3A_591 : vector<16xf32>
        %div3A_595 = arith.constant 1.000000e+00 : f32
        %div3A_596 = vector.broadcast %div3A_595 : f32 to vector<16xf32>
        %div3A_597 = arith.divf %div3A_596, %add3A_594 : vector<16xf32>
        %get3A_598 = arith.index_cast %scan3A_537 : i32 to index
        %get3A_599 = arith.constant 16 : index
        %get3A_600 = tpu.vector_load %arg24[%get3A_598, %get3A_599] {strides = array<i32>} : memref<32x128xf32, #tpu.memory_space<vmem>>, vector<1x16xf32>,
        %get3A_601 = vector.shape_cast %get3A_600 : vector<1x16xf32> to vector<16xf32>
        %get3A_602 = arith.index_cast %scan3A_537 : i32 to index
        %get3A_603 = arith.constant 16 : index
        %get3A_604 = tpu.vector_load %arg26[%get3A_602, %get3A_603] {strides = array<i32>} : memref<32x128xf32, #tpu.memory_space<vmem>>, vector<1x16xf32>,
        %get3A_605 = vector.shape_cast %get3A_604 : vector<1x16xf32> to vector<16xf32>
        %add3A_606 = arith.addf %get3A_601, %get3A_605 : vector<16xf32>
        %mul3A_607 = arith.mulf %div3A_597, %add3A_606 : vector<16xf32>
        %swap3A_608 = arith.index_cast %scan3A_537 : i32 to index
        %swap3A_609 = arith.constant 16 : index
        %swap3A_610 = tpu.vector_load %arg27[%swap3A_608, %swap3A_609] {strides = array<i32>} : memref<32x128xf32, #tpu.memory_space<vmem>>, vector<1x16xf32>,
        %swap3A_611 = vector.shape_cast %swap3A_610 : vector<1x16xf32> to vector<16xf32>
        %swap3A_612 = vector.shape_cast %mul3A_607 : vector<16xf32> to vector<1x16xf32>
        tpu.vector_store %arg27[%swap3A_608, %swap3A_609], %swap3A_612 {strides = array<i32>} : memref<32x128xf32, #tpu.memory_space<vmem>>, vector<1x16xf32>,
        %get3A_613 = arith.index_cast %scan3A_537 : i32 to index
        %get3A_614 = arith.constant 32 : index
        %get3A_615 = tpu.vector_load %arg22[%get3A_613, %get3A_614] {strides = array<i32>} : memref<32x128xf32, #tpu.memory_space<vmem>>, vector<1x16xf32>,
        %get3A_616 = vector.shape_cast %get3A_615 : vector<1x16xf32> to vector<16xf32>
        %get3A_617 = arith.index_cast %scan3A_537 : i32 to index
        %get3A_618 = arith.constant 32 : index
        %get3A_619 = tpu.vector_load %arg23[%get3A_617, %get3A_618] {strides = array<i32>} : memref<32x128xf32, #tpu.memory_space<vmem>>, vector<1x16xf32>,
        %get3A_620 = vector.shape_cast %get3A_619 : vector<1x16xf32> to vector<16xf32>
        %add3A_621 = arith.addf %get3A_616, %get3A_620 : vector<16xf32>
        %get3A_622 = arith.index_cast %scan3A_537 : i32 to index
        %get3A_623 = arith.constant 32 : index
        %get3A_624 = tpu.vector_load %arg25[%get3A_622, %get3A_623] {strides = array<i32>} : memref<32x128xf32, #tpu.memory_space<vmem>>, vector<1x16xf32>,
        %get3A_625 = vector.shape_cast %get3A_624 : vector<1x16xf32> to vector<16xf32>
        %add3A_626 = arith.addf %add3A_621, %get3A_625 : vector<16xf32>
        %neg3A_627 = arith.constant 0.000000e+00 : f32
        %neg3A_628 = vector.broadcast %neg3A_627 : f32 to vector<16xf32>
        %neg3A_629 = arith.subf %neg3A_628, %add3A_626 : vector<16xf32>
        %exp3A_630 = math.exp %neg3A_629 : vector<16xf32>
        %add3A_631 = arith.constant 1.000000e+00 : f32
        %add3A_632 = vector.broadcast %add3A_631 : f32 to vector<16xf32>
        %add3A_633 = arith.addf %add3A_632, %exp3A_630 : vector<16xf32>
        %div3A_634 = arith.constant 1.000000e+00 : f32
        %div3A_635 = vector.broadcast %div3A_634 : f32 to vector<16xf32>
        %div3A_636 = arith.divf %div3A_635, %add3A_633 : vector<16xf32>
        %get3A_637 = arith.index_cast %scan3A_537 : i32 to index
        %get3A_638 = arith.constant 32 : index
        %get3A_639 = tpu.vector_load %arg24[%get3A_637, %get3A_638] {strides = array<i32>} : memref<32x128xf32, #tpu.memory_space<vmem>>, vector<1x16xf32>,
        %get3A_640 = vector.shape_cast %get3A_639 : vector<1x16xf32> to vector<16xf32>
        %get3A_641 = arith.index_cast %scan3A_537 : i32 to index
        %get3A_642 = arith.constant 32 : index
        %get3A_643 = tpu.vector_load %arg26[%get3A_641, %get3A_642] {strides = array<i32>} : memref<32x128xf32, #tpu.memory_space<vmem>>, vector<1x16xf32>,
        %get3A_644 = vector.shape_cast %get3A_643 : vector<1x16xf32> to vector<16xf32>
        %add3A_645 = arith.addf %get3A_640, %get3A_644 : vector<16xf32>
        %mul3A_646 = arith.mulf %div3A_636, %add3A_645 : vector<16xf32>
        %swap3A_647 = arith.index_cast %scan3A_537 : i32 to index
        %swap3A_648 = arith.constant 32 : index
        %swap3A_649 = tpu.vector_load %arg27[%swap3A_647, %swap3A_648] {strides = array<i32>} : memref<32x128xf32, #tpu.memory_space<vmem>>, vector<1x16xf32>,
        %swap3A_650 = vector.shape_cast %swap3A_649 : vector<1x16xf32> to vector<16xf32>
        %swap3A_651 = vector.shape_cast %mul3A_646 : vector<16xf32> to vector<1x16xf32>
        tpu.vector_store %arg27[%swap3A_647, %swap3A_648], %swap3A_651 {strides = array<i32>} : memref<32x128xf32, #tpu.memory_space<vmem>>, vector<1x16xf32>,
        %get3A_652 = arith.index_cast %scan3A_537 : i32 to index
        %get3A_653 = arith.constant 48 : index
        %get3A_654 = tpu.vector_load %arg22[%get3A_652, %get3A_653] {strides = array<i32>} : memref<32x128xf32, #tpu.memory_space<vmem>>, vector<1x16xf32>,
        %get3A_655 = vector.shape_cast %get3A_654 : vector<1x16xf32> to vector<16xf32>
        %get3A_656 = arith.index_cast %scan3A_537 : i32 to index
        %get3A_657 = arith.constant 48 : index
        %get3A_658 = tpu.vector_load %arg23[%get3A_656, %get3A_657] {strides = array<i32>} : memref<32x128xf32, #tpu.memory_space<vmem>>, vector<1x16xf32>,
        %get3A_659 = vector.shape_cast %get3A_658 : vector<1x16xf32> to vector<16xf32>
        %add3A_660 = arith.addf %get3A_655, %get3A_659 : vector<16xf32>
        %get3A_661 = arith.index_cast %scan3A_537 : i32 to index
        %get3A_662 = arith.constant 48 : index
        %get3A_663 = tpu.vector_load %arg25[%get3A_661, %get3A_662] {strides = array<i32>} : memref<32x128xf32, #tpu.memory_space<vmem>>, vector<1x16xf32>,
        %get3A_664 = vector.shape_cast %get3A_663 : vector<1x16xf32> to vector<16xf32>
        %add3A_665 = arith.addf %add3A_660, %get3A_664 : vector<16xf32>
        %neg3A_666 = arith.constant 0.000000e+00 : f32
        %neg3A_667 = vector.broadcast %neg3A_666 : f32 to vector<16xf32>
        %neg3A_668 = arith.subf %neg3A_667, %add3A_665 : vector<16xf32>
        %exp3A_669 = math.exp %neg3A_668 : vector<16xf32>
        %add3A_670 = arith.constant 1.000000e+00 : f32
        %add3A_671 = vector.broadcast %add3A_670 : f32 to vector<16xf32>
        %add3A_672 = arith.addf %add3A_671, %exp3A_669 : vector<16xf32>
        %div3A_673 = arith.constant 1.000000e+00 : f32
        %div3A_674 = vector.broadcast %div3A_673 : f32 to vector<16xf32>
        %div3A_675 = arith.divf %div3A_674, %add3A_672 : vector<16xf32>
        %get3A_676 = arith.index_cast %scan3A_537 : i32 to index
        %get3A_677 = arith.constant 48 : index
        %get3A_678 = tpu.vector_load %arg24[%get3A_676, %get3A_677] {strides = array<i32>} : memref<32x128xf32, #tpu.memory_space<vmem>>, vector<1x16xf32>,
        %get3A_679 = vector.shape_cast %get3A_678 : vector<1x16xf32> to vector<16xf32>
        %get3A_680 = arith.index_cast %scan3A_537 : i32 to index
        %get3A_681 = arith.constant 48 : index
        %get3A_682 = tpu.vector_load %arg26[%get3A_680, %get3A_681] {strides = array<i32>} : memref<32x128xf32, #tpu.memory_space<vmem>>, vector<1x16xf32>,
        %get3A_683 = vector.shape_cast %get3A_682 : vector<1x16xf32> to vector<16xf32>
        %add3A_684 = arith.addf %get3A_679, %get3A_683 : vector<16xf32>
        %mul3A_685 = arith.mulf %div3A_675, %add3A_684 : vector<16xf32>
        %swap3A_686 = arith.index_cast %scan3A_537 : i32 to index
        %swap3A_687 = arith.constant 48 : index
        %swap3A_688 = tpu.vector_load %arg27[%swap3A_686, %swap3A_687] {strides = array<i32>} : memref<32x128xf32, #tpu.memory_space<vmem>>, vector<1x16xf32>,
        %swap3A_689 = vector.shape_cast %swap3A_688 : vector<1x16xf32> to vector<16xf32>
        %swap3A_690 = vector.shape_cast %mul3A_685 : vector<16xf32> to vector<1x16xf32>
        tpu.vector_store %arg27[%swap3A_686, %swap3A_687], %swap3A_690 {strides = array<i32>} : memref<32x128xf32, #tpu.memory_space<vmem>>, vector<1x16xf32>,
        %get3A_691 = arith.index_cast %scan3A_537 : i32 to index
        %get3A_692 = arith.constant 64 : index
        %get3A_693 = tpu.vector_load %arg22[%get3A_691, %get3A_692] {strides = array<i32>} : memref<32x128xf32, #tpu.memory_space<vmem>>, vector<1x16xf32>,
        %get3A_694 = vector.shape_cast %get3A_693 : vector<1x16xf32> to vector<16xf32>
        %get3A_695 = arith.index_cast %scan3A_537 : i32 to index
        %get3A_696 = arith.constant 64 : index
        %get3A_697 = tpu.vector_load %arg23[%get3A_695, %get3A_696] {strides = array<i32>} : memref<32x128xf32, #tpu.memory_space<vmem>>, vector<1x16xf32>,
        %get3A_698 = vector.shape_cast %get3A_697 : vector<1x16xf32> to vector<16xf32>
        %add3A_699 = arith.addf %get3A_694, %get3A_698 : vector<16xf32>
        %get3A_700 = arith.index_cast %scan3A_537 : i32 to index
        %get3A_701 = arith.constant 64 : index
        %get3A_702 = tpu.vector_load %arg25[%get3A_700, %get3A_701] {strides = array<i32>} : memref<32x128xf32, #tpu.memory_space<vmem>>, vector<1x16xf32>,
        %get3A_703 = vector.shape_cast %get3A_702 : vector<1x16xf32> to vector<16xf32>
        %add3A_704 = arith.addf %add3A_699, %get3A_703 : vector<16xf32>
        %neg3A_705 = arith.constant 0.000000e+00 : f32
        %neg3A_706 = vector.broadcast %neg3A_705 : f32 to vector<16xf32>
        %neg3A_707 = arith.subf %neg3A_706, %add3A_704 : vector<16xf32>
        %exp3A_708 = math.exp %neg3A_707 : vector<16xf32>
        %add3A_709 = arith.constant 1.000000e+00 : f32
        %add3A_710 = vector.broadcast %add3A_709 : f32 to vector<16xf32>
        %add3A_711 = arith.addf %add3A_710, %exp3A_708 : vector<16xf32>
        %div3A_712 = arith.constant 1.000000e+00 : f32
        %div3A_713 = vector.broadcast %div3A_712 : f32 to vector<16xf32>
        %div3A_714 = arith.divf %div3A_713, %add3A_711 : vector<16xf32>
        %get3A_715 = arith.index_cast %scan3A_537 : i32 to index
        %get3A_716 = arith.constant 64 : index
        %get3A_717 = tpu.vector_load %arg24[%get3A_715, %get3A_716] {strides = array<i32>} : memref<32x128xf32, #tpu.memory_space<vmem>>, vector<1x16xf32>,
        %get3A_718 = vector.shape_cast %get3A_717 : vector<1x16xf32> to vector<16xf32>
        %get3A_719 = arith.index_cast %scan3A_537 : i32 to index
        %get3A_720 = arith.constant 64 : index
        %get3A_721 = tpu.vector_load %arg26[%get3A_719, %get3A_720] {strides = array<i32>} : memref<32x128xf32, #tpu.memory_space<vmem>>, vector<1x16xf32>,
        %get3A_722 = vector.shape_cast %get3A_721 : vector<1x16xf32> to vector<16xf32>
        %add3A_723 = arith.addf %get3A_718, %get3A_722 : vector<16xf32>
        %mul3A_724 = arith.mulf %div3A_714, %add3A_723 : vector<16xf32>
        %swap3A_725 = arith.index_cast %scan3A_537 : i32 to index
        %swap3A_726 = arith.constant 64 : index
        %swap3A_727 = tpu.vector_load %arg27[%swap3A_725, %swap3A_726] {strides = array<i32>} : memref<32x128xf32, #tpu.memory_space<vmem>>, vector<1x16xf32>,
        %swap3A_728 = vector.shape_cast %swap3A_727 : vector<1x16xf32> to vector<16xf32>
        %swap3A_729 = vector.shape_cast %mul3A_724 : vector<16xf32> to vector<1x16xf32>
        tpu.vector_store %arg27[%swap3A_725, %swap3A_726], %swap3A_729 {strides = array<i32>} : memref<32x128xf32, #tpu.memory_space<vmem>>, vector<1x16xf32>,
        %get3A_730 = arith.index_cast %scan3A_537 : i32 to index
        %get3A_731 = arith.constant 80 : index
        %get3A_732 = tpu.vector_load %arg22[%get3A_730, %get3A_731] {strides = array<i32>} : memref<32x128xf32, #tpu.memory_space<vmem>>, vector<1x16xf32>,
        %get3A_733 = vector.shape_cast %get3A_732 : vector<1x16xf32> to vector<16xf32>
        %get3A_734 = arith.index_cast %scan3A_537 : i32 to index
        %get3A_735 = arith.constant 80 : index
        %get3A_736 = tpu.vector_load %arg23[%get3A_734, %get3A_735] {strides = array<i32>} : memref<32x128xf32, #tpu.memory_space<vmem>>, vector<1x16xf32>,
        %get3A_737 = vector.shape_cast %get3A_736 : vector<1x16xf32> to vector<16xf32>
        %add3A_738 = arith.addf %get3A_733, %get3A_737 : vector<16xf32>
        %get3A_739 = arith.index_cast %scan3A_537 : i32 to index
        %get3A_740 = arith.constant 80 : index
        %get3A_741 = tpu.vector_load %arg25[%get3A_739, %get3A_740] {strides = array<i32>} : memref<32x128xf32, #tpu.memory_space<vmem>>, vector<1x16xf32>,
        %get3A_742 = vector.shape_cast %get3A_741 : vector<1x16xf32> to vector<16xf32>
        %add3A_743 = arith.addf %add3A_738, %get3A_742 : vector<16xf32>
        %neg3A_744 = arith.constant 0.000000e+00 : f32
        %neg3A_745 = vector.broadcast %neg3A_744 : f32 to vector<16xf32>
        %neg3A_746 = arith.subf %neg3A_745, %add3A_743 : vector<16xf32>
        %exp3A_747 = math.exp %neg3A_746 : vector<16xf32>
        %add3A_748 = arith.constant 1.000000e+00 : f32
        %add3A_749 = vector.broadcast %add3A_748 : f32 to vector<16xf32>
        %add3A_750 = arith.addf %add3A_749, %exp3A_747 : vector<16xf32>
        %div3A_751 = arith.constant 1.000000e+00 : f32
        %div3A_752 = vector.broadcast %div3A_751 : f32 to vector<16xf32>
        %div3A_753 = arith.divf %div3A_752, %add3A_750 : vector<16xf32>
        %get3A_754 = arith.index_cast %scan3A_537 : i32 to index
        %get3A_755 = arith.constant 80 : index
        %get3A_756 = tpu.vector_load %arg24[%get3A_754, %get3A_755] {strides = array<i32>} : memref<32x128xf32, #tpu.memory_space<vmem>>, vector<1x16xf32>,
        %get3A_757 = vector.shape_cast %get3A_756 : vector<1x16xf32> to vector<16xf32>
        %get3A_758 = arith.index_cast %scan3A_537 : i32 to index
        %get3A_759 = arith.constant 80 : index
        %get3A_760 = tpu.vector_load %arg26[%get3A_758, %get3A_759] {strides = array<i32>} : memref<32x128xf32, #tpu.memory_space<vmem>>, vector<1x16xf32>,
        %get3A_761 = vector.shape_cast %get3A_760 : vector<1x16xf32> to vector<16xf32>
        %add3A_762 = arith.addf %get3A_757, %get3A_761 : vector<16xf32>
        %mul3A_763 = arith.mulf %div3A_753, %add3A_762 : vector<16xf32>
        %swap3A_764 = arith.index_cast %scan3A_537 : i32 to index
        %swap3A_765 = arith.constant 80 : index
        %swap3A_766 = tpu.vector_load %arg27[%swap3A_764, %swap3A_765] {strides = array<i32>} : memref<32x128xf32, #tpu.memory_space<vmem>>, vector<1x16xf32>,
        %swap3A_767 = vector.shape_cast %swap3A_766 : vector<1x16xf32> to vector<16xf32>
        %swap3A_768 = vector.shape_cast %mul3A_763 : vector<16xf32> to vector<1x16xf32>
        tpu.vector_store %arg27[%swap3A_764, %swap3A_765], %swap3A_768 {strides = array<i32>} : memref<32x128xf32, #tpu.memory_space<vmem>>, vector<1x16xf32>,
        %get3A_769 = arith.index_cast %scan3A_537 : i32 to index
        %get3A_770 = arith.constant 96 : index
        %get3A_771 = tpu.vector_load %arg22[%get3A_769, %get3A_770] {strides = array<i32>} : memref<32x128xf32, #tpu.memory_space<vmem>>, vector<1x16xf32>,
        %get3A_772 = vector.shape_cast %get3A_771 : vector<1x16xf32> to vector<16xf32>
        %get3A_773 = arith.index_cast %scan3A_537 : i32 to index
        %get3A_774 = arith.constant 96 : index
        %get3A_775 = tpu.vector_load %arg23[%get3A_773, %get3A_774] {strides = array<i32>} : memref<32x128xf32, #tpu.memory_space<vmem>>, vector<1x16xf32>,
        %get3A_776 = vector.shape_cast %get3A_775 : vector<1x16xf32> to vector<16xf32>
        %add3A_777 = arith.addf %get3A_772, %get3A_776 : vector<16xf32>
        %get3A_778 = arith.index_cast %scan3A_537 : i32 to index
        %get3A_779 = arith.constant 96 : index
        %get3A_780 = tpu.vector_load %arg25[%get3A_778, %get3A_779] {strides = array<i32>} : memref<32x128xf32, #tpu.memory_space<vmem>>, vector<1x16xf32>,
        %get3A_781 = vector.shape_cast %get3A_780 : vector<1x16xf32> to vector<16xf32>
        %add3A_782 = arith.addf %add3A_777, %get3A_781 : vector<16xf32>
        %neg3A_783 = arith.constant 0.000000e+00 : f32
        %neg3A_784 = vector.broadcast %neg3A_783 : f32 to vector<16xf32>
        %neg3A_785 = arith.subf %neg3A_784, %add3A_782 : vector<16xf32>
        %exp3A_786 = math.exp %neg3A_785 : vector<16xf32>
        %add3A_787 = arith.constant 1.000000e+00 : f32
        %add3A_788 = vector.broadcast %add3A_787 : f32 to vector<16xf32>
        %add3A_789 = arith.addf %add3A_788, %exp3A_786 : vector<16xf32>
        %div3A_790 = arith.constant 1.000000e+00 : f32
        %div3A_791 = vector.broadcast %div3A_790 : f32 to vector<16xf32>
        %div3A_792 = arith.divf %div3A_791, %add3A_789 : vector<16xf32>
        %get3A_793 = arith.index_cast %scan3A_537 : i32 to index
        %get3A_794 = arith.constant 96 : index
        %get3A_795 = tpu.vector_load %arg24[%get3A_793, %get3A_794] {strides = array<i32>} : memref<32x128xf32, #tpu.memory_space<vmem>>, vector<1x16xf32>,
        %get3A_796 = vector.shape_cast %get3A_795 : vector<1x16xf32> to vector<16xf32>
        %get3A_797 = arith.index_cast %scan3A_537 : i32 to index
        %get3A_798 = arith.constant 96 : index
        %get3A_799 = tpu.vector_load %arg26[%get3A_797, %get3A_798] {strides = array<i32>} : memref<32x128xf32, #tpu.memory_space<vmem>>, vector<1x16xf32>,
        %get3A_800 = vector.shape_cast %get3A_799 : vector<1x16xf32> to vector<16xf32>
        %add3A_801 = arith.addf %get3A_796, %get3A_800 : vector<16xf32>
        %mul3A_802 = arith.mulf %div3A_792, %add3A_801 : vector<16xf32>
        %swap3A_803 = arith.index_cast %scan3A_537 : i32 to index
        %swap3A_804 = arith.constant 96 : index
        %swap3A_805 = tpu.vector_load %arg27[%swap3A_803, %swap3A_804] {strides = array<i32>} : memref<32x128xf32, #tpu.memory_space<vmem>>, vector<1x16xf32>,
        %swap3A_806 = vector.shape_cast %swap3A_805 : vector<1x16xf32> to vector<16xf32>
        %swap3A_807 = vector.shape_cast %mul3A_802 : vector<16xf32> to vector<1x16xf32>
        tpu.vector_store %arg27[%swap3A_803, %swap3A_804], %swap3A_807 {strides = array<i32>} : memref<32x128xf32, #tpu.memory_space<vmem>>, vector<1x16xf32>,
        %get3A_808 = arith.index_cast %scan3A_537 : i32 to index
        %get3A_809 = arith.constant 112 : index
        %get3A_810 = tpu.vector_load %arg22[%get3A_808, %get3A_809] {strides = array<i32>} : memref<32x128xf32, #tpu.memory_space<vmem>>, vector<1x16xf32>,
        %get3A_811 = vector.shape_cast %get3A_810 : vector<1x16xf32> to vector<16xf32>
        %get3A_812 = arith.index_cast %scan3A_537 : i32 to index
        %get3A_813 = arith.constant 112 : index
        %get3A_814 = tpu.vector_load %arg23[%get3A_812, %get3A_813] {strides = array<i32>} : memref<32x128xf32, #tpu.memory_space<vmem>>, vector<1x16xf32>,
        %get3A_815 = vector.shape_cast %get3A_814 : vector<1x16xf32> to vector<16xf32>
        %add3A_816 = arith.addf %get3A_811, %get3A_815 : vector<16xf32>
        %get3A_817 = arith.index_cast %scan3A_537 : i32 to index
        %get3A_818 = arith.constant 112 : index
        %get3A_819 = tpu.vector_load %arg25[%get3A_817, %get3A_818] {strides = array<i32>} : memref<32x128xf32, #tpu.memory_space<vmem>>, vector<1x16xf32>,
        %get3A_820 = vector.shape_cast %get3A_819 : vector<1x16xf32> to vector<16xf32>
        %add3A_821 = arith.addf %add3A_816, %get3A_820 : vector<16xf32>
        %neg3A_822 = arith.constant 0.000000e+00 : f32
        %neg3A_823 = vector.broadcast %neg3A_822 : f32 to vector<16xf32>
        %neg3A_824 = arith.subf %neg3A_823, %add3A_821 : vector<16xf32>
        %exp3A_825 = math.exp %neg3A_824 : vector<16xf32>
        %add3A_826 = arith.constant 1.000000e+00 : f32
        %add3A_827 = vector.broadcast %add3A_826 : f32 to vector<16xf32>
        %add3A_828 = arith.addf %add3A_827, %exp3A_825 : vector<16xf32>
        %div3A_829 = arith.constant 1.000000e+00 : f32
        %div3A_830 = vector.broadcast %div3A_829 : f32 to vector<16xf32>
        %div3A_831 = arith.divf %div3A_830, %add3A_828 : vector<16xf32>
        %get3A_832 = arith.index_cast %scan3A_537 : i32 to index
        %get3A_833 = arith.constant 112 : index
        %get3A_834 = tpu.vector_load %arg24[%get3A_832, %get3A_833] {strides = array<i32>} : memref<32x128xf32, #tpu.memory_space<vmem>>, vector<1x16xf32>,
        %get3A_835 = vector.shape_cast %get3A_834 : vector<1x16xf32> to vector<16xf32>
        %get3A_836 = arith.index_cast %scan3A_537 : i32 to index
        %get3A_837 = arith.constant 112 : index
        %get3A_838 = tpu.vector_load %arg26[%get3A_836, %get3A_837] {strides = array<i32>} : memref<32x128xf32, #tpu.memory_space<vmem>>, vector<1x16xf32>,
        %get3A_839 = vector.shape_cast %get3A_838 : vector<1x16xf32> to vector<16xf32>
        %add3A_840 = arith.addf %get3A_835, %get3A_839 : vector<16xf32>
        %mul3A_841 = arith.mulf %div3A_831, %add3A_840 : vector<16xf32>
        %swap3A_842 = arith.index_cast %scan3A_537 : i32 to index
        %swap3A_843 = arith.constant 112 : index
        %swap3A_844 = tpu.vector_load %arg27[%swap3A_842, %swap3A_843] {strides = array<i32>} : memref<32x128xf32, #tpu.memory_space<vmem>>, vector<1x16xf32>,
        %swap3A_845 = vector.shape_cast %swap3A_844 : vector<1x16xf32> to vector<16xf32>
        %swap3A_846 = vector.shape_cast %mul3A_841 : vector<16xf32> to vector<1x16xf32>
        tpu.vector_store %arg27[%swap3A_842, %swap3A_843], %swap3A_846 {strides = array<i32>} : memref<32x128xf32, #tpu.memory_space<vmem>>, vector<1x16xf32>,
      }
      %scan3A_508 = arith.constant 32 : i32
      %get3A_509 = arith.constant 0 : index
      %get3A_510 = tpu.vector_load %arg19[%get3A_509] {strides = array<i32>} : memref<32xi32, #tpu.memory_space<vmem>>, vector<16xi32>,
      %get3A_511 = vector.shape_cast %get3A_510 : vector<16xi32> to vector<16xi32>
      %swap3A_512 = arith.constant 0 : index
      %swap3A_513 = tpu.vector_load %arg21[%swap3A_512] {strides = array<i32>} : memref<32xi32, #tpu.memory_space<vmem>>, vector<16xi32>,
      %swap3A_514 = vector.shape_cast %swap3A_513 : vector<16xi32> to vector<16xi32>
      %swap3A_515 = vector.shape_cast %get3A_511 : vector<16xi32> to vector<16xi32>
      tpu.vector_store %arg21[%swap3A_512], %swap3A_515 {strides = array<i32>} : memref<32xi32, #tpu.memory_space<vmem>>, vector<16xi32>,
      %get3A_516 = arith.constant 16 : index
      %get3A_517 = tpu.vector_load %arg19[%get3A_516] {strides = array<i32>} : memref<32xi32, #tpu.memory_space<vmem>>, vector<16xi32>,
      %get3A_518 = vector.shape_cast %get3A_517 : vector<16xi32> to vector<16xi32>
      %swap3A_519 = arith.constant 16 : index
      %swap3A_520 = tpu.vector_load %arg21[%swap3A_519] {strides = array<i32>} : memref<32xi32, #tpu.memory_space<vmem>>, vector<16xi32>,
      %swap3A_521 = vector.shape_cast %swap3A_520 : vector<16xi32> to vector<16xi32>
      %swap3A_522 = vector.shape_cast %get3A_518 : vector<16xi32> to vector<16xi32>
      tpu.vector_store %arg21[%swap3A_519], %swap3A_522 {strides = array<i32>} : memref<32xi32, #tpu.memory_space<vmem>>, vector<16xi32>,
      %dma_start3A_523 = arith.constant 0 : i32
      %dma_start3A_524 = arith.constant 0 : i32
      %dma_start3A_525 = tpu.memref_slice %arg28[%dma_start3A_523, %dma_start3A_524] : memref<10112x128xf32, #tpu.memory_space<vmem_shared>> -> memref<10112x128xf32, #tpu.memory_space<vmem_shared>>
      tpu.enqueue_indirect_dma source(%arg27 : memref<32x128xf32, #tpu.memory_space<vmem>>) target(%dma_start3A_525 : memref<10112x128xf32, #tpu.memory_space<vmem_shared>>) offsets(%arg21 : memref<32xi32, #tpu.memory_space<vmem>>) semaphore(%arg34 : memref<!tpu.dma_semaphore, #tpu.memory_space<semaphore_mem>>) {add = true}
      %add3A_526 = arith.constant 2 : i32
      %add3A_527 = arith.addi %add3A_446, %add3A_526 : i32
      %rem3A_528 = arith.constant 314 : i32
      %rem3A_529 = arith.remsi %add3A_527, %rem3A_528 : i32
      %mul3A_530 = arith.constant 32 : i32
      %mul3A_531 = arith.muli %rem3A_529, %mul3A_530 : i32
      %add3A_532 = arith.addi %mul3A_2, %mul3A_531 : i32
      %dma_start3A_533 = tpu.memref_slice %arg8[%add3A_532] : memref<321536xi32, #tpu.memory_space<hbm>> -> memref<32xi32, #tpu.memory_space<hbm>>
      %dma_start3A_534 = tpu.memref_slice %arg8[%add3A_532] : memref<321536xi32, #tpu.memory_space<hbm>> -> memref<32xi32, #tpu.memory_space<hbm>>
      tpu.enqueue_dma source(%dma_start3A_534 : memref<32xi32, #tpu.memory_space<hbm>>) target(%arg19 : memref<32xi32, #tpu.memory_space<vmem>>) target_semaphore(%arg32 : memref<!tpu.dma_semaphore, #tpu.memory_space<semaphore_mem>>)
      %dma_start3A_535 = tpu.memref_slice %arg7[%add3A_532] : memref<321536xi32, #tpu.memory_space<hbm>> -> memref<32xi32, #tpu.memory_space<hbm>>
      %dma_start3A_536 = tpu.memref_slice %arg7[%add3A_532] : memref<321536xi32, #tpu.memory_space<hbm>> -> memref<32xi32, #tpu.memory_space<hbm>>
      tpu.enqueue_dma source(%dma_start3A_536 : memref<32xi32, #tpu.memory_space<hbm>>) target(%arg20 : memref<32xi32, #tpu.memory_space<vmem>>) target_semaphore(%arg32 : memref<!tpu.dma_semaphore, #tpu.memory_space<semaphore_mem>>)
    }
    %scan3A_271 = arith.constant 156 : i32
    %dma_wait3A_272 = arith.constant 0 : i32
    %dma_wait3A_273 = arith.constant 0 : i32
    %dma_wait3A_274 = tpu.memref_slice %arg5[%dma_wait3A_272, %dma_wait3A_273] : memref<321536x128xf32, #tpu.memory_space<hbm>> -> memref<32x128xf32, #tpu.memory_space<hbm>>
    %dma_wait3A_275 = arith.constant 0 : i32
    %dma_wait3A_276 = arith.constant 0 : i32
    %dma_wait3A_277 = tpu.memref_slice %arg5[%dma_wait3A_275, %dma_wait3A_276] : memref<321536x128xf32, #tpu.memory_space<hbm>> -> memref<32x128xf32, #tpu.memory_space<hbm>>
    tpu.wait_dma2 semaphore(%arg30 : memref<!tpu.dma_semaphore, #tpu.memory_space<semaphore_mem>>) src(%dma_wait3A_277 : memref<32x128xf32, #tpu.memory_space<hbm>>) dst(%arg16 : memref<32x128xf32, #tpu.memory_space<vmem>>)
    %dma_wait3A_278 = arith.constant 0 : i32
    %dma_wait3A_279 = arith.constant 0 : i32
    %dma_wait3A_280 = tpu.memref_slice %arg6[%dma_wait3A_278, %dma_wait3A_279] : memref<321536x128xf32, #tpu.memory_space<hbm>> -> memref<32x128xf32, #tpu.memory_space<hbm>>
    %dma_wait3A_281 = arith.constant 0 : i32
    %dma_wait3A_282 = arith.constant 0 : i32
    %dma_wait3A_283 = tpu.memref_slice %arg6[%dma_wait3A_281, %dma_wait3A_282] : memref<321536x128xf32, #tpu.memory_space<hbm>> -> memref<32x128xf32, #tpu.memory_space<hbm>>
    tpu.wait_dma2 semaphore(%arg30 : memref<!tpu.dma_semaphore, #tpu.memory_space<semaphore_mem>>) src(%dma_wait3A_283 : memref<32x128xf32, #tpu.memory_space<hbm>>) dst(%arg17 : memref<32x128xf32, #tpu.memory_space<vmem>>)
    %dma_wait3A_284 = arith.constant 0 : i32
    %dma_wait3A_285 = arith.constant 0 : i32
    %dma_wait3A_286 = tpu.memref_slice %arg2[%dma_wait3A_284, %dma_wait3A_285] : memref<10112x128xf32, #tpu.memory_space<hbm>> -> memref<10112x128xf32, #tpu.memory_space<hbm>>
    tpu.wait_indirect_dma semaphore(%arg30 : memref<!tpu.dma_semaphore, #tpu.memory_space<semaphore_mem>>) src(%dma_wait3A_286 : memref<10112x128xf32, #tpu.memory_space<hbm>>) dst(%arg13 : memref<32x128xf32, #tpu.memory_space<vmem>>)
    %dma_wait3A_287 = arith.constant 0 : i32
    %dma_wait3A_288 = arith.constant 0 : i32
    %dma_wait3A_289 = tpu.memref_slice %arg3[%dma_wait3A_287, %dma_wait3A_288] : memref<10112x128xf32, #tpu.memory_space<hbm>> -> memref<10112x128xf32, #tpu.memory_space<hbm>>
    tpu.wait_indirect_dma semaphore(%arg30 : memref<!tpu.dma_semaphore, #tpu.memory_space<semaphore_mem>>) src(%dma_wait3A_289 : memref<10112x128xf32, #tpu.memory_space<hbm>>) dst(%arg14 : memref<32x128xf32, #tpu.memory_space<vmem>>)
    %dma_wait3A_290 = arith.constant 0 : i32
    %dma_wait3A_291 = arith.constant 0 : i32
    %dma_wait3A_292 = tpu.memref_slice %arg4[%dma_wait3A_290, %dma_wait3A_291] : memref<10112x128xf32, #tpu.memory_space<hbm>> -> memref<10112x128xf32, #tpu.memory_space<hbm>>
    tpu.wait_indirect_dma semaphore(%arg30 : memref<!tpu.dma_semaphore, #tpu.memory_space<semaphore_mem>>) src(%dma_wait3A_292 : memref<10112x128xf32, #tpu.memory_space<hbm>>) dst(%arg15 : memref<32x128xf32, #tpu.memory_space<vmem>>)
    %dma_wait3A_293 = arith.constant 0 : i32
    %dma_wait3A_294 = tpu.memref_slice %arg8[%dma_wait3A_293] : memref<321536xi32, #tpu.memory_space<hbm>> -> memref<32xi32, #tpu.memory_space<hbm>>
    %dma_wait3A_295 = arith.constant 0 : i32
    %dma_wait3A_296 = tpu.memref_slice %arg8[%dma_wait3A_295] : memref<321536xi32, #tpu.memory_space<hbm>> -> memref<32xi32, #tpu.memory_space<hbm>>
    tpu.wait_dma2 semaphore(%arg32 : memref<!tpu.dma_semaphore, #tpu.memory_space<semaphore_mem>>) src(%dma_wait3A_296 : memref<32xi32, #tpu.memory_space<hbm>>) dst(%arg19 : memref<32xi32, #tpu.memory_space<vmem>>)
    %dma_wait3A_297 = arith.constant 0 : i32
    %dma_wait3A_298 = tpu.memref_slice %arg7[%dma_wait3A_297] : memref<321536xi32, #tpu.memory_space<hbm>> -> memref<32xi32, #tpu.memory_space<hbm>>
    %dma_wait3A_299 = arith.constant 0 : i32
    %dma_wait3A_300 = tpu.memref_slice %arg7[%dma_wait3A_299] : memref<321536xi32, #tpu.memory_space<hbm>> -> memref<32xi32, #tpu.memory_space<hbm>>
    tpu.wait_dma2 semaphore(%arg32 : memref<!tpu.dma_semaphore, #tpu.memory_space<semaphore_mem>>) src(%dma_wait3A_300 : memref<32xi32, #tpu.memory_space<hbm>>) dst(%arg20 : memref<32xi32, #tpu.memory_space<vmem>>)
    %dma_wait3A_301 = arith.constant 0 : i32
    %dma_wait3A_302 = arith.constant 0 : i32
    %dma_wait3A_303 = tpu.memref_slice %arg28[%dma_wait3A_301, %dma_wait3A_302] : memref<10112x128xf32, #tpu.memory_space<vmem_shared>> -> memref<10112x128xf32, #tpu.memory_space<vmem_shared>>
    tpu.wait_indirect_dma semaphore(%arg31 : memref<!tpu.dma_semaphore, #tpu.memory_space<semaphore_mem>>) src(%arg18 : memref<32x128xf32, #tpu.memory_space<vmem>>) dst(%dma_wait3A_303 : memref<10112x128xf32, #tpu.memory_space<vmem_shared>>)
    %dma_wait3A_304 = arith.constant 0 : i32
    %dma_wait3A_305 = arith.constant 0 : i32
    %dma_wait3A_306 = tpu.memref_slice %arg28[%dma_wait3A_304, %dma_wait3A_305] : memref<10112x128xf32, #tpu.memory_space<vmem_shared>> -> memref<10112x128xf32, #tpu.memory_space<vmem_shared>>
    tpu.wait_indirect_dma semaphore(%arg34 : memref<!tpu.dma_semaphore, #tpu.memory_space<semaphore_mem>>) src(%arg27 : memref<32x128xf32, #tpu.memory_space<vmem>>) dst(%dma_wait3A_306 : memref<10112x128xf32, #tpu.memory_space<vmem_shared>>)
    %barrier3A_307 = arith.constant 0 : index
    tpu.barrier barrier_id(%barrier3A_307)
    %add3A_308 = arith.constant 0 : i32
    %add3A_309 = arith.addi %mul3A_9, %add3A_308 : i32
    "tpu.region"() ({
      %run_scoped3A = tpu.sem_alloc : memref<!tpu.dma_semaphore, #tpu.memory_space<semaphore_mem>>
      %dma_start3A_348 = arith.constant 0 : i32
      %dma_start3A_349 = tpu.memref_slice %arg28[%add3A_309, %dma_start3A_348] : memref<10112x128xf32, #tpu.memory_space<vmem_shared>> -> memref<32x128xf32, #tpu.memory_space<vmem_shared>>
      %dma_start3A_350 = arith.constant 0 : i32
      %dma_start3A_351 = tpu.memref_slice %arg28[%add3A_309, %dma_start3A_350] : memref<10112x128xf32, #tpu.memory_space<vmem_shared>> -> memref<32x128xf32, #tpu.memory_space<vmem_shared>>
      tpu.enqueue_dma source(%dma_start3A_351 : memref<32x128xf32, #tpu.memory_space<vmem_shared>>) target(%arg13 : memref<32x128xf32, #tpu.memory_space<vmem>>) target_semaphore(%run_scoped3A : memref<!tpu.dma_semaphore, #tpu.memory_space<semaphore_mem>>)
      %dma_wait3A_352 = arith.constant 0 : i32
      %dma_wait3A_353 = tpu.memref_slice %arg28[%add3A_309, %dma_wait3A_352] : memref<10112x128xf32, #tpu.memory_space<vmem_shared>> -> memref<32x128xf32, #tpu.memory_space<vmem_shared>>
      %dma_wait3A_354 = arith.constant 0 : i32
      %dma_wait3A_355 = tpu.memref_slice %arg28[%add3A_309, %dma_wait3A_354] : memref<10112x128xf32, #tpu.memory_space<vmem_shared>> -> memref<32x128xf32, #tpu.memory_space<vmem_shared>>
      tpu.wait_dma2 semaphore(%run_scoped3A : memref<!tpu.dma_semaphore, #tpu.memory_space<semaphore_mem>>) src(%dma_wait3A_355 : memref<32x128xf32, #tpu.memory_space<vmem_shared>>) dst(%arg13 : memref<32x128xf32, #tpu.memory_space<vmem>>)
      tpu.yield
    }) : () -> ()
    "tpu.region"() ({
      %run_scoped3A = tpu.sem_alloc : memref<!tpu.dma_semaphore, #tpu.memory_space<semaphore_mem>>
      %dma_start3A_348 = arith.constant 0 : i32
      %dma_start3A_349 = tpu.memref_slice %arg9[%arg0, %add3A_309, %dma_start3A_348] : memref<2x10112x128xf32, #tpu.memory_space<hbm>> -> memref<1x32x128xf32, #tpu.memory_space<hbm>>
      %dma_start3A_350 = tpu.memref_squeeze %dma_start3A_349 : memref<1x32x128xf32, #tpu.memory_space<hbm>> -> memref<32x128xf32, #tpu.memory_space<hbm>>
      %dma_start3A_351 = arith.constant 0 : i32
      %dma_start3A_352 = tpu.memref_slice %arg9[%arg0, %add3A_309, %dma_start3A_351] : memref<2x10112x128xf32, #tpu.memory_space<hbm>> -> memref<1x32x128xf32, #tpu.memory_space<hbm>>
      %dma_start3A_353 = tpu.memref_squeeze %dma_start3A_352 : memref<1x32x128xf32, #tpu.memory_space<hbm>> -> memref<32x128xf32, #tpu.memory_space<hbm>>
      tpu.enqueue_dma source(%arg13 : memref<32x128xf32, #tpu.memory_space<vmem>>) target(%dma_start3A_353 : memref<32x128xf32, #tpu.memory_space<hbm>>) target_semaphore(%run_scoped3A : memref<!tpu.dma_semaphore, #tpu.memory_space<semaphore_mem>>)
      %dma_wait3A_354 = arith.constant 0 : i32
      %dma_wait3A_355 = tpu.memref_slice %arg9[%arg0, %add3A_309, %dma_wait3A_354] : memref<2x10112x128xf32, #tpu.memory_space<hbm>> -> memref<1x32x128xf32, #tpu.memory_space<hbm>>
      %dma_wait3A_356 = tpu.memref_squeeze %dma_wait3A_355 : memref<1x32x128xf32, #tpu.memory_space<hbm>> -> memref<32x128xf32, #tpu.memory_space<hbm>>
      %dma_wait3A_357 = arith.constant 0 : i32
      %dma_wait3A_358 = tpu.memref_slice %arg9[%arg0, %add3A_309, %dma_wait3A_357] : memref<2x10112x128xf32, #tpu.memory_space<hbm>> -> memref<1x32x128xf32, #tpu.memory_space<hbm>>
      %dma_wait3A_359 = tpu.memref_squeeze %dma_wait3A_358 : memref<1x32x128xf32, #tpu.memory_space<hbm>> -> memref<32x128xf32, #tpu.memory_space<hbm>>
      tpu.wait_dma2 semaphore(%run_scoped3A : memref<!tpu.dma_semaphore, #tpu.memory_space<semaphore_mem>>) src(%arg13 : memref<32x128xf32, #tpu.memory_space<vmem>>) dst(%dma_wait3A_359 : memref<32x128xf32, #tpu.memory_space<hbm>>)
      tpu.yield
    }) : () -> ()
    %add3A_310 = arith.constant 32 : i32
    %add3A_311 = arith.addi %mul3A_9, %add3A_310 : i32
    "tpu.region"() ({
      %run_scoped3A = tpu.sem_alloc : memref<!tpu.dma_semaphore, #tpu.memory_space<semaphore_mem>>
      %dma_start3A_348 = arith.constant 0 : i32
      %dma_start3A_349 = tpu.memref_slice %arg28[%add3A_311, %dma_start3A_348] : memref<10112x128xf32, #tpu.memory_space<vmem_shared>> -> memref<32x128xf32, #tpu.memory_space<vmem_shared>>
      %dma_start3A_350 = arith.constant 0 : i32
      %dma_start3A_351 = tpu.memref_slice %arg28[%add3A_311, %dma_start3A_350] : memref<10112x128xf32, #tpu.memory_space<vmem_shared>> -> memref<32x128xf32, #tpu.memory_space<vmem_shared>>
      tpu.enqueue_dma source(%dma_start3A_351 : memref<32x128xf32, #tpu.memory_space<vmem_shared>>) target(%arg13 : memref<32x128xf32, #tpu.memory_space<vmem>>) target_semaphore(%run_scoped3A : memref<!tpu.dma_semaphore, #tpu.memory_space<semaphore_mem>>)
      %dma_wait3A_352 = arith.constant 0 : i32
      %dma_wait3A_353 = tpu.memref_slice %arg28[%add3A_311, %dma_wait3A_352] : memref<10112x128xf32, #tpu.memory_space<vmem_shared>> -> memref<32x128xf32, #tpu.memory_space<vmem_shared>>
      %dma_wait3A_354 = arith.constant 0 : i32
      %dma_wait3A_355 = tpu.memref_slice %arg28[%add3A_311, %dma_wait3A_354] : memref<10112x128xf32, #tpu.memory_space<vmem_shared>> -> memref<32x128xf32, #tpu.memory_space<vmem_shared>>
      tpu.wait_dma2 semaphore(%run_scoped3A : memref<!tpu.dma_semaphore, #tpu.memory_space<semaphore_mem>>) src(%dma_wait3A_355 : memref<32x128xf32, #tpu.memory_space<vmem_shared>>) dst(%arg13 : memref<32x128xf32, #tpu.memory_space<vmem>>)
      tpu.yield
    }) : () -> ()
    "tpu.region"() ({
      %run_scoped3A = tpu.sem_alloc : memref<!tpu.dma_semaphore, #tpu.memory_space<semaphore_mem>>
      %dma_start3A_348 = arith.constant 0 : i32
      %dma_start3A_349 = tpu.memref_slice %arg9[%arg0, %add3A_311, %dma_start3A_348] : memref<2x10112x128xf32, #tpu.memory_space<hbm>> -> memref<1x32x128xf32, #tpu.memory_space<hbm>>
      %dma_start3A_350 = tpu.memref_squeeze %dma_start3A_349 : memref<1x32x128xf32, #tpu.memory_space<hbm>> -> memref<32x128xf32, #tpu.memory_space<hbm>>
      %dma_start3A_351 = arith.constant 0 : i32
      %dma_start3A_352 = tpu.memref_slice %arg9[%arg0, %add3A_311, %dma_start3A_351] : memref<2x10112x128xf32, #tpu.memory_space<hbm>> -> memref<1x32x128xf32, #tpu.memory_space<hbm>>
      %dma_start3A_353 = tpu.memref_squeeze %dma_start3A_352 : memref<1x32x128xf32, #tpu.memory_space<hbm>> -> memref<32x128xf32, #tpu.memory_space<hbm>>
      tpu.enqueue_dma source(%arg13 : memref<32x128xf32, #tpu.memory_space<vmem>>) target(%dma_start3A_353 : memref<32x128xf32, #tpu.memory_space<hbm>>) target_semaphore(%run_scoped3A : memref<!tpu.dma_semaphore, #tpu.memory_space<semaphore_mem>>)
      %dma_wait3A_354 = arith.constant 0 : i32
      %dma_wait3A_355 = tpu.memref_slice %arg9[%arg0, %add3A_311, %dma_wait3A_354] : memref<2x10112x128xf32, #tpu.memory_space<hbm>> -> memref<1x32x128xf32, #tpu.memory_space<hbm>>
      %dma_wait3A_356 = tpu.memref_squeeze %dma_wait3A_355 : memref<1x32x128xf32, #tpu.memory_space<hbm>> -> memref<32x128xf32, #tpu.memory_space<hbm>>
      %dma_wait3A_357 = arith.constant 0 : i32
      %dma_wait3A_358 = tpu.memref_slice %arg9[%arg0, %add3A_311, %dma_wait3A_357] : memref<2x10112x128xf32, #tpu.memory_space<hbm>> -> memref<1x32x128xf32, #tpu.memory_space<hbm>>
      %dma_wait3A_359 = tpu.memref_squeeze %dma_wait3A_358 : memref<1x32x128xf32, #tpu.memory_space<hbm>> -> memref<32x128xf32, #tpu.memory_space<hbm>>
      tpu.wait_dma2 semaphore(%run_scoped3A : memref<!tpu.dma_semaphore, #tpu.memory_space<semaphore_mem>>) src(%arg13 : memref<32x128xf32, #tpu.memory_space<vmem>>) dst(%dma_wait3A_359 : memref<32x128xf32, #tpu.memory_space<hbm>>)
      tpu.yield
    }) : () -> ()
    %add3A_312 = arith.constant 64 : i32
    %add3A_313 = arith.addi %mul3A_9, %add3A_312 : i32
    "tpu.region"() ({
      %run_scoped3A = tpu.sem_alloc : memref<!tpu.dma_semaphore, #tpu.memory_space<semaphore_mem>>
      %dma_start3A_348 = arith.constant 0 : i32
      %dma_start3A_349 = tpu.memref_slice %arg28[%add3A_313, %dma_start3A_348] : memref<10112x128xf32, #tpu.memory_space<vmem_shared>> -> memref<32x128xf32, #tpu.memory_space<vmem_shared>>
      %dma_start3A_350 = arith.constant 0 : i32
      %dma_start3A_351 = tpu.memref_slice %arg28[%add3A_313, %dma_start3A_350] : memref<10112x128xf32, #tpu.memory_space<vmem_shared>> -> memref<32x128xf32, #tpu.memory_space<vmem_shared>>
      tpu.enqueue_dma source(%dma_start3A_351 : memref<32x128xf32, #tpu.memory_space<vmem_shared>>) target(%arg13 : memref<32x128xf32, #tpu.memory_space<vmem>>) target_semaphore(%run_scoped3A : memref<!tpu.dma_semaphore, #tpu.memory_space<semaphore_mem>>)
      %dma_wait3A_352 = arith.constant 0 : i32
      %dma_wait3A_353 = tpu.memref_slice %arg28[%add3A_313, %dma_wait3A_352] : memref<10112x128xf32, #tpu.memory_space<vmem_shared>> -> memref<32x128xf32, #tpu.memory_space<vmem_shared>>
      %dma_wait3A_354 = arith.constant 0 : i32
      %dma_wait3A_355 = tpu.memref_slice %arg28[%add3A_313, %dma_wait3A_354] : memref<10112x128xf32, #tpu.memory_space<vmem_shared>> -> memref<32x128xf32, #tpu.memory_space<vmem_shared>>
      tpu.wait_dma2 semaphore(%run_scoped3A : memref<!tpu.dma_semaphore, #tpu.memory_space<semaphore_mem>>) src(%dma_wait3A_355 : memref<32x128xf32, #tpu.memory_space<vmem_shared>>) dst(%arg13 : memref<32x128xf32, #tpu.memory_space<vmem>>)
      tpu.yield
    }) : () -> ()
    "tpu.region"() ({
      %run_scoped3A = tpu.sem_alloc : memref<!tpu.dma_semaphore, #tpu.memory_space<semaphore_mem>>
      %dma_start3A_348 = arith.constant 0 : i32
      %dma_start3A_349 = tpu.memref_slice %arg9[%arg0, %add3A_313, %dma_start3A_348] : memref<2x10112x128xf32, #tpu.memory_space<hbm>> -> memref<1x32x128xf32, #tpu.memory_space<hbm>>
      %dma_start3A_350 = tpu.memref_squeeze %dma_start3A_349 : memref<1x32x128xf32, #tpu.memory_space<hbm>> -> memref<32x128xf32, #tpu.memory_space<hbm>>
      %dma_start3A_351 = arith.constant 0 : i32
      %dma_start3A_352 = tpu.memref_slice %arg9[%arg0, %add3A_313, %dma_start3A_351] : memref<2x10112x128xf32, #tpu.memory_space<hbm>> -> memref<1x32x128xf32, #tpu.memory_space<hbm>>
      %dma_start3A_353 = tpu.memref_squeeze %dma_start3A_352 : memref<1x32x128xf32, #tpu.memory_space<hbm>> -> memref<32x128xf32, #tpu.memory_space<hbm>>
      tpu.enqueue_dma source(%arg13 : memref<32x128xf32, #tpu.memory_space<vmem>>) target(%dma_start3A_353 : memref<32x128xf32, #tpu.memory_space<hbm>>) target_semaphore(%run_scoped3A : memref<!tpu.dma_semaphore, #tpu.memory_space<semaphore_mem>>)
      %dma_wait3A_354 = arith.constant 0 : i32
      %dma_wait3A_355 = tpu.memref_slice %arg9[%arg0, %add3A_313, %dma_wait3A_354] : memref<2x10112x128xf32, #tpu.memory_space<hbm>> -> memref<1x32x128xf32, #tpu.memory_space<hbm>>
      %dma_wait3A_356 = tpu.memref_squeeze %dma_wait3A_355 : memref<1x32x128xf32, #tpu.memory_space<hbm>> -> memref<32x128xf32, #tpu.memory_space<hbm>>
      %dma_wait3A_357 = arith.constant 0 : i32
      %dma_wait3A_358 = tpu.memref_slice %arg9[%arg0, %add3A_313, %dma_wait3A_357] : memref<2x10112x128xf32, #tpu.memory_space<hbm>> -> memref<1x32x128xf32, #tpu.memory_space<hbm>>
      %dma_wait3A_359 = tpu.memref_squeeze %dma_wait3A_358 : memref<1x32x128xf32, #tpu.memory_space<hbm>> -> memref<32x128xf32, #tpu.memory_space<hbm>>
      tpu.wait_dma2 semaphore(%run_scoped3A : memref<!tpu.dma_semaphore, #tpu.memory_space<semaphore_mem>>) src(%arg13 : memref<32x128xf32, #tpu.memory_space<vmem>>) dst(%dma_wait3A_359 : memref<32x128xf32, #tpu.memory_space<hbm>>)
      tpu.yield
    }) : () -> ()
    %add3A_314 = arith.constant 96 : i32
    %add3A_315 = arith.addi %mul3A_9, %add3A_314 : i32
    "tpu.region"() ({
      %run_scoped3A = tpu.sem_alloc : memref<!tpu.dma_semaphore, #tpu.memory_space<semaphore_mem>>
      %dma_start3A_348 = arith.constant 0 : i32
      %dma_start3A_349 = tpu.memref_slice %arg28[%add3A_315, %dma_start3A_348] : memref<10112x128xf32, #tpu.memory_space<vmem_shared>> -> memref<32x128xf32, #tpu.memory_space<vmem_shared>>
      %dma_start3A_350 = arith.constant 0 : i32
      %dma_start3A_351 = tpu.memref_slice %arg28[%add3A_315, %dma_start3A_350] : memref<10112x128xf32, #tpu.memory_space<vmem_shared>> -> memref<32x128xf32, #tpu.memory_space<vmem_shared>>
      tpu.enqueue_dma source(%dma_start3A_351 : memref<32x128xf32, #tpu.memory_space<vmem_shared>>) target(%arg13 : memref<32x128xf32, #tpu.memory_space<vmem>>) target_semaphore(%run_scoped3A : memref<!tpu.dma_semaphore, #tpu.memory_space<semaphore_mem>>)
      %dma_wait3A_352 = arith.constant 0 : i32
      %dma_wait3A_353 = tpu.memref_slice %arg28[%add3A_315, %dma_wait3A_352] : memref<10112x128xf32, #tpu.memory_space<vmem_shared>> -> memref<32x128xf32, #tpu.memory_space<vmem_shared>>
      %dma_wait3A_354 = arith.constant 0 : i32
      %dma_wait3A_355 = tpu.memref_slice %arg28[%add3A_315, %dma_wait3A_354] : memref<10112x128xf32, #tpu.memory_space<vmem_shared>> -> memref<32x128xf32, #tpu.memory_space<vmem_shared>>
      tpu.wait_dma2 semaphore(%run_scoped3A : memref<!tpu.dma_semaphore, #tpu.memory_space<semaphore_mem>>) src(%dma_wait3A_355 : memref<32x128xf32, #tpu.memory_space<vmem_shared>>) dst(%arg13 : memref<32x128xf32, #tpu.memory_space<vmem>>)
      tpu.yield
    }) : () -> ()
    "tpu.region"() ({
      %run_scoped3A = tpu.sem_alloc : memref<!tpu.dma_semaphore, #tpu.memory_space<semaphore_mem>>
      %dma_start3A_348 = arith.constant 0 : i32
      %dma_start3A_349 = tpu.memref_slice %arg9[%arg0, %add3A_315, %dma_start3A_348] : memref<2x10112x128xf32, #tpu.memory_space<hbm>> -> memref<1x32x128xf32, #tpu.memory_space<hbm>>
      %dma_start3A_350 = tpu.memref_squeeze %dma_start3A_349 : memref<1x32x128xf32, #tpu.memory_space<hbm>> -> memref<32x128xf32, #tpu.memory_space<hbm>>
      %dma_start3A_351 = arith.constant 0 : i32
      %dma_start3A_352 = tpu.memref_slice %arg9[%arg0, %add3A_315, %dma_start3A_351] : memref<2x10112x128xf32, #tpu.memory_space<hbm>> -> memref<1x32x128xf32, #tpu.memory_space<hbm>>
      %dma_start3A_353 = tpu.memref_squeeze %dma_start3A_352 : memref<1x32x128xf32, #tpu.memory_space<hbm>> -> memref<32x128xf32, #tpu.memory_space<hbm>>
      tpu.enqueue_dma source(%arg13 : memref<32x128xf32, #tpu.memory_space<vmem>>) target(%dma_start3A_353 : memref<32x128xf32, #tpu.memory_space<hbm>>) target_semaphore(%run_scoped3A : memref<!tpu.dma_semaphore, #tpu.memory_space<semaphore_mem>>)
      %dma_wait3A_354 = arith.constant 0 : i32
      %dma_wait3A_355 = tpu.memref_slice %arg9[%arg0, %add3A_315, %dma_wait3A_354] : memref<2x10112x128xf32, #tpu.memory_space<hbm>> -> memref<1x32x128xf32, #tpu.memory_space<hbm>>
      %dma_wait3A_356 = tpu.memref_squeeze %dma_wait3A_355 : memref<1x32x128xf32, #tpu.memory_space<hbm>> -> memref<32x128xf32, #tpu.memory_space<hbm>>
      %dma_wait3A_357 = arith.constant 0 : i32
      %dma_wait3A_358 = tpu.memref_slice %arg9[%arg0, %add3A_315, %dma_wait3A_357] : memref<2x10112x128xf32, #tpu.memory_space<hbm>> -> memref<1x32x128xf32, #tpu.memory_space<hbm>>
      %dma_wait3A_359 = tpu.memref_squeeze %dma_wait3A_358 : memref<1x32x128xf32, #tpu.memory_space<hbm>> -> memref<32x128xf32, #tpu.memory_space<hbm>>
      tpu.wait_dma2 semaphore(%run_scoped3A : memref<!tpu.dma_semaphore, #tpu.memory_space<semaphore_mem>>) src(%arg13 : memref<32x128xf32, #tpu.memory_space<vmem>>) dst(%dma_wait3A_359 : memref<32x128xf32, #tpu.memory_space<hbm>>)
      tpu.yield
    }) : () -> ()
    %add3A_316 = arith.constant 128 : i32
    %add3A_317 = arith.addi %mul3A_9, %add3A_316 : i32
    "tpu.region"() ({
      %run_scoped3A = tpu.sem_alloc : memref<!tpu.dma_semaphore, #tpu.memory_space<semaphore_mem>>
      %dma_start3A_348 = arith.constant 0 : i32
      %dma_start3A_349 = tpu.memref_slice %arg28[%add3A_317, %dma_start3A_348] : memref<10112x128xf32, #tpu.memory_space<vmem_shared>> -> memref<32x128xf32, #tpu.memory_space<vmem_shared>>
      %dma_start3A_350 = arith.constant 0 : i32
      %dma_start3A_351 = tpu.memref_slice %arg28[%add3A_317, %dma_start3A_350] : memref<10112x128xf32, #tpu.memory_space<vmem_shared>> -> memref<32x128xf32, #tpu.memory_space<vmem_shared>>
      tpu.enqueue_dma source(%dma_start3A_351 : memref<32x128xf32, #tpu.memory_space<vmem_shared>>) target(%arg13 : memref<32x128xf32, #tpu.memory_space<vmem>>) target_semaphore(%run_scoped3A : memref<!tpu.dma_semaphore, #tpu.memory_space<semaphore_mem>>)
      %dma_wait3A_352 = arith.constant 0 : i32
      %dma_wait3A_353 = tpu.memref_slice %arg28[%add3A_317, %dma_wait3A_352] : memref<10112x128xf32, #tpu.memory_space<vmem_shared>> -> memref<32x128xf32, #tpu.memory_space<vmem_shared>>
      %dma_wait3A_354 = arith.constant 0 : i32
      %dma_wait3A_355 = tpu.memref_slice %arg28[%add3A_317, %dma_wait3A_354] : memref<10112x128xf32, #tpu.memory_space<vmem_shared>> -> memref<32x128xf32, #tpu.memory_space<vmem_shared>>
      tpu.wait_dma2 semaphore(%run_scoped3A : memref<!tpu.dma_semaphore, #tpu.memory_space<semaphore_mem>>) src(%dma_wait3A_355 : memref<32x128xf32, #tpu.memory_space<vmem_shared>>) dst(%arg13 : memref<32x128xf32, #tpu.memory_space<vmem>>)
      tpu.yield
    }) : () -> ()
    "tpu.region"() ({
      %run_scoped3A = tpu.sem_alloc : memref<!tpu.dma_semaphore, #tpu.memory_space<semaphore_mem>>
      %dma_start3A_348 = arith.constant 0 : i32
      %dma_start3A_349 = tpu.memref_slice %arg9[%arg0, %add3A_317, %dma_start3A_348] : memref<2x10112x128xf32, #tpu.memory_space<hbm>> -> memref<1x32x128xf32, #tpu.memory_space<hbm>>
      %dma_start3A_350 = tpu.memref_squeeze %dma_start3A_349 : memref<1x32x128xf32, #tpu.memory_space<hbm>> -> memref<32x128xf32, #tpu.memory_space<hbm>>
      %dma_start3A_351 = arith.constant 0 : i32
      %dma_start3A_352 = tpu.memref_slice %arg9[%arg0, %add3A_317, %dma_start3A_351] : memref<2x10112x128xf32, #tpu.memory_space<hbm>> -> memref<1x32x128xf32, #tpu.memory_space<hbm>>
      %dma_start3A_353 = tpu.memref_squeeze %dma_start3A_352 : memref<1x32x128xf32, #tpu.memory_space<hbm>> -> memref<32x128xf32, #tpu.memory_space<hbm>>
      tpu.enqueue_dma source(%arg13 : memref<32x128xf32, #tpu.memory_space<vmem>>) target(%dma_start3A_353 : memref<32x128xf32, #tpu.memory_space<hbm>>) target_semaphore(%run_scoped3A : memref<!tpu.dma_semaphore, #tpu.memory_space<semaphore_mem>>)
      %dma_wait3A_354 = arith.constant 0 : i32
      %dma_wait3A_355 = tpu.memref_slice %arg9[%arg0, %add3A_317, %dma_wait3A_354] : memref<2x10112x128xf32, #tpu.memory_space<hbm>> -> memref<1x32x128xf32, #tpu.memory_space<hbm>>
      %dma_wait3A_356 = tpu.memref_squeeze %dma_wait3A_355 : memref<1x32x128xf32, #tpu.memory_space<hbm>> -> memref<32x128xf32, #tpu.memory_space<hbm>>
      %dma_wait3A_357 = arith.constant 0 : i32
      %dma_wait3A_358 = tpu.memref_slice %arg9[%arg0, %add3A_317, %dma_wait3A_357] : memref<2x10112x128xf32, #tpu.memory_space<hbm>> -> memref<1x32x128xf32, #tpu.memory_space<hbm>>
      %dma_wait3A_359 = tpu.memref_squeeze %dma_wait3A_358 : memref<1x32x128xf32, #tpu.memory_space<hbm>> -> memref<32x128xf32, #tpu.memory_space<hbm>>
      tpu.wait_dma2 semaphore(%run_scoped3A : memref<!tpu.dma_semaphore, #tpu.memory_space<semaphore_mem>>) src(%arg13 : memref<32x128xf32, #tpu.memory_space<vmem>>) dst(%dma_wait3A_359 : memref<32x128xf32, #tpu.memory_space<hbm>>)
      tpu.yield
    }) : () -> ()
    %add3A_318 = arith.constant 160 : i32
    %add3A_319 = arith.addi %mul3A_9, %add3A_318 : i32
    "tpu.region"() ({
      %run_scoped3A = tpu.sem_alloc : memref<!tpu.dma_semaphore, #tpu.memory_space<semaphore_mem>>
      %dma_start3A_348 = arith.constant 0 : i32
      %dma_start3A_349 = tpu.memref_slice %arg28[%add3A_319, %dma_start3A_348] : memref<10112x128xf32, #tpu.memory_space<vmem_shared>> -> memref<32x128xf32, #tpu.memory_space<vmem_shared>>
      %dma_start3A_350 = arith.constant 0 : i32
      %dma_start3A_351 = tpu.memref_slice %arg28[%add3A_319, %dma_start3A_350] : memref<10112x128xf32, #tpu.memory_space<vmem_shared>> -> memref<32x128xf32, #tpu.memory_space<vmem_shared>>
      tpu.enqueue_dma source(%dma_start3A_351 : memref<32x128xf32, #tpu.memory_space<vmem_shared>>) target(%arg13 : memref<32x128xf32, #tpu.memory_space<vmem>>) target_semaphore(%run_scoped3A : memref<!tpu.dma_semaphore, #tpu.memory_space<semaphore_mem>>)
      %dma_wait3A_352 = arith.constant 0 : i32
      %dma_wait3A_353 = tpu.memref_slice %arg28[%add3A_319, %dma_wait3A_352] : memref<10112x128xf32, #tpu.memory_space<vmem_shared>> -> memref<32x128xf32, #tpu.memory_space<vmem_shared>>
      %dma_wait3A_354 = arith.constant 0 : i32
      %dma_wait3A_355 = tpu.memref_slice %arg28[%add3A_319, %dma_wait3A_354] : memref<10112x128xf32, #tpu.memory_space<vmem_shared>> -> memref<32x128xf32, #tpu.memory_space<vmem_shared>>
      tpu.wait_dma2 semaphore(%run_scoped3A : memref<!tpu.dma_semaphore, #tpu.memory_space<semaphore_mem>>) src(%dma_wait3A_355 : memref<32x128xf32, #tpu.memory_space<vmem_shared>>) dst(%arg13 : memref<32x128xf32, #tpu.memory_space<vmem>>)
      tpu.yield
    }) : () -> ()
    "tpu.region"() ({
      %run_scoped3A = tpu.sem_alloc : memref<!tpu.dma_semaphore, #tpu.memory_space<semaphore_mem>>
      %dma_start3A_348 = arith.constant 0 : i32
      %dma_start3A_349 = tpu.memref_slice %arg9[%arg0, %add3A_319, %dma_start3A_348] : memref<2x10112x128xf32, #tpu.memory_space<hbm>> -> memref<1x32x128xf32, #tpu.memory_space<hbm>>
      %dma_start3A_350 = tpu.memref_squeeze %dma_start3A_349 : memref<1x32x128xf32, #tpu.memory_space<hbm>> -> memref<32x128xf32, #tpu.memory_space<hbm>>
      %dma_start3A_351 = arith.constant 0 : i32
      %dma_start3A_352 = tpu.memref_slice %arg9[%arg0, %add3A_319, %dma_start3A_351] : memref<2x10112x128xf32, #tpu.memory_space<hbm>> -> memref<1x32x128xf32, #tpu.memory_space<hbm>>
      %dma_start3A_353 = tpu.memref_squeeze %dma_start3A_352 : memref<1x32x128xf32, #tpu.memory_space<hbm>> -> memref<32x128xf32, #tpu.memory_space<hbm>>
      tpu.enqueue_dma source(%arg13 : memref<32x128xf32, #tpu.memory_space<vmem>>) target(%dma_start3A_353 : memref<32x128xf32, #tpu.memory_space<hbm>>) target_semaphore(%run_scoped3A : memref<!tpu.dma_semaphore, #tpu.memory_space<semaphore_mem>>)
      %dma_wait3A_354 = arith.constant 0 : i32
      %dma_wait3A_355 = tpu.memref_slice %arg9[%arg0, %add3A_319, %dma_wait3A_354] : memref<2x10112x128xf32, #tpu.memory_space<hbm>> -> memref<1x32x128xf32, #tpu.memory_space<hbm>>
      %dma_wait3A_356 = tpu.memref_squeeze %dma_wait3A_355 : memref<1x32x128xf32, #tpu.memory_space<hbm>> -> memref<32x128xf32, #tpu.memory_space<hbm>>
      %dma_wait3A_357 = arith.constant 0 : i32
      %dma_wait3A_358 = tpu.memref_slice %arg9[%arg0, %add3A_319, %dma_wait3A_357] : memref<2x10112x128xf32, #tpu.memory_space<hbm>> -> memref<1x32x128xf32, #tpu.memory_space<hbm>>
      %dma_wait3A_359 = tpu.memref_squeeze %dma_wait3A_358 : memref<1x32x128xf32, #tpu.memory_space<hbm>> -> memref<32x128xf32, #tpu.memory_space<hbm>>
      tpu.wait_dma2 semaphore(%run_scoped3A : memref<!tpu.dma_semaphore, #tpu.memory_space<semaphore_mem>>) src(%arg13 : memref<32x128xf32, #tpu.memory_space<vmem>>) dst(%dma_wait3A_359 : memref<32x128xf32, #tpu.memory_space<hbm>>)
      tpu.yield
    }) : () -> ()
    %add3A_320 = arith.constant 192 : i32
    %add3A_321 = arith.addi %mul3A_9, %add3A_320 : i32
    "tpu.region"() ({
      %run_scoped3A = tpu.sem_alloc : memref<!tpu.dma_semaphore, #tpu.memory_space<semaphore_mem>>
      %dma_start3A_348 = arith.constant 0 : i32
      %dma_start3A_349 = tpu.memref_slice %arg28[%add3A_321, %dma_start3A_348] : memref<10112x128xf32, #tpu.memory_space<vmem_shared>> -> memref<32x128xf32, #tpu.memory_space<vmem_shared>>
      %dma_start3A_350 = arith.constant 0 : i32
      %dma_start3A_351 = tpu.memref_slice %arg28[%add3A_321, %dma_start3A_350] : memref<10112x128xf32, #tpu.memory_space<vmem_shared>> -> memref<32x128xf32, #tpu.memory_space<vmem_shared>>
      tpu.enqueue_dma source(%dma_start3A_351 : memref<32x128xf32, #tpu.memory_space<vmem_shared>>) target(%arg13 : memref<32x128xf32, #tpu.memory_space<vmem>>) target_semaphore(%run_scoped3A : memref<!tpu.dma_semaphore, #tpu.memory_space<semaphore_mem>>)
      %dma_wait3A_352 = arith.constant 0 : i32
      %dma_wait3A_353 = tpu.memref_slice %arg28[%add3A_321, %dma_wait3A_352] : memref<10112x128xf32, #tpu.memory_space<vmem_shared>> -> memref<32x128xf32, #tpu.memory_space<vmem_shared>>
      %dma_wait3A_354 = arith.constant 0 : i32
      %dma_wait3A_355 = tpu.memref_slice %arg28[%add3A_321, %dma_wait3A_354] : memref<10112x128xf32, #tpu.memory_space<vmem_shared>> -> memref<32x128xf32, #tpu.memory_space<vmem_shared>>
      tpu.wait_dma2 semaphore(%run_scoped3A : memref<!tpu.dma_semaphore, #tpu.memory_space<semaphore_mem>>) src(%dma_wait3A_355 : memref<32x128xf32, #tpu.memory_space<vmem_shared>>) dst(%arg13 : memref<32x128xf32, #tpu.memory_space<vmem>>)
      tpu.yield
    }) : () -> ()
    "tpu.region"() ({
      %run_scoped3A = tpu.sem_alloc : memref<!tpu.dma_semaphore, #tpu.memory_space<semaphore_mem>>
      %dma_start3A_348 = arith.constant 0 : i32
      %dma_start3A_349 = tpu.memref_slice %arg9[%arg0, %add3A_321, %dma_start3A_348] : memref<2x10112x128xf32, #tpu.memory_space<hbm>> -> memref<1x32x128xf32, #tpu.memory_space<hbm>>
      %dma_start3A_350 = tpu.memref_squeeze %dma_start3A_349 : memref<1x32x128xf32, #tpu.memory_space<hbm>> -> memref<32x128xf32, #tpu.memory_space<hbm>>
      %dma_start3A_351 = arith.constant 0 : i32
      %dma_start3A_352 = tpu.memref_slice %arg9[%arg0, %add3A_321, %dma_start3A_351] : memref<2x10112x128xf32, #tpu.memory_space<hbm>> -> memref<1x32x128xf32, #tpu.memory_space<hbm>>
      %dma_start3A_353 = tpu.memref_squeeze %dma_start3A_352 : memref<1x32x128xf32, #tpu.memory_space<hbm>> -> memref<32x128xf32, #tpu.memory_space<hbm>>
      tpu.enqueue_dma source(%arg13 : memref<32x128xf32, #tpu.memory_space<vmem>>) target(%dma_start3A_353 : memref<32x128xf32, #tpu.memory_space<hbm>>) target_semaphore(%run_scoped3A : memref<!tpu.dma_semaphore, #tpu.memory_space<semaphore_mem>>)
      %dma_wait3A_354 = arith.constant 0 : i32
      %dma_wait3A_355 = tpu.memref_slice %arg9[%arg0, %add3A_321, %dma_wait3A_354] : memref<2x10112x128xf32, #tpu.memory_space<hbm>> -> memref<1x32x128xf32, #tpu.memory_space<hbm>>
      %dma_wait3A_356 = tpu.memref_squeeze %dma_wait3A_355 : memref<1x32x128xf32, #tpu.memory_space<hbm>> -> memref<32x128xf32, #tpu.memory_space<hbm>>
      %dma_wait3A_357 = arith.constant 0 : i32
      %dma_wait3A_358 = tpu.memref_slice %arg9[%arg0, %add3A_321, %dma_wait3A_357] : memref<2x10112x128xf32, #tpu.memory_space<hbm>> -> memref<1x32x128xf32, #tpu.memory_space<hbm>>
      %dma_wait3A_359 = tpu.memref_squeeze %dma_wait3A_358 : memref<1x32x128xf32, #tpu.memory_space<hbm>> -> memref<32x128xf32, #tpu.memory_space<hbm>>
      tpu.wait_dma2 semaphore(%run_scoped3A : memref<!tpu.dma_semaphore, #tpu.memory_space<semaphore_mem>>) src(%arg13 : memref<32x128xf32, #tpu.memory_space<vmem>>) dst(%dma_wait3A_359 : memref<32x128xf32, #tpu.memory_space<hbm>>)
      tpu.yield
    }) : () -> ()
    %add3A_322 = arith.constant 224 : i32
    %add3A_323 = arith.addi %mul3A_9, %add3A_322 : i32
    "tpu.region"() ({
      %run_scoped3A = tpu.sem_alloc : memref<!tpu.dma_semaphore, #tpu.memory_space<semaphore_mem>>
      %dma_start3A_348 = arith.constant 0 : i32
      %dma_start3A_349 = tpu.memref_slice %arg28[%add3A_323, %dma_start3A_348] : memref<10112x128xf32, #tpu.memory_space<vmem_shared>> -> memref<32x128xf32, #tpu.memory_space<vmem_shared>>
      %dma_start3A_350 = arith.constant 0 : i32
      %dma_start3A_351 = tpu.memref_slice %arg28[%add3A_323, %dma_start3A_350] : memref<10112x128xf32, #tpu.memory_space<vmem_shared>> -> memref<32x128xf32, #tpu.memory_space<vmem_shared>>
      tpu.enqueue_dma source(%dma_start3A_351 : memref<32x128xf32, #tpu.memory_space<vmem_shared>>) target(%arg13 : memref<32x128xf32, #tpu.memory_space<vmem>>) target_semaphore(%run_scoped3A : memref<!tpu.dma_semaphore, #tpu.memory_space<semaphore_mem>>)
      %dma_wait3A_352 = arith.constant 0 : i32
      %dma_wait3A_353 = tpu.memref_slice %arg28[%add3A_323, %dma_wait3A_352] : memref<10112x128xf32, #tpu.memory_space<vmem_shared>> -> memref<32x128xf32, #tpu.memory_space<vmem_shared>>
      %dma_wait3A_354 = arith.constant 0 : i32
      %dma_wait3A_355 = tpu.memref_slice %arg28[%add3A_323, %dma_wait3A_354] : memref<10112x128xf32, #tpu.memory_space<vmem_shared>> -> memref<32x128xf32, #tpu.memory_space<vmem_shared>>
      tpu.wait_dma2 semaphore(%run_scoped3A : memref<!tpu.dma_semaphore, #tpu.memory_space<semaphore_mem>>) src(%dma_wait3A_355 : memref<32x128xf32, #tpu.memory_space<vmem_shared>>) dst(%arg13 : memref<32x128xf32, #tpu.memory_space<vmem>>)
      tpu.yield
    }) : () -> ()
    "tpu.region"() ({
      %run_scoped3A = tpu.sem_alloc : memref<!tpu.dma_semaphore, #tpu.memory_space<semaphore_mem>>
      %dma_start3A_348 = arith.constant 0 : i32
      %dma_start3A_349 = tpu.memref_slice %arg9[%arg0, %add3A_323, %dma_start3A_348] : memref<2x10112x128xf32, #tpu.memory_space<hbm>> -> memref<1x32x128xf32, #tpu.memory_space<hbm>>
      %dma_start3A_350 = tpu.memref_squeeze %dma_start3A_349 : memref<1x32x128xf32, #tpu.memory_space<hbm>> -> memref<32x128xf32, #tpu.memory_space<hbm>>
      %dma_start3A_351 = arith.constant 0 : i32
      %dma_start3A_352 = tpu.memref_slice %arg9[%arg0, %add3A_323, %dma_start3A_351] : memref<2x10112x128xf32, #tpu.memory_space<hbm>> -> memref<1x32x128xf32, #tpu.memory_space<hbm>>
      %dma_start3A_353 = tpu.memref_squeeze %dma_start3A_352 : memref<1x32x128xf32, #tpu.memory_space<hbm>> -> memref<32x128xf32, #tpu.memory_space<hbm>>
      tpu.enqueue_dma source(%arg13 : memref<32x128xf32, #tpu.memory_space<vmem>>) target(%dma_start3A_353 : memref<32x128xf32, #tpu.memory_space<hbm>>) target_semaphore(%run_scoped3A : memref<!tpu.dma_semaphore, #tpu.memory_space<semaphore_mem>>)
      %dma_wait3A_354 = arith.constant 0 : i32
      %dma_wait3A_355 = tpu.memref_slice %arg9[%arg0, %add3A_323, %dma_wait3A_354] : memref<2x10112x128xf32, #tpu.memory_space<hbm>> -> memref<1x32x128xf32, #tpu.memory_space<hbm>>
      %dma_wait3A_356 = tpu.memref_squeeze %dma_wait3A_355 : memref<1x32x128xf32, #tpu.memory_space<hbm>> -> memref<32x128xf32, #tpu.memory_space<hbm>>
      %dma_wait3A_357 = arith.constant 0 : i32
      %dma_wait3A_358 = tpu.memref_slice %arg9[%arg0, %add3A_323, %dma_wait3A_357] : memref<2x10112x128xf32, #tpu.memory_space<hbm>> -> memref<1x32x128xf32, #tpu.memory_space<hbm>>
      %dma_wait3A_359 = tpu.memref_squeeze %dma_wait3A_358 : memref<1x32x128xf32, #tpu.memory_space<hbm>> -> memref<32x128xf32, #tpu.memory_space<hbm>>
      tpu.wait_dma2 semaphore(%run_scoped3A : memref<!tpu.dma_semaphore, #tpu.memory_space<semaphore_mem>>) src(%arg13 : memref<32x128xf32, #tpu.memory_space<vmem>>) dst(%dma_wait3A_359 : memref<32x128xf32, #tpu.memory_space<hbm>>)
      tpu.yield
    }) : () -> ()
    %add3A_324 = arith.constant 256 : i32
    %add3A_325 = arith.addi %mul3A_9, %add3A_324 : i32
    "tpu.region"() ({
      %run_scoped3A = tpu.sem_alloc : memref<!tpu.dma_semaphore, #tpu.memory_space<semaphore_mem>>
      %dma_start3A_348 = arith.constant 0 : i32
      %dma_start3A_349 = tpu.memref_slice %arg28[%add3A_325, %dma_start3A_348] : memref<10112x128xf32, #tpu.memory_space<vmem_shared>> -> memref<32x128xf32, #tpu.memory_space<vmem_shared>>
      %dma_start3A_350 = arith.constant 0 : i32
      %dma_start3A_351 = tpu.memref_slice %arg28[%add3A_325, %dma_start3A_350] : memref<10112x128xf32, #tpu.memory_space<vmem_shared>> -> memref<32x128xf32, #tpu.memory_space<vmem_shared>>
      tpu.enqueue_dma source(%dma_start3A_351 : memref<32x128xf32, #tpu.memory_space<vmem_shared>>) target(%arg13 : memref<32x128xf32, #tpu.memory_space<vmem>>) target_semaphore(%run_scoped3A : memref<!tpu.dma_semaphore, #tpu.memory_space<semaphore_mem>>)
      %dma_wait3A_352 = arith.constant 0 : i32
      %dma_wait3A_353 = tpu.memref_slice %arg28[%add3A_325, %dma_wait3A_352] : memref<10112x128xf32, #tpu.memory_space<vmem_shared>> -> memref<32x128xf32, #tpu.memory_space<vmem_shared>>
      %dma_wait3A_354 = arith.constant 0 : i32
      %dma_wait3A_355 = tpu.memref_slice %arg28[%add3A_325, %dma_wait3A_354] : memref<10112x128xf32, #tpu.memory_space<vmem_shared>> -> memref<32x128xf32, #tpu.memory_space<vmem_shared>>
      tpu.wait_dma2 semaphore(%run_scoped3A : memref<!tpu.dma_semaphore, #tpu.memory_space<semaphore_mem>>) src(%dma_wait3A_355 : memref<32x128xf32, #tpu.memory_space<vmem_shared>>) dst(%arg13 : memref<32x128xf32, #tpu.memory_space<vmem>>)
      tpu.yield
    }) : () -> ()
    "tpu.region"() ({
      %run_scoped3A = tpu.sem_alloc : memref<!tpu.dma_semaphore, #tpu.memory_space<semaphore_mem>>
      %dma_start3A_348 = arith.constant 0 : i32
      %dma_start3A_349 = tpu.memref_slice %arg9[%arg0, %add3A_325, %dma_start3A_348] : memref<2x10112x128xf32, #tpu.memory_space<hbm>> -> memref<1x32x128xf32, #tpu.memory_space<hbm>>
      %dma_start3A_350 = tpu.memref_squeeze %dma_start3A_349 : memref<1x32x128xf32, #tpu.memory_space<hbm>> -> memref<32x128xf32, #tpu.memory_space<hbm>>
      %dma_start3A_351 = arith.constant 0 : i32
      %dma_start3A_352 = tpu.memref_slice %arg9[%arg0, %add3A_325, %dma_start3A_351] : memref<2x10112x128xf32, #tpu.memory_space<hbm>> -> memref<1x32x128xf32, #tpu.memory_space<hbm>>
      %dma_start3A_353 = tpu.memref_squeeze %dma_start3A_352 : memref<1x32x128xf32, #tpu.memory_space<hbm>> -> memref<32x128xf32, #tpu.memory_space<hbm>>
      tpu.enqueue_dma source(%arg13 : memref<32x128xf32, #tpu.memory_space<vmem>>) target(%dma_start3A_353 : memref<32x128xf32, #tpu.memory_space<hbm>>) target_semaphore(%run_scoped3A : memref<!tpu.dma_semaphore, #tpu.memory_space<semaphore_mem>>)
      %dma_wait3A_354 = arith.constant 0 : i32
      %dma_wait3A_355 = tpu.memref_slice %arg9[%arg0, %add3A_325, %dma_wait3A_354] : memref<2x10112x128xf32, #tpu.memory_space<hbm>> -> memref<1x32x128xf32, #tpu.memory_space<hbm>>
      %dma_wait3A_356 = tpu.memref_squeeze %dma_wait3A_355 : memref<1x32x128xf32, #tpu.memory_space<hbm>> -> memref<32x128xf32, #tpu.memory_space<hbm>>
      %dma_wait3A_357 = arith.constant 0 : i32
      %dma_wait3A_358 = tpu.memref_slice %arg9[%arg0, %add3A_325, %dma_wait3A_357] : memref<2x10112x128xf32, #tpu.memory_space<hbm>> -> memref<1x32x128xf32, #tpu.memory_space<hbm>>
      %dma_wait3A_359 = tpu.memref_squeeze %dma_wait3A_358 : memref<1x32x128xf32, #tpu.memory_space<hbm>> -> memref<32x128xf32, #tpu.memory_space<hbm>>
      tpu.wait_dma2 semaphore(%run_scoped3A : memref<!tpu.dma_semaphore, #tpu.memory_space<semaphore_mem>>) src(%arg13 : memref<32x128xf32, #tpu.memory_space<vmem>>) dst(%dma_wait3A_359 : memref<32x128xf32, #tpu.memory_space<hbm>>)
      tpu.yield
    }) : () -> ()
    %add3A_326 = arith.constant 288 : i32
    %add3A_327 = arith.addi %mul3A_9, %add3A_326 : i32
    "tpu.region"() ({
      %run_scoped3A = tpu.sem_alloc : memref<!tpu.dma_semaphore, #tpu.memory_space<semaphore_mem>>
      %dma_start3A_348 = arith.constant 0 : i32
      %dma_start3A_349 = tpu.memref_slice %arg28[%add3A_327, %dma_start3A_348] : memref<10112x128xf32, #tpu.memory_space<vmem_shared>> -> memref<32x128xf32, #tpu.memory_space<vmem_shared>>
      %dma_start3A_350 = arith.constant 0 : i32
      %dma_start3A_351 = tpu.memref_slice %arg28[%add3A_327, %dma_start3A_350] : memref<10112x128xf32, #tpu.memory_space<vmem_shared>> -> memref<32x128xf32, #tpu.memory_space<vmem_shared>>
      tpu.enqueue_dma source(%dma_start3A_351 : memref<32x128xf32, #tpu.memory_space<vmem_shared>>) target(%arg13 : memref<32x128xf32, #tpu.memory_space<vmem>>) target_semaphore(%run_scoped3A : memref<!tpu.dma_semaphore, #tpu.memory_space<semaphore_mem>>)
      %dma_wait3A_352 = arith.constant 0 : i32
      %dma_wait3A_353 = tpu.memref_slice %arg28[%add3A_327, %dma_wait3A_352] : memref<10112x128xf32, #tpu.memory_space<vmem_shared>> -> memref<32x128xf32, #tpu.memory_space<vmem_shared>>
      %dma_wait3A_354 = arith.constant 0 : i32
      %dma_wait3A_355 = tpu.memref_slice %arg28[%add3A_327, %dma_wait3A_354] : memref<10112x128xf32, #tpu.memory_space<vmem_shared>> -> memref<32x128xf32, #tpu.memory_space<vmem_shared>>
      tpu.wait_dma2 semaphore(%run_scoped3A : memref<!tpu.dma_semaphore, #tpu.memory_space<semaphore_mem>>) src(%dma_wait3A_355 : memref<32x128xf32, #tpu.memory_space<vmem_shared>>) dst(%arg13 : memref<32x128xf32, #tpu.memory_space<vmem>>)
      tpu.yield
    }) : () -> ()
    "tpu.region"() ({
      %run_scoped3A = tpu.sem_alloc : memref<!tpu.dma_semaphore, #tpu.memory_space<semaphore_mem>>
      %dma_start3A_348 = arith.constant 0 : i32
      %dma_start3A_349 = tpu.memref_slice %arg9[%arg0, %add3A_327, %dma_start3A_348] : memref<2x10112x128xf32, #tpu.memory_space<hbm>> -> memref<1x32x128xf32, #tpu.memory_space<hbm>>
      %dma_start3A_350 = tpu.memref_squeeze %dma_start3A_349 : memref<1x32x128xf32, #tpu.memory_space<hbm>> -> memref<32x128xf32, #tpu.memory_space<hbm>>
      %dma_start3A_351 = arith.constant 0 : i32
      %dma_start3A_352 = tpu.memref_slice %arg9[%arg0, %add3A_327, %dma_start3A_351] : memref<2x10112x128xf32, #tpu.memory_space<hbm>> -> memref<1x32x128xf32, #tpu.memory_space<hbm>>
      %dma_start3A_353 = tpu.memref_squeeze %dma_start3A_352 : memref<1x32x128xf32, #tpu.memory_space<hbm>> -> memref<32x128xf32, #tpu.memory_space<hbm>>
      tpu.enqueue_dma source(%arg13 : memref<32x128xf32, #tpu.memory_space<vmem>>) target(%dma_start3A_353 : memref<32x128xf32, #tpu.memory_space<hbm>>) target_semaphore(%run_scoped3A : memref<!tpu.dma_semaphore, #tpu.memory_space<semaphore_mem>>)
      %dma_wait3A_354 = arith.constant 0 : i32
      %dma_wait3A_355 = tpu.memref_slice %arg9[%arg0, %add3A_327, %dma_wait3A_354] : memref<2x10112x128xf32, #tpu.memory_space<hbm>> -> memref<1x32x128xf32, #tpu.memory_space<hbm>>
      %dma_wait3A_356 = tpu.memref_squeeze %dma_wait3A_355 : memref<1x32x128xf32, #tpu.memory_space<hbm>> -> memref<32x128xf32, #tpu.memory_space<hbm>>
      %dma_wait3A_357 = arith.constant 0 : i32
      %dma_wait3A_358 = tpu.memref_slice %arg9[%arg0, %add3A_327, %dma_wait3A_357] : memref<2x10112x128xf32, #tpu.memory_space<hbm>> -> memref<1x32x128xf32, #tpu.memory_space<hbm>>
      %dma_wait3A_359 = tpu.memref_squeeze %dma_wait3A_358 : memref<1x32x128xf32, #tpu.memory_space<hbm>> -> memref<32x128xf32, #tpu.memory_space<hbm>>
      tpu.wait_dma2 semaphore(%run_scoped3A : memref<!tpu.dma_semaphore, #tpu.memory_space<semaphore_mem>>) src(%arg13 : memref<32x128xf32, #tpu.memory_space<vmem>>) dst(%dma_wait3A_359 : memref<32x128xf32, #tpu.memory_space<hbm>>)
      tpu.yield
    }) : () -> ()
    %add3A_328 = arith.constant 320 : i32
    %add3A_329 = arith.addi %mul3A_9, %add3A_328 : i32
    "tpu.region"() ({
      %run_scoped3A = tpu.sem_alloc : memref<!tpu.dma_semaphore, #tpu.memory_space<semaphore_mem>>
      %dma_start3A_348 = arith.constant 0 : i32
      %dma_start3A_349 = tpu.memref_slice %arg28[%add3A_329, %dma_start3A_348] : memref<10112x128xf32, #tpu.memory_space<vmem_shared>> -> memref<32x128xf32, #tpu.memory_space<vmem_shared>>
      %dma_start3A_350 = arith.constant 0 : i32
      %dma_start3A_351 = tpu.memref_slice %arg28[%add3A_329, %dma_start3A_350] : memref<10112x128xf32, #tpu.memory_space<vmem_shared>> -> memref<32x128xf32, #tpu.memory_space<vmem_shared>>
      tpu.enqueue_dma source(%dma_start3A_351 : memref<32x128xf32, #tpu.memory_space<vmem_shared>>) target(%arg13 : memref<32x128xf32, #tpu.memory_space<vmem>>) target_semaphore(%run_scoped3A : memref<!tpu.dma_semaphore, #tpu.memory_space<semaphore_mem>>)
      %dma_wait3A_352 = arith.constant 0 : i32
      %dma_wait3A_353 = tpu.memref_slice %arg28[%add3A_329, %dma_wait3A_352] : memref<10112x128xf32, #tpu.memory_space<vmem_shared>> -> memref<32x128xf32, #tpu.memory_space<vmem_shared>>
      %dma_wait3A_354 = arith.constant 0 : i32
      %dma_wait3A_355 = tpu.memref_slice %arg28[%add3A_329, %dma_wait3A_354] : memref<10112x128xf32, #tpu.memory_space<vmem_shared>> -> memref<32x128xf32, #tpu.memory_space<vmem_shared>>
      tpu.wait_dma2 semaphore(%run_scoped3A : memref<!tpu.dma_semaphore, #tpu.memory_space<semaphore_mem>>) src(%dma_wait3A_355 : memref<32x128xf32, #tpu.memory_space<vmem_shared>>) dst(%arg13 : memref<32x128xf32, #tpu.memory_space<vmem>>)
      tpu.yield
    }) : () -> ()
    "tpu.region"() ({
      %run_scoped3A = tpu.sem_alloc : memref<!tpu.dma_semaphore, #tpu.memory_space<semaphore_mem>>
      %dma_start3A_348 = arith.constant 0 : i32
      %dma_start3A_349 = tpu.memref_slice %arg9[%arg0, %add3A_329, %dma_start3A_348] : memref<2x10112x128xf32, #tpu.memory_space<hbm>> -> memref<1x32x128xf32, #tpu.memory_space<hbm>>
      %dma_start3A_350 = tpu.memref_squeeze %dma_start3A_349 : memref<1x32x128xf32, #tpu.memory_space<hbm>> -> memref<32x128xf32, #tpu.memory_space<hbm>>
      %dma_start3A_351 = arith.constant 0 : i32
      %dma_start3A_352 = tpu.memref_slice %arg9[%arg0, %add3A_329, %dma_start3A_351] : memref<2x10112x128xf32, #tpu.memory_space<hbm>> -> memref<1x32x128xf32, #tpu.memory_space<hbm>>
      %dma_start3A_353 = tpu.memref_squeeze %dma_start3A_352 : memref<1x32x128xf32, #tpu.memory_space<hbm>> -> memref<32x128xf32, #tpu.memory_space<hbm>>
      tpu.enqueue_dma source(%arg13 : memref<32x128xf32, #tpu.memory_space<vmem>>) target(%dma_start3A_353 : memref<32x128xf32, #tpu.memory_space<hbm>>) target_semaphore(%run_scoped3A : memref<!tpu.dma_semaphore, #tpu.memory_space<semaphore_mem>>)
      %dma_wait3A_354 = arith.constant 0 : i32
      %dma_wait3A_355 = tpu.memref_slice %arg9[%arg0, %add3A_329, %dma_wait3A_354] : memref<2x10112x128xf32, #tpu.memory_space<hbm>> -> memref<1x32x128xf32, #tpu.memory_space<hbm>>
      %dma_wait3A_356 = tpu.memref_squeeze %dma_wait3A_355 : memref<1x32x128xf32, #tpu.memory_space<hbm>> -> memref<32x128xf32, #tpu.memory_space<hbm>>
      %dma_wait3A_357 = arith.constant 0 : i32
      %dma_wait3A_358 = tpu.memref_slice %arg9[%arg0, %add3A_329, %dma_wait3A_357] : memref<2x10112x128xf32, #tpu.memory_space<hbm>> -> memref<1x32x128xf32, #tpu.memory_space<hbm>>
      %dma_wait3A_359 = tpu.memref_squeeze %dma_wait3A_358 : memref<1x32x128xf32, #tpu.memory_space<hbm>> -> memref<32x128xf32, #tpu.memory_space<hbm>>
      tpu.wait_dma2 semaphore(%run_scoped3A : memref<!tpu.dma_semaphore, #tpu.memory_space<semaphore_mem>>) src(%arg13 : memref<32x128xf32, #tpu.memory_space<vmem>>) dst(%dma_wait3A_359 : memref<32x128xf32, #tpu.memory_space<hbm>>)
      tpu.yield
    }) : () -> ()
    %add3A_330 = arith.constant 352 : i32
    %add3A_331 = arith.addi %mul3A_9, %add3A_330 : i32
    "tpu.region"() ({
      %run_scoped3A = tpu.sem_alloc : memref<!tpu.dma_semaphore, #tpu.memory_space<semaphore_mem>>
      %dma_start3A_348 = arith.constant 0 : i32
      %dma_start3A_349 = tpu.memref_slice %arg28[%add3A_331, %dma_start3A_348] : memref<10112x128xf32, #tpu.memory_space<vmem_shared>> -> memref<32x128xf32, #tpu.memory_space<vmem_shared>>
      %dma_start3A_350 = arith.constant 0 : i32
      %dma_start3A_351 = tpu.memref_slice %arg28[%add3A_331, %dma_start3A_350] : memref<10112x128xf32, #tpu.memory_space<vmem_shared>> -> memref<32x128xf32, #tpu.memory_space<vmem_shared>>
      tpu.enqueue_dma source(%dma_start3A_351 : memref<32x128xf32, #tpu.memory_space<vmem_shared>>) target(%arg13 : memref<32x128xf32, #tpu.memory_space<vmem>>) target_semaphore(%run_scoped3A : memref<!tpu.dma_semaphore, #tpu.memory_space<semaphore_mem>>)
      %dma_wait3A_352 = arith.constant 0 : i32
      %dma_wait3A_353 = tpu.memref_slice %arg28[%add3A_331, %dma_wait3A_352] : memref<10112x128xf32, #tpu.memory_space<vmem_shared>> -> memref<32x128xf32, #tpu.memory_space<vmem_shared>>
      %dma_wait3A_354 = arith.constant 0 : i32
      %dma_wait3A_355 = tpu.memref_slice %arg28[%add3A_331, %dma_wait3A_354] : memref<10112x128xf32, #tpu.memory_space<vmem_shared>> -> memref<32x128xf32, #tpu.memory_space<vmem_shared>>
      tpu.wait_dma2 semaphore(%run_scoped3A : memref<!tpu.dma_semaphore, #tpu.memory_space<semaphore_mem>>) src(%dma_wait3A_355 : memref<32x128xf32, #tpu.memory_space<vmem_shared>>) dst(%arg13 : memref<32x128xf32, #tpu.memory_space<vmem>>)
      tpu.yield
    }) : () -> ()
    "tpu.region"() ({
      %run_scoped3A = tpu.sem_alloc : memref<!tpu.dma_semaphore, #tpu.memory_space<semaphore_mem>>
      %dma_start3A_348 = arith.constant 0 : i32
      %dma_start3A_349 = tpu.memref_slice %arg9[%arg0, %add3A_331, %dma_start3A_348] : memref<2x10112x128xf32, #tpu.memory_space<hbm>> -> memref<1x32x128xf32, #tpu.memory_space<hbm>>
      %dma_start3A_350 = tpu.memref_squeeze %dma_start3A_349 : memref<1x32x128xf32, #tpu.memory_space<hbm>> -> memref<32x128xf32, #tpu.memory_space<hbm>>
      %dma_start3A_351 = arith.constant 0 : i32
      %dma_start3A_352 = tpu.memref_slice %arg9[%arg0, %add3A_331, %dma_start3A_351] : memref<2x10112x128xf32, #tpu.memory_space<hbm>> -> memref<1x32x128xf32, #tpu.memory_space<hbm>>
      %dma_start3A_353 = tpu.memref_squeeze %dma_start3A_352 : memref<1x32x128xf32, #tpu.memory_space<hbm>> -> memref<32x128xf32, #tpu.memory_space<hbm>>
      tpu.enqueue_dma source(%arg13 : memref<32x128xf32, #tpu.memory_space<vmem>>) target(%dma_start3A_353 : memref<32x128xf32, #tpu.memory_space<hbm>>) target_semaphore(%run_scoped3A : memref<!tpu.dma_semaphore, #tpu.memory_space<semaphore_mem>>)
      %dma_wait3A_354 = arith.constant 0 : i32
      %dma_wait3A_355 = tpu.memref_slice %arg9[%arg0, %add3A_331, %dma_wait3A_354] : memref<2x10112x128xf32, #tpu.memory_space<hbm>> -> memref<1x32x128xf32, #tpu.memory_space<hbm>>
      %dma_wait3A_356 = tpu.memref_squeeze %dma_wait3A_355 : memref<1x32x128xf32, #tpu.memory_space<hbm>> -> memref<32x128xf32, #tpu.memory_space<hbm>>
      %dma_wait3A_357 = arith.constant 0 : i32
      %dma_wait3A_358 = tpu.memref_slice %arg9[%arg0, %add3A_331, %dma_wait3A_357] : memref<2x10112x128xf32, #tpu.memory_space<hbm>> -> memref<1x32x128xf32, #tpu.memory_space<hbm>>
      %dma_wait3A_359 = tpu.memref_squeeze %dma_wait3A_358 : memref<1x32x128xf32, #tpu.memory_space<hbm>> -> memref<32x128xf32, #tpu.memory_space<hbm>>
      tpu.wait_dma2 semaphore(%run_scoped3A : memref<!tpu.dma_semaphore, #tpu.memory_space<semaphore_mem>>) src(%arg13 : memref<32x128xf32, #tpu.memory_space<vmem>>) dst(%dma_wait3A_359 : memref<32x128xf32, #tpu.memory_space<hbm>>)
      tpu.yield
    }) : () -> ()
    %add3A_332 = arith.constant 384 : i32
    %add3A_333 = arith.addi %mul3A_9, %add3A_332 : i32
    "tpu.region"() ({
      %run_scoped3A = tpu.sem_alloc : memref<!tpu.dma_semaphore, #tpu.memory_space<semaphore_mem>>
      %dma_start3A_348 = arith.constant 0 : i32
      %dma_start3A_349 = tpu.memref_slice %arg28[%add3A_333, %dma_start3A_348] : memref<10112x128xf32, #tpu.memory_space<vmem_shared>> -> memref<32x128xf32, #tpu.memory_space<vmem_shared>>
      %dma_start3A_350 = arith.constant 0 : i32
      %dma_start3A_351 = tpu.memref_slice %arg28[%add3A_333, %dma_start3A_350] : memref<10112x128xf32, #tpu.memory_space<vmem_shared>> -> memref<32x128xf32, #tpu.memory_space<vmem_shared>>
      tpu.enqueue_dma source(%dma_start3A_351 : memref<32x128xf32, #tpu.memory_space<vmem_shared>>) target(%arg13 : memref<32x128xf32, #tpu.memory_space<vmem>>) target_semaphore(%run_scoped3A : memref<!tpu.dma_semaphore, #tpu.memory_space<semaphore_mem>>)
      %dma_wait3A_352 = arith.constant 0 : i32
      %dma_wait3A_353 = tpu.memref_slice %arg28[%add3A_333, %dma_wait3A_352] : memref<10112x128xf32, #tpu.memory_space<vmem_shared>> -> memref<32x128xf32, #tpu.memory_space<vmem_shared>>
      %dma_wait3A_354 = arith.constant 0 : i32
      %dma_wait3A_355 = tpu.memref_slice %arg28[%add3A_333, %dma_wait3A_354] : memref<10112x128xf32, #tpu.memory_space<vmem_shared>> -> memref<32x128xf32, #tpu.memory_space<vmem_shared>>
      tpu.wait_dma2 semaphore(%run_scoped3A : memref<!tpu.dma_semaphore, #tpu.memory_space<semaphore_mem>>) src(%dma_wait3A_355 : memref<32x128xf32, #tpu.memory_space<vmem_shared>>) dst(%arg13 : memref<32x128xf32, #tpu.memory_space<vmem>>)
      tpu.yield
    }) : () -> ()
    "tpu.region"() ({
      %run_scoped3A = tpu.sem_alloc : memref<!tpu.dma_semaphore, #tpu.memory_space<semaphore_mem>>
      %dma_start3A_348 = arith.constant 0 : i32
      %dma_start3A_349 = tpu.memref_slice %arg9[%arg0, %add3A_333, %dma_start3A_348] : memref<2x10112x128xf32, #tpu.memory_space<hbm>> -> memref<1x32x128xf32, #tpu.memory_space<hbm>>
      %dma_start3A_350 = tpu.memref_squeeze %dma_start3A_349 : memref<1x32x128xf32, #tpu.memory_space<hbm>> -> memref<32x128xf32, #tpu.memory_space<hbm>>
      %dma_start3A_351 = arith.constant 0 : i32
      %dma_start3A_352 = tpu.memref_slice %arg9[%arg0, %add3A_333, %dma_start3A_351] : memref<2x10112x128xf32, #tpu.memory_space<hbm>> -> memref<1x32x128xf32, #tpu.memory_space<hbm>>
      %dma_start3A_353 = tpu.memref_squeeze %dma_start3A_352 : memref<1x32x128xf32, #tpu.memory_space<hbm>> -> memref<32x128xf32, #tpu.memory_space<hbm>>
      tpu.enqueue_dma source(%arg13 : memref<32x128xf32, #tpu.memory_space<vmem>>) target(%dma_start3A_353 : memref<32x128xf32, #tpu.memory_space<hbm>>) target_semaphore(%run_scoped3A : memref<!tpu.dma_semaphore, #tpu.memory_space<semaphore_mem>>)
      %dma_wait3A_354 = arith.constant 0 : i32
      %dma_wait3A_355 = tpu.memref_slice %arg9[%arg0, %add3A_333, %dma_wait3A_354] : memref<2x10112x128xf32, #tpu.memory_space<hbm>> -> memref<1x32x128xf32, #tpu.memory_space<hbm>>
      %dma_wait3A_356 = tpu.memref_squeeze %dma_wait3A_355 : memref<1x32x128xf32, #tpu.memory_space<hbm>> -> memref<32x128xf32, #tpu.memory_space<hbm>>
      %dma_wait3A_357 = arith.constant 0 : i32
      %dma_wait3A_358 = tpu.memref_slice %arg9[%arg0, %add3A_333, %dma_wait3A_357] : memref<2x10112x128xf32, #tpu.memory_space<hbm>> -> memref<1x32x128xf32, #tpu.memory_space<hbm>>
      %dma_wait3A_359 = tpu.memref_squeeze %dma_wait3A_358 : memref<1x32x128xf32, #tpu.memory_space<hbm>> -> memref<32x128xf32, #tpu.memory_space<hbm>>
      tpu.wait_dma2 semaphore(%run_scoped3A : memref<!tpu.dma_semaphore, #tpu.memory_space<semaphore_mem>>) src(%arg13 : memref<32x128xf32, #tpu.memory_space<vmem>>) dst(%dma_wait3A_359 : memref<32x128xf32, #tpu.memory_space<hbm>>)
      tpu.yield
    }) : () -> ()
    %add3A_334 = arith.constant 416 : i32
    %add3A_335 = arith.addi %mul3A_9, %add3A_334 : i32
    "tpu.region"() ({
      %run_scoped3A = tpu.sem_alloc : memref<!tpu.dma_semaphore, #tpu.memory_space<semaphore_mem>>
      %dma_start3A_348 = arith.constant 0 : i32
      %dma_start3A_349 = tpu.memref_slice %arg28[%add3A_335, %dma_start3A_348] : memref<10112x128xf32, #tpu.memory_space<vmem_shared>> -> memref<32x128xf32, #tpu.memory_space<vmem_shared>>
      %dma_start3A_350 = arith.constant 0 : i32
      %dma_start3A_351 = tpu.memref_slice %arg28[%add3A_335, %dma_start3A_350] : memref<10112x128xf32, #tpu.memory_space<vmem_shared>> -> memref<32x128xf32, #tpu.memory_space<vmem_shared>>
      tpu.enqueue_dma source(%dma_start3A_351 : memref<32x128xf32, #tpu.memory_space<vmem_shared>>) target(%arg13 : memref<32x128xf32, #tpu.memory_space<vmem>>) target_semaphore(%run_scoped3A : memref<!tpu.dma_semaphore, #tpu.memory_space<semaphore_mem>>)
      %dma_wait3A_352 = arith.constant 0 : i32
      %dma_wait3A_353 = tpu.memref_slice %arg28[%add3A_335, %dma_wait3A_352] : memref<10112x128xf32, #tpu.memory_space<vmem_shared>> -> memref<32x128xf32, #tpu.memory_space<vmem_shared>>
      %dma_wait3A_354 = arith.constant 0 : i32
      %dma_wait3A_355 = tpu.memref_slice %arg28[%add3A_335, %dma_wait3A_354] : memref<10112x128xf32, #tpu.memory_space<vmem_shared>> -> memref<32x128xf32, #tpu.memory_space<vmem_shared>>
      tpu.wait_dma2 semaphore(%run_scoped3A : memref<!tpu.dma_semaphore, #tpu.memory_space<semaphore_mem>>) src(%dma_wait3A_355 : memref<32x128xf32, #tpu.memory_space<vmem_shared>>) dst(%arg13 : memref<32x128xf32, #tpu.memory_space<vmem>>)
      tpu.yield
    }) : () -> ()
    "tpu.region"() ({
      %run_scoped3A = tpu.sem_alloc : memref<!tpu.dma_semaphore, #tpu.memory_space<semaphore_mem>>
      %dma_start3A_348 = arith.constant 0 : i32
      %dma_start3A_349 = tpu.memref_slice %arg9[%arg0, %add3A_335, %dma_start3A_348] : memref<2x10112x128xf32, #tpu.memory_space<hbm>> -> memref<1x32x128xf32, #tpu.memory_space<hbm>>
      %dma_start3A_350 = tpu.memref_squeeze %dma_start3A_349 : memref<1x32x128xf32, #tpu.memory_space<hbm>> -> memref<32x128xf32, #tpu.memory_space<hbm>>
      %dma_start3A_351 = arith.constant 0 : i32
      %dma_start3A_352 = tpu.memref_slice %arg9[%arg0, %add3A_335, %dma_start3A_351] : memref<2x10112x128xf32, #tpu.memory_space<hbm>> -> memref<1x32x128xf32, #tpu.memory_space<hbm>>
      %dma_start3A_353 = tpu.memref_squeeze %dma_start3A_352 : memref<1x32x128xf32, #tpu.memory_space<hbm>> -> memref<32x128xf32, #tpu.memory_space<hbm>>
      tpu.enqueue_dma source(%arg13 : memref<32x128xf32, #tpu.memory_space<vmem>>) target(%dma_start3A_353 : memref<32x128xf32, #tpu.memory_space<hbm>>) target_semaphore(%run_scoped3A : memref<!tpu.dma_semaphore, #tpu.memory_space<semaphore_mem>>)
      %dma_wait3A_354 = arith.constant 0 : i32
      %dma_wait3A_355 = tpu.memref_slice %arg9[%arg0, %add3A_335, %dma_wait3A_354] : memref<2x10112x128xf32, #tpu.memory_space<hbm>> -> memref<1x32x128xf32, #tpu.memory_space<hbm>>
      %dma_wait3A_356 = tpu.memref_squeeze %dma_wait3A_355 : memref<1x32x128xf32, #tpu.memory_space<hbm>> -> memref<32x128xf32, #tpu.memory_space<hbm>>
      %dma_wait3A_357 = arith.constant 0 : i32
      %dma_wait3A_358 = tpu.memref_slice %arg9[%arg0, %add3A_335, %dma_wait3A_357] : memref<2x10112x128xf32, #tpu.memory_space<hbm>> -> memref<1x32x128xf32, #tpu.memory_space<hbm>>
      %dma_wait3A_359 = tpu.memref_squeeze %dma_wait3A_358 : memref<1x32x128xf32, #tpu.memory_space<hbm>> -> memref<32x128xf32, #tpu.memory_space<hbm>>
      tpu.wait_dma2 semaphore(%run_scoped3A : memref<!tpu.dma_semaphore, #tpu.memory_space<semaphore_mem>>) src(%arg13 : memref<32x128xf32, #tpu.memory_space<vmem>>) dst(%dma_wait3A_359 : memref<32x128xf32, #tpu.memory_space<hbm>>)
      tpu.yield
    }) : () -> ()
    %add3A_336 = arith.constant 448 : i32
    %add3A_337 = arith.addi %mul3A_9, %add3A_336 : i32
    "tpu.region"() ({
      %run_scoped3A = tpu.sem_alloc : memref<!tpu.dma_semaphore, #tpu.memory_space<semaphore_mem>>
      %dma_start3A_348 = arith.constant 0 : i32
      %dma_start3A_349 = tpu.memref_slice %arg28[%add3A_337, %dma_start3A_348] : memref<10112x128xf32, #tpu.memory_space<vmem_shared>> -> memref<32x128xf32, #tpu.memory_space<vmem_shared>>
      %dma_start3A_350 = arith.constant 0 : i32
      %dma_start3A_351 = tpu.memref_slice %arg28[%add3A_337, %dma_start3A_350] : memref<10112x128xf32, #tpu.memory_space<vmem_shared>> -> memref<32x128xf32, #tpu.memory_space<vmem_shared>>
      tpu.enqueue_dma source(%dma_start3A_351 : memref<32x128xf32, #tpu.memory_space<vmem_shared>>) target(%arg13 : memref<32x128xf32, #tpu.memory_space<vmem>>) target_semaphore(%run_scoped3A : memref<!tpu.dma_semaphore, #tpu.memory_space<semaphore_mem>>)
      %dma_wait3A_352 = arith.constant 0 : i32
      %dma_wait3A_353 = tpu.memref_slice %arg28[%add3A_337, %dma_wait3A_352] : memref<10112x128xf32, #tpu.memory_space<vmem_shared>> -> memref<32x128xf32, #tpu.memory_space<vmem_shared>>
      %dma_wait3A_354 = arith.constant 0 : i32
      %dma_wait3A_355 = tpu.memref_slice %arg28[%add3A_337, %dma_wait3A_354] : memref<10112x128xf32, #tpu.memory_space<vmem_shared>> -> memref<32x128xf32, #tpu.memory_space<vmem_shared>>
      tpu.wait_dma2 semaphore(%run_scoped3A : memref<!tpu.dma_semaphore, #tpu.memory_space<semaphore_mem>>) src(%dma_wait3A_355 : memref<32x128xf32, #tpu.memory_space<vmem_shared>>) dst(%arg13 : memref<32x128xf32, #tpu.memory_space<vmem>>)
      tpu.yield
    }) : () -> ()
    "tpu.region"() ({
      %run_scoped3A = tpu.sem_alloc : memref<!tpu.dma_semaphore, #tpu.memory_space<semaphore_mem>>
      %dma_start3A_348 = arith.constant 0 : i32
      %dma_start3A_349 = tpu.memref_slice %arg9[%arg0, %add3A_337, %dma_start3A_348] : memref<2x10112x128xf32, #tpu.memory_space<hbm>> -> memref<1x32x128xf32, #tpu.memory_space<hbm>>
      %dma_start3A_350 = tpu.memref_squeeze %dma_start3A_349 : memref<1x32x128xf32, #tpu.memory_space<hbm>> -> memref<32x128xf32, #tpu.memory_space<hbm>>
      %dma_start3A_351 = arith.constant 0 : i32
      %dma_start3A_352 = tpu.memref_slice %arg9[%arg0, %add3A_337, %dma_start3A_351] : memref<2x10112x128xf32, #tpu.memory_space<hbm>> -> memref<1x32x128xf32, #tpu.memory_space<hbm>>
      %dma_start3A_353 = tpu.memref_squeeze %dma_start3A_352 : memref<1x32x128xf32, #tpu.memory_space<hbm>> -> memref<32x128xf32, #tpu.memory_space<hbm>>
      tpu.enqueue_dma source(%arg13 : memref<32x128xf32, #tpu.memory_space<vmem>>) target(%dma_start3A_353 : memref<32x128xf32, #tpu.memory_space<hbm>>) target_semaphore(%run_scoped3A : memref<!tpu.dma_semaphore, #tpu.memory_space<semaphore_mem>>)
      %dma_wait3A_354 = arith.constant 0 : i32
      %dma_wait3A_355 = tpu.memref_slice %arg9[%arg0, %add3A_337, %dma_wait3A_354] : memref<2x10112x128xf32, #tpu.memory_space<hbm>> -> memref<1x32x128xf32, #tpu.memory_space<hbm>>
      %dma_wait3A_356 = tpu.memref_squeeze %dma_wait3A_355 : memref<1x32x128xf32, #tpu.memory_space<hbm>> -> memref<32x128xf32, #tpu.memory_space<hbm>>
      %dma_wait3A_357 = arith.constant 0 : i32
      %dma_wait3A_358 = tpu.memref_slice %arg9[%arg0, %add3A_337, %dma_wait3A_357] : memref<2x10112x128xf32, #tpu.memory_space<hbm>> -> memref<1x32x128xf32, #tpu.memory_space<hbm>>
      %dma_wait3A_359 = tpu.memref_squeeze %dma_wait3A_358 : memref<1x32x128xf32, #tpu.memory_space<hbm>> -> memref<32x128xf32, #tpu.memory_space<hbm>>
      tpu.wait_dma2 semaphore(%run_scoped3A : memref<!tpu.dma_semaphore, #tpu.memory_space<semaphore_mem>>) src(%arg13 : memref<32x128xf32, #tpu.memory_space<vmem>>) dst(%dma_wait3A_359 : memref<32x128xf32, #tpu.memory_space<hbm>>)
      tpu.yield
    }) : () -> ()
    %add3A_338 = arith.constant 480 : i32
    %add3A_339 = arith.addi %mul3A_9, %add3A_338 : i32
    "tpu.region"() ({
      %run_scoped3A = tpu.sem_alloc : memref<!tpu.dma_semaphore, #tpu.memory_space<semaphore_mem>>
      %dma_start3A_348 = arith.constant 0 : i32
      %dma_start3A_349 = tpu.memref_slice %arg28[%add3A_339, %dma_start3A_348] : memref<10112x128xf32, #tpu.memory_space<vmem_shared>> -> memref<32x128xf32, #tpu.memory_space<vmem_shared>>
      %dma_start3A_350 = arith.constant 0 : i32
      %dma_start3A_351 = tpu.memref_slice %arg28[%add3A_339, %dma_start3A_350] : memref<10112x128xf32, #tpu.memory_space<vmem_shared>> -> memref<32x128xf32, #tpu.memory_space<vmem_shared>>
      tpu.enqueue_dma source(%dma_start3A_351 : memref<32x128xf32, #tpu.memory_space<vmem_shared>>) target(%arg13 : memref<32x128xf32, #tpu.memory_space<vmem>>) target_semaphore(%run_scoped3A : memref<!tpu.dma_semaphore, #tpu.memory_space<semaphore_mem>>)
      %dma_wait3A_352 = arith.constant 0 : i32
      %dma_wait3A_353 = tpu.memref_slice %arg28[%add3A_339, %dma_wait3A_352] : memref<10112x128xf32, #tpu.memory_space<vmem_shared>> -> memref<32x128xf32, #tpu.memory_space<vmem_shared>>
      %dma_wait3A_354 = arith.constant 0 : i32
      %dma_wait3A_355 = tpu.memref_slice %arg28[%add3A_339, %dma_wait3A_354] : memref<10112x128xf32, #tpu.memory_space<vmem_shared>> -> memref<32x128xf32, #tpu.memory_space<vmem_shared>>
      tpu.wait_dma2 semaphore(%run_scoped3A : memref<!tpu.dma_semaphore, #tpu.memory_space<semaphore_mem>>) src(%dma_wait3A_355 : memref<32x128xf32, #tpu.memory_space<vmem_shared>>) dst(%arg13 : memref<32x128xf32, #tpu.memory_space<vmem>>)
      tpu.yield
    }) : () -> ()
    "tpu.region"() ({
      %run_scoped3A = tpu.sem_alloc : memref<!tpu.dma_semaphore, #tpu.memory_space<semaphore_mem>>
      %dma_start3A_348 = arith.constant 0 : i32
      %dma_start3A_349 = tpu.memref_slice %arg9[%arg0, %add3A_339, %dma_start3A_348] : memref<2x10112x128xf32, #tpu.memory_space<hbm>> -> memref<1x32x128xf32, #tpu.memory_space<hbm>>
      %dma_start3A_350 = tpu.memref_squeeze %dma_start3A_349 : memref<1x32x128xf32, #tpu.memory_space<hbm>> -> memref<32x128xf32, #tpu.memory_space<hbm>>
      %dma_start3A_351 = arith.constant 0 : i32
      %dma_start3A_352 = tpu.memref_slice %arg9[%arg0, %add3A_339, %dma_start3A_351] : memref<2x10112x128xf32, #tpu.memory_space<hbm>> -> memref<1x32x128xf32, #tpu.memory_space<hbm>>
      %dma_start3A_353 = tpu.memref_squeeze %dma_start3A_352 : memref<1x32x128xf32, #tpu.memory_space<hbm>> -> memref<32x128xf32, #tpu.memory_space<hbm>>
      tpu.enqueue_dma source(%arg13 : memref<32x128xf32, #tpu.memory_space<vmem>>) target(%dma_start3A_353 : memref<32x128xf32, #tpu.memory_space<hbm>>) target_semaphore(%run_scoped3A : memref<!tpu.dma_semaphore, #tpu.memory_space<semaphore_mem>>)
      %dma_wait3A_354 = arith.constant 0 : i32
      %dma_wait3A_355 = tpu.memref_slice %arg9[%arg0, %add3A_339, %dma_wait3A_354] : memref<2x10112x128xf32, #tpu.memory_space<hbm>> -> memref<1x32x128xf32, #tpu.memory_space<hbm>>
      %dma_wait3A_356 = tpu.memref_squeeze %dma_wait3A_355 : memref<1x32x128xf32, #tpu.memory_space<hbm>> -> memref<32x128xf32, #tpu.memory_space<hbm>>
      %dma_wait3A_357 = arith.constant 0 : i32
      %dma_wait3A_358 = tpu.memref_slice %arg9[%arg0, %add3A_339, %dma_wait3A_357] : memref<2x10112x128xf32, #tpu.memory_space<hbm>> -> memref<1x32x128xf32, #tpu.memory_space<hbm>>
      %dma_wait3A_359 = tpu.memref_squeeze %dma_wait3A_358 : memref<1x32x128xf32, #tpu.memory_space<hbm>> -> memref<32x128xf32, #tpu.memory_space<hbm>>
      tpu.wait_dma2 semaphore(%run_scoped3A : memref<!tpu.dma_semaphore, #tpu.memory_space<semaphore_mem>>) src(%arg13 : memref<32x128xf32, #tpu.memory_space<vmem>>) dst(%dma_wait3A_359 : memref<32x128xf32, #tpu.memory_space<hbm>>)
      tpu.yield
    }) : () -> ()
    %add3A_340 = arith.constant 512 : i32
    %add3A_341 = arith.addi %mul3A_9, %add3A_340 : i32
    "tpu.region"() ({
      %run_scoped3A = tpu.sem_alloc : memref<!tpu.dma_semaphore, #tpu.memory_space<semaphore_mem>>
      %dma_start3A_348 = arith.constant 0 : i32
      %dma_start3A_349 = tpu.memref_slice %arg28[%add3A_341, %dma_start3A_348] : memref<10112x128xf32, #tpu.memory_space<vmem_shared>> -> memref<32x128xf32, #tpu.memory_space<vmem_shared>>
      %dma_start3A_350 = arith.constant 0 : i32
      %dma_start3A_351 = tpu.memref_slice %arg28[%add3A_341, %dma_start3A_350] : memref<10112x128xf32, #tpu.memory_space<vmem_shared>> -> memref<32x128xf32, #tpu.memory_space<vmem_shared>>
      tpu.enqueue_dma source(%dma_start3A_351 : memref<32x128xf32, #tpu.memory_space<vmem_shared>>) target(%arg13 : memref<32x128xf32, #tpu.memory_space<vmem>>) target_semaphore(%run_scoped3A : memref<!tpu.dma_semaphore, #tpu.memory_space<semaphore_mem>>)
      %dma_wait3A_352 = arith.constant 0 : i32
      %dma_wait3A_353 = tpu.memref_slice %arg28[%add3A_341, %dma_wait3A_352] : memref<10112x128xf32, #tpu.memory_space<vmem_shared>> -> memref<32x128xf32, #tpu.memory_space<vmem_shared>>
      %dma_wait3A_354 = arith.constant 0 : i32
      %dma_wait3A_355 = tpu.memref_slice %arg28[%add3A_341, %dma_wait3A_354] : memref<10112x128xf32, #tpu.memory_space<vmem_shared>> -> memref<32x128xf32, #tpu.memory_space<vmem_shared>>
      tpu.wait_dma2 semaphore(%run_scoped3A : memref<!tpu.dma_semaphore, #tpu.memory_space<semaphore_mem>>) src(%dma_wait3A_355 : memref<32x128xf32, #tpu.memory_space<vmem_shared>>) dst(%arg13 : memref<32x128xf32, #tpu.memory_space<vmem>>)
      tpu.yield
    }) : () -> ()
    "tpu.region"() ({
      %run_scoped3A = tpu.sem_alloc : memref<!tpu.dma_semaphore, #tpu.memory_space<semaphore_mem>>
      %dma_start3A_348 = arith.constant 0 : i32
      %dma_start3A_349 = tpu.memref_slice %arg9[%arg0, %add3A_341, %dma_start3A_348] : memref<2x10112x128xf32, #tpu.memory_space<hbm>> -> memref<1x32x128xf32, #tpu.memory_space<hbm>>
      %dma_start3A_350 = tpu.memref_squeeze %dma_start3A_349 : memref<1x32x128xf32, #tpu.memory_space<hbm>> -> memref<32x128xf32, #tpu.memory_space<hbm>>
      %dma_start3A_351 = arith.constant 0 : i32
      %dma_start3A_352 = tpu.memref_slice %arg9[%arg0, %add3A_341, %dma_start3A_351] : memref<2x10112x128xf32, #tpu.memory_space<hbm>> -> memref<1x32x128xf32, #tpu.memory_space<hbm>>
      %dma_start3A_353 = tpu.memref_squeeze %dma_start3A_352 : memref<1x32x128xf32, #tpu.memory_space<hbm>> -> memref<32x128xf32, #tpu.memory_space<hbm>>
      tpu.enqueue_dma source(%arg13 : memref<32x128xf32, #tpu.memory_space<vmem>>) target(%dma_start3A_353 : memref<32x128xf32, #tpu.memory_space<hbm>>) target_semaphore(%run_scoped3A : memref<!tpu.dma_semaphore, #tpu.memory_space<semaphore_mem>>)
      %dma_wait3A_354 = arith.constant 0 : i32
      %dma_wait3A_355 = tpu.memref_slice %arg9[%arg0, %add3A_341, %dma_wait3A_354] : memref<2x10112x128xf32, #tpu.memory_space<hbm>> -> memref<1x32x128xf32, #tpu.memory_space<hbm>>
      %dma_wait3A_356 = tpu.memref_squeeze %dma_wait3A_355 : memref<1x32x128xf32, #tpu.memory_space<hbm>> -> memref<32x128xf32, #tpu.memory_space<hbm>>
      %dma_wait3A_357 = arith.constant 0 : i32
      %dma_wait3A_358 = tpu.memref_slice %arg9[%arg0, %add3A_341, %dma_wait3A_357] : memref<2x10112x128xf32, #tpu.memory_space<hbm>> -> memref<1x32x128xf32, #tpu.memory_space<hbm>>
      %dma_wait3A_359 = tpu.memref_squeeze %dma_wait3A_358 : memref<1x32x128xf32, #tpu.memory_space<hbm>> -> memref<32x128xf32, #tpu.memory_space<hbm>>
      tpu.wait_dma2 semaphore(%run_scoped3A : memref<!tpu.dma_semaphore, #tpu.memory_space<semaphore_mem>>) src(%arg13 : memref<32x128xf32, #tpu.memory_space<vmem>>) dst(%dma_wait3A_359 : memref<32x128xf32, #tpu.memory_space<hbm>>)
      tpu.yield
    }) : () -> ()
    %add3A_342 = arith.constant 544 : i32
    %add3A_343 = arith.addi %mul3A_9, %add3A_342 : i32
    "tpu.region"() ({
      %run_scoped3A = tpu.sem_alloc : memref<!tpu.dma_semaphore, #tpu.memory_space<semaphore_mem>>
      %dma_start3A_348 = arith.constant 0 : i32
      %dma_start3A_349 = tpu.memref_slice %arg28[%add3A_343, %dma_start3A_348] : memref<10112x128xf32, #tpu.memory_space<vmem_shared>> -> memref<32x128xf32, #tpu.memory_space<vmem_shared>>
      %dma_start3A_350 = arith.constant 0 : i32
      %dma_start3A_351 = tpu.memref_slice %arg28[%add3A_343, %dma_start3A_350] : memref<10112x128xf32, #tpu.memory_space<vmem_shared>> -> memref<32x128xf32, #tpu.memory_space<vmem_shared>>
      tpu.enqueue_dma source(%dma_start3A_351 : memref<32x128xf32, #tpu.memory_space<vmem_shared>>) target(%arg13 : memref<32x128xf32, #tpu.memory_space<vmem>>) target_semaphore(%run_scoped3A : memref<!tpu.dma_semaphore, #tpu.memory_space<semaphore_mem>>)
      %dma_wait3A_352 = arith.constant 0 : i32
      %dma_wait3A_353 = tpu.memref_slice %arg28[%add3A_343, %dma_wait3A_352] : memref<10112x128xf32, #tpu.memory_space<vmem_shared>> -> memref<32x128xf32, #tpu.memory_space<vmem_shared>>
      %dma_wait3A_354 = arith.constant 0 : i32
      %dma_wait3A_355 = tpu.memref_slice %arg28[%add3A_343, %dma_wait3A_354] : memref<10112x128xf32, #tpu.memory_space<vmem_shared>> -> memref<32x128xf32, #tpu.memory_space<vmem_shared>>
      tpu.wait_dma2 semaphore(%run_scoped3A : memref<!tpu.dma_semaphore, #tpu.memory_space<semaphore_mem>>) src(%dma_wait3A_355 : memref<32x128xf32, #tpu.memory_space<vmem_shared>>) dst(%arg13 : memref<32x128xf32, #tpu.memory_space<vmem>>)
      tpu.yield
    }) : () -> ()
    "tpu.region"() ({
      %run_scoped3A = tpu.sem_alloc : memref<!tpu.dma_semaphore, #tpu.memory_space<semaphore_mem>>
      %dma_start3A_348 = arith.constant 0 : i32
      %dma_start3A_349 = tpu.memref_slice %arg9[%arg0, %add3A_343, %dma_start3A_348] : memref<2x10112x128xf32, #tpu.memory_space<hbm>> -> memref<1x32x128xf32, #tpu.memory_space<hbm>>
      %dma_start3A_350 = tpu.memref_squeeze %dma_start3A_349 : memref<1x32x128xf32, #tpu.memory_space<hbm>> -> memref<32x128xf32, #tpu.memory_space<hbm>>
      %dma_start3A_351 = arith.constant 0 : i32
      %dma_start3A_352 = tpu.memref_slice %arg9[%arg0, %add3A_343, %dma_start3A_351] : memref<2x10112x128xf32, #tpu.memory_space<hbm>> -> memref<1x32x128xf32, #tpu.memory_space<hbm>>
      %dma_start3A_353 = tpu.memref_squeeze %dma_start3A_352 : memref<1x32x128xf32, #tpu.memory_space<hbm>> -> memref<32x128xf32, #tpu.memory_space<hbm>>
      tpu.enqueue_dma source(%arg13 : memref<32x128xf32, #tpu.memory_space<vmem>>) target(%dma_start3A_353 : memref<32x128xf32, #tpu.memory_space<hbm>>) target_semaphore(%run_scoped3A : memref<!tpu.dma_semaphore, #tpu.memory_space<semaphore_mem>>)
      %dma_wait3A_354 = arith.constant 0 : i32
      %dma_wait3A_355 = tpu.memref_slice %arg9[%arg0, %add3A_343, %dma_wait3A_354] : memref<2x10112x128xf32, #tpu.memory_space<hbm>> -> memref<1x32x128xf32, #tpu.memory_space<hbm>>
      %dma_wait3A_356 = tpu.memref_squeeze %dma_wait3A_355 : memref<1x32x128xf32, #tpu.memory_space<hbm>> -> memref<32x128xf32, #tpu.memory_space<hbm>>
      %dma_wait3A_357 = arith.constant 0 : i32
      %dma_wait3A_358 = tpu.memref_slice %arg9[%arg0, %add3A_343, %dma_wait3A_357] : memref<2x10112x128xf32, #tpu.memory_space<hbm>> -> memref<1x32x128xf32, #tpu.memory_space<hbm>>
      %dma_wait3A_359 = tpu.memref_squeeze %dma_wait3A_358 : memref<1x32x128xf32, #tpu.memory_space<hbm>> -> memref<32x128xf32, #tpu.memory_space<hbm>>
      tpu.wait_dma2 semaphore(%run_scoped3A : memref<!tpu.dma_semaphore, #tpu.memory_space<semaphore_mem>>) src(%arg13 : memref<32x128xf32, #tpu.memory_space<vmem>>) dst(%dma_wait3A_359 : memref<32x128xf32, #tpu.memory_space<hbm>>)
      tpu.yield
    }) : () -> ()
    %add3A_344 = arith.constant 576 : i32
    %add3A_345 = arith.addi %mul3A_9, %add3A_344 : i32
    "tpu.region"() ({
      %run_scoped3A = tpu.sem_alloc : memref<!tpu.dma_semaphore, #tpu.memory_space<semaphore_mem>>
      %dma_start3A_348 = arith.constant 0 : i32
      %dma_start3A_349 = tpu.memref_slice %arg28[%add3A_345, %dma_start3A_348] : memref<10112x128xf32, #tpu.memory_space<vmem_shared>> -> memref<32x128xf32, #tpu.memory_space<vmem_shared>>
      %dma_start3A_350 = arith.constant 0 : i32
      %dma_start3A_351 = tpu.memref_slice %arg28[%add3A_345, %dma_start3A_350] : memref<10112x128xf32, #tpu.memory_space<vmem_shared>> -> memref<32x128xf32, #tpu.memory_space<vmem_shared>>
      tpu.enqueue_dma source(%dma_start3A_351 : memref<32x128xf32, #tpu.memory_space<vmem_shared>>) target(%arg13 : memref<32x128xf32, #tpu.memory_space<vmem>>) target_semaphore(%run_scoped3A : memref<!tpu.dma_semaphore, #tpu.memory_space<semaphore_mem>>)
      %dma_wait3A_352 = arith.constant 0 : i32
      %dma_wait3A_353 = tpu.memref_slice %arg28[%add3A_345, %dma_wait3A_352] : memref<10112x128xf32, #tpu.memory_space<vmem_shared>> -> memref<32x128xf32, #tpu.memory_space<vmem_shared>>
      %dma_wait3A_354 = arith.constant 0 : i32
      %dma_wait3A_355 = tpu.memref_slice %arg28[%add3A_345, %dma_wait3A_354] : memref<10112x128xf32, #tpu.memory_space<vmem_shared>> -> memref<32x128xf32, #tpu.memory_space<vmem_shared>>
      tpu.wait_dma2 semaphore(%run_scoped3A : memref<!tpu.dma_semaphore, #tpu.memory_space<semaphore_mem>>) src(%dma_wait3A_355 : memref<32x128xf32, #tpu.memory_space<vmem_shared>>) dst(%arg13 : memref<32x128xf32, #tpu.memory_space<vmem>>)
      tpu.yield
    }) : () -> ()
    "tpu.region"() ({
      %run_scoped3A = tpu.sem_alloc : memref<!tpu.dma_semaphore, #tpu.memory_space<semaphore_mem>>
      %dma_start3A_348 = arith.constant 0 : i32
      %dma_start3A_349 = tpu.memref_slice %arg9[%arg0, %add3A_345, %dma_start3A_348] : memref<2x10112x128xf32, #tpu.memory_space<hbm>> -> memref<1x32x128xf32, #tpu.memory_space<hbm>>
      %dma_start3A_350 = tpu.memref_squeeze %dma_start3A_349 : memref<1x32x128xf32, #tpu.memory_space<hbm>> -> memref<32x128xf32, #tpu.memory_space<hbm>>
      %dma_start3A_351 = arith.constant 0 : i32
      %dma_start3A_352 = tpu.memref_slice %arg9[%arg0, %add3A_345, %dma_start3A_351] : memref<2x10112x128xf32, #tpu.memory_space<hbm>> -> memref<1x32x128xf32, #tpu.memory_space<hbm>>
      %dma_start3A_353 = tpu.memref_squeeze %dma_start3A_352 : memref<1x32x128xf32, #tpu.memory_space<hbm>> -> memref<32x128xf32, #tpu.memory_space<hbm>>
      tpu.enqueue_dma source(%arg13 : memref<32x128xf32, #tpu.memory_space<vmem>>) target(%dma_start3A_353 : memref<32x128xf32, #tpu.memory_space<hbm>>) target_semaphore(%run_scoped3A : memref<!tpu.dma_semaphore, #tpu.memory_space<semaphore_mem>>)
      %dma_wait3A_354 = arith.constant 0 : i32
      %dma_wait3A_355 = tpu.memref_slice %arg9[%arg0, %add3A_345, %dma_wait3A_354] : memref<2x10112x128xf32, #tpu.memory_space<hbm>> -> memref<1x32x128xf32, #tpu.memory_space<hbm>>
      %dma_wait3A_356 = tpu.memref_squeeze %dma_wait3A_355 : memref<1x32x128xf32, #tpu.memory_space<hbm>> -> memref<32x128xf32, #tpu.memory_space<hbm>>
      %dma_wait3A_357 = arith.constant 0 : i32
      %dma_wait3A_358 = tpu.memref_slice %arg9[%arg0, %add3A_345, %dma_wait3A_357] : memref<2x10112x128xf32, #tpu.memory_space<hbm>> -> memref<1x32x128xf32, #tpu.memory_space<hbm>>
      %dma_wait3A_359 = tpu.memref_squeeze %dma_wait3A_358 : memref<1x32x128xf32, #tpu.memory_space<hbm>> -> memref<32x128xf32, #tpu.memory_space<hbm>>
      tpu.wait_dma2 semaphore(%run_scoped3A : memref<!tpu.dma_semaphore, #tpu.memory_space<semaphore_mem>>) src(%arg13 : memref<32x128xf32, #tpu.memory_space<vmem>>) dst(%dma_wait3A_359 : memref<32x128xf32, #tpu.memory_space<hbm>>)
      tpu.yield
    }) : () -> ()
    %add3A_346 = arith.constant 608 : i32
    %add3A_347 = arith.addi %mul3A_9, %add3A_346 : i32
    "tpu.region"() ({
      %run_scoped3A = tpu.sem_alloc : memref<!tpu.dma_semaphore, #tpu.memory_space<semaphore_mem>>
      %dma_start3A_348 = arith.constant 0 : i32
      %dma_start3A_349 = arith.constant 0 : i32
      %dma_start3A_350 = tpu.memref_slice %arg13[%dma_start3A_348, %dma_start3A_349] : memref<32x128xf32, #tpu.memory_space<vmem>> -> memref<24x128xf32, #tpu.memory_space<vmem>>
      %dma_start3A_351 = arith.constant 0 : i32
      %dma_start3A_352 = tpu.memref_slice %arg28[%add3A_347, %dma_start3A_351] : memref<10112x128xf32, #tpu.memory_space<vmem_shared>> -> memref<24x128xf32, #tpu.memory_space<vmem_shared>>
      %dma_start3A_353 = arith.constant 0 : i32
      %dma_start3A_354 = arith.constant 0 : i32
      %dma_start3A_355 = tpu.memref_slice %arg13[%dma_start3A_353, %dma_start3A_354] : memref<32x128xf32, #tpu.memory_space<vmem>> -> memref<24x128xf32, #tpu.memory_space<vmem>>
      %dma_start3A_356 = arith.constant 0 : i32
      %dma_start3A_357 = tpu.memref_slice %arg28[%add3A_347, %dma_start3A_356] : memref<10112x128xf32, #tpu.memory_space<vmem_shared>> -> memref<24x128xf32, #tpu.memory_space<vmem_shared>>
      tpu.enqueue_dma source(%dma_start3A_357 : memref<24x128xf32, #tpu.memory_space<vmem_shared>>) target(%dma_start3A_355 : memref<24x128xf32, #tpu.memory_space<vmem>>) target_semaphore(%run_scoped3A : memref<!tpu.dma_semaphore, #tpu.memory_space<semaphore_mem>>)
      %dma_wait3A_358 = arith.constant 0 : i32
      %dma_wait3A_359 = arith.constant 0 : i32
      %dma_wait3A_360 = tpu.memref_slice %arg13[%dma_wait3A_358, %dma_wait3A_359] : memref<32x128xf32, #tpu.memory_space<vmem>> -> memref<24x128xf32, #tpu.memory_space<vmem>>
      %dma_wait3A_361 = arith.constant 0 : i32
      %dma_wait3A_362 = tpu.memref_slice %arg28[%add3A_347, %dma_wait3A_361] : memref<10112x128xf32, #tpu.memory_space<vmem_shared>> -> memref<24x128xf32, #tpu.memory_space<vmem_shared>>
      %dma_wait3A_363 = arith.constant 0 : i32
      %dma_wait3A_364 = arith.constant 0 : i32
      %dma_wait3A_365 = tpu.memref_slice %arg13[%dma_wait3A_363, %dma_wait3A_364] : memref<32x128xf32, #tpu.memory_space<vmem>> -> memref<24x128xf32, #tpu.memory_space<vmem>>
      %dma_wait3A_366 = arith.constant 0 : i32
      %dma_wait3A_367 = tpu.memref_slice %arg28[%add3A_347, %dma_wait3A_366] : memref<10112x128xf32, #tpu.memory_space<vmem_shared>> -> memref<24x128xf32, #tpu.memory_space<vmem_shared>>
      tpu.wait_dma2 semaphore(%run_scoped3A : memref<!tpu.dma_semaphore, #tpu.memory_space<semaphore_mem>>) src(%dma_wait3A_367 : memref<24x128xf32, #tpu.memory_space<vmem_shared>>) dst(%dma_wait3A_365 : memref<24x128xf32, #tpu.memory_space<vmem>>)
      tpu.yield
    }) : () -> ()
    "tpu.region"() ({
      %run_scoped3A = tpu.sem_alloc : memref<!tpu.dma_semaphore, #tpu.memory_space<semaphore_mem>>
      %dma_start3A_348 = arith.constant 0 : i32
      %dma_start3A_349 = arith.constant 0 : i32
      %dma_start3A_350 = tpu.memref_slice %arg13[%dma_start3A_348, %dma_start3A_349] : memref<32x128xf32, #tpu.memory_space<vmem>> -> memref<24x128xf32, #tpu.memory_space<vmem>>
      %dma_start3A_351 = arith.constant 0 : i32
      %dma_start3A_352 = tpu.memref_slice %arg9[%arg0, %add3A_347, %dma_start3A_351] : memref<2x10112x128xf32, #tpu.memory_space<hbm>> -> memref<1x24x128xf32, #tpu.memory_space<hbm>>
      %dma_start3A_353 = tpu.memref_squeeze %dma_start3A_352 : memref<1x24x128xf32, #tpu.memory_space<hbm>> -> memref<24x128xf32, #tpu.memory_space<hbm>>
      %dma_start3A_354 = arith.constant 0 : i32
      %dma_start3A_355 = tpu.memref_slice %arg9[%arg0, %add3A_347, %dma_start3A_354] : memref<2x10112x128xf32, #tpu.memory_space<hbm>> -> memref<1x24x128xf32, #tpu.memory_space<hbm>>
      %dma_start3A_356 = tpu.memref_squeeze %dma_start3A_355 : memref<1x24x128xf32, #tpu.memory_space<hbm>> -> memref<24x128xf32, #tpu.memory_space<hbm>>
      %dma_start3A_357 = arith.constant 0 : i32
      %dma_start3A_358 = arith.constant 0 : i32
      %dma_start3A_359 = tpu.memref_slice %arg13[%dma_start3A_357, %dma_start3A_358] : memref<32x128xf32, #tpu.memory_space<vmem>> -> memref<24x128xf32, #tpu.memory_space<vmem>>
      tpu.enqueue_dma source(%dma_start3A_359 : memref<24x128xf32, #tpu.memory_space<vmem>>) target(%dma_start3A_356 : memref<24x128xf32, #tpu.memory_space<hbm>>) target_semaphore(%run_scoped3A : memref<!tpu.dma_semaphore, #tpu.memory_space<semaphore_mem>>)
      %dma_wait3A_360 = arith.constant 0 : i32
      %dma_wait3A_361 = arith.constant 0 : i32
      %dma_wait3A_362 = tpu.memref_slice %arg13[%dma_wait3A_360, %dma_wait3A_361] : memref<32x128xf32, #tpu.memory_space<vmem>> -> memref<24x128xf32, #tpu.memory_space<vmem>>
      %dma_wait3A_363 = arith.constant 0 : i32
      %dma_wait3A_364 = tpu.memref_slice %arg9[%arg0, %add3A_347, %dma_wait3A_363] : memref<2x10112x128xf32, #tpu.memory_space<hbm>> -> memref<1x24x128xf32, #tpu.memory_space<hbm>>
      %dma_wait3A_365 = tpu.memref_squeeze %dma_wait3A_364 : memref<1x24x128xf32, #tpu.memory_space<hbm>> -> memref<24x128xf32, #tpu.memory_space<hbm>>
      %dma_wait3A_366 = arith.constant 0 : i32
      %dma_wait3A_367 = tpu.memref_slice %arg9[%arg0, %add3A_347, %dma_wait3A_366] : memref<2x10112x128xf32, #tpu.memory_space<hbm>> -> memref<1x24x128xf32, #tpu.memory_space<hbm>>
      %dma_wait3A_368 = tpu.memref_squeeze %dma_wait3A_367 : memref<1x24x128xf32, #tpu.memory_space<hbm>> -> memref<24x128xf32, #tpu.memory_space<hbm>>
      %dma_wait3A_369 = arith.constant 0 : i32
      %dma_wait3A_370 = arith.constant 0 : i32
      %dma_wait3A_371 = tpu.memref_slice %arg13[%dma_wait3A_369, %dma_wait3A_370] : memref<32x128xf32, #tpu.memory_space<vmem>> -> memref<24x128xf32, #tpu.memory_space<vmem>>
      tpu.wait_dma2 semaphore(%run_scoped3A : memref<!tpu.dma_semaphore, #tpu.memory_space<semaphore_mem>>) src(%dma_wait3A_371 : memref<24x128xf32, #tpu.memory_space<vmem>>) dst(%dma_wait3A_368 : memref<24x128xf32, #tpu.memory_space<hbm>>)
      tpu.yield
    }) : () -> ()
    return
  }
}

module attributes {stable_mosaic.version = 14 : i64} {
  func.func @_edge_body(%arg0: i32, %arg1: memref<5024x16xf32, #tpu.memory_space<vmem>>, %arg2: memref<16x128xf32, #tpu.memory_space<vmem>>, %arg3: memref<16x128xf32, #tpu.memory_space<vmem>>, %arg4: memref<1x128xf32, #tpu.memory_space<vmem>>, %arg5: memref<1x128xf32, #tpu.memory_space<vmem>>, %arg6: memref<5024x128xf32, #tpu.memory_space<vmem>>, %arg7: memref<5024x128xf32, #tpu.memory_space<vmem>>) attributes {dimension_semantics = [#tpu.dimension_semantics<arbitrary>], iteration_bounds = array<i64: 64>, scalar_prefetch = 0 : i64, scratch_operands = 0 : i64, tpu.core_type = #tpu.core_type<tc>, window_params = [{transform_indices = @transform_0, window_bounds = array<i64: 5024, 16>}, {pipeline_mode = #tpu.pipeline_mode<synchronous>, transform_indices = @transform_1, window_bounds = array<i64: 16, 128>}, {pipeline_mode = #tpu.pipeline_mode<synchronous>, transform_indices = @transform_2, window_bounds = array<i64: 16, 128>}, {pipeline_mode = #tpu.pipeline_mode<synchronous>, transform_indices = @transform_3, window_bounds = array<i64: 1, 128>}, {pipeline_mode = #tpu.pipeline_mode<synchronous>, transform_indices = @transform_4, window_bounds = array<i64: 1, 128>}, {transform_indices = @transform_5, window_bounds = array<i64: 5024, 128>}, {transform_indices = @transform_6, window_bounds = array<i64: 5024, 128>}]} {
    %get3A = arith.constant 0 : index
    %get3A_0 = arith.constant 0 : index
    %get3A_1 = vector.load %arg1[%get3A, %get3A_0] : memref<5024x16xf32, #tpu.memory_space<vmem>>, vector<5024x16xf32>
    %get3A_2 = arith.constant 0 : index
    %get3A_3 = arith.constant 0 : index
    %get3A_4 = vector.load %arg2[%get3A_2, %get3A_3] : memref<16x128xf32, #tpu.memory_space<vmem>>, vector<16x128xf32>
    %dot_general3A = arith.constant dense<0.000000e+00> : vector<5024x128xf32>
    %dot_general3A_5 = tpu.matmul %get3A_1, %get3A_4, %dot_general3A {dimension_numbers = #tpu.dot_dimension_numbers<[1], [0], [0], [1], [0, 0, 1, 1], [], []>, transpose_lhs_hint = false} : vector<5024x16xf32>, vector<16x128xf32>, vector<5024x128xf32> -> vector<5024x128xf32>
    %get3A_6 = arith.constant 0 : index
    %get3A_7 = arith.constant 0 : index
    %get3A_8 = vector.load %arg4[%get3A_6, %get3A_7] : memref<1x128xf32, #tpu.memory_space<vmem>>, vector<1x128xf32>
    %add3A = vector.broadcast %get3A_8 : vector<1x128xf32> to vector<5024x128xf32>
    %add3A_9 = arith.addf %dot_general3A_5, %add3A : vector<5024x128xf32>
    %swap3A = arith.constant 0 : index
    %swap3A_10 = arith.constant 0 : index
    %swap3A_11 = vector.load %arg6[%swap3A, %swap3A_10] : memref<5024x128xf32, #tpu.memory_space<vmem>>, vector<5024x128xf32>
    tpu.vector_store %arg6[%swap3A, %swap3A_10], %add3A_9 {strides = array<i32>} : memref<5024x128xf32, #tpu.memory_space<vmem>>, vector<5024x128xf32>,
    %get3A_12 = arith.constant 0 : index
    %get3A_13 = arith.constant 0 : index
    %get3A_14 = vector.load %arg3[%get3A_12, %get3A_13] : memref<16x128xf32, #tpu.memory_space<vmem>>, vector<16x128xf32>
    %dot_general3A_15 = arith.constant dense<0.000000e+00> : vector<5024x128xf32>
    %dot_general3A_16 = tpu.matmul %get3A_1, %get3A_14, %dot_general3A_15 {dimension_numbers = #tpu.dot_dimension_numbers<[1], [0], [0], [1], [0, 0, 1, 1], [], []>, transpose_lhs_hint = false} : vector<5024x16xf32>, vector<16x128xf32>, vector<5024x128xf32> -> vector<5024x128xf32>
    %get3A_17 = arith.constant 0 : index
    %get3A_18 = arith.constant 0 : index
    %get3A_19 = vector.load %arg5[%get3A_17, %get3A_18] : memref<1x128xf32, #tpu.memory_space<vmem>>, vector<1x128xf32>
    %add3A_20 = vector.broadcast %get3A_19 : vector<1x128xf32> to vector<5024x128xf32>
    %add3A_21 = arith.addf %dot_general3A_16, %add3A_20 : vector<5024x128xf32>
    %swap3A_22 = arith.constant 0 : index
    %swap3A_23 = arith.constant 0 : index
    %swap3A_24 = vector.load %arg7[%swap3A_22, %swap3A_23] : memref<5024x128xf32, #tpu.memory_space<vmem>>, vector<5024x128xf32>
    tpu.vector_store %arg7[%swap3A_22, %swap3A_23], %add3A_21 {strides = array<i32>} : memref<5024x128xf32, #tpu.memory_space<vmem>>, vector<5024x128xf32>,
    return
  }
  func.func @transform_0(%arg0: i32) -> (i32, i32) {
    %c0_i32 = arith.constant 0 : i32
    %c0_i32_0 = arith.constant 0 : i32
    return %arg0, %c0_i32 : i32, i32
  }
  func.func @transform_1(%arg0: i32) -> (i32, i32) {
    %c0_i32 = arith.constant 0 : i32
    %c0_i32_0 = arith.constant 0 : i32
    %c0_i32_1 = arith.constant 0 : i32
    return %c0_i32, %c0_i32_0 : i32, i32
  }
  func.func @transform_2(%arg0: i32) -> (i32, i32) {
    %c0_i32 = arith.constant 0 : i32
    %c0_i32_0 = arith.constant 0 : i32
    %c0_i32_1 = arith.constant 0 : i32
    return %c0_i32, %c0_i32_0 : i32, i32
  }
  func.func @transform_3(%arg0: i32) -> (i32, i32) {
    %c0_i32 = arith.constant 0 : i32
    %c0_i32_0 = arith.constant 0 : i32
    %c0_i32_1 = arith.constant 0 : i32
    return %c0_i32, %c0_i32_0 : i32, i32
  }
  func.func @transform_4(%arg0: i32) -> (i32, i32) {
    %c0_i32 = arith.constant 0 : i32
    %c0_i32_0 = arith.constant 0 : i32
    %c0_i32_1 = arith.constant 0 : i32
    return %c0_i32, %c0_i32_0 : i32, i32
  }
  func.func @transform_5(%arg0: i32) -> (i32, i32) {
    %c0_i32 = arith.constant 0 : i32
    %c0_i32_0 = arith.constant 0 : i32
    return %arg0, %c0_i32 : i32, i32
  }
  func.func @transform_6(%arg0: i32) -> (i32, i32) {
    %c0_i32 = arith.constant 0 : i32
    %c0_i32_0 = arith.constant 0 : i32
    return %arg0, %c0_i32 : i32, i32
  }
}

module attributes {stable_mosaic.version = 14 : i64} {
  func.func @_proj_body(%arg0: i32, %arg1: memref<1264x128xf32, #tpu.memory_space<vmem>>, %arg2: memref<128x512xf32, #tpu.memory_space<vmem>>, %arg3: memref<1x128xf32, #tpu.memory_space<vmem>>, %arg4: memref<1264x128xf32, #tpu.memory_space<vmem>>, %arg5: memref<1264x128xf32, #tpu.memory_space<vmem>>, %arg6: memref<1264x128xf32, #tpu.memory_space<vmem>>, %arg7: memref<1264x128xf32, #tpu.memory_space<vmem>>) attributes {dimension_semantics = [#tpu.dimension_semantics<arbitrary>], iteration_bounds = array<i64: 8>, scalar_prefetch = 0 : i64, scratch_operands = 0 : i64, tpu.core_type = #tpu.core_type<tc>, window_params = [{transform_indices = @transform_0, window_bounds = array<i64: 1264, 128>}, {pipeline_mode = #tpu.pipeline_mode<synchronous>, transform_indices = @transform_1, window_bounds = array<i64: 128, 512>}, {pipeline_mode = #tpu.pipeline_mode<synchronous>, transform_indices = @transform_2, window_bounds = array<i64: 1, 128>}, {transform_indices = @transform_3, window_bounds = array<i64: 1264, 128>}, {transform_indices = @transform_4, window_bounds = array<i64: 1264, 128>}, {transform_indices = @transform_5, window_bounds = array<i64: 1264, 128>}, {transform_indices = @transform_6, window_bounds = array<i64: 1264, 128>}]} {
    %get3A = arith.constant 0 : index
    %get3A_0 = arith.constant 0 : index
    %get3A_1 = vector.load %arg1[%get3A, %get3A_0] : memref<1264x128xf32, #tpu.memory_space<vmem>>, vector<1264x128xf32>
    %get3A_2 = arith.constant 0 : index
    %get3A_3 = arith.constant 0 : index
    %get3A_4 = vector.load %arg2[%get3A_2, %get3A_3] : memref<128x512xf32, #tpu.memory_space<vmem>>, vector<128x512xf32>
    %dot_general3A = arith.constant dense<0.000000e+00> : vector<1264x512xf32>
    %dot_general3A_5 = tpu.matmul %get3A_1, %get3A_4, %dot_general3A {dimension_numbers = #tpu.dot_dimension_numbers<[1], [0], [0], [1], [0, 0, 1, 1], [], []>, transpose_lhs_hint = false} : vector<1264x128xf32>, vector<128x512xf32>, vector<1264x512xf32> -> vector<1264x512xf32>
    %slice3A = vector.extract_strided_slice %dot_general3A_5 {offsets = [0, 0], sizes = [1264, 128], strides = [1, 1]} : vector<1264x512xf32> to vector<1264x128xf32>
    %swap3A = arith.constant 0 : index
    %swap3A_6 = arith.constant 0 : index
    %swap3A_7 = vector.load %arg4[%swap3A, %swap3A_6] : memref<1264x128xf32, #tpu.memory_space<vmem>>, vector<1264x128xf32>
    tpu.vector_store %arg4[%swap3A, %swap3A_6], %slice3A {strides = array<i32>} : memref<1264x128xf32, #tpu.memory_space<vmem>>, vector<1264x128xf32>,
    %slice3A_8 = vector.extract_strided_slice %dot_general3A_5 {offsets = [0, 128], sizes = [1264, 128], strides = [1, 1]} : vector<1264x512xf32> to vector<1264x128xf32>
    %swap3A_9 = arith.constant 0 : index
    %swap3A_10 = arith.constant 0 : index
    %swap3A_11 = vector.load %arg5[%swap3A_9, %swap3A_10] : memref<1264x128xf32, #tpu.memory_space<vmem>>, vector<1264x128xf32>
    tpu.vector_store %arg5[%swap3A_9, %swap3A_10], %slice3A_8 {strides = array<i32>} : memref<1264x128xf32, #tpu.memory_space<vmem>>, vector<1264x128xf32>,
    %slice3A_12 = vector.extract_strided_slice %dot_general3A_5 {offsets = [0, 256], sizes = [1264, 128], strides = [1, 1]} : vector<1264x512xf32> to vector<1264x128xf32>
    %swap3A_13 = arith.constant 0 : index
    %swap3A_14 = arith.constant 0 : index
    %swap3A_15 = vector.load %arg6[%swap3A_13, %swap3A_14] : memref<1264x128xf32, #tpu.memory_space<vmem>>, vector<1264x128xf32>
    tpu.vector_store %arg6[%swap3A_13, %swap3A_14], %slice3A_12 {strides = array<i32>} : memref<1264x128xf32, #tpu.memory_space<vmem>>, vector<1264x128xf32>,
    %slice3A_16 = vector.extract_strided_slice %dot_general3A_5 {offsets = [0, 384], sizes = [1264, 128], strides = [1, 1]} : vector<1264x512xf32> to vector<1264x128xf32>
    %get3A_17 = arith.constant 0 : index
    %get3A_18 = arith.constant 0 : index
    %get3A_19 = vector.load %arg3[%get3A_17, %get3A_18] : memref<1x128xf32, #tpu.memory_space<vmem>>, vector<1x128xf32>
    %add3A = vector.broadcast %get3A_19 : vector<1x128xf32> to vector<1264x128xf32>
    %add3A_20 = arith.addf %slice3A_16, %add3A : vector<1264x128xf32>
    %swap3A_21 = arith.constant 0 : index
    %swap3A_22 = arith.constant 0 : index
    %swap3A_23 = vector.load %arg7[%swap3A_21, %swap3A_22] : memref<1264x128xf32, #tpu.memory_space<vmem>>, vector<1264x128xf32>
    tpu.vector_store %arg7[%swap3A_21, %swap3A_22], %add3A_20 {strides = array<i32>} : memref<1264x128xf32, #tpu.memory_space<vmem>>, vector<1264x128xf32>,
    return
  }
  func.func @transform_0(%arg0: i32) -> (i32, i32) {
    %c0_i32 = arith.constant 0 : i32
    %c0_i32_0 = arith.constant 0 : i32
    return %arg0, %c0_i32 : i32, i32
  }
  func.func @transform_1(%arg0: i32) -> (i32, i32) {
    %c0_i32 = arith.constant 0 : i32
    %c0_i32_0 = arith.constant 0 : i32
    %c0_i32_1 = arith.constant 0 : i32
    return %c0_i32, %c0_i32_0 : i32, i32
  }
  func.func @transform_2(%arg0: i32) -> (i32, i32) {
    %c0_i32 = arith.constant 0 : i32
    %c0_i32_0 = arith.constant 0 : i32
    %c0_i32_1 = arith.constant 0 : i32
    return %c0_i32, %c0_i32_0 : i32, i32
  }
  func.func @transform_3(%arg0: i32) -> (i32, i32) {
    %c0_i32 = arith.constant 0 : i32
    %c0_i32_0 = arith.constant 0 : i32
    return %arg0, %c0_i32 : i32, i32
  }
  func.func @transform_4(%arg0: i32) -> (i32, i32) {
    %c0_i32 = arith.constant 0 : i32
    %c0_i32_0 = arith.constant 0 : i32
    return %arg0, %c0_i32 : i32, i32
  }
  func.func @transform_5(%arg0: i32) -> (i32, i32) {
    %c0_i32 = arith.constant 0 : i32
    %c0_i32_0 = arith.constant 0 : i32
    return %arg0, %c0_i32 : i32, i32
  }
  func.func @transform_6(%arg0: i32) -> (i32, i32) {
    %c0_i32 = arith.constant 0 : i32
    %c0_i32_0 = arith.constant 0 : i32
    return %arg0, %c0_i32 : i32, i32
  }
}

module attributes {stable_mosaic.version = 14 : i64} {
  func.func @_comb_body(%arg0: i32, %arg1: memref<2x1000x128xf32, #tpu.memory_space<vmem>>, %arg2: memref<1000x128xf32, #tpu.memory_space<vmem>>, %arg3: memref<1000x128xf32, #tpu.memory_space<vmem>>) attributes {dimension_semantics = [#tpu.dimension_semantics<arbitrary>], iteration_bounds = array<i64: 10>, scalar_prefetch = 0 : i64, scratch_operands = 0 : i64, tpu.core_type = #tpu.core_type<tc>, window_params = [{transform_indices = @transform_0, window_bounds = array<i64: 2, 1000, 128>}, {transform_indices = @transform_1, window_bounds = array<i64: 1000, 128>}, {transform_indices = @transform_2, window_bounds = array<i64: 1000, 128>}]} {
    %get3A = arith.constant 0 : index
    %get3A_0 = arith.constant 0 : index
    %get3A_1 = arith.constant 0 : index
    %get3A_2 = vector.load %arg1[%get3A, %get3A_0, %get3A_1] : memref<2x1000x128xf32, #tpu.memory_space<vmem>>, vector<1x1000x128xf32>
    %get3A_3 = vector.shape_cast %get3A_2 : vector<1x1000x128xf32> to vector<1000x128xf32>
    %get3A_4 = arith.constant 1 : index
    %get3A_5 = arith.constant 0 : index
    %get3A_6 = arith.constant 0 : index
    %get3A_7 = vector.load %arg1[%get3A_4, %get3A_5, %get3A_6] : memref<2x1000x128xf32, #tpu.memory_space<vmem>>, vector<1x1000x128xf32>
    %get3A_8 = vector.shape_cast %get3A_7 : vector<1x1000x128xf32> to vector<1000x128xf32>
    %add3A = arith.addf %get3A_3, %get3A_8 : vector<1000x128xf32>
    %get3A_9 = arith.constant 0 : index
    %get3A_10 = arith.constant 0 : index
    %get3A_11 = vector.load %arg2[%get3A_9, %get3A_10] : memref<1000x128xf32, #tpu.memory_space<vmem>>, vector<1000x128xf32>
    %add3A_12 = arith.addf %add3A, %get3A_11 : vector<1000x128xf32>
    %swap3A = arith.constant 0 : index
    %swap3A_13 = arith.constant 0 : index
    %swap3A_14 = vector.load %arg3[%swap3A, %swap3A_13] : memref<1000x128xf32, #tpu.memory_space<vmem>>, vector<1000x128xf32>
    tpu.vector_store %arg3[%swap3A, %swap3A_13], %add3A_12 {strides = array<i32>} : memref<1000x128xf32, #tpu.memory_space<vmem>>, vector<1000x128xf32>,
    return
  }
  func.func @transform_0(%arg0: i32) -> (i32, i32, i32) {
    %c0_i32 = arith.constant 0 : i32
    %c0_i32_0 = arith.constant 0 : i32
    %c0_i32_1 = arith.constant 0 : i32
    return %c0_i32, %arg0, %c0_i32_0 : i32, i32, i32
  }
  func.func @transform_1(%arg0: i32) -> (i32, i32) {
    %c0_i32 = arith.constant 0 : i32
    %c0_i32_0 = arith.constant 0 : i32
    return %arg0, %c0_i32 : i32, i32
  }
  func.func @transform_2(%arg0: i32) -> (i32, i32) {
    %c0_i32 = arith.constant 0 : i32
    %c0_i32_0 = arith.constant 0 : i32
    return %arg0, %c0_i32 : i32, i32
  }
}

</mosaic_0001>

<sc_bundles>
// kernel: kernel.6.cloned.1.call-start
scs
__scs_entry_jumppad:
0x0: {  	(pc) =	sbr.rel $0x88, $3  }
0x1: {  	(tag) =	ssettag $0x0;
	lr =	simm.s32 $0x1  }
0x2: {  	[smem:$0x3F96] =	sst lr;
	_ =	strace $0xD0000000  }
0x3: {  	_ = 	snop  }
0x4: {  	_ = 	snop  }
0x5: {  	_ = 	snop  }
0x6: {  	_ = 	snop  }
0x7: {  	_ = 	snop  }
__scs_overlays_trampoline_lowered:
0x8: {  	[smem:$0x3FA5] =	sst s0  }
0x9: {  	[smem:$0x3FA6] =	sst s1  }
0xa: {  	[smem:$0x3FA7] =	sst s2  }
0xb: {  	[smem:$0x3FA8] =	sst s3  }
0xc: {  	[smem:$0x3FA9] =	sst s4  }
0xd: {  	[smem:$0x3FAA] =	sst s5  }
0xe: {  	[smem:$0x3FAB] =	sst s6  }
0xf: {  	[smem:$0x3FAC] =	sst s7  }
0x10: {  	[smem:$0x3FAD] =	sst s8  }
0x11: {  	[smem:$0x3FAE] =	sst s9;
	s0 =	simm.s32 @!p0 $0x0  }
0x12: {  	s1 =	sld [smem:$0x3F94];
	s0 =	simm.s32 @p0 $0x1  }
0x13: {  	[smem:$0x3FAF] =	sst s0;
	s0 =	simm.s32 @!p1 $0x0  }
0x14: {  	s2 =	sld [smem:$0x3F93];
	s0 =	simm.s32 @p1 $0x1  }
0x15: {  	[smem:$0x3FB0] =	sst s0;
	s0 =	simm.s32 @!p2 $0x0  }
0x16: {  	s3 =	sld [smem:$0x3FDB];
	s0 =	simm.s32 @p2 $0x1  }
0x17: {  	s4 =	simm.s32 $0x1BF5;
	[smem:$0x3FB2] =	sst s0  }
0x18: {  	s0 =	sld [smem:$0x3F95];
	_ =	swait.ge [sflag:s4], $0x0  }
0x19: {  	s7 =	sld [smem:$0x3F96]  }
0x1a: {  	s8 =	sadd.s32 $0xFFFFE003, lr  }
0x1b: {  	s9 =	sadd.s32 $0xFFFFFEF7, lr;
	s5 =	simm.s32 $0xFFFFFFFF;
	p2 =	slt.u32 s8, $0xFFFFF086  }
0x1c: {  	p1 =	slt.u32 s9, $0xF7A;
	s5 =	simm.s32 @!p2 $0x0  }
0x1d: {  	s5 =	simm.s32 @p1 $0x1;
	p0 =	seq.s32 s7, s2  }
0x1e: {  	s7 =	smul.u32 @!p0 $0xF7A, s2;
	p2 =	seq.s32 @!p0 s5, $0x0  }
0x1f: {  	s9 =	smul.u32 $0xF7A, s1;
	s8 =	simm.s32 @!p0 $0x1BF5;
	p2 =	por !p2, p0  }
0x20: {  	[sflag:s8] =	ssyncset.s32 @!p0 $0xFFFFF086;
	s6 =	sadd.s32 @!p0 s3, s7;
	s7 =	simm.s32 @!p0 $0x108  }
0x21: {  	s3 =	sadd.s32 s3, s9;
	s6 =	sadd.s32 @!p0 $0x88, s6;
	s7 =	simm.s32 @p2 $0x1082  }
0x22: {  	[simem:s7], [sflag:s8] =	dma.local @!p0 [hbm:s6], $0xF7A  }
0x23: {  	s9 =	sor.u32 $0xD0000000, s2;
	s6 =	simm.s32 $0x108;
	_ =	swait.ge @!p0 [sflag:s8], $0x0  }
0x24: {  	s3 =	sadd.s32 $0x88, s3;
	s6 =	simm.s32 @!p1 $0x1082;
	[sflag:s4] =	ssyncset.s32 $0xFFFFF086  }
0x25: {  	[simem:s6], [sflag:s4] =	dma.local [hbm:s3], $0xF7A  }
0x26: {  	[smem:$0x3F96] =	sst s1;
	(tag) =	ssettag s2;
	_ =	strace s9  }
0x27: {  	s1 =	sld [smem:$0x3FA6]  }
0x28: {  	s2 =	sld [smem:$0x3FA7]  }
0x29: {  	s4 =	sld [smem:$0x3FA9]  }
0x2a: {  	p0 =	seq.s32 s5, $0x0;
	s5 =	sld [smem:$0x3FAA]  }
0x2b: {  	s6 =	sld [smem:$0x3FAB]  }
0x2c: {  	s7 =	sld [smem:$0x3FAC]  }
0x2d: {  	s3 =	simm.s32 $0x108;
	s8 =	sld [smem:$0x3FAD]  }
0x2e: {  	s3 =	simm.s32 @!p0 $0x1082;
	s9 =	sld [smem:$0x3FAE]  }
0x2f: {  	lr =	sadd.s32 s0, s3;
	s0 =	sld [smem:$0x3FA5]  }
0x30: {  	s3 =	sld [smem:$0x3FA8]  }
0x31: {  	[smem:$0x3FB1] =	sst s10  }
0x32: {  	s10 =	sld [smem:$0x3FAF];
	_ =	sdelay $0x3  }
0x33: {  	p0 =	seq.s32 s10, $0x1;
	s10 =	sld [smem:$0x3FB1];
	_ =	sdelay $0x3  }
0x34: {  	[smem:$0x3FB1] =	sst s10  }
0x35: {  	s10 =	sld [smem:$0x3FB0];
	_ =	sdelay $0x3  }
0x36: {  	p1 =	seq.s32 s10, $0x1;
	s10 =	sld [smem:$0x3FB1];
	_ =	sdelay $0x3  }
0x37: {  	[smem:$0x3FB1] =	sst s10  }
0x38: {  	s10 =	sld [smem:$0x3FB2]  }
0x39: {  	_ = 	snop;
	(pc) =	sbr.ind lr, $3  }
0x3a: {  	_ = 	snop  }
0x3b: {  	_ = 	snop  }
0x3c: {  	p2 =	seq.s32 s10, $0x1;
	s10 =	sld [smem:$0x3FB1]  }
0x3d: {  	_ =	shalt  }
0x3e: {  	_ =	shalt  }
0x3f: {  	_ =	shalt  }
0x40: {  	_ =	shalt  }
0x41: {  	_ =	shalt  }
0x42: {  	_ =	shalt  }
0x43: {  	_ =	shalt  }
0x44: {  	_ =	shalt  }
0x45: {  	_ =	shalt  }
0x46: {  	_ =	shalt  }
0x47: {  	_ =	shalt  }
0x48: {  	_ =	shalt  }
0x49: {  	_ =	shalt  }
0x4a: {  	_ =	shalt  }
0x4b: {  	_ =	shalt  }
0x4c: {  	_ =	shalt  }
0x4d: {  	_ =	shalt  }
0x4e: {  	_ =	shalt  }
0x4f: {  	_ =	shalt  }
0x50: {  	_ =	shalt  }
0x51: {  	_ =	shalt  }
0x52: {  	_ =	shalt  }
0x53: {  	_ =	shalt  }
0x54: {  	_ =	shalt  }
0x55: {  	_ =	shalt  }
0x56: {  	_ =	shalt  }
0x57: {  	_ =	shalt  }
0x58: {  	_ =	shalt  }
0x59: {  	_ =	shalt  }
0x5a: {  	_ =	shalt  }
0x5b: {  	_ =	shalt  }
0x5c: {  	_ =	shalt  }
0x5d: {  	_ =	shalt  }
0x5e: {  	_ =	shalt  }
0x5f: {  	_ =	shalt  }
0x60: {  	_ =	shalt  }
0x61: {  	_ =	shalt  }
0x62: {  	_ =	shalt  }
0x63: {  	_ =	shalt  }
0x64: {  	_ =	shalt  }
0x65: {  	_ =	shalt  }
0x66: {  	_ =	shalt  }
0x67: {  	_ =	shalt  }
0x68: {  	_ =	shalt  }
0x69: {  	_ =	shalt  }
0x6a: {  	_ =	shalt  }
0x6b: {  	_ =	shalt  }
0x6c: {  	_ =	shalt  }
0x6d: {  	_ =	shalt  }
0x6e: {  	_ =	shalt  }
0x6f: {  	_ =	shalt  }
0x70: {  	_ =	shalt  }
0x71: {  	_ =	shalt  }
0x72: {  	_ =	shalt  }
0x73: {  	_ =	shalt  }
0x74: {  	_ =	shalt  }
0x75: {  	_ =	shalt  }
0x76: {  	_ =	shalt  }
0x77: {  	_ =	shalt  }
0x78: {  	_ =	shalt  }
0x79: {  	_ =	shalt  }
0x7a: {  	_ =	shalt  }
0x7b: {  	_ =	shalt  }
0x7c: {  	_ =	shalt  }
0x7d: {  	_ =	shalt  }
0x7e: {  	_ =	shalt  }
0x7f: {  	_ =	shalt  }
0x80: {  	_ =	shalt  }
0x81: {  	_ =	shalt  }
0x82: {  	_ =	shalt  }
0x83: {  	_ =	shalt  }
0x84: {  	_ =	shalt  }
0x85: {  	_ =	shalt  }
0x86: {  	_ =	shalt  }
0x87: {  	_ =	shalt  }
.Lfunc_end0:
.L_simem_size_0:
called_computation_lowered:
.L_overlay_start_0:
0x88: {  	s2 =	sld [smem:$0x3FD9]  }
0x89: {  	s3 =	sld [smem:$0x3FFE];
	_ =	sdelay $0x1  }
0x8a: {  	s1 =	srdreg.scid  }
0x8b: {  	s0 =	sand.u32 $0x1, s1  }
0x8c: {  	s17 =	sshll.u32 s0, $0xA;
	s2 =	sadd.s32 s3, s2  }
0x8d: {  	s2 =	sadd.s32 s2, s17  }
0x8e: {  	[smem:$0x3FBD] =	sst s2  }
0x8f: {  	_ = 	snop  }
0x90: {  	s2 =	sld [smem:$0x3FD0];
	(tm) =	ssettm $0x1  }
0x91: {  	s18 =	sld [smem:$0x3FFB];
	_ =	sdelay $0x3  }
0x92: {  	_ =	strace s18  }
0x93: {  	s3 =	sld [smem:$0x3FFC];
	_ =	sdelay $0x3  }
0x94: {  	_ =	strace s3  }
0x95: {  	s3 =	sld [smem:$0x3FFD];
	_ =	sdelay $0x3  }
0x96: {  	_ =	strace s3  }
0x97: {  	_ =	strace $0x8FFFFFFF  }
0x98: {  	s19 =	sld [smem:$0x3FDB];
	_ =	sdelay $0x1  }
0x99: {  	s4 =	simm.s32 $_scs_section_size  }
0x9a: {  	s5 =	simm.s32 $_size__tile_overlayer_lowered;
	s6 =	simm.s32 $_tile_overlayer_lowered  }
0x9b: {  	s22 =	simm.s32 $0x1BFF;
	s21 =	sshll.u32 s6, $0x1;
	s3 =	sadd.s32 s4, s19  }
0x9c: {  	s7 =	simm.s32 $0x0;
	s20 =	sshll.u32 s5, $0x1;
	s5 =	sadd.s32 s21, s3  }
0x9d: {  	[timem:s7], [sflag:s22] =	dma.local [hbm:s5], s20  }
0x9e: {  	_ =	swait.ge [sflag:s22], s20  }
0x9f: {  	s4 =	ssub.s32 $0x0, s20;
	[sflag:s22] =	ssyncset.done $0x0  }
0xa0: {  	[sflag:s22] =	ssyncadd.s32 s4;
	_ =	sdelay $0x1  }
0xa1: {  	s23 =	simm.s32 $0x1B8B  }
0xa2: {  	_ =	swait.ge [sflag:s23], $0x1  }
0xa3: {  	[sflag:s23] =	ssyncset.done $0x0  }
0xa4: {  	s25 =	simm.s32 $0x1B8E;
	s24 =	sld [smem:$0x3FFE];
	[sflag:s23] =	ssyncadd.s32 $0xFFFFFFFF  }
0xa5: {  	s26 =	simm.s32 $execute0_lowered;
	[smem:$0x3FD2] =	sst s25  }
0xa6: {  	s5 =	sshll.u32 s26, $0x1;
	_ =	strace $0x80000046;
	[dreg:$0x1] =	wrdreg $0xFFFFFFFF  }
0xa7: {  	s28 =	simm.s32 $_size_execute0_lowered;
	s3 =	sadd.s32 s3, s5;
	[dreg:$0x0] =	wrdreg $0x0  }
0xa8: {  	s5 =	sshll.u32 s28, $0x1;
	[dreg:$0x2] =	wrdreg s3  }
0xa9: {  	[dreg:$0x3] =	wrdreg s5  }
0xaa: {  	[dreg:$0x4] =	wrdreg $0xC0  }
0xab: {  	_ =	task [dreg:s7], $0x5FFFF  }
0xac: {  	[dreg:$0x1] =	wrdreg $0xFFFFFFFF  }
0xad: {  	[dreg:$0x0] =	wrdreg $0x60  }
0xae: {  	[dreg:$0x2] =	wrdreg s24  }
0xaf: {  	[dreg:$0x3] =	wrdreg s2  }
0xb0: {  	[dreg:$0x4] =	wrdreg $0xC3000  }
0xb1: {  	[dreg:$0x5] =	wrdreg $0x9  }
0xb2: {  	_ =	task.clear_ibuf [dreg:s7], $0x6FFFF;
	_ =	strace $0x90000046  }
0xb3: {  	s29 =	simm.s32 $0x9;
	_ =	strace $0x80000048  }
0xb4: {  	_ =	swait.ge [sflag:s29], $0x1  }
0xb5: {  	[sflag:s29] =	ssyncadd.s32 $0xFFFFFFFF  }
0xb6: {  	_ =	strace $0x90000048  }
0xb7: {  	_ =	sfence  }
0xb8: {  	s30 =	sld [smem:$0x0];
	_ =	sdelay $0x2  }
0xb9: {  	s31 =	sshll.u32 s1, $0xD;
	s1 =	sshrl.u32 s1, $0x2  }
0xba: {  	s3 =	sand.u32 $0x4000, s31;
	s1 =	sadd.s32 s1, s30  }
0xbb: {  	s0 =	sor.u32 s3, s0;
	s1 =	sshll.u32 s1, $0x11  }
0xbc: {  	s0 =	sor.u32 s1, s0  }
0xbd: {  	s0 =	sadd.s32 $0x8F2B, s0  }
0xbe: {  	[sflag:s0] =	ssyncadd.remote.s32 $0x1  }
0xbf: {  	_ =	sfence.sel $0xFFFF  }
0xc0: {  	[dreg:$0x0] =	wrdreg $0xFFFFFFFF;
	(pc) =	sbr.abs _section_cstart, $3  }
0xc1: {  	[dreg:$0x1] =	wrdreg $0xFFFFFFFF  }
0xc2: {  	_ =	task.clear_ibuf [dreg:s7], $0x2FFFF;
	_ =	strace $0x9FFFFFFF  }
0xc3: {  	(tm) =	ssettm $0x7FFFFFFF  }
tec
execute0_lowered:
.L_overlay_start_1:
0x0: {  	(tag) =	ssettag $0x1  }
0x1: {  	s0 =	srdreg.scid;
	s31 =	rddreg [dreg:$0x0]  }
0x2: {  	s4 =	stileid.u32;
	s1 =	simm.s32 $0x0;
	s24 =	sand.u32 $0x1, s0  }
0x3: {  	s21 =	smul.u32 $0x13C00, s4;
	[smem:$0x7FF] =	sst s1;
	s0 =	ssub.s32 $0x2, s24  }
0x4: {  	s28 =	sadd.s32 $0x2A00, s31;
	s22 =	smul.u32 $0x13C000, s24;
	s3 =	sshrl.u32 s0, $0x1  }
0x5: {  	s9 =	sadd.s32 $0x1000, s21;
	s10 =	sadd.s32 $0x2000, s21;
	s11 =	sadd.s32 $0x3000, s21  }
0x6: {  	s12 =	sadd.s32 $0x4000, s21;
	s13 =	sadd.s32 $0x5000, s21;
	s14 =	sadd.s32 $0x6000, s21  }
0x7: {  	s15 =	sadd.s32 $0x7000, s21;
	s16 =	sadd.s32 $0x8000, s21;
	s17 =	sadd.s32 $0x9000, s21  }
0x8: {  	s18 =	sadd.s32 $0xA000, s21;
	s19 =	sadd.s32 $0xB000, s21;
	s5 =	sadd.s32 $0xC000, s21  }
0x9: {  	s6 =	sadd.s32 $0xD000, s21;
	s7 =	sadd.s32 $0xE000, s21;
	s20 =	sadd.s32 $0xF000, s21  }
0xa: {  	s23 =	sadd.s32 $0x10000, s21;
	s8 =	sadd.s32 $0x11000, s21;
	s4 =	sadd.s32 $0x13000, s21  }
0xb: {  	s0 =	ssub.s32 s0, s3;
	s3 =	sadd.s32 $0x12000, s21;
	s21 =	sadd.s32 s21, s22  }
0xc: {  	s25 =	sadd.s32 s22, s9;
	s26 =	sadd.s32 s22, s10;
	s21 =	sshrl.u32 s21, $0x3  }
0xd: {  	[smem:$0x7F9] =	sst s0;
	s25 =	sshrl.u32 s25, $0x3;
	s2 =	sadd.s32 s28, s21  }
0xe: {  	s26 =	sshrl.u32 s26, $0x3;
	s21 =	sadd.s32 s28, s25;
	[dreg:$0x4] =	wrdreg s2  }
0xf: {  	s0 =	sadd.s32 s22, s12;
	s25 =	sadd.s32 s28, s26;
	[dreg:$0x5] =	wrdreg s21  }
0x10: {  	s26 =	sadd.s32 s22, s11;
	[dreg:$0x6] =	wrdreg s25;
	s2 =	sadd.s32 s22, s13  }
0x11: {  	s21 =	sshrl.u32 s26, $0x3;
	s25 =	sshrl.u32 s0, $0x3;
	s0 =	sadd.s32 s22, s16  }
0x12: {  	s26 =	sshrl.u32 s2, $0x3;
	s21 =	sadd.s32 s28, s21;
	s2 =	sadd.s32 s28, s25  }
0x13: {  	s25 =	sadd.s32 s22, s14;
	[dreg:$0x7] =	wrdreg s21;
	s21 =	sadd.s32 s28, s26  }
0x14: {  	s26 =	sadd.s32 s22, s15;
	[dreg:$0x9] =	wrdreg s21;
	s21 =	sshrl.u32 s25, $0x3  }
0x15: {  	[dreg:$0x8] =	wrdreg s2;
	s25 =	sshrl.u32 s26, $0x3;
	s2 =	sadd.s32 s28, s21  }
0x16: {  	s26 =	sshrl.u32 s0, $0x3;
	s21 =	sadd.s32 s28, s25;
	[dreg:$0xa] =	wrdreg s2  }
0x17: {  	s0 =	sadd.s32 s22, s18;
	s25 =	sadd.s32 s28, s26;
	[dreg:$0xb] =	wrdreg s21  }
0x18: {  	s26 =	sadd.s32 s22, s17;
	[dreg:$0xc] =	wrdreg s25;
	s2 =	sadd.s32 s22, s19  }
0x19: {  	s21 =	sshrl.u32 s26, $0x3;
	s25 =	sshrl.u32 s0, $0x3;
	s0 =	sadd.s32 s22, s7  }
0x1a: {  	s26 =	sshrl.u32 s2, $0x3;
	s21 =	sadd.s32 s28, s21;
	s2 =	sadd.s32 s28, s25  }
0x1b: {  	s25 =	sadd.s32 s22, s5;
	[dreg:$0xd] =	wrdreg s21;
	s21 =	sadd.s32 s28, s26  }
0x1c: {  	s26 =	sadd.s32 s22, s6;
	[dreg:$0xf] =	wrdreg s21;
	s21 =	sshrl.u32 s25, $0x3  }
0x1d: {  	[dreg:$0xe] =	wrdreg s2;
	s25 =	sshrl.u32 s26, $0x3;
	s2 =	sadd.s32 s28, s21  }
0x1e: {  	s26 =	sshrl.u32 s0, $0x3;
	s21 =	sadd.s32 s28, s25;
	[dreg:$0x10] =	wrdreg s2  }
0x1f: {  	s25 =	sadd.s32 s28, s26;
	[dreg:$0x11] =	wrdreg s21  }
0x20: {  	s0 =	sadd.s32 s22, s23;
	s26 =	sadd.s32 s22, s20;
	[dreg:$0x12] =	wrdreg s25  }
0x21: {  	s2 =	sadd.s32 s22, s8;
	s21 =	sshrl.u32 s26, $0x3;
	s25 =	sshrl.u32 s0, $0x3  }
0x22: {  	s0 =	sadd.s32 s22, s3;
	s22 =	sadd.s32 s22, s4;
	s26 =	sshrl.u32 s2, $0x3  }
0x23: {  	s21 =	sadd.s32 s28, s21;
	s2 =	sshrl.u32 s22, $0x3;
	s22 =	rddreg [dreg:$0x2]  }
0x24: {  	s25 =	sadd.s32 s28, s25;
	[dreg:$0x13] =	wrdreg s21  }
0x25: {  	[dreg:$0x14] =	wrdreg s25  }
0x26: {  	s26 =	sadd.s32 s28, s26;
	s21 =	rddreg [dreg:$0x1]  }
0x27: {  	s25 =	sshrl.u32 s0, $0x3;
	s2 =	sadd.s32 s28, s2;
	[dreg:$0x15] =	wrdreg s26  }
0x28: {  	s25 =	sadd.s32 s28, s25;
	[dreg:$0x17] =	wrdreg s2  }
0x29: {  	s9 =	sadd.s32 s9, s22;
	[dreg:$0x16] =	wrdreg s25  }
0x2a: {  	s10 =	sadd.s32 s10, s22;
	_ =	strace $0x80000047;
	[dreg:$0x19] =	wrdreg s9  }
0x2b: {  	s24 =	sshll.u32 s24, $0x4;
	s11 =	sadd.s32 s11, s22;
	[dreg:$0x1a] =	wrdreg s10  }
0x2c: {  	s12 =	sadd.s32 s12, s22;
	s2 =	stileid.u32;
	[dreg:$0x1b] =	wrdreg s11  }
0x2d: {  	s13 =	sadd.s32 s13, s22;
	s29 =	smul.u32 $0x4F000, s2;
	[dreg:$0x1c] =	wrdreg s12  }
0x2e: {  	s2 =	sor.u32 s2, s24;
	s24 =	sadd.s32 s6, s22;
	[dreg:$0x1d] =	wrdreg s13  }
0x2f: {  	s6 =	sadd.s32 s20, s22;
	[smem:$0x7E5] =	sst s24  }
0x30: {  	s3 =	sadd.s32 s3, s22;
	[smem:$0x7E7] =	sst s6  }
0x31: {  	s19 =	sadd.s32 s19, s22;
	s23 =	sadd.s32 s23, s22;
	[smem:$0x7E9] =	sst s3  }
0x32: {  	s9 =	sadd.s32 s14, s22;
	s14 =	sadd.s32 s15, s22;
	[smem:$0x7FC] =	sst s19  }
0x33: {  	s15 =	sadd.s32 s16, s22;
	s16 =	sadd.s32 s17, s22;
	[smem:$0x7FD] =	sst s23  }
0x34: {  	s17 =	sadd.s32 s18, s22;
	[smem:$0x7E2] =	sst s16  }
0x35: {  	s18 =	sadd.s32 s5, s22;
	[smem:$0x7E3] =	sst s17  }
0x36: {  	s5 =	sadd.s32 s7, s22;
	[smem:$0x7E4] =	sst s18  }
0x37: {  	s30 =	sadd.s32 $0xA74800, s31;
	s10 =	sadd.s32 s8, s22;
	[smem:$0x7E6] =	sst s5  }
0x38: {  	s26 =	sadd.s32 $0x53D800, s31;
	[smem:$0x7E8] =	sst s10  }
0x39: {  	s28 =	sadd.s32 $0x565000, s31;
	s12 =	smul.u32 $0x2740, s2;
	[dreg:$0x1e] =	wrdreg s9  }
0x3a: {  	s25 =	sadd.s32 $0x516000, s31;
	s13 =	smul.u32 $0x27400, s2;
	[dreg:$0x1f] =	wrdreg s14  }
0x3b: {  	s0 =	sshrl.u32 s29, $0x2;
	s16 =	sadd.s32 s4, s22;
	[smem:$0x7FB] =	sst s15  }
0x3c: {  	s29 =	sadd.s32 $0x58C800, s31;
	s0 =	sadd.s32 s0, s22;
	[smem:$0x7EA] =	sst s16  }
0x3d: {  	s31 =	sadd.s32 $0x4E4A00, s31;
	s20 =	sadd.s32 s29, s13;
	[dreg:$0x18] =	wrdreg s0  }
0x3e: {  	s7 =	sor.u32 $0x20, s12;
	s24 =	sadd.s32 s30, s13;
	[smem:$0x7ED] =	sst s20  }
0x3f: {  	s5 =	sadd.s32 $0x40, s12;
	s13 =	sshrl.u32 s12, $0x3;
	[smem:$0x7EE] =	sst s24  }
0x40: {  	s11 =	sshrl.u32 s7, $0x3;
	s16 =	sadd.s32 s31, s13;
	s20 =	sld [smem:$0x7F9]  }
0x41: {  	s0 =	sshll.u32 s7, $0x4;
	s17 =	sadd.s32 s31, s11;
	[smem:$0x7F5] =	sst s16  }
0x42: {  	s6 =	sshrl.u32 s5, $0x3;
	s18 =	sadd.s32 s21, s11;
	[smem:$0x7EB] =	sst s17  }
0x43: {  	s3 =	sshll.u32 s5, $0x4;
	s4 =	sadd.s32 s29, s0;
	[smem:$0x7EC] =	sst s18  }
0x44: {  	s5 =	simm.s32 $0x1;
	s0 =	sadd.s32 s30, s0;
	[smem:$0x7EF] =	sst s4  }
0x45: {  	s7 =	sadd.s32 s31, s6;
	s8 =	sadd.s32 s29, s3;
	[smem:$0x7F0] =	sst s0  }
0x46: {  	s10 =	sadd.s32 s30, s3;
	s11 =	smul.u32 $0x13A000, s2;
	[smem:$0x7F1] =	sst s7  }
0x47: {  	s2 =	sadd.s32 $0xC, s13;
	s3 =	simm.s32 $0x6180;
	[smem:$0x7F3] =	sst s8  }
0x48: {  	s16 =	simm.s32 $0x3;
	s0 =	sadd.s32 s21, s6;
	[smem:$0x7F4] =	sst s10  }
0x49: {  	s17 =	sadd.s32 s21, s13;
	s18 =	sadd.s32 s31, s2;
	[smem:$0x7F2] =	sst s0  }
0x4a: {  	s2 =	sadd.s32 s21, s2;
	s4 =	simm.s32 $0x6200;
	[smem:$0x7F6] =	sst s17  }
0x4b: {  	s8 =	simm.s32 $0x20;
	s10 =	simm.s32 $0x2180;
	[smem:$0x7F7] =	sst s18  }
0x4c: {  	s13 =	simm.s32 $0x5;
	s7 =	simm.s32 $0x0;
	[smem:$0x7F8] =	sst s2  }
0x4d: {  	s24 =	sadd.s32 $0x3000, s11;
	s0 =	smax.u32 s20, $0x1;
	s20 =	simm.s32 $0x180  }
0x4e: {  	s2 =	simm.s32 $0x80;
	s11 =	simm.s32 $0x4;
	s18 =	simm.s32 $0x2  }
0x4f: {  	v0 =	vimm.f32 $0.0e+00;
	s17 =	simm.s32 $0x6;
	[smem:$0x7FA] =	sst s0;
	s0 =	simm.s32 $0x7  }
.LBB2_1:
0x50: {  	[smem:$0x7E1] =	sst s7;
	s6 =	simm.s32 $0x0;
	s7 =	simm.s32 $0x200  }
.LBB2_2:
0x51: {  	p0 =	sne.s32 s7, $0x3E00;
	[tilespmem:s6+$0x1F0] =	vst v0  }
0x52: {  	[tilespmem:s6+$0x180] =	vst v0  }
0x53: {  	[tilespmem:s6+$0x190] =	vst v0  }
.Ltmp0:
0x54: {  	[tilespmem:s6+$0x1A0] =	vst v0;
	(pc) =	sbr.rel @p0 .LBB2_2-.Ltmp0, $4  }
0x55: {  	[tilespmem:s6+$0x1B0] =	vst v0  }
0x56: {  	[tilespmem:s6+$0x1C0] =	vst v0  }
0x57: {  	[tilespmem:s6+$0x1D0] =	vst v0  }
0x58: {  	[tilespmem:s6+$0x1E0] =	vst v0;
	s6 =	sshra.s32 s7, $0x2;
	s7 =	sadd.s32 $0x200, s7  }
0x59: {  	[tilespmem:s6+$0x1F0] =	vst v0  }
0x5a: {  	[tilespmem:s6+$0x180] =	vst v0  }
0x5b: {  	[tilespmem:s6+$0x190] =	vst v0  }
0x5c: {  	[tilespmem:s6+$0x1A0] =	vst v0  }
0x5d: {  	[tilespmem:s6+$0x1B0] =	vst v0  }
0x5e: {  	[tilespmem:s6+$0x1C0] =	vst v0  }
0x5f: {  	[tilespmem:s6+$0x1D0] =	vst v0  }
0x60: {  	[tilespmem:s6+$0x1E0] =	vst v0;
	s7 =	rddreg [dreg:$0x18]  }
0x61: {  	[spmem:s7] =	stream.linear.scatter [tilespmem:s20], [sflag:$0x7], $0x1000, $0x38;
	[tilespmem:$0x1FF00] =	vst v63  }
0x62: {  	_ =	swait.ge [sflag:s0], $0x1000  }
0x63: {  	[sflag:s0] =	ssyncset.done $0x0  }
0x64: {  	s7 =	rddreg [dreg:$0x19];
	[sflag:s0] =	ssyncadd.s32 $0xFFFFF000  }
0x65: {  	[spmem:s7] =	stream.linear.scatter [tilespmem:s20], [sflag:$0x7], $0x1000, $0x38;
	[tilespmem:$0x1FF00] =	vst v63  }
0x66: {  	_ =	swait.ge [sflag:s0], $0x1000  }
0x67: {  	[sflag:s0] =	ssyncset.done $0x0  }
0x68: {  	s7 =	rddreg [dreg:$0x1a];
	[sflag:s0] =	ssyncadd.s32 $0xFFFFF000  }
0x69: {  	[spmem:s7] =	stream.linear.scatter [tilespmem:s20], [sflag:$0x7], $0x1000, $0x38;
	[tilespmem:$0x1FF00] =	vst v63  }
0x6a: {  	_ =	swait.ge [sflag:s0], $0x1000  }
0x6b: {  	[sflag:s0] =	ssyncset.done $0x0  }
0x6c: {  	s7 =	rddreg [dreg:$0x1b];
	[sflag:s0] =	ssyncadd.s32 $0xFFFFF000  }
0x6d: {  	[spmem:s7] =	stream.linear.scatter [tilespmem:s20], [sflag:$0x7], $0x1000, $0x38;
	[tilespmem:$0x1FF00] =	vst v63  }
0x6e: {  	_ =	swait.ge [sflag:s0], $0x1000  }
0x6f: {  	[sflag:s0] =	ssyncset.done $0x0  }
0x70: {  	s7 =	rddreg [dreg:$0x1c];
	[sflag:s0] =	ssyncadd.s32 $0xFFFFF000  }
0x71: {  	[spmem:s7] =	stream.linear.scatter [tilespmem:s20], [sflag:$0x7], $0x1000, $0x38;
	[tilespmem:$0x1FF00] =	vst v63  }
0x72: {  	_ =	swait.ge [sflag:s0], $0x1000  }
0x73: {  	[sflag:s0] =	ssyncset.done $0x0  }
0x74: {  	s7 =	rddreg [dreg:$0x1d];
	[sflag:s0] =	ssyncadd.s32 $0xFFFFF000  }
0x75: {  	[spmem:s7] =	stream.linear.scatter [tilespmem:s20], [sflag:$0x7], $0x1000, $0x38;
	[tilespmem:$0x1FF00] =	vst v63  }
0x76: {  	_ =	swait.ge [sflag:s0], $0x1000  }
0x77: {  	[sflag:s0] =	ssyncset.done $0x0  }
0x78: {  	[sflag:s0] =	ssyncadd.s32 $0xFFFFF000  }
0x79: {  	[spmem:s9] =	stream.linear.scatter [tilespmem:s20], [sflag:$0x7], $0x1000, $0x38;
	[tilespmem:$0x1FF00] =	vst v63  }
0x7a: {  	_ =	swait.ge [sflag:s0], $0x1000  }
0x7b: {  	[sflag:s0] =	ssyncset.done $0x0  }
0x7c: {  	[sflag:s0] =	ssyncadd.s32 $0xFFFFF000  }
0x7d: {  	[spmem:s14] =	stream.linear.scatter [tilespmem:s20], [sflag:$0x7], $0x1000, $0x38;
	[tilespmem:$0x1FF00] =	vst v63  }
0x7e: {  	_ =	swait.ge [sflag:s0], $0x1000  }
0x7f: {  	[sflag:s0] =	ssyncset.done $0x0  }
0x80: {  	[sflag:s0] =	ssyncadd.s32 $0xFFFFF000  }
0x81: {  	[spmem:s15] =	stream.linear.scatter [tilespmem:s20], [sflag:$0x7], $0x1000, $0x38;
	[tilespmem:$0x1FF00] =	vst v63  }
0x82: {  	_ =	swait.ge [sflag:s0], $0x1000  }
0x83: {  	s14 =	sld [smem:$0x7E2]  }
0x84: {  	[sflag:s0] =	ssyncset.done $0x0  }
0x85: {  	[sflag:s0] =	ssyncadd.s32 $0xFFFFF000  }
0x86: {  	[spmem:s14] =	stream.linear.scatter [tilespmem:s20], [sflag:$0x7], $0x1000, $0x38;
	[tilespmem:$0x1FF00] =	vst v63  }
0x87: {  	_ =	swait.ge [sflag:s0], $0x1000  }
0x88: {  	s15 =	sld [smem:$0x7E3]  }
0x89: {  	[sflag:s0] =	ssyncset.done $0x0  }
0x8a: {  	[sflag:s0] =	ssyncadd.s32 $0xFFFFF000  }
0x8b: {  	[spmem:s15] =	stream.linear.scatter [tilespmem:s20], [sflag:$0x7], $0x1000, $0x38;
	[tilespmem:$0x1FF00] =	vst v63  }
0x8c: {  	_ =	swait.ge [sflag:s0], $0x1000  }
0x8d: {  	[sflag:s0] =	ssyncset.done $0x0  }
0x8e: {  	[sflag:s0] =	ssyncadd.s32 $0xFFFFF000  }
0x8f: {  	[spmem:s19] =	stream.linear.scatter [tilespmem:s20], [sflag:$0x7], $0x1000, $0x38;
	[tilespmem:$0x1FF00] =	vst v63  }
0x90: {  	_ =	swait.ge [sflag:s0], $0x1000  }
0x91: {  	s7 =	sld [smem:$0x7E4]  }
0x92: {  	[sflag:s0] =	ssyncset.done $0x0  }
0x93: {  	[sflag:s0] =	ssyncadd.s32 $0xFFFFF000  }
0x94: {  	[spmem:s7] =	stream.linear.scatter [tilespmem:s20], [sflag:$0x7], $0x1000, $0x38;
	[tilespmem:$0x1FF00] =	vst v63  }
0x95: {  	_ =	swait.ge [sflag:s0], $0x1000  }
0x96: {  	s9 =	sld [smem:$0x7E5]  }
0x97: {  	[sflag:s0] =	ssyncset.done $0x0  }
0x98: {  	[sflag:s0] =	ssyncadd.s32 $0xFFFFF000  }
0x99: {  	[spmem:s9] =	stream.linear.scatter [tilespmem:s20], [sflag:$0x7], $0x1000, $0x38;
	[tilespmem:$0x1FF00] =	vst v63  }
0x9a: {  	_ =	swait.ge [sflag:s0], $0x1000  }
0x9b: {  	s14 =	sld [smem:$0x7E6]  }
0x9c: {  	[sflag:s0] =	ssyncset.done $0x0  }
0x9d: {  	[sflag:s0] =	ssyncadd.s32 $0xFFFFF000  }
0x9e: {  	[spmem:s14] =	stream.linear.scatter [tilespmem:s20], [sflag:$0x7], $0x1000, $0x38;
	[tilespmem:$0x1FF00] =	vst v63  }
0x9f: {  	_ =	swait.ge [sflag:s0], $0x1000  }
0xa0: {  	s15 =	sld [smem:$0x7E7]  }
0xa1: {  	[sflag:s0] =	ssyncset.done $0x0  }
0xa2: {  	[sflag:s0] =	ssyncadd.s32 $0xFFFFF000  }
0xa3: {  	[spmem:s15] =	stream.linear.scatter [tilespmem:s20], [sflag:$0x7], $0x1000, $0x38;
	[tilespmem:$0x1FF00] =	vst v63  }
0xa4: {  	_ =	swait.ge [sflag:s0], $0x1000  }
0xa5: {  	[sflag:s0] =	ssyncset.done $0x0  }
0xa6: {  	[sflag:s0] =	ssyncadd.s32 $0xFFFFF000  }
0xa7: {  	[spmem:s23] =	stream.linear.scatter [tilespmem:s20], [sflag:$0x7], $0x1000, $0x38;
	[tilespmem:$0x1FF00] =	vst v63  }
0xa8: {  	_ =	swait.ge [sflag:s0], $0x1000  }
0xa9: {  	s19 =	sld [smem:$0x7E8]  }
0xaa: {  	[sflag:s0] =	ssyncset.done $0x0  }
0xab: {  	[sflag:s0] =	ssyncadd.s32 $0xFFFFF000  }
0xac: {  	[spmem:s19] =	stream.linear.scatter [tilespmem:s20], [sflag:$0x7], $0x1000, $0x38;
	[tilespmem:$0x1FF00] =	vst v63  }
0xad: {  	_ =	swait.ge [sflag:s0], $0x1000  }
0xae: {  	s23 =	sld [smem:$0x7E9]  }
0xaf: {  	[sflag:s0] =	ssyncset.done $0x0  }
0xb0: {  	[sflag:s0] =	ssyncadd.s32 $0xFFFFF000  }
0xb1: {  	[spmem:s23] =	stream.linear.scatter [tilespmem:s20], [sflag:$0x7], $0x1000, $0x38;
	[tilespmem:$0x1FF00] =	vst v63  }
0xb2: {  	_ =	swait.ge [sflag:s0], $0x1000  }
0xb3: {  	s7 =	sld [smem:$0x7EA]  }
0xb4: {  	[sflag:s0] =	ssyncset.done $0x0  }
0xb5: {  	[sflag:s0] =	ssyncadd.s32 $0xFFFFF000  }
0xb6: {  	[spmem:s7] =	stream.linear.scatter [tilespmem:s20], [sflag:$0x7], $0xC00, $0x38;
	[tilespmem:$0x1FF00] =	vst v63  }
0xb7: {  	_ =	swait.ge [sflag:s0], $0xC00  }
0xb8: {  	[sflag:s0] =	ssyncset.done $0x0  }
0xb9: {  	[sflag:s0] =	ssyncadd.s32 $0xFFFFF400  }
0xba: {  	[bflag:$0x0] =	sbarrier.arrive $0xFFFF  }
0xbb: {  	s7 =	sld [smem:$0x7F5];
	_ =	sdelay $0x1  }
0xbc: {  	s6 =	simm.s32 $0x0;
	s9 =	sld [smem:$0x7F6]  }
0xbd: {  	[tilespmem:s6], [sflag:$0x1] =	stream.linear.gather [hbm4b:s7+s6], $0x20, $0x38;
	[tilespmem:$0x1FF00] =	vst v63  }
0xbe: {  	s14 =	sld [smem:$0x7EB]  }
0xbf: {  	[tilespmem:s2], [sflag:$0x1] =	stream.linear.gather [hbm4b:s9+s6], $0x20, $0x38;
	[tilespmem:$0x1FF00] =	vst v63  }
0xc0: {  	s15 =	sld [smem:$0x7EC]  }
0xc1: {  	[tilespmem:s3], [sflag:$0x4] =	stream.linear.gather [hbm4b:s14+s6], $0x20, $0x38;
	[tilespmem:$0x1FF00] =	vst v63  }
0xc2: {  	_ = 	snop  }
0xc3: {  	[tilespmem:s4], [sflag:$0x4] =	stream.linear.gather [hbm4b:s15+s6], $0x20, $0x38;
	[tilespmem:$0x1FF00] =	vst v63  }
0xc4: {  	_ =	swait.ge [sflag:s5], $0x20  }
0xc5: {  	[sflag:s5] =	ssyncset.done $0x0  }
0xc6: {  	[sflag:s5] =	ssyncadd.s32 $0xFFFFFFE0  }
0xc7: {  	_ =	swait.ge [sflag:s5], $0x20  }
0xc8: {  	s19 =	sld [smem:$0x7ED]  }
0xc9: {  	[sflag:s5] =	ssyncset.done $0x0  }
0xca: {  	s23 =	simm.s32 $0x3180;
	s9 =	sld [smem:$0x7EE];
	[sflag:s5] =	ssyncadd.s32 $0xFFFFFFE0  }
0xcb: {  	[tilespmem:s23], [sflag:$0x2] =	stream.linear.gather [hbm4b:s19+s6], $0x1000, $0x38;
	[tilespmem:$0x1FF00] =	vst v63  }
0xcc: {  	s14 =	simm.s32 $0x4180  }
0xcd: {  	[tilespmem:s14], [sflag:$0x2] =	stream.linear.gather [hbm4b:s9+s6], $0x1000, $0x38;
	[tilespmem:$0x1FF00] =	vst v63  }
0xce: {  	_ = 	snop  }
0xcf: {  	[tilespmem:s20], [sflag:$0x2] =	stream.indirect.gather [hbm4b:s25+s8], $0x80, s6, s8, $0xb8;
	[tilespmem:$0x1FF00] =	vst v63  }
0xd0: {  	s15 =	simm.s32 $0x1180  }
0xd1: {  	[tilespmem:s15], [sflag:$0x2] =	stream.indirect.gather [hbm4b:s26+s8], $0x80, s2, s8, $0xb8;
	[tilespmem:$0x1FF00] =	vst v63  }
0xd2: {  	_ = 	snop  }
0xd3: {  	[tilespmem:s10], [sflag:$0x2] =	stream.indirect.gather [hbm4b:s28+s8], $0x80, s2, s8, $0xb8;
	[tilespmem:$0x1FF00] =	vst v63  }
0xd4: {  	_ =	swait.ge [sflag:s11], $0x20  }
0xd5: {  	[sflag:s11] =	ssyncset.done $0x0  }
0xd6: {  	[sflag:s11] =	ssyncadd.s32 $0xFFFFFFE0  }
0xd7: {  	_ =	swait.ge [sflag:s11], $0x20  }
0xd8: {  	s19 =	sld [smem:$0x7EF]  }
0xd9: {  	[sflag:s11] =	ssyncset.done $0x0  }
0xda: {  	s23 =	simm.s32 $0x9300;
	s9 =	sld [smem:$0x7F0];
	[sflag:s11] =	ssyncadd.s32 $0xFFFFFFE0  }
0xdb: {  	[tilespmem:s23], [sflag:$0x5] =	stream.linear.gather [hbm4b:s19+s6], $0x1000, $0x38;
	[tilespmem:$0x1FF00] =	vst v63  }
0xdc: {  	s14 =	simm.s32 $0xA300  }
0xdd: {  	[tilespmem:s14], [sflag:$0x5] =	stream.linear.gather [hbm4b:s9+s6], $0x1000, $0x38;
	[tilespmem:$0x1FF00] =	vst v63  }
0xde: {  	s15 =	simm.s32 $0x6300  }
0xdf: {  	[tilespmem:s15], [sflag:$0x5] =	stream.indirect.gather [hbm4b:s25+s8], $0x80, s3, s8, $0xb8;
	[tilespmem:$0x1FF00] =	vst v63  }
0xe0: {  	s19 =	simm.s32 $0x7300  }
0xe1: {  	[tilespmem:s19], [sflag:$0x5] =	stream.indirect.gather [hbm4b:s26+s8], $0x80, s4, s8, $0xb8;
	[tilespmem:$0x1FF00] =	vst v63  }
0xe2: {  	s23 =	simm.s32 $0x8300  }
0xe3: {  	[tilespmem:s23], [sflag:$0x5] =	stream.indirect.gather [hbm4b:s28+s8], $0x80, s4, s8, $0xb8;
	[tilespmem:$0x1FF00] =	vst v63  }
0xe4: {  	_ =	swait.ge [sflag:s18], $0x1000  }
0xe5: {  	[sflag:s18] =	ssyncset.done $0x0  }
0xe6: {  	[sflag:s18] =	ssyncadd.s32 $0xFFFFF000  }
0xe7: {  	_ =	swait.ge [sflag:s18], $0x1000  }
0xe8: {  	[sflag:s18] =	ssyncset.done $0x0  }
0xe9: {  	[sflag:s18] =	ssyncadd.s32 $0xFFFFF000  }
0xea: {  	_ =	swait.ge [sflag:s18], $0x1000  }
0xeb: {  	[sflag:s18] =	ssyncset.done $0x0  }
0xec: {  	[sflag:s18] =	ssyncadd.s32 $0xFFFFF000  }
0xed: {  	_ =	swait.ge [sflag:s18], $0x1000  }
0xee: {  	[sflag:s18] =	ssyncset.done $0x0  }
0xef: {  	[sflag:s18] =	ssyncadd.s32 $0xFFFFF000  }
0xf0: {  	_ =	swait.ge [sflag:s18], $0x1000  }
0xf1: {  	[sflag:s18] =	ssyncset.done $0x0  }
0xf2: {  	s14 =	simm.s32 $0x0;
	[sflag:s18] =	ssyncadd.s32 $0xFFFFF000  }
0xf3: {  	v1 =	vld [tilespmem:s14+$0x1F0]  }
0xf4: {  	v2 =	vld [tilespmem:s14+$0x11F0];
	_ =	sdelay $0x1  }
0xf5: {  	v4 =	vld [tilespmem:s14+$0x31F0]  }
0xf6: {  	v3 =	vld [tilespmem:s14+$0x180]  }
0xf7: {  	v5 =	vld [tilespmem:s14+$0x1180]  }
0xf8: {  	v6 =	vld [tilespmem:s14+$0x190];
	v1 =	vadd.f32 v2, v1  }
0xf9: {  	v7 =	vld [tilespmem:s14+$0x1190]  }
0xfa: {  	v8 =	vld [tilespmem:s14+$0x11A0];
	v1 =	vadd.f32 v4, v1  }
0xfb: {  	v9 =	vld [tilespmem:s14+$0x11B0]  }
0xfc: {  	v10 =	vld [tilespmem:s14+$0x1C0];
	v1 =	vsub.f32 $0.0e+00, v1  }
0xfd: {  	v11 =	vld [tilespmem:s14+$0x11C0]  }
0xfe: {  	v12 =	vld [tilespmem:s14+$0x1D0];
	v1 =	vmul.f32 $1.442695020e+00, v1  }
0xff: {  	v13 =	vld [tilespmem:s14+$0x11D0]  }
0x100: {  	v14 =	vld [tilespmem:s14+$0x11E0];
	(erf) = vpow2.f32 v1  }
0x101: {  	v15 =	vld [tilespmem:s14+$0x3180]  }
0x102: {  	v16 =	vld [tilespmem:s14+$0x3190]  }
0x103: {  	v17 =	vld [tilespmem:s14+$0x31A0]  }
0x104: {  	v18 =	vld [tilespmem:s14+$0x31B0]  }
0x105: {  	v19 =	vld [tilespmem:s14+$0x31C0]  }
0x106: {  	v2 =	vld [tilespmem:s14+$0x1A0]  }
0x107: {  	v20 =	vld [tilespmem:s14+$0x31D0];
	v3 =	vadd.f32 v5, v3  }
0x108: {  	v6 =	vadd.f32 v7, v6;
	v4 =	vld [tilespmem:s14+$0x1B0]  }
0x109: {  	v22 =	vld [tilespmem:s14+$0x2180];
	v3 =	vadd.f32 v15, v3;
	v21 =	vpop (erf)  }
0x10a: {  	v5 =	vld [tilespmem:s14+$0x31E0];
	v6 =	vadd.f32 v16, v6;
	v56 =	vadd.f32 $1.000000000e+00, v21  }
0x10b: {  	v3 =	vsub.f32 $0.0e+00, v3;
	v2 =	vadd.f32 v8, v2;
	v1 =	vld [tilespmem:s14+$0x1E0]  }
0x10c: {  	v7 =	vld [tilespmem:s14+$0x21F0];
	v6 =	vsub.f32 $0.0e+00, v6;
	v8 =	vadd.f32 v11, v10;
	(erf) = vrcp.f32 v56  }
0x10d: {  	v3 =	vmul.f32 $1.442695020e+00, v3;
	v4 =	vadd.f32 v9, v4;
	v9 =	vld [tilespmem:s14+$0x41F0];
	v2 =	vadd.f32 v17, v2  }
0x10e: {  	v23 =	vld [tilespmem:s14+$0x2190];
	v10 =	vadd.f32 v13, v12;
	v8 =	vadd.f32 v19, v8  }
0x10f: {  	v58 =	vld [tilespmem:s14+$0x4190];
	v4 =	vadd.f32 v18, v4;
	v2 =	vsub.f32 $0.0e+00, v2;
	(erf) = vpow2.f32 v3  }
0x110: {  	v59 =	vld [tilespmem:s14+$0x21B0];
	v6 =	vmul.f32 $1.442695020e+00, v6;
	v10 =	vadd.f32 v20, v10;
	v1 =	vadd.f32 v14, v1  }
0x111: {  	v60 =	vld [tilespmem:s14+$0x41B0];
	v8 =	vsub.f32 $0.0e+00, v8;
	v4 =	vsub.f32 $0.0e+00, v4;
	v2 =	vmul.f32 $1.442695020e+00, v2  }
0x112: {  	v11 =	vld [tilespmem:s14+$0x21A0];
	v7 =	vadd.f32 v9, v7;
	v1 =	vadd.f32 v5, v1  }
0x113: {  	v9 =	vsub.f32 $0.0e+00, v10;
	v4 =	vmul.f32 $1.442695020e+00, v4;
	v3 =	vld [tilespmem:s14+$0x41A0];
	(erf) = vpow2.f32 v6  }
0x114: {  	v61 =	vld [tilespmem:s14+$0x41C0];
	v62 =	vmul.f32 $1.442695020e+00, v8;
	v10 =	vsub.f32 $0.0e+00, v1;
	(erf) = vpow2.f32 v2  }
0x115: {  	v9 =	vmul.f32 $1.442695020e+00, v9;
	v5 =	vld [tilespmem:s14+$0x21C0];
	v2 =	vpop (erf);
	(erf) = vpow2.f32 v4  }
0x116: {  	v57 =	vld [tilespmem:s14+$0x4180];
	v10 =	vmul.f32 $1.442695020e+00, v10;
	(erf) = vpow2.f32 v62  }
0x117: {  	v8 =	vld [tilespmem:s14+$0x41D0];
	(erf) = vpow2.f32 v9  }
0x118: {  	v6 =	vld [tilespmem:s14+$0x21D0];
	v3 =	vadd.f32 v3, v11;
	v63 =	vmul.f32 v2, v7;
	v11 =	vpop (erf);
	(erf) = vpow2.f32 v10  }
0x119: {  	v1 =	vadd.f32 v58, v23;
	v7 =	vld [tilespmem:s14+$0x21E0]  }
0x11a: {  	s15 =	simm.s32 $0x80;
	v5 =	vadd.f32 v61, v5;
	v4 =	vadd.f32 v60, v59;
	v9 =	vld [tilespmem:s14+$0x41E0];
	[tilespmem:s14+$0x51F0] =	vst v63  }
0x11b: {  	s6 =	simm.s32 $0x400;
	v2 =	vadd.f32 v57, v22;
	v11 =	vadd.f32 $1.000000000e+00, v11;
	v10 =	vld [tilespmem:s15+$0x1F0]  }
.LBB2_4:
0x11c: {  	p0 =	sne.s32 s6, $0x3E00;
	v12 =	vld [tilespmem:s15+$0x11F0];
	v13 =	vpop (erf)  }
0x11d: {  	v14 =	vld [tilespmem:s15+$0x180];
	v13 =	vadd.f32 $1.000000000e+00, v13;
	v6 =	vadd.f32 v8, v6;
	(erf) = vrcp.f32 v11;
	v8 =	vpop (erf)  }
0x11e: {  	v11 =	vld [tilespmem:s15+$0x31F0];
	v17 =	vadd.f32 $1.000000000e+00, v8;
	v15 =	vpop (erf)  }
0x11f: {  	v16 =	vld [tilespmem:s15+$0x1180];
	v15 =	vadd.f32 $1.000000000e+00, v15;
	v7 =	vadd.f32 v9, v7;
	(erf) = vrcp.f32 v13;
	v9 =	vpop (erf)  }
0x120: {  	v13 =	vld [tilespmem:s15+$0x190];
	v9 =	vadd.f32 $1.000000000e+00, v9;
	(erf) = vrcp.f32 v17;
	v8 =	vpop (erf)  }
0x121: {  	v17 =	vld [tilespmem:s15+$0x1190];
	v10 =	vadd.f32 v12, v10;
	v8 =	vadd.f32 $1.000000000e+00, v8;
	(erf) = vrcp.f32 v15;
	v12 =	vpop (erf)  }
0x122: {  	v15 =	vld [tilespmem:s15+$0x1A0];
	v12 =	vadd.f32 $1.000000000e+00, v12;
	(erf) = vrcp.f32 v9  }
0x123: {  	v9 =	vld [tilespmem:s15+$0x11A0];
	v10 =	vadd.f32 v11, v10;
	(erf) = vrcp.f32 v8  }
0x124: {  	v8 =	vadd.f32 v16, v14;
	v11 =	vld [tilespmem:s15+$0x1B0];
	(erf) = vrcp.f32 v12  }
0x125: {  	v12 =	vld [tilespmem:s15+$0x11B0];
	v10 =	vsub.f32 $0.0e+00, v10  }
0x126: {  	v13 =	vadd.f32 v17, v13;
	v14 =	vld [tilespmem:s15+$0x1C0];
	v16 =	vpop (erf)  }
0x127: {  	v17 =	vld [tilespmem:s15+$0x11C0];
	v10 =	vmul.f32 $1.442695020e+00, v10;
	v19 =	vmul.f32 v16, v2  }
0x128: {  	v9 =	vadd.f32 v9, v15;
	v15 =	vld [tilespmem:s15+$0x1D0];
	v16 =	vpop (erf)  }
0x129: {  	v18 =	vld [tilespmem:s15+$0x11D0];
	(erf) = vpow2.f32 v10;
	[tilespmem:s14+$0x5180] =	vst v19;
	v1 =	vmul.f32 v16, v1;
	v2 =	vpop (erf)  }
0x12a: {  	v10 =	vadd.f32 v12, v11;
	v11 =	vld [tilespmem:s15+$0x1E0];
	v2 =	vmul.f32 v2, v3;
	v3 =	vpop (erf)  }
0x12b: {  	v12 =	vld [tilespmem:s15+$0x11E0];
	[tilespmem:s14+$0x5190] =	vst v1;
	v1 =	vmul.f32 v3, v4;
	v3 =	vpop (erf)  }
0x12c: {  	v4 =	vld [tilespmem:s15+$0x3180];
	v14 =	vadd.f32 v17, v14;
	[tilespmem:s14+$0x51A0] =	vst v2;
	v2 =	vmul.f32 v3, v5;
	v3 =	vpop (erf)  }
0x12d: {  	v5 =	vld [tilespmem:s15+$0x3190];
	[tilespmem:s14+$0x51B0] =	vst v1;
	v1 =	vmul.f32 v3, v6;
	v3 =	vpop (erf)  }
0x12e: {  	v6 =	vld [tilespmem:s15+$0x31A0];
	v15 =	vadd.f32 v18, v15;
	[tilespmem:s14+$0x51C0] =	vst v2;
	v2 =	vmul.f32 v3, v7  }
0x12f: {  	v3 =	vld [tilespmem:s15+$0x31B0];
	[tilespmem:s14+$0x51D0] =	vst v1  }
0x130: {  	v1 =	vld [tilespmem:s15+$0x31C0];
	v7 =	vadd.f32 v12, v11;
	[tilespmem:s14+$0x51E0] =	vst v2;
	s14 =	smov.u32 s15  }
0x131: {  	v2 =	vadd.f32 v4, v8;
	v4 =	vld [tilespmem:s14+$0x31D0]  }
0x132: {  	v5 =	vadd.f32 v5, v13;
	v8 =	vld [tilespmem:s14+$0x31E0];
	v11 =	vpop (erf)  }
0x133: {  	v12 =	vld [tilespmem:s14+$0x2180];
	v6 =	vadd.f32 v6, v9;
	v9 =	vadd.f32 $1.000000000e+00, v11  }
0x134: {  	v2 =	vsub.f32 $0.0e+00, v2;
	v11 =	vld [tilespmem:s14+$0x4180];
	v3 =	vadd.f32 v3, v10  }
0x135: {  	v5 =	vsub.f32 $0.0e+00, v5;
	v10 =	vld [tilespmem:s14+$0x2190];
	v1 =	vadd.f32 v1, v14;
	(erf) = vrcp.f32 v9  }
0x136: {  	v2 =	vmul.f32 $1.442695020e+00, v2;
	v6 =	vsub.f32 $0.0e+00, v6;
	v9 =	vld [tilespmem:s14+$0x4190];
	v4 =	vadd.f32 v4, v15  }
0x137: {  	v5 =	vmul.f32 $1.442695020e+00, v5;
	v3 =	vsub.f32 $0.0e+00, v3;
	v7 =	vadd.f32 v8, v7;
	v8 =	vld [tilespmem:s14+$0x21F0]  }
0x138: {  	v6 =	vmul.f32 $1.442695020e+00, v6;
	v1 =	vsub.f32 $0.0e+00, v1;
	v4 =	vsub.f32 $0.0e+00, v4;
	v13 =	vld [tilespmem:s14+$0x41F0]  }
0x139: {  	v3 =	vmul.f32 $1.442695020e+00, v3;
	v14 =	vld [tilespmem:s14+$0x21A0];
	v7 =	vsub.f32 $0.0e+00, v7;
	(erf) = vpow2.f32 v2  }
0x13a: {  	v2 =	vadd.f32 v11, v12;
	v12 =	vmul.f32 $1.442695020e+00, v1;
	v11 =	vld [tilespmem:s14+$0x41A0];
	v4 =	vmul.f32 $1.442695020e+00, v4  }
0x13b: {  	v1 =	vadd.f32 v9, v10;
	v9 =	vld [tilespmem:s14+$0x21B0];
	v7 =	vmul.f32 $1.442695020e+00, v7;
	(erf) = vpow2.f32 v5  }
0x13c: {  	v5 =	vld [tilespmem:s14+$0x41B0];
	(erf) = vpow2.f32 v6  }
0x13d: {  	v15 =	vld [tilespmem:s14+$0x21C0];
	v8 =	vadd.f32 v13, v8;
	(erf) = vpow2.f32 v3  }
0x13e: {  	v13 =	vld [tilespmem:s14+$0x41C0];
	(erf) = vpow2.f32 v12;
	v10 =	vpop (erf)  }
.Ltmp1:
0x13f: {  	v3 =	vadd.f32 v11, v14;
	v6 =	vld [tilespmem:s14+$0x21D0];
	v10 =	vmul.f32 v10, v8;
	(erf) = vpow2.f32 v4;
	(pc) =	sbr.rel @p0 .LBB2_4-.Ltmp1, $4  }
0x140: {  	v8 =	vld [tilespmem:s14+$0x41D0];
	(erf) = vpow2.f32 v7  }
0x141: {  	v4 =	vadd.f32 v5, v9;
	v7 =	vld [tilespmem:s14+$0x21E0];
	[tilespmem:s14+$0x51F0] =	vst v10  }
0x142: {  	s15 =	sshra.s32 s6, $0x2;
	v9 =	vld [tilespmem:s14+$0x41E0];
	v5 =	vpop (erf)  }
0x143: {  	s6 =	sadd.s32 $0x200, s6;
	v10 =	vld [tilespmem:s15+$0x1F0];
	v11 =	vadd.f32 $1.000000000e+00, v5;
	v5 =	vadd.f32 v13, v15  }
0x144: {  	v12 =	vld [tilespmem:s15+$0x11F0];
	v14 =	vpop (erf)  }
0x145: {  	v13 =	vld [tilespmem:s15+$0x180];
	(erf) = vrcp.f32 v11;
	v14 =	vadd.f32 $1.000000000e+00, v14  }
0x146: {  	v15 =	vld [tilespmem:s15+$0x1180]  }
0x147: {  	v17 =	vld [tilespmem:s15+$0x190];
	(erf) = vrcp.f32 v14  }
0x148: {  	v30 =	vld [tilespmem:s15+$0x1190]  }
0x149: {  	v19 =	vld [tilespmem:s15+$0x1A0];
	v16 =	vpop (erf)  }
0x14a: {  	v11 =	vld [tilespmem:s15+$0x31F0];
	v16 =	vadd.f32 $1.000000000e+00, v16;
	v18 =	vpop (erf)  }
0x14b: {  	v31 =	vld [tilespmem:s15+$0x11A0];
	v18 =	vadd.f32 $1.000000000e+00, v18;
	v20 =	vpop (erf)  }
0x14c: {  	v21 =	vld [tilespmem:s15+$0x1B0];
	(erf) = vrcp.f32 v16;
	v20 =	vadd.f32 $1.000000000e+00, v20;
	v22 =	vpop (erf)  }
0x14d: {  	v32 =	vld [tilespmem:s15+$0x11B0];
	(erf) = vrcp.f32 v18;
	v23 =	vpop (erf);
	v10 =	vadd.f32 v12, v10  }
0x14e: {  	v24 =	vld [tilespmem:s15+$0x1C0];
	(erf) = vrcp.f32 v20;
	v33 =	vpop (erf)  }
0x14f: {  	v25 =	vld [tilespmem:s15+$0x11C0];
	v10 =	vadd.f32 v11, v10;
	v2 =	vmul.f32 v33, v2  }
0x150: {  	v34 =	vld [tilespmem:s15+$0x1D0];
	v22 =	vadd.f32 $1.000000000e+00, v22;
	v11 =	vpop (erf)  }
0x151: {  	v36 =	vld [tilespmem:s15+$0x11D0];
	v35 =	vadd.f32 $1.000000000e+00, v23;
	v10 =	vsub.f32 $0.0e+00, v10;
	[tilespmem:s14+$0x5180] =	vst v2;
	v1 =	vmul.f32 v11, v1  }
0x152: {  	(erf) = vrcp.f32 v22;
	v2 =	vld [tilespmem:s15+$0x1E0]  }
0x153: {  	(erf) = vrcp.f32 v35;
	v37 =	vld [tilespmem:s15+$0x11E0];
	[tilespmem:s14+$0x5190] =	vst v1;
	v1 =	vmul.f32 $1.442695020e+00, v10;
	_ =	sdelay $0x1  }
0x154: {  	v11 =	vpop (erf)  }
0x155: {  	v10 =	vpop (erf)  }
0x156: {  	v4 =	vmul.f32 v10, v4;
	(erf) = vpow2.f32 v1;
	v1 =	vpop (erf)  }
0x157: {  	v3 =	vmul.f32 v11, v3;
	v11 =	vld [tilespmem:s15+$0x3180];
	v1 =	vmul.f32 v1, v5;
	_ =	sdelay $0x1  }
0x158: {  	v6 =	vadd.f32 v8, v6;
	[tilespmem:s14+$0x51A0] =	vst v3  }
0x159: {  	v7 =	vadd.f32 v9, v7;
	v8 =	vadd.f32 v15, v13;
	v3 =	vld [tilespmem:s15+$0x3190];
	[tilespmem:s14+$0x51B0] =	vst v4;
	v4 =	vpop (erf)  }
0x15a: {  	v38 =	vadd.f32 v25, v24;
	v5 =	vld [tilespmem:s15+$0x31A0];
	v4 =	vmul.f32 v4, v6;
	[tilespmem:s14+$0x51C0] =	vst v1;
	v1 =	vpop (erf)  }
0x15b: {  	v10 =	vadd.f32 v32, v21;
	v8 =	vadd.f32 v11, v8;
	v6 =	vld [tilespmem:s15+$0x31B0];
	v1 =	vmul.f32 v1, v7  }
0x15c: {  	v2 =	vadd.f32 v37, v2;
	[tilespmem:s14+$0x51D0] =	vst v4;
	v4 =	vadd.f32 v30, v17  }
0x15d: {  	v8 =	vsub.f32 $0.0e+00, v8;
	v9 =	vld [tilespmem:s15+$0x31C0];
	v7 =	vadd.f32 v31, v19;
	[tilespmem:s14+$0x51E0] =	vst v1  }
0x15e: {  	v3 =	vadd.f32 v3, v4;
	v11 =	vpop (erf);
	v1 =	vadd.f32 v36, v34;
	v4 =	vld [tilespmem:s15+$0x31E0]  }
0x15f: {  	v5 =	vadd.f32 v5, v7;
	v7 =	vadd.f32 $1.000000000e+00, v11;
	v39 =	vld [tilespmem:s15+$0x31D0]  }
0x160: {  	v3 =	vsub.f32 $0.0e+00, v3;
	v6 =	vadd.f32 v6, v10  }
0x161: {  	(erf) = vrcp.f32 v7;
	v7 =	vmul.f32 $1.442695020e+00, v8;
	v5 =	vsub.f32 $0.0e+00, v5  }
0x162: {  	v9 =	vadd.f32 v9, v38;
	v3 =	vmul.f32 $1.442695020e+00, v3;
	v6 =	vsub.f32 $0.0e+00, v6  }
0x163: {  	(erf) = vpow2.f32 v7;
	v2 =	vadd.f32 v4, v2;
	v4 =	vmul.f32 $1.442695020e+00, v5  }
0x164: {  	v6 =	vmul.f32 $1.442695020e+00, v6;
	(erf) = vpow2.f32 v3;
	v1 =	vadd.f32 v39, v1  }
0x165: {  	v5 =	vsub.f32 $0.0e+00, v9;
	(erf) = vpow2.f32 v4  }
0x166: {  	v1 =	vsub.f32 $0.0e+00, v1;
	(erf) = vpow2.f32 v6  }
0x167: {  	v2 =	vsub.f32 $0.0e+00, v2;
	v3 =	vmul.f32 $1.442695020e+00, v5  }
0x168: {  	v1 =	vmul.f32 $1.442695020e+00, v1  }
0x169: {  	v2 =	vmul.f32 $1.442695020e+00, v2;
	(erf) = vpow2.f32 v3  }
0x16a: {  	(erf) = vpow2.f32 v1  }
0x16b: {  	v10 =	vld [tilespmem:s15+$0x21A0];
	v4 =	vpop (erf);
	(erf) = vpow2.f32 v2  }
0x16c: {  	v40 =	vld [tilespmem:s15+$0x41A0];
	v7 =	vpop (erf)  }
0x16d: {  	v41 =	vld [tilespmem:s15+$0x21B0];
	v7 =	vadd.f32 $1.000000000e+00, v7;
	v9 =	vpop (erf)  }
0x16e: {  	v8 =	vld [tilespmem:s15+$0x41F0];
	v9 =	vadd.f32 $1.000000000e+00, v9;
	v11 =	vpop (erf)  }
0x16f: {  	v6 =	vld [tilespmem:s15+$0x21F0];
	(erf) = vrcp.f32 v7;
	v7 =	vadd.f32 $1.000000000e+00, v11;
	v11 =	vpop (erf)  }
0x170: {  	v42 =	vld [tilespmem:s15+$0x41B0];
	v11 =	vadd.f32 $1.000000000e+00, v11  }
0x171: {  	v43 =	vld [tilespmem:s15+$0x21C0]  }
0x172: {  	v3 =	vld [tilespmem:s15+$0x2180];
	(erf) = vrcp.f32 v9;
	v9 =	vpop (erf)  }
0x173: {  	v1 =	vld [tilespmem:s15+$0x4180];
	v9 =	vadd.f32 $1.000000000e+00, v9;
	(erf) = vrcp.f32 v7;
	v7 =	vpop (erf)  }
0x174: {  	v5 =	vld [tilespmem:s15+$0x4190];
	v6 =	vadd.f32 v8, v6;
	(erf) = vrcp.f32 v11;
	v7 =	vadd.f32 $1.000000000e+00, v7;
	v11 =	vpop (erf)  }
0x175: {  	v2 =	vld [tilespmem:s15+$0x2190];
	(erf) = vrcp.f32 v9;
	v11 =	vadd.f32 $1.000000000e+00, v11  }
0x176: {  	v8 =	vld [tilespmem:s15+$0x41C0];
	v4 =	vmul.f32 v4, v6;
	(erf) = vrcp.f32 v7  }
0x177: {  	v6 =	vld [tilespmem:s15+$0x41D0];
	(erf) = vrcp.f32 v11  }
0x178: {  	v1 =	vadd.f32 v1, v3;
	v3 =	vld [tilespmem:s15+$0x41E0]  }
0x179: {  	v9 =	vld [tilespmem:s15+$0x21D0]  }
0x17a: {  	[tilespmem:s15+$0x51F0] =	vst v4;
	v2 =	vadd.f32 v5, v2;
	v7 =	vld [tilespmem:s15+$0x21E0];
	v4 =	vpop (erf)  }
0x17b: {  	v5 =	vadd.f32 v40, v10;
	v1 =	vmul.f32 v4, v1;
	v4 =	vpop (erf)  }
0x17c: {  	v10 =	vadd.f32 v42, v41;
	v2 =	vmul.f32 v4, v2;
	v4 =	vpop (erf)  }
0x17d: {  	v8 =	vadd.f32 v8, v43;
	[tilespmem:s15+$0x5180] =	vst v1;
	v1 =	vmul.f32 v4, v5;
	v4 =	vpop (erf)  }
0x17e: {  	[tilespmem:s15+$0x5190] =	vst v2;
	v5 =	vadd.f32 v6, v9;
	v2 =	vmul.f32 v4, v10;
	v4 =	vpop (erf)  }
0x17f: {  	v3 =	vadd.f32 v3, v7;
	[tilespmem:s15+$0x51A0] =	vst v1;
	v1 =	vmul.f32 v4, v8;
	v4 =	vpop (erf)  }
0x180: {  	[tilespmem:s15+$0x51B0] =	vst v2;
	v2 =	vmul.f32 v4, v5;
	v4 =	vpop (erf)  }
0x181: {  	[tilespmem:s15+$0x51C0] =	vst v1;
	v1 =	vmul.f32 v4, v3  }
0x182: {  	[tilespmem:s15+$0x51D0] =	vst v2  }
0x183: {  	[tilespmem:s15+$0x51E0] =	vst v1  }
0x184: {  	v1 =	vld [tilespmem:$0x0]  }
0x185: {  	v2 =	vld [tilespmem:$0x10];
	_ =	sdelay $0x3  }
0x186: {  	[tilespmem:$0x100] =	vst v1  }
0x187: {  	s6 =	simm.s32 $0x100;
	s7 =	simm.s32 $0x5180;
	s23 =	sld [smem:$0x7F1];
	[tilespmem:$0x110] =	vst v2  }
0x188: {  	[spmem:s22] =	stream.indirect.scatter.add.f32 [tilespmem:s7], [sflag:$0x3], $0x80, s6, s8, $0xb8;
	[tilespmem:$0x1FF00] =	vst v63  }
0x189: {  	s9 =	sld [smem:$0x7F2];
	s6 =	simm.s32 $0x0  }
0x18a: {  	[tilespmem:s6], [sflag:$0x1] =	stream.linear.gather [hbm4b:s23+s6], $0x20, $0x38;
	[tilespmem:$0x1FF00] =	vst v63  }
0x18b: {  	_ = 	snop  }
0x18c: {  	[tilespmem:s2], [sflag:$0x1] =	stream.linear.gather [hbm4b:s9+s6], $0x20, $0x38;
	[tilespmem:$0x1FF00] =	vst v63  }
0x18d: {  	_ =	swait.ge [sflag:s5], $0x20  }
0x18e: {  	[sflag:s5] =	ssyncset.done $0x0  }
0x18f: {  	[sflag:s5] =	ssyncadd.s32 $0xFFFFFFE0  }
0x190: {  	_ =	swait.ge [sflag:s5], $0x20  }
0x191: {  	s14 =	sld [smem:$0x7F3]  }
0x192: {  	[sflag:s5] =	ssyncset.done $0x0  }
0x193: {  	s9 =	simm.s32 $0x3180;
	s15 =	sld [smem:$0x7F4];
	[sflag:s5] =	ssyncadd.s32 $0xFFFFFFE0  }
0x194: {  	[tilespmem:s9], [sflag:$0x2] =	stream.linear.gather [hbm4b:s14+s6], $0x1000, $0x38;
	[tilespmem:$0x1FF00] =	vst v63  }
0x195: {  	s19 =	simm.s32 $0x4180  }
0x196: {  	[tilespmem:s19], [sflag:$0x2] =	stream.linear.gather [hbm4b:s15+s6], $0x1000, $0x38;
	[tilespmem:$0x1FF00] =	vst v63  }
0x197: {  	_ = 	snop  }
0x198: {  	[tilespmem:s20], [sflag:$0x2] =	stream.indirect.gather [hbm4b:s25+s8], $0x80, s6, s8, $0xb8;
	[tilespmem:$0x1FF00] =	vst v63  }
0x199: {  	s23 =	simm.s32 $0x1180  }
0x19a: {  	[tilespmem:s23], [sflag:$0x2] =	stream.indirect.gather [hbm4b:s26+s8], $0x80, s2, s8, $0xb8;
	[tilespmem:$0x1FF00] =	vst v63  }
0x19b: {  	_ = 	snop  }
0x19c: {  	[tilespmem:s10], [sflag:$0x2] =	stream.indirect.gather [hbm4b:s28+s8], $0x80, s2, s8, $0xb8;
	[tilespmem:$0x1FF00] =	vst v63  }
0x19d: {  	_ =	swait.ge [sflag:s13], $0x1000  }
0x19e: {  	[sflag:s13] =	ssyncset.done $0x0  }
0x19f: {  	[sflag:s13] =	ssyncadd.s32 $0xFFFFF000  }
0x1a0: {  	_ =	swait.ge [sflag:s13], $0x1000  }
0x1a1: {  	[sflag:s13] =	ssyncset.done $0x0  }
0x1a2: {  	[sflag:s13] =	ssyncadd.s32 $0xFFFFF000  }
0x1a3: {  	_ =	swait.ge [sflag:s13], $0x1000  }
0x1a4: {  	[sflag:s13] =	ssyncset.done $0x0  }
0x1a5: {  	[sflag:s13] =	ssyncadd.s32 $0xFFFFF000  }
0x1a6: {  	_ =	swait.ge [sflag:s13], $0x1000  }
0x1a7: {  	[sflag:s13] =	ssyncset.done $0x0  }
0x1a8: {  	[sflag:s13] =	ssyncadd.s32 $0xFFFFF000  }
0x1a9: {  	_ =	swait.ge [sflag:s13], $0x1000  }
0x1aa: {  	[sflag:s13] =	ssyncset.done $0x0  }
0x1ab: {  	s14 =	simm.s32 $0x0;
	[sflag:s13] =	ssyncadd.s32 $0xFFFFF000  }
0x1ac: {  	v1 =	vld [tilespmem:s14+$0x6370]  }
0x1ad: {  	v2 =	vld [tilespmem:s14+$0x7370];
	_ =	sdelay $0x1  }
0x1ae: {  	v4 =	vld [tilespmem:s14+$0x9370]  }
0x1af: {  	v3 =	vld [tilespmem:s14+$0x6300]  }
0x1b0: {  	v5 =	vld [tilespmem:s14+$0x7300]  }
0x1b1: {  	v6 =	vld [tilespmem:s14+$0x6310];
	v1 =	vadd.f32 v2, v1  }
0x1b2: {  	v7 =	vld [tilespmem:s14+$0x7310]  }
0x1b3: {  	v8 =	vld [tilespmem:s14+$0x7320];
	v1 =	vadd.f32 v4, v1  }
0x1b4: {  	v9 =	vld [tilespmem:s14+$0x7330]  }
0x1b5: {  	v10 =	vld [tilespmem:s14+$0x6340];
	v1 =	vsub.f32 $0.0e+00, v1  }
0x1b6: {  	v11 =	vld [tilespmem:s14+$0x7340]  }
0x1b7: {  	v44 =	vld [tilespmem:s14+$0x6350];
	v1 =	vmul.f32 $1.442695020e+00, v1  }
0x1b8: {  	v45 =	vld [tilespmem:s14+$0x7350]  }
0x1b9: {  	v46 =	vld [tilespmem:s14+$0x7360];
	(erf) = vpow2.f32 v1  }
0x1ba: {  	v47 =	vld [tilespmem:s14+$0x9300]  }
0x1bb: {  	v48 =	vld [tilespmem:s14+$0x9310]  }
0x1bc: {  	v49 =	vld [tilespmem:s14+$0x9320]  }
0x1bd: {  	v50 =	vld [tilespmem:s14+$0x9330]  }
0x1be: {  	v51 =	vld [tilespmem:s14+$0x9340]  }
0x1bf: {  	v52 =	vld [tilespmem:s14+$0x9350]  }
0x1c0: {  	v2 =	vld [tilespmem:s14+$0x6320];
	v3 =	vadd.f32 v5, v3  }
0x1c1: {  	v4 =	vld [tilespmem:s14+$0x6330]  }
0x1c2: {  	v54 =	vld [tilespmem:s14+$0x8300];
	v6 =	vadd.f32 v7, v6;
	v3 =	vadd.f32 v47, v3;
	v53 =	vpop (erf)  }
0x1c3: {  	v56 =	vld [tilespmem:s14+$0xA300];
	v7 =	vadd.f32 v11, v10;
	v55 =	vadd.f32 $1.000000000e+00, v53  }
0x1c4: {  	v6 =	vadd.f32 v48, v6;
	v3 =	vsub.f32 $0.0e+00, v3;
	v1 =	vld [tilespmem:s14+$0x6360]  }
0x1c5: {  	v5 =	vld [tilespmem:s14+$0x9360];
	v7 =	vadd.f32 v51, v7;
	v2 =	vadd.f32 v8, v2;
	(erf) = vrcp.f32 v55  }
0x1c6: {  	v10 =	vld [tilespmem:s14+$0xA370];
	v3 =	vmul.f32 $1.442695020e+00, v3;
	v4 =	vadd.f32 v9, v4;
	v9 =	vadd.f32 v45, v44  }
0x1c7: {  	v6 =	vsub.f32 $0.0e+00, v6;
	v8 =	vld [tilespmem:s14+$0x8370];
	v2 =	vadd.f32 v49, v2  }
0x1c8: {  	v57 =	vld [tilespmem:s14+$0x8310];
	v4 =	vadd.f32 v50, v4;
	v9 =	vadd.f32 v52, v9;
	(erf) = vpow2.f32 v3  }
0x1c9: {  	v58 =	vld [tilespmem:s14+$0xA310];
	v2 =	vsub.f32 $0.0e+00, v2;
	v1 =	vadd.f32 v46, v1  }
0x1ca: {  	v59 =	vld [tilespmem:s14+$0x8330];
	v6 =	vmul.f32 $1.442695020e+00, v6;
	v4 =	vsub.f32 $0.0e+00, v4;
	v9 =	vsub.f32 $0.0e+00, v9  }
0x1cb: {  	v60 =	vld [tilespmem:s14+$0xA330];
	v2 =	vmul.f32 $1.442695020e+00, v2;
	v1 =	vadd.f32 v5, v1;
	v5 =	vsub.f32 $0.0e+00, v7  }
0x1cc: {  	v61 =	vld [tilespmem:s14+$0x8340];
	v4 =	vmul.f32 $1.442695020e+00, v4;
	v7 =	vadd.f32 v10, v8;
	(erf) = vpow2.f32 v6  }
0x1cd: {  	v11 =	vld [tilespmem:s14+$0x8320];
	v5 =	vmul.f32 $1.442695020e+00, v5;
	v10 =	vsub.f32 $0.0e+00, v1;
	(erf) = vpow2.f32 v2  }
0x1ce: {  	v9 =	vmul.f32 $1.442695020e+00, v9;
	v3 =	vld [tilespmem:s14+$0xA320];
	v8 =	vpop (erf);
	(erf) = vpow2.f32 v4  }
0x1cf: {  	v62 =	vld [tilespmem:s14+$0xA340];
	v10 =	vmul.f32 $1.442695020e+00, v10;
	(erf) = vpow2.f32 v5  }
0x1d0: {  	v6 =	vld [tilespmem:s14+$0x8350];
	(erf) = vpow2.f32 v9  }
0x1d1: {  	v63 =	vmul.f32 v8, v7;
	v8 =	vld [tilespmem:s14+$0xA350];
	v5 =	vpop (erf);
	(erf) = vpow2.f32 v10  }
0x1d2: {  	v1 =	vadd.f32 v58, v57;
	v2 =	vadd.f32 v56, v54;
	v7 =	vld [tilespmem:s14+$0x8360]  }
0x1d3: {  	s15 =	simm.s32 $0x80;
	v3 =	vadd.f32 v3, v11;
	v4 =	vadd.f32 v60, v59;
	v9 =	vld [tilespmem:s14+$0xA360];
	[tilespmem:s14+$0xB370] =	vst v63  }
0x1d4: {  	s6 =	simm.s32 $0x400;
	v11 =	vadd.f32 $1.000000000e+00, v5;
	v5 =	vadd.f32 v62, v61;
	v10 =	vld [tilespmem:s15+$0x6370]  }
.LBB2_6:
0x1d5: {  	p0 =	sne.s32 s6, $0x3E00;
	v12 =	vld [tilespmem:s15+$0x7370];
	v13 =	vpop (erf)  }
0x1d6: {  	v14 =	vld [tilespmem:s15+$0x6300];
	v13 =	vadd.f32 $1.000000000e+00, v13;
	v6 =	vadd.f32 v8, v6;
	(erf) = vrcp.f32 v11;
	v8 =	vpop (erf)  }
0x1d7: {  	v11 =	vld [tilespmem:s15+$0x9370];
	v17 =	vadd.f32 $1.000000000e+00, v8;
	v15 =	vpop (erf)  }
0x1d8: {  	v16 =	vld [tilespmem:s15+$0x7300];
	v15 =	vadd.f32 $1.000000000e+00, v15;
	v7 =	vadd.f32 v9, v7;
	(erf) = vrcp.f32 v13;
	v9 =	vpop (erf)  }
0x1d9: {  	v13 =	vld [tilespmem:s15+$0x6310];
	v9 =	vadd.f32 $1.000000000e+00, v9;
	(erf) = vrcp.f32 v17;
	v8 =	vpop (erf)  }
0x1da: {  	v17 =	vld [tilespmem:s15+$0x7310];
	v10 =	vadd.f32 v12, v10;
	v8 =	vadd.f32 $1.000000000e+00, v8;
	(erf) = vrcp.f32 v15;
	v12 =	vpop (erf)  }
0x1db: {  	v15 =	vld [tilespmem:s15+$0x6320];
	v12 =	vadd.f32 $1.000000000e+00, v12;
	(erf) = vrcp.f32 v9  }
0x1dc: {  	v9 =	vld [tilespmem:s15+$0x7320];
	v10 =	vadd.f32 v11, v10;
	(erf) = vrcp.f32 v8  }
0x1dd: {  	v8 =	vadd.f32 v16, v14;
	v11 =	vld [tilespmem:s15+$0x6330];
	(erf) = vrcp.f32 v12  }
0x1de: {  	v12 =	vld [tilespmem:s15+$0x7330];
	v10 =	vsub.f32 $0.0e+00, v10  }
0x1df: {  	v13 =	vadd.f32 v17, v13;
	v14 =	vld [tilespmem:s15+$0x6340];
	v16 =	vpop (erf)  }
0x1e0: {  	v17 =	vld [tilespmem:s15+$0x7340];
	v10 =	vmul.f32 $1.442695020e+00, v10;
	v19 =	vmul.f32 v16, v2  }
0x1e1: {  	v9 =	vadd.f32 v9, v15;
	v15 =	vld [tilespmem:s15+$0x6350];
	v16 =	vpop (erf)  }
0x1e2: {  	v18 =	vld [tilespmem:s15+$0x7350];
	(erf) = vpow2.f32 v10;
	[tilespmem:s14+$0xB300] =	vst v19;
	v1 =	vmul.f32 v16, v1;
	v2 =	vpop (erf)  }
0x1e3: {  	v10 =	vadd.f32 v12, v11;
	v11 =	vld [tilespmem:s15+$0x6360];
	v2 =	vmul.f32 v2, v3;
	v3 =	vpop (erf)  }
0x1e4: {  	v12 =	vld [tilespmem:s15+$0x7360];
	[tilespmem:s14+$0xB310] =	vst v1;
	v1 =	vmul.f32 v3, v4;
	v3 =	vpop (erf)  }
0x1e5: {  	v4 =	vld [tilespmem:s15+$0x9300];
	v14 =	vadd.f32 v17, v14;
	[tilespmem:s14+$0xB320] =	vst v2;
	v2 =	vmul.f32 v3, v5;
	v3 =	vpop (erf)  }
0x1e6: {  	v5 =	vld [tilespmem:s15+$0x9310];
	[tilespmem:s14+$0xB330] =	vst v1;
	v1 =	vmul.f32 v3, v6;
	v3 =	vpop (erf)  }
0x1e7: {  	v6 =	vld [tilespmem:s15+$0x9320];
	v15 =	vadd.f32 v18, v15;
	[tilespmem:s14+$0xB340] =	vst v2;
	v2 =	vmul.f32 v3, v7  }
0x1e8: {  	v3 =	vld [tilespmem:s15+$0x9330];
	[tilespmem:s14+$0xB350] =	vst v1  }
0x1e9: {  	v1 =	vld [tilespmem:s15+$0x9340];
	v7 =	vadd.f32 v12, v11;
	[tilespmem:s14+$0xB360] =	vst v2;
	s14 =	smov.u32 s15  }
0x1ea: {  	v2 =	vadd.f32 v4, v8;
	v4 =	vld [tilespmem:s14+$0x9350]  }
0x1eb: {  	v5 =	vadd.f32 v5, v13;
	v8 =	vld [tilespmem:s14+$0x9360];
	v11 =	vpop (erf)  }
0x1ec: {  	v12 =	vld [tilespmem:s14+$0x8300];
	v6 =	vadd.f32 v6, v9;
	v9 =	vadd.f32 $1.000000000e+00, v11  }
0x1ed: {  	v2 =	vsub.f32 $0.0e+00, v2;
	v11 =	vld [tilespmem:s14+$0xA300];
	v3 =	vadd.f32 v3, v10  }
0x1ee: {  	v5 =	vsub.f32 $0.0e+00, v5;
	v10 =	vld [tilespmem:s14+$0x8310];
	v1 =	vadd.f32 v1, v14;
	(erf) = vrcp.f32 v9  }
0x1ef: {  	v2 =	vmul.f32 $1.442695020e+00, v2;
	v6 =	vsub.f32 $0.0e+00, v6;
	v9 =	vld [tilespmem:s14+$0xA310];
	v4 =	vadd.f32 v4, v15  }
0x1f0: {  	v5 =	vmul.f32 $1.442695020e+00, v5;
	v3 =	vsub.f32 $0.0e+00, v3;
	v7 =	vadd.f32 v8, v7;
	v8 =	vld [tilespmem:s14+$0x8370]  }
0x1f1: {  	v6 =	vmul.f32 $1.442695020e+00, v6;
	v1 =	vsub.f32 $0.0e+00, v1;
	v4 =	vsub.f32 $0.0e+00, v4;
	v13 =	vld [tilespmem:s14+$0xA370]  }
0x1f2: {  	v3 =	vmul.f32 $1.442695020e+00, v3;
	v14 =	vld [tilespmem:s14+$0x8320];
	v7 =	vsub.f32 $0.0e+00, v7;
	(erf) = vpow2.f32 v2  }
0x1f3: {  	v2 =	vadd.f32 v11, v12;
	v12 =	vmul.f32 $1.442695020e+00, v1;
	v11 =	vld [tilespmem:s14+$0xA320];
	v4 =	vmul.f32 $1.442695020e+00, v4  }
0x1f4: {  	v1 =	vadd.f32 v9, v10;
	v9 =	vld [tilespmem:s14+$0x8330];
	v7 =	vmul.f32 $1.442695020e+00, v7;
	(erf) = vpow2.f32 v5  }
0x1f5: {  	v5 =	vld [tilespmem:s14+$0xA330];
	(erf) = vpow2.f32 v6  }
0x1f6: {  	v15 =	vld [tilespmem:s14+$0x8340];
	v8 =	vadd.f32 v13, v8;
	(erf) = vpow2.f32 v3  }
0x1f7: {  	v13 =	vld [tilespmem:s14+$0xA340];
	(erf) = vpow2.f32 v12;
	v10 =	vpop (erf)  }
.Ltmp2:
0x1f8: {  	v3 =	vadd.f32 v11, v14;
	v6 =	vld [tilespmem:s14+$0x8350];
	v10 =	vmul.f32 v10, v8;
	(erf) = vpow2.f32 v4;
	(pc) =	sbr.rel @p0 .LBB2_6-.Ltmp2, $4  }
0x1f9: {  	v8 =	vld [tilespmem:s14+$0xA350];
	(erf) = vpow2.f32 v7  }
0x1fa: {  	v4 =	vadd.f32 v5, v9;
	v7 =	vld [tilespmem:s14+$0x8360];
	[tilespmem:s14+$0xB370] =	vst v10  }
0x1fb: {  	s15 =	sshra.s32 s6, $0x2;
	v9 =	vld [tilespmem:s14+$0xA360];
	v5 =	vpop (erf)  }
0x1fc: {  	s6 =	sadd.s32 $0x200, s6;
	v10 =	vld [tilespmem:s15+$0x6370];
	v11 =	vadd.f32 $1.000000000e+00, v5;
	v5 =	vadd.f32 v13, v15  }
0x1fd: {  	v12 =	vld [tilespmem:s15+$0x7370];
	v14 =	vpop (erf)  }
0x1fe: {  	v13 =	vld [tilespmem:s15+$0x6300];
	(erf) = vrcp.f32 v11;
	v14 =	vadd.f32 $1.000000000e+00, v14  }
0x1ff: {  	v46 =	vld [tilespmem:s15+$0x9370]  }
0x200: {  	v15 =	vld [tilespmem:s15+$0x7300];
	(erf) = vrcp.f32 v14  }
0x201: {  	v17 =	vld [tilespmem:s15+$0x6310]  }
0x202: {  	v47 =	vld [tilespmem:s15+$0x7310];
	v16 =	vpop (erf)  }
0x203: {  	v19 =	vld [tilespmem:s15+$0x6320];
	v16 =	vadd.f32 $1.000000000e+00, v16;
	v18 =	vpop (erf)  }
0x204: {  	v48 =	vld [tilespmem:s15+$0x7320];
	v18 =	vadd.f32 $1.000000000e+00, v18;
	v20 =	vpop (erf)  }
0x205: {  	v21 =	vld [tilespmem:s15+$0x6330];
	(erf) = vrcp.f32 v16;
	v20 =	vadd.f32 $1.000000000e+00, v20;
	v22 =	vpop (erf)  }
0x206: {  	v49 =	vld [tilespmem:s15+$0x7330];
	(erf) = vrcp.f32 v18;
	v23 =	vpop (erf);
	v10 =	vadd.f32 v12, v10  }
0x207: {  	v24 =	vld [tilespmem:s15+$0x6340];
	(erf) = vrcp.f32 v20;
	v50 =	vpop (erf)  }
0x208: {  	v25 =	vld [tilespmem:s15+$0x7340];
	v10 =	vadd.f32 v46, v10;
	v2 =	vmul.f32 v50, v2  }
0x209: {  	v51 =	vld [tilespmem:s15+$0x6350];
	v22 =	vadd.f32 $1.000000000e+00, v22;
	v54 =	vpop (erf)  }
0x20a: {  	v53 =	vld [tilespmem:s15+$0x7350];
	v52 =	vadd.f32 $1.000000000e+00, v23;
	v10 =	vsub.f32 $0.0e+00, v10;
	[tilespmem:s14+$0xB300] =	vst v2;
	v1 =	vmul.f32 v54, v1  }
0x20b: {  	(erf) = vrcp.f32 v22;
	v2 =	vld [tilespmem:s15+$0x6360]  }
0x20c: {  	(erf) = vrcp.f32 v52;
	v56 =	vld [tilespmem:s15+$0x7360];
	[tilespmem:s14+$0xB310] =	vst v1;
	v1 =	vmul.f32 $1.442695020e+00, v10;
	_ =	sdelay $0x1  }
0x20d: {  	v55 =	vpop (erf)  }
0x20e: {  	v57 =	vpop (erf)  }
0x20f: {  	v3 =	vmul.f32 v55, v3;
	(erf) = vpow2.f32 v1;
	v1 =	vpop (erf)  }
0x210: {  	v4 =	vmul.f32 v57, v4;
	v1 =	vmul.f32 v1, v5  }
0x211: {  	v58 =	vld [tilespmem:s15+$0x9300];
	[tilespmem:s14+$0xB320] =	vst v3  }
0x212: {  	v6 =	vadd.f32 v8, v6;
	v3 =	vld [tilespmem:s15+$0x9310];
	[tilespmem:s14+$0xB330] =	vst v4  }
0x213: {  	v7 =	vadd.f32 v9, v7;
	v60 =	vld [tilespmem:s15+$0x9320];
	v59 =	vpop (erf)  }
0x214: {  	v62 =	vadd.f32 v15, v13;
	v4 =	vmul.f32 v59, v6;
	[tilespmem:s14+$0xB340] =	vst v1;
	v1 =	vpop (erf)  }
0x215: {  	v63 =	vadd.f32 v47, v17;
	v17 =	vadd.f32 v48, v19;
	v1 =	vmul.f32 v1, v7  }
0x216: {  	v26 =	vadd.f32 v25, v24;
	v23 =	vadd.f32 v49, v21;
	v61 =	vld [tilespmem:s15+$0x9330];
	[tilespmem:s14+$0xB350] =	vst v4  }
0x217: {  	v8 =	vadd.f32 v58, v62;
	v3 =	vadd.f32 v3, v63;
	v19 =	vld [tilespmem:s15+$0x9340];
	[tilespmem:s14+$0xB360] =	vst v1  }
0x218: {  	v2 =	vadd.f32 v56, v2;
	v5 =	vadd.f32 v60, v17;
	v27 =	vld [tilespmem:s15+$0x9350]  }
0x219: {  	v8 =	vsub.f32 $0.0e+00, v8;
	v3 =	vsub.f32 $0.0e+00, v3;
	v28 =	vld [tilespmem:s15+$0x9360]  }
0x21a: {  	v5 =	vsub.f32 $0.0e+00, v5;
	v29 =	vpop (erf);
	v1 =	vadd.f32 v53, v51  }
0x21b: {  	v31 =	vmul.f32 $1.442695020e+00, v8;
	v30 =	vadd.f32 $1.000000000e+00, v29;
	v6 =	vadd.f32 v61, v23  }
0x21c: {  	v3 =	vmul.f32 $1.442695020e+00, v3;
	v32 =	vmul.f32 $1.442695020e+00, v5;
	v9 =	vadd.f32 v19, v26  }
0x21d: {  	(erf) = vrcp.f32 v30;
	v6 =	vsub.f32 $0.0e+00, v6;
	v1 =	vadd.f32 v27, v1  }
0x21e: {  	(erf) = vpow2.f32 v31;
	v33 =	vsub.f32 $0.0e+00, v9;
	v2 =	vadd.f32 v28, v2  }
0x21f: {  	(erf) = vpow2.f32 v3;
	v6 =	vmul.f32 $1.442695020e+00, v6;
	v1 =	vsub.f32 $0.0e+00, v1  }
0x220: {  	(erf) = vpow2.f32 v32;
	v3 =	vmul.f32 $1.442695020e+00, v33;
	v2 =	vsub.f32 $0.0e+00, v2  }
0x221: {  	(erf) = vpow2.f32 v6;
	v1 =	vmul.f32 $1.442695020e+00, v1  }
0x222: {  	(erf) = vpow2.f32 v3;
	v2 =	vmul.f32 $1.442695020e+00, v2  }
0x223: {  	(erf) = vpow2.f32 v1  }
0x224: {  	v35 =	vld [tilespmem:s15+$0xA310];
	(erf) = vpow2.f32 v2  }
0x225: {  	v36 =	vld [tilespmem:s15+$0x8370]  }
0x226: {  	v37 =	vld [tilespmem:s15+$0xA370];
	v34 =	vpop (erf)  }
0x227: {  	v39 =	vld [tilespmem:s15+$0x8320];
	v7 =	vpop (erf)  }
0x228: {  	v41 =	vld [tilespmem:s15+$0xA320];
	v7 =	vadd.f32 $1.000000000e+00, v7;
	v38 =	vpop (erf)  }
0x229: {  	v44 =	vld [tilespmem:s15+$0x8330];
	v9 =	vadd.f32 $1.000000000e+00, v38;
	v40 =	vpop (erf)  }
0x22a: {  	v46 =	vld [tilespmem:s15+$0xA330];
	(erf) = vrcp.f32 v7;
	v42 =	vadd.f32 $1.000000000e+00, v40;
	v43 =	vpop (erf)  }
0x22b: {  	v48 =	vld [tilespmem:s15+$0x8340];
	(erf) = vrcp.f32 v9;
	v11 =	vadd.f32 $1.000000000e+00, v43;
	v45 =	vpop (erf)  }
0x22c: {  	v3 =	vld [tilespmem:s15+$0x8300];
	(erf) = vrcp.f32 v42;
	v9 =	vadd.f32 $1.000000000e+00, v45;
	v47 =	vpop (erf)  }
0x22d: {  	v1 =	vld [tilespmem:s15+$0xA300];
	(erf) = vrcp.f32 v11;
	v7 =	vadd.f32 $1.000000000e+00, v47;
	v49 =	vpop (erf)  }
0x22e: {  	v2 =	vld [tilespmem:s15+$0x8310];
	(erf) = vrcp.f32 v9;
	v11 =	vadd.f32 $1.000000000e+00, v49  }
0x22f: {  	v50 =	vld [tilespmem:s15+$0xA340];
	(erf) = vrcp.f32 v7  }
0x230: {  	v51 =	vld [tilespmem:s15+$0x8350];
	(erf) = vrcp.f32 v11  }
0x231: {  	v52 =	vld [tilespmem:s15+$0xA350];
	v6 =	vadd.f32 v37, v36  }
0x232: {  	v53 =	vld [tilespmem:s15+$0x8360];
	v1 =	vadd.f32 v1, v3  }
0x233: {  	v4 =	vmul.f32 v34, v6;
	v3 =	vld [tilespmem:s15+$0xA360];
	v2 =	vadd.f32 v35, v2;
	v54 =	vpop (erf)  }
0x234: {  	v55 =	vadd.f32 v41, v39;
	v1 =	vmul.f32 v54, v1;
	v56 =	vpop (erf)  }
0x235: {  	v57 =	vadd.f32 v46, v44;
	[tilespmem:s15+$0xB370] =	vst v4;
	v2 =	vmul.f32 v56, v2;
	v58 =	vpop (erf)  }
0x236: {  	v8 =	vadd.f32 v50, v48;
	[tilespmem:s15+$0xB300] =	vst v1;
	v1 =	vmul.f32 v58, v55;
	v59 =	vpop (erf)  }
0x237: {  	v60 =	vadd.f32 v52, v51;
	[tilespmem:s15+$0xB310] =	vst v2;
	v2 =	vmul.f32 v59, v57;
	v61 =	vpop (erf)  }
0x238: {  	v3 =	vadd.f32 v3, v53;
	[tilespmem:s15+$0xB320] =	vst v1;
	v1 =	vmul.f32 v61, v8;
	v62 =	vpop (erf)  }
0x239: {  	[tilespmem:s15+$0xB330] =	vst v2;
	v2 =	vmul.f32 v62, v60;
	v63 =	vpop (erf)  }
0x23a: {  	[tilespmem:s15+$0xB340] =	vst v1;
	v1 =	vmul.f32 v63, v3  }
0x23b: {  	[tilespmem:s15+$0xB350] =	vst v2  }
0x23c: {  	[tilespmem:s15+$0xB360] =	vst v1  }
0x23d: {  	v1 =	vld [tilespmem:$0x6180]  }
0x23e: {  	v2 =	vld [tilespmem:$0x6190];
	_ =	sdelay $0x3  }
0x23f: {  	[tilespmem:$0x6280] =	vst v1  }
0x240: {  	s6 =	simm.s32 $0x6280;
	s7 =	simm.s32 $0xB300;
	s15 =	sld [smem:$0x7F7];
	[tilespmem:$0x6290] =	vst v2  }
0x241: {  	[spmem:s22] =	stream.indirect.scatter.add.f32 [tilespmem:s7], [sflag:$0x6], $0x80, s6, s8, $0xb8;
	[tilespmem:$0x1FF00] =	vst v63  }
0x242: {  	s19 =	simm.s32 $0x0;
	s23 =	sld [smem:$0x7F8]  }
0x243: {  	[tilespmem:s3], [sflag:$0x4] =	stream.linear.gather [hbm4b:s15+s19], $0x20, $0x38;
	[tilespmem:$0x1FF00] =	vst v63  }
0x244: {  	_ = 	snop  }
0x245: {  	[tilespmem:s4], [sflag:$0x4] =	stream.linear.gather [hbm4b:s23+s19], $0x20, $0x38;
	[tilespmem:$0x1FF00] =	vst v63  }
0x246: {  	s23 =	simm.s32 $0x0  }
.LBB2_8:
0x247: {  	_ =	swait.ge [sflag:s11], $0x20  }
0x248: {  	[sflag:s11] =	ssyncset.done $0x0  }
0x249: {  	s6 =	sshll.u32 s23, $0xD;
	[sflag:s11] =	ssyncadd.s32 $0xFFFFFFE0  }
0x24a: {  	s6 =	sadd.s32 s6, s24;
	_ =	swait.ge [sflag:s11], $0x20  }
0x24b: {  	s6 =	sshrl.u32 s6, $0x3;
	[sflag:s11] =	ssyncset.done $0x0  }
0x24c: {  	s9 =	simm.s32 $0x9300;
	s7 =	sadd.s32 s29, s6;
	[sflag:s11] =	ssyncadd.s32 $0xFFFFFFE0  }
0x24d: {  	[tilespmem:s9], [sflag:$0x5] =	stream.linear.gather [hbm4b:s7+s19], $0x1000, $0x38;
	[tilespmem:$0x1FF00] =	vst v63  }
0x24e: {  	s15 =	simm.s32 $0xA300;
	s6 =	sadd.s32 s30, s6  }
0x24f: {  	[tilespmem:s15], [sflag:$0x5] =	stream.linear.gather [hbm4b:s6+s19], $0x1000, $0x38;
	[tilespmem:$0x1FF00] =	vst v63  }
0x250: {  	s9 =	simm.s32 $0x6300  }
0x251: {  	[tilespmem:s9], [sflag:$0x5] =	stream.indirect.gather [hbm4b:s25+s8], $0x80, s3, s8, $0xb8;
	[tilespmem:$0x1FF00] =	vst v63  }
0x252: {  	s14 =	simm.s32 $0x7300  }
0x253: {  	[tilespmem:s14], [sflag:$0x5] =	stream.indirect.gather [hbm4b:s26+s8], $0x80, s4, s8, $0xb8;
	[tilespmem:$0x1FF00] =	vst v63  }
0x254: {  	s15 =	simm.s32 $0x8300  }
0x255: {  	[tilespmem:s15], [sflag:$0x5] =	stream.indirect.gather [hbm4b:s28+s8], $0x80, s4, s8, $0xb8;
	[tilespmem:$0x1FF00] =	vst v63  }
0x256: {  	_ =	swait.ge [sflag:s18], $0x1000  }
0x257: {  	[sflag:s18] =	ssyncset.done $0x0  }
0x258: {  	[sflag:s18] =	ssyncadd.s32 $0xFFFFF000  }
0x259: {  	_ =	swait.ge [sflag:s18], $0x1000  }
0x25a: {  	[sflag:s18] =	ssyncset.done $0x0  }
0x25b: {  	[sflag:s18] =	ssyncadd.s32 $0xFFFFF000  }
0x25c: {  	_ =	swait.ge [sflag:s18], $0x1000  }
0x25d: {  	[sflag:s18] =	ssyncset.done $0x0  }
0x25e: {  	[sflag:s18] =	ssyncadd.s32 $0xFFFFF000  }
0x25f: {  	_ =	swait.ge [sflag:s18], $0x1000  }
0x260: {  	[sflag:s18] =	ssyncset.done $0x0  }
0x261: {  	[sflag:s18] =	ssyncadd.s32 $0xFFFFF000  }
0x262: {  	_ =	swait.ge [sflag:s18], $0x1000  }
0x263: {  	[sflag:s18] =	ssyncset.done $0x0  }
0x264: {  	[sflag:s18] =	ssyncadd.s32 $0xFFFFF000  }
0x265: {  	_ =	swait.ge [sflag:s16], $0x1000  }
0x266: {  	[sflag:s16] =	ssyncset.done $0x0  }
0x267: {  	s14 =	simm.s32 $0x0;
	[sflag:s16] =	ssyncadd.s32 $0xFFFFF000  }
0x268: {  	v1 =	vld [tilespmem:s14+$0x1F0]  }
0x269: {  	v2 =	vld [tilespmem:s14+$0x11F0];
	_ =	sdelay $0x1  }
0x26a: {  	v4 =	vld [tilespmem:s14+$0x31F0]  }
0x26b: {  	v3 =	vld [tilespmem:s14+$0x180]  }
0x26c: {  	v5 =	vld [tilespmem:s14+$0x1180]  }
0x26d: {  	v6 =	vld [tilespmem:s14+$0x190];
	v1 =	vadd.f32 v2, v1  }
0x26e: {  	v7 =	vld [tilespmem:s14+$0x1190]  }
0x26f: {  	v8 =	vld [tilespmem:s14+$0x11A0];
	v1 =	vadd.f32 v4, v1  }
0x270: {  	v9 =	vld [tilespmem:s14+$0x11B0]  }
0x271: {  	v10 =	vld [tilespmem:s14+$0x1C0];
	v1 =	vsub.f32 $0.0e+00, v1  }
0x272: {  	v11 =	vld [tilespmem:s14+$0x11C0]  }
0x273: {  	v12 =	vld [tilespmem:s14+$0x1D0];
	v1 =	vmul.f32 $1.442695020e+00, v1  }
0x274: {  	v13 =	vld [tilespmem:s14+$0x11D0]  }
0x275: {  	v14 =	vld [tilespmem:s14+$0x11E0];
	(erf) = vpow2.f32 v1  }
0x276: {  	v15 =	vld [tilespmem:s14+$0x3180]  }
0x277: {  	v16 =	vld [tilespmem:s14+$0x3190]  }
0x278: {  	v17 =	vld [tilespmem:s14+$0x31A0]  }
0x279: {  	v18 =	vld [tilespmem:s14+$0x31B0]  }
0x27a: {  	v19 =	vld [tilespmem:s14+$0x31C0]  }
0x27b: {  	v2 =	vld [tilespmem:s14+$0x1A0]  }
0x27c: {  	v20 =	vld [tilespmem:s14+$0x31D0];
	v3 =	vadd.f32 v5, v3  }
0x27d: {  	v6 =	vadd.f32 v7, v6;
	v4 =	vld [tilespmem:s14+$0x1B0]  }
0x27e: {  	v22 =	vld [tilespmem:s14+$0x2180];
	v3 =	vadd.f32 v15, v3;
	v21 =	vpop (erf)  }
0x27f: {  	v5 =	vld [tilespmem:s14+$0x31E0];
	v6 =	vadd.f32 v16, v6;
	v56 =	vadd.f32 $1.000000000e+00, v21  }
0x280: {  	v3 =	vsub.f32 $0.0e+00, v3;
	v2 =	vadd.f32 v8, v2;
	v1 =	vld [tilespmem:s14+$0x1E0]  }
0x281: {  	v7 =	vld [tilespmem:s14+$0x21F0];
	v6 =	vsub.f32 $0.0e+00, v6;
	v8 =	vadd.f32 v11, v10;
	(erf) = vrcp.f32 v56  }
0x282: {  	v3 =	vmul.f32 $1.442695020e+00, v3;
	v4 =	vadd.f32 v9, v4;
	v9 =	vld [tilespmem:s14+$0x41F0];
	v2 =	vadd.f32 v17, v2  }
0x283: {  	v23 =	vld [tilespmem:s14+$0x2190];
	v10 =	vadd.f32 v13, v12;
	v8 =	vadd.f32 v19, v8  }
0x284: {  	v58 =	vld [tilespmem:s14+$0x4190];
	v4 =	vadd.f32 v18, v4;
	v2 =	vsub.f32 $0.0e+00, v2;
	(erf) = vpow2.f32 v3  }
0x285: {  	v59 =	vld [tilespmem:s14+$0x21B0];
	v6 =	vmul.f32 $1.442695020e+00, v6;
	v10 =	vadd.f32 v20, v10;
	v1 =	vadd.f32 v14, v1  }
0x286: {  	v60 =	vld [tilespmem:s14+$0x41B0];
	v8 =	vsub.f32 $0.0e+00, v8;
	v4 =	vsub.f32 $0.0e+00, v4;
	v2 =	vmul.f32 $1.442695020e+00, v2  }
0x287: {  	v11 =	vld [tilespmem:s14+$0x21A0];
	v7 =	vadd.f32 v9, v7;
	v1 =	vadd.f32 v5, v1  }
0x288: {  	v9 =	vsub.f32 $0.0e+00, v10;
	v4 =	vmul.f32 $1.442695020e+00, v4;
	v3 =	vld [tilespmem:s14+$0x41A0];
	(erf) = vpow2.f32 v6  }
0x289: {  	v61 =	vld [tilespmem:s14+$0x41C0];
	v62 =	vmul.f32 $1.442695020e+00, v8;
	v10 =	vsub.f32 $0.0e+00, v1;
	(erf) = vpow2.f32 v2  }
0x28a: {  	v9 =	vmul.f32 $1.442695020e+00, v9;
	v5 =	vld [tilespmem:s14+$0x21C0];
	v2 =	vpop (erf);
	(erf) = vpow2.f32 v4  }
0x28b: {  	v57 =	vld [tilespmem:s14+$0x4180];
	v10 =	vmul.f32 $1.442695020e+00, v10;
	(erf) = vpow2.f32 v62  }
0x28c: {  	v8 =	vld [tilespmem:s14+$0x41D0];
	(erf) = vpow2.f32 v9  }
0x28d: {  	v6 =	vld [tilespmem:s14+$0x21D0];
	v3 =	vadd.f32 v3, v11;
	v63 =	vmul.f32 v2, v7;
	v11 =	vpop (erf);
	(erf) = vpow2.f32 v10  }
0x28e: {  	v1 =	vadd.f32 v58, v23;
	v7 =	vld [tilespmem:s14+$0x21E0]  }
0x28f: {  	s15 =	simm.s32 $0x80;
	v5 =	vadd.f32 v61, v5;
	v4 =	vadd.f32 v60, v59;
	v9 =	vld [tilespmem:s14+$0x41E0];
	[tilespmem:s14+$0x51F0] =	vst v63  }
0x290: {  	s6 =	simm.s32 $0x400;
	v2 =	vadd.f32 v57, v22;
	v11 =	vadd.f32 $1.000000000e+00, v11;
	v10 =	vld [tilespmem:s15+$0x1F0]  }
.LBB2_9:
0x291: {  	p0 =	sne.s32 s6, $0x3E00;
	v12 =	vld [tilespmem:s15+$0x11F0];
	v13 =	vpop (erf)  }
0x292: {  	v14 =	vld [tilespmem:s15+$0x180];
	v13 =	vadd.f32 $1.000000000e+00, v13;
	v6 =	vadd.f32 v8, v6;
	(erf) = vrcp.f32 v11;
	v8 =	vpop (erf)  }
0x293: {  	v11 =	vld [tilespmem:s15+$0x31F0];
	v17 =	vadd.f32 $1.000000000e+00, v8;
	v15 =	vpop (erf)  }
0x294: {  	v16 =	vld [tilespmem:s15+$0x1180];
	v15 =	vadd.f32 $1.000000000e+00, v15;
	v7 =	vadd.f32 v9, v7;
	(erf) = vrcp.f32 v13;
	v9 =	vpop (erf)  }
0x295: {  	v13 =	vld [tilespmem:s15+$0x190];
	v9 =	vadd.f32 $1.000000000e+00, v9;
	(erf) = vrcp.f32 v17;
	v8 =	vpop (erf)  }
0x296: {  	v17 =	vld [tilespmem:s15+$0x1190];
	v10 =	vadd.f32 v12, v10;
	v8 =	vadd.f32 $1.000000000e+00, v8;
	(erf) = vrcp.f32 v15;
	v12 =	vpop (erf)  }
0x297: {  	v15 =	vld [tilespmem:s15+$0x1A0];
	v12 =	vadd.f32 $1.000000000e+00, v12;
	(erf) = vrcp.f32 v9  }
0x298: {  	v9 =	vld [tilespmem:s15+$0x11A0];
	v10 =	vadd.f32 v11, v10;
	(erf) = vrcp.f32 v8  }
0x299: {  	v8 =	vadd.f32 v16, v14;
	v11 =	vld [tilespmem:s15+$0x1B0];
	(erf) = vrcp.f32 v12  }
0x29a: {  	v12 =	vld [tilespmem:s15+$0x11B0];
	v10 =	vsub.f32 $0.0e+00, v10  }
0x29b: {  	v13 =	vadd.f32 v17, v13;
	v14 =	vld [tilespmem:s15+$0x1C0];
	v16 =	vpop (erf)  }
0x29c: {  	v17 =	vld [tilespmem:s15+$0x11C0];
	v10 =	vmul.f32 $1.442695020e+00, v10;
	v19 =	vmul.f32 v16, v2  }
0x29d: {  	v9 =	vadd.f32 v9, v15;
	v15 =	vld [tilespmem:s15+$0x1D0];
	v16 =	vpop (erf)  }
0x29e: {  	v18 =	vld [tilespmem:s15+$0x11D0];
	(erf) = vpow2.f32 v10;
	[tilespmem:s14+$0x5180] =	vst v19;
	v1 =	vmul.f32 v16, v1;
	v2 =	vpop (erf)  }
0x29f: {  	v10 =	vadd.f32 v12, v11;
	v11 =	vld [tilespmem:s15+$0x1E0];
	v2 =	vmul.f32 v2, v3;
	v3 =	vpop (erf)  }
0x2a0: {  	v12 =	vld [tilespmem:s15+$0x11E0];
	[tilespmem:s14+$0x5190] =	vst v1;
	v1 =	vmul.f32 v3, v4;
	v3 =	vpop (erf)  }
0x2a1: {  	v4 =	vld [tilespmem:s15+$0x3180];
	v14 =	vadd.f32 v17, v14;
	[tilespmem:s14+$0x51A0] =	vst v2;
	v2 =	vmul.f32 v3, v5;
	v3 =	vpop (erf)  }
0x2a2: {  	v5 =	vld [tilespmem:s15+$0x3190];
	[tilespmem:s14+$0x51B0] =	vst v1;
	v1 =	vmul.f32 v3, v6;
	v3 =	vpop (erf)  }
0x2a3: {  	v6 =	vld [tilespmem:s15+$0x31A0];
	v15 =	vadd.f32 v18, v15;
	[tilespmem:s14+$0x51C0] =	vst v2;
	v2 =	vmul.f32 v3, v7  }
0x2a4: {  	v3 =	vld [tilespmem:s15+$0x31B0];
	[tilespmem:s14+$0x51D0] =	vst v1  }
0x2a5: {  	v1 =	vld [tilespmem:s15+$0x31C0];
	v7 =	vadd.f32 v12, v11;
	[tilespmem:s14+$0x51E0] =	vst v2;
	s14 =	smov.u32 s15  }
0x2a6: {  	v2 =	vadd.f32 v4, v8;
	v4 =	vld [tilespmem:s14+$0x31D0]  }
0x2a7: {  	v5 =	vadd.f32 v5, v13;
	v8 =	vld [tilespmem:s14+$0x31E0];
	v11 =	vpop (erf)  }
0x2a8: {  	v12 =	vld [tilespmem:s14+$0x2180];
	v6 =	vadd.f32 v6, v9;
	v9 =	vadd.f32 $1.000000000e+00, v11  }
0x2a9: {  	v2 =	vsub.f32 $0.0e+00, v2;
	v11 =	vld [tilespmem:s14+$0x4180];
	v3 =	vadd.f32 v3, v10  }
0x2aa: {  	v5 =	vsub.f32 $0.0e+00, v5;
	v10 =	vld [tilespmem:s14+$0x2190];
	v1 =	vadd.f32 v1, v14;
	(erf) = vrcp.f32 v9  }
0x2ab: {  	v2 =	vmul.f32 $1.442695020e+00, v2;
	v6 =	vsub.f32 $0.0e+00, v6;
	v9 =	vld [tilespmem:s14+$0x4190];
	v4 =	vadd.f32 v4, v15  }
0x2ac: {  	v5 =	vmul.f32 $1.442695020e+00, v5;
	v3 =	vsub.f32 $0.0e+00, v3;
	v7 =	vadd.f32 v8, v7;
	v8 =	vld [tilespmem:s14+$0x21F0]  }
0x2ad: {  	v6 =	vmul.f32 $1.442695020e+00, v6;
	v1 =	vsub.f32 $0.0e+00, v1;
	v4 =	vsub.f32 $0.0e+00, v4;
	v13 =	vld [tilespmem:s14+$0x41F0]  }
0x2ae: {  	v3 =	vmul.f32 $1.442695020e+00, v3;
	v14 =	vld [tilespmem:s14+$0x21A0];
	v7 =	vsub.f32 $0.0e+00, v7;
	(erf) = vpow2.f32 v2  }
0x2af: {  	v2 =	vadd.f32 v11, v12;
	v12 =	vmul.f32 $1.442695020e+00, v1;
	v11 =	vld [tilespmem:s14+$0x41A0];
	v4 =	vmul.f32 $1.442695020e+00, v4  }
0x2b0: {  	v1 =	vadd.f32 v9, v10;
	v9 =	vld [tilespmem:s14+$0x21B0];
	v7 =	vmul.f32 $1.442695020e+00, v7;
	(erf) = vpow2.f32 v5  }
0x2b1: {  	v5 =	vld [tilespmem:s14+$0x41B0];
	(erf) = vpow2.f32 v6  }
0x2b2: {  	v15 =	vld [tilespmem:s14+$0x21C0];
	v8 =	vadd.f32 v13, v8;
	(erf) = vpow2.f32 v3  }
0x2b3: {  	v13 =	vld [tilespmem:s14+$0x41C0];
	(erf) = vpow2.f32 v12;
	v10 =	vpop (erf)  }
.Ltmp3:
0x2b4: {  	v3 =	vadd.f32 v11, v14;
	v6 =	vld [tilespmem:s14+$0x21D0];
	v10 =	vmul.f32 v10, v8;
	(erf) = vpow2.f32 v4;
	(pc) =	sbr.rel @p0 .LBB2_9-.Ltmp3, $4  }
0x2b5: {  	v8 =	vld [tilespmem:s14+$0x41D0];
	(erf) = vpow2.f32 v7  }
0x2b6: {  	v4 =	vadd.f32 v5, v9;
	v7 =	vld [tilespmem:s14+$0x21E0];
	[tilespmem:s14+$0x51F0] =	vst v10  }
0x2b7: {  	s15 =	sshra.s32 s6, $0x2;
	v9 =	vld [tilespmem:s14+$0x41E0];
	v5 =	vpop (erf)  }
0x2b8: {  	s6 =	sadd.s32 $0x200, s6;
	v10 =	vld [tilespmem:s15+$0x1F0];
	v11 =	vadd.f32 $1.000000000e+00, v5;
	v5 =	vadd.f32 v13, v15  }
0x2b9: {  	v12 =	vld [tilespmem:s15+$0x11F0];
	v14 =	vpop (erf)  }
0x2ba: {  	v13 =	vld [tilespmem:s15+$0x180];
	(erf) = vrcp.f32 v11;
	v14 =	vadd.f32 $1.000000000e+00, v14  }
0x2bb: {  	v15 =	vld [tilespmem:s15+$0x1180]  }
0x2bc: {  	v17 =	vld [tilespmem:s15+$0x190];
	(erf) = vrcp.f32 v14  }
0x2bd: {  	v30 =	vld [tilespmem:s15+$0x1190]  }
0x2be: {  	v19 =	vld [tilespmem:s15+$0x1A0];
	v16 =	vpop (erf)  }
0x2bf: {  	v11 =	vld [tilespmem:s15+$0x31F0];
	v16 =	vadd.f32 $1.000000000e+00, v16;
	v18 =	vpop (erf)  }
0x2c0: {  	v31 =	vld [tilespmem:s15+$0x11A0];
	v18 =	vadd.f32 $1.000000000e+00, v18;
	v20 =	vpop (erf)  }
0x2c1: {  	v21 =	vld [tilespmem:s15+$0x1B0];
	(erf) = vrcp.f32 v16;
	v20 =	vadd.f32 $1.000000000e+00, v20;
	v22 =	vpop (erf)  }
0x2c2: {  	v32 =	vld [tilespmem:s15+$0x11B0];
	(erf) = vrcp.f32 v18;
	v23 =	vpop (erf);
	v10 =	vadd.f32 v12, v10  }
0x2c3: {  	v24 =	vld [tilespmem:s15+$0x1C0];
	(erf) = vrcp.f32 v20;
	v33 =	vpop (erf)  }
0x2c4: {  	v25 =	vld [tilespmem:s15+$0x11C0];
	v10 =	vadd.f32 v11, v10;
	v2 =	vmul.f32 v33, v2  }
0x2c5: {  	v34 =	vld [tilespmem:s15+$0x1D0];
	v22 =	vadd.f32 $1.000000000e+00, v22;
	v11 =	vpop (erf)  }
0x2c6: {  	v36 =	vld [tilespmem:s15+$0x11D0];
	v35 =	vadd.f32 $1.000000000e+00, v23;
	v10 =	vsub.f32 $0.0e+00, v10;
	[tilespmem:s14+$0x5180] =	vst v2;
	v1 =	vmul.f32 v11, v1  }
0x2c7: {  	(erf) = vrcp.f32 v22;
	v2 =	vld [tilespmem:s15+$0x1E0]  }
0x2c8: {  	(erf) = vrcp.f32 v35;
	v37 =	vld [tilespmem:s15+$0x11E0];
	[tilespmem:s14+$0x5190] =	vst v1;
	v1 =	vmul.f32 $1.442695020e+00, v10;
	_ =	sdelay $0x1  }
0x2c9: {  	v11 =	vpop (erf)  }
0x2ca: {  	v10 =	vpop (erf)  }
0x2cb: {  	v4 =	vmul.f32 v10, v4;
	(erf) = vpow2.f32 v1;
	v1 =	vpop (erf)  }
0x2cc: {  	v3 =	vmul.f32 v11, v3;
	v11 =	vld [tilespmem:s15+$0x3180];
	v1 =	vmul.f32 v1, v5;
	_ =	sdelay $0x1  }
0x2cd: {  	v6 =	vadd.f32 v8, v6;
	[tilespmem:s14+$0x51A0] =	vst v3  }
0x2ce: {  	v7 =	vadd.f32 v9, v7;
	v8 =	vadd.f32 v15, v13;
	v3 =	vld [tilespmem:s15+$0x3190];
	[tilespmem:s14+$0x51B0] =	vst v4;
	v4 =	vpop (erf)  }
0x2cf: {  	v38 =	vadd.f32 v25, v24;
	v5 =	vld [tilespmem:s15+$0x31A0];
	v4 =	vmul.f32 v4, v6;
	[tilespmem:s14+$0x51C0] =	vst v1;
	v1 =	vpop (erf)  }
0x2d0: {  	v10 =	vadd.f32 v32, v21;
	v8 =	vadd.f32 v11, v8;
	v6 =	vld [tilespmem:s15+$0x31B0];
	v1 =	vmul.f32 v1, v7  }
0x2d1: {  	v2 =	vadd.f32 v37, v2;
	[tilespmem:s14+$0x51D0] =	vst v4;
	v4 =	vadd.f32 v30, v17  }
0x2d2: {  	v8 =	vsub.f32 $0.0e+00, v8;
	v9 =	vld [tilespmem:s15+$0x31C0];
	v7 =	vadd.f32 v31, v19;
	[tilespmem:s14+$0x51E0] =	vst v1  }
0x2d3: {  	v3 =	vadd.f32 v3, v4;
	v11 =	vpop (erf);
	v1 =	vadd.f32 v36, v34;
	v4 =	vld [tilespmem:s15+$0x31E0]  }
0x2d4: {  	v5 =	vadd.f32 v5, v7;
	v7 =	vadd.f32 $1.000000000e+00, v11;
	v39 =	vld [tilespmem:s15+$0x31D0]  }
0x2d5: {  	v3 =	vsub.f32 $0.0e+00, v3;
	v6 =	vadd.f32 v6, v10  }
0x2d6: {  	(erf) = vrcp.f32 v7;
	v7 =	vmul.f32 $1.442695020e+00, v8;
	v5 =	vsub.f32 $0.0e+00, v5  }
0x2d7: {  	v9 =	vadd.f32 v9, v38;
	v3 =	vmul.f32 $1.442695020e+00, v3;
	v6 =	vsub.f32 $0.0e+00, v6  }
0x2d8: {  	(erf) = vpow2.f32 v7;
	v2 =	vadd.f32 v4, v2;
	v4 =	vmul.f32 $1.442695020e+00, v5  }
0x2d9: {  	v6 =	vmul.f32 $1.442695020e+00, v6;
	(erf) = vpow2.f32 v3;
	v1 =	vadd.f32 v39, v1  }
0x2da: {  	v5 =	vsub.f32 $0.0e+00, v9;
	(erf) = vpow2.f32 v4  }
0x2db: {  	v1 =	vsub.f32 $0.0e+00, v1;
	(erf) = vpow2.f32 v6  }
0x2dc: {  	v2 =	vsub.f32 $0.0e+00, v2;
	v3 =	vmul.f32 $1.442695020e+00, v5  }
0x2dd: {  	v1 =	vmul.f32 $1.442695020e+00, v1  }
0x2de: {  	v2 =	vmul.f32 $1.442695020e+00, v2;
	(erf) = vpow2.f32 v3  }
0x2df: {  	(erf) = vpow2.f32 v1  }
0x2e0: {  	v10 =	vld [tilespmem:s15+$0x21A0];
	v4 =	vpop (erf);
	(erf) = vpow2.f32 v2  }
0x2e1: {  	v40 =	vld [tilespmem:s15+$0x41A0];
	v7 =	vpop (erf)  }
0x2e2: {  	v41 =	vld [tilespmem:s15+$0x21B0];
	v7 =	vadd.f32 $1.000000000e+00, v7;
	v9 =	vpop (erf)  }
0x2e3: {  	v8 =	vld [tilespmem:s15+$0x41F0];
	v9 =	vadd.f32 $1.000000000e+00, v9;
	v11 =	vpop (erf)  }
0x2e4: {  	v6 =	vld [tilespmem:s15+$0x21F0];
	(erf) = vrcp.f32 v7;
	v7 =	vadd.f32 $1.000000000e+00, v11;
	v11 =	vpop (erf)  }
0x2e5: {  	v42 =	vld [tilespmem:s15+$0x41B0];
	v11 =	vadd.f32 $1.000000000e+00, v11  }
0x2e6: {  	v43 =	vld [tilespmem:s15+$0x21C0]  }
0x2e7: {  	v3 =	vld [tilespmem:s15+$0x2180];
	(erf) = vrcp.f32 v9;
	v9 =	vpop (erf)  }
0x2e8: {  	v1 =	vld [tilespmem:s15+$0x4180];
	v9 =	vadd.f32 $1.000000000e+00, v9;
	(erf) = vrcp.f32 v7;
	v7 =	vpop (erf)  }
0x2e9: {  	v5 =	vld [tilespmem:s15+$0x4190];
	v6 =	vadd.f32 v8, v6;
	(erf) = vrcp.f32 v11;
	v7 =	vadd.f32 $1.000000000e+00, v7;
	v11 =	vpop (erf)  }
0x2ea: {  	v2 =	vld [tilespmem:s15+$0x2190];
	(erf) = vrcp.f32 v9;
	v11 =	vadd.f32 $1.000000000e+00, v11  }
0x2eb: {  	v8 =	vld [tilespmem:s15+$0x41C0];
	v4 =	vmul.f32 v4, v6;
	(erf) = vrcp.f32 v7  }
0x2ec: {  	v6 =	vld [tilespmem:s15+$0x41D0];
	(erf) = vrcp.f32 v11  }
0x2ed: {  	v1 =	vadd.f32 v1, v3;
	v3 =	vld [tilespmem:s15+$0x41E0]  }
0x2ee: {  	v9 =	vld [tilespmem:s15+$0x21D0]  }
0x2ef: {  	[tilespmem:s15+$0x51F0] =	vst v4;
	v2 =	vadd.f32 v5, v2;
	v7 =	vld [tilespmem:s15+$0x21E0];
	v4 =	vpop (erf)  }
0x2f0: {  	v5 =	vadd.f32 v40, v10;
	v1 =	vmul.f32 v4, v1;
	v4 =	vpop (erf)  }
0x2f1: {  	v10 =	vadd.f32 v42, v41;
	v2 =	vmul.f32 v4, v2;
	v4 =	vpop (erf)  }
0x2f2: {  	v8 =	vadd.f32 v8, v43;
	[tilespmem:s15+$0x5180] =	vst v1;
	v1 =	vmul.f32 v4, v5;
	v4 =	vpop (erf)  }
0x2f3: {  	[tilespmem:s15+$0x5190] =	vst v2;
	v5 =	vadd.f32 v6, v9;
	v2 =	vmul.f32 v4, v10;
	v4 =	vpop (erf)  }
0x2f4: {  	v3 =	vadd.f32 v3, v7;
	[tilespmem:s15+$0x51A0] =	vst v1;
	v1 =	vmul.f32 v4, v8;
	v4 =	vpop (erf)  }
0x2f5: {  	[tilespmem:s15+$0x51B0] =	vst v2;
	v2 =	vmul.f32 v4, v5;
	v4 =	vpop (erf)  }
0x2f6: {  	[tilespmem:s15+$0x51C0] =	vst v1;
	v1 =	vmul.f32 v4, v3  }
0x2f7: {  	[tilespmem:s15+$0x51D0] =	vst v2  }
0x2f8: {  	[tilespmem:s15+$0x51E0] =	vst v1  }
0x2f9: {  	v1 =	vld [tilespmem:$0x0]  }
0x2fa: {  	v2 =	vld [tilespmem:$0x10];
	_ =	sdelay $0x3  }
0x2fb: {  	s14 =	sshll.u32 s23, $0x1;
	[tilespmem:$0x100] =	vst v1  }
0x2fc: {  	s6 =	simm.s32 $0x100;
	s7 =	simm.s32 $0x5180;
	s9 =	sadd.s32 $0x4, s14;
	[tilespmem:$0x110] =	vst v2  }
0x2fd: {  	[spmem:s22] =	stream.indirect.scatter.add.f32 [tilespmem:s7], [sflag:$0x3], $0x80, s6, s8, $0xb8;
	[tilespmem:$0x1FF00] =	vst v63  }
0x2fe: {  	p0 =	seq.s32 s9, $0x13A;
	s6 =	sshll.u32 s9, $0x5  }
0x2ff: {  	s6 =	simm.s32 @p0 $0x0  }
0x300: {  	s6 =	sadd.s32 s12, s6  }
0x301: {  	s7 =	sshrl.u32 s6, $0x3  }
0x302: {  	s9 =	simm.s32 $0x0;
	s15 =	sadd.s32 s31, s7  }
0x303: {  	[tilespmem:s9], [sflag:$0x1] =	stream.linear.gather [hbm4b:s15+s9], $0x20, $0x38;
	[tilespmem:$0x1FF00] =	vst v63  }
0x304: {  	s7 =	sadd.s32 s21, s7  }
0x305: {  	[tilespmem:s2], [sflag:$0x1] =	stream.linear.gather [hbm4b:s7+s9], $0x20, $0x38;
	[tilespmem:$0x1FF00] =	vst v63  }
0x306: {  	_ =	swait.ge [sflag:s5], $0x20  }
0x307: {  	[sflag:s5] =	ssyncset.done $0x0  }
0x308: {  	[sflag:s5] =	ssyncadd.s32 $0xFFFFFFE0  }
0x309: {  	_ =	swait.ge [sflag:s5], $0x20  }
0x30a: {  	s6 =	sshll.u32 s6, $0x4;
	[sflag:s5] =	ssyncset.done $0x0  }
0x30b: {  	s15 =	simm.s32 $0x3180;
	s7 =	sadd.s32 s29, s6;
	[sflag:s5] =	ssyncadd.s32 $0xFFFFFFE0  }
0x30c: {  	[tilespmem:s15], [sflag:$0x2] =	stream.linear.gather [hbm4b:s7+s9], $0x1000, $0x38;
	[tilespmem:$0x1FF00] =	vst v63  }
0x30d: {  	s6 =	sadd.s32 s30, s6;
	s15 =	simm.s32 $0x4180  }
0x30e: {  	[tilespmem:s15], [sflag:$0x2] =	stream.linear.gather [hbm4b:s6+s9], $0x1000, $0x38;
	[tilespmem:$0x1FF00] =	vst v63  }
0x30f: {  	_ = 	snop  }
0x310: {  	[tilespmem:s20], [sflag:$0x2] =	stream.indirect.gather [hbm4b:s25+s8], $0x80, s9, s8, $0xb8;
	[tilespmem:$0x1FF00] =	vst v63  }
0x311: {  	s15 =	simm.s32 $0x1180  }
0x312: {  	[tilespmem:s15], [sflag:$0x2] =	stream.indirect.gather [hbm4b:s26+s8], $0x80, s2, s8, $0xb8;
	[tilespmem:$0x1FF00] =	vst v63  }
0x313: {  	_ = 	snop  }
0x314: {  	[tilespmem:s10], [sflag:$0x2] =	stream.indirect.gather [hbm4b:s28+s8], $0x80, s2, s8, $0xb8;
	[tilespmem:$0x1FF00] =	vst v63  }
0x315: {  	_ =	swait.ge [sflag:s13], $0x1000  }
0x316: {  	[sflag:s13] =	ssyncset.done $0x0  }
0x317: {  	[sflag:s13] =	ssyncadd.s32 $0xFFFFF000  }
0x318: {  	_ =	swait.ge [sflag:s13], $0x1000  }
0x319: {  	[sflag:s13] =	ssyncset.done $0x0  }
0x31a: {  	[sflag:s13] =	ssyncadd.s32 $0xFFFFF000  }
0x31b: {  	_ =	swait.ge [sflag:s13], $0x1000  }
0x31c: {  	[sflag:s13] =	ssyncset.done $0x0  }
0x31d: {  	[sflag:s13] =	ssyncadd.s32 $0xFFFFF000  }
0x31e: {  	_ =	swait.ge [sflag:s13], $0x1000  }
0x31f: {  	[sflag:s13] =	ssyncset.done $0x0  }
0x320: {  	[sflag:s13] =	ssyncadd.s32 $0xFFFFF000  }
0x321: {  	_ =	swait.ge [sflag:s13], $0x1000  }
0x322: {  	[sflag:s13] =	ssyncset.done $0x0  }
0x323: {  	[sflag:s13] =	ssyncadd.s32 $0xFFFFF000  }
0x324: {  	_ =	swait.ge [sflag:s17], $0x1000  }
0x325: {  	[sflag:s17] =	ssyncset.done $0x0  }
0x326: {  	s15 =	simm.s32 $0x0;
	[sflag:s17] =	ssyncadd.s32 $0xFFFFF000  }
0x327: {  	v1 =	vld [tilespmem:s15+$0x6370]  }
0x328: {  	v2 =	vld [tilespmem:s15+$0x7370];
	_ =	sdelay $0x1  }
0x329: {  	v4 =	vld [tilespmem:s15+$0x9370]  }
0x32a: {  	v3 =	vld [tilespmem:s15+$0x6300]  }
0x32b: {  	v5 =	vld [tilespmem:s15+$0x7300]  }
0x32c: {  	v6 =	vld [tilespmem:s15+$0x6310];
	v1 =	vadd.f32 v2, v1  }
0x32d: {  	v7 =	vld [tilespmem:s15+$0x7310]  }
0x32e: {  	v8 =	vld [tilespmem:s15+$0x7320];
	v1 =	vadd.f32 v4, v1  }
0x32f: {  	v9 =	vld [tilespmem:s15+$0x7330]  }
0x330: {  	v10 =	vld [tilespmem:s15+$0x6340];
	v1 =	vsub.f32 $0.0e+00, v1  }
0x331: {  	v11 =	vld [tilespmem:s15+$0x7340]  }
0x332: {  	v44 =	vld [tilespmem:s15+$0x6350];
	v1 =	vmul.f32 $1.442695020e+00, v1  }
0x333: {  	v45 =	vld [tilespmem:s15+$0x7350]  }
0x334: {  	v46 =	vld [tilespmem:s15+$0x7360];
	(erf) = vpow2.f32 v1  }
0x335: {  	v47 =	vld [tilespmem:s15+$0x9300]  }
0x336: {  	v48 =	vld [tilespmem:s15+$0x9310]  }
0x337: {  	v49 =	vld [tilespmem:s15+$0x9320]  }
0x338: {  	v50 =	vld [tilespmem:s15+$0x9330]  }
0x339: {  	v51 =	vld [tilespmem:s15+$0x9340]  }
0x33a: {  	v52 =	vld [tilespmem:s15+$0x9350]  }
0x33b: {  	v2 =	vld [tilespmem:s15+$0x6320];
	v3 =	vadd.f32 v5, v3  }
0x33c: {  	v4 =	vld [tilespmem:s15+$0x6330]  }
0x33d: {  	v54 =	vld [tilespmem:s15+$0x8300];
	v6 =	vadd.f32 v7, v6;
	v3 =	vadd.f32 v47, v3;
	v53 =	vpop (erf)  }
0x33e: {  	v56 =	vld [tilespmem:s15+$0xA300];
	v7 =	vadd.f32 v11, v10;
	v55 =	vadd.f32 $1.000000000e+00, v53  }
0x33f: {  	v6 =	vadd.f32 v48, v6;
	v3 =	vsub.f32 $0.0e+00, v3;
	v1 =	vld [tilespmem:s15+$0x6360]  }
0x340: {  	v5 =	vld [tilespmem:s15+$0x9360];
	v7 =	vadd.f32 v51, v7;
	v2 =	vadd.f32 v8, v2;
	(erf) = vrcp.f32 v55  }
0x341: {  	v10 =	vld [tilespmem:s15+$0xA370];
	v3 =	vmul.f32 $1.442695020e+00, v3;
	v4 =	vadd.f32 v9, v4;
	v9 =	vadd.f32 v45, v44  }
0x342: {  	v6 =	vsub.f32 $0.0e+00, v6;
	v8 =	vld [tilespmem:s15+$0x8370];
	v2 =	vadd.f32 v49, v2  }
0x343: {  	v57 =	vld [tilespmem:s15+$0x8310];
	v4 =	vadd.f32 v50, v4;
	v9 =	vadd.f32 v52, v9;
	(erf) = vpow2.f32 v3  }
0x344: {  	v58 =	vld [tilespmem:s15+$0xA310];
	v2 =	vsub.f32 $0.0e+00, v2;
	v1 =	vadd.f32 v46, v1  }
0x345: {  	v59 =	vld [tilespmem:s15+$0x8330];
	v6 =	vmul.f32 $1.442695020e+00, v6;
	v4 =	vsub.f32 $0.0e+00, v4;
	v9 =	vsub.f32 $0.0e+00, v9  }
0x346: {  	v60 =	vld [tilespmem:s15+$0xA330];
	v2 =	vmul.f32 $1.442695020e+00, v2;
	v1 =	vadd.f32 v5, v1;
	v5 =	vsub.f32 $0.0e+00, v7  }
0x347: {  	v61 =	vld [tilespmem:s15+$0x8340];
	v4 =	vmul.f32 $1.442695020e+00, v4;
	v7 =	vadd.f32 v10, v8;
	(erf) = vpow2.f32 v6  }
0x348: {  	v11 =	vld [tilespmem:s15+$0x8320];
	v5 =	vmul.f32 $1.442695020e+00, v5;
	v10 =	vsub.f32 $0.0e+00, v1;
	(erf) = vpow2.f32 v2  }
0x349: {  	v9 =	vmul.f32 $1.442695020e+00, v9;
	v3 =	vld [tilespmem:s15+$0xA320];
	v8 =	vpop (erf);
	(erf) = vpow2.f32 v4  }
0x34a: {  	v62 =	vld [tilespmem:s15+$0xA340];
	v10 =	vmul.f32 $1.442695020e+00, v10;
	(erf) = vpow2.f32 v5  }
0x34b: {  	v6 =	vld [tilespmem:s15+$0x8350];
	(erf) = vpow2.f32 v9  }
0x34c: {  	v63 =	vmul.f32 v8, v7;
	v8 =	vld [tilespmem:s15+$0xA350];
	v5 =	vpop (erf);
	(erf) = vpow2.f32 v10  }
0x34d: {  	v1 =	vadd.f32 v58, v57;
	v2 =	vadd.f32 v56, v54;
	v7 =	vld [tilespmem:s15+$0x8360]  }
0x34e: {  	s6 =	simm.s32 $0x80;
	v3 =	vadd.f32 v3, v11;
	v4 =	vadd.f32 v60, v59;
	v9 =	vld [tilespmem:s15+$0xA360];
	[tilespmem:s15+$0xB370] =	vst v63  }
0x34f: {  	s7 =	simm.s32 $0x400;
	v11 =	vadd.f32 $1.000000000e+00, v5;
	v5 =	vadd.f32 v62, v61;
	v10 =	vld [tilespmem:s6+$0x6370]  }
.LBB2_11:
0x350: {  	p0 =	sne.s32 s7, $0x3E00;
	v12 =	vld [tilespmem:s6+$0x7370];
	v13 =	vpop (erf)  }
0x351: {  	v14 =	vld [tilespmem:s6+$0x6300];
	v13 =	vadd.f32 $1.000000000e+00, v13;
	v6 =	vadd.f32 v8, v6;
	(erf) = vrcp.f32 v11;
	v8 =	vpop (erf)  }
0x352: {  	v11 =	vld [tilespmem:s6+$0x9370];
	v17 =	vadd.f32 $1.000000000e+00, v8;
	v15 =	vpop (erf)  }
0x353: {  	v16 =	vld [tilespmem:s6+$0x7300];
	v15 =	vadd.f32 $1.000000000e+00, v15;
	v7 =	vadd.f32 v9, v7;
	(erf) = vrcp.f32 v13;
	v9 =	vpop (erf)  }
0x354: {  	v13 =	vld [tilespmem:s6+$0x6310];
	v9 =	vadd.f32 $1.000000000e+00, v9;
	(erf) = vrcp.f32 v17;
	v8 =	vpop (erf)  }
0x355: {  	v17 =	vld [tilespmem:s6+$0x7310];
	v10 =	vadd.f32 v12, v10;
	v8 =	vadd.f32 $1.000000000e+00, v8;
	(erf) = vrcp.f32 v15;
	v12 =	vpop (erf)  }
0x356: {  	v15 =	vld [tilespmem:s6+$0x6320];
	v12 =	vadd.f32 $1.000000000e+00, v12;
	(erf) = vrcp.f32 v9  }
0x357: {  	v9 =	vld [tilespmem:s6+$0x7320];
	v10 =	vadd.f32 v11, v10;
	(erf) = vrcp.f32 v8  }
0x358: {  	v8 =	vadd.f32 v16, v14;
	v11 =	vld [tilespmem:s6+$0x6330];
	(erf) = vrcp.f32 v12  }
0x359: {  	v12 =	vld [tilespmem:s6+$0x7330];
	v10 =	vsub.f32 $0.0e+00, v10  }
0x35a: {  	v13 =	vadd.f32 v17, v13;
	v14 =	vld [tilespmem:s6+$0x6340];
	v16 =	vpop (erf)  }
0x35b: {  	v17 =	vld [tilespmem:s6+$0x7340];
	v10 =	vmul.f32 $1.442695020e+00, v10;
	v19 =	vmul.f32 v16, v2  }
0x35c: {  	v9 =	vadd.f32 v9, v15;
	v15 =	vld [tilespmem:s6+$0x6350];
	v16 =	vpop (erf)  }
0x35d: {  	v18 =	vld [tilespmem:s6+$0x7350];
	(erf) = vpow2.f32 v10;
	[tilespmem:s15+$0xB300] =	vst v19;
	v1 =	vmul.f32 v16, v1;
	v2 =	vpop (erf)  }
0x35e: {  	v10 =	vadd.f32 v12, v11;
	v11 =	vld [tilespmem:s6+$0x6360];
	v2 =	vmul.f32 v2, v3;
	v3 =	vpop (erf)  }
0x35f: {  	v12 =	vld [tilespmem:s6+$0x7360];
	[tilespmem:s15+$0xB310] =	vst v1;
	v1 =	vmul.f32 v3, v4;
	v3 =	vpop (erf)  }
0x360: {  	v4 =	vld [tilespmem:s6+$0x9300];
	v14 =	vadd.f32 v17, v14;
	[tilespmem:s15+$0xB320] =	vst v2;
	v2 =	vmul.f32 v3, v5;
	v3 =	vpop (erf)  }
0x361: {  	v5 =	vld [tilespmem:s6+$0x9310];
	[tilespmem:s15+$0xB330] =	vst v1;
	v1 =	vmul.f32 v3, v6;
	v3 =	vpop (erf)  }
0x362: {  	v6 =	vld [tilespmem:s6+$0x9320];
	v15 =	vadd.f32 v18, v15;
	[tilespmem:s15+$0xB340] =	vst v2;
	v2 =	vmul.f32 v3, v7  }
0x363: {  	v3 =	vld [tilespmem:s6+$0x9330];
	[tilespmem:s15+$0xB350] =	vst v1  }
0x364: {  	v1 =	vld [tilespmem:s6+$0x9340];
	v7 =	vadd.f32 v12, v11;
	[tilespmem:s15+$0xB360] =	vst v2;
	s15 =	smov.u32 s6  }
0x365: {  	v2 =	vadd.f32 v4, v8;
	v4 =	vld [tilespmem:s15+$0x9350]  }
0x366: {  	v5 =	vadd.f32 v5, v13;
	v8 =	vld [tilespmem:s15+$0x9360];
	v11 =	vpop (erf)  }
0x367: {  	v12 =	vld [tilespmem:s15+$0x8300];
	v6 =	vadd.f32 v6, v9;
	v9 =	vadd.f32 $1.000000000e+00, v11  }
0x368: {  	v2 =	vsub.f32 $0.0e+00, v2;
	v11 =	vld [tilespmem:s15+$0xA300];
	v3 =	vadd.f32 v3, v10  }
0x369: {  	v5 =	vsub.f32 $0.0e+00, v5;
	v10 =	vld [tilespmem:s15+$0x8310];
	v1 =	vadd.f32 v1, v14;
	(erf) = vrcp.f32 v9  }
0x36a: {  	v2 =	vmul.f32 $1.442695020e+00, v2;
	v6 =	vsub.f32 $0.0e+00, v6;
	v9 =	vld [tilespmem:s15+$0xA310];
	v4 =	vadd.f32 v4, v15  }
0x36b: {  	v5 =	vmul.f32 $1.442695020e+00, v5;
	v3 =	vsub.f32 $0.0e+00, v3;
	v7 =	vadd.f32 v8, v7;
	v8 =	vld [tilespmem:s15+$0x8370]  }
0x36c: {  	v6 =	vmul.f32 $1.442695020e+00, v6;
	v1 =	vsub.f32 $0.0e+00, v1;
	v4 =	vsub.f32 $0.0e+00, v4;
	v13 =	vld [tilespmem:s15+$0xA370]  }
0x36d: {  	v3 =	vmul.f32 $1.442695020e+00, v3;
	v14 =	vld [tilespmem:s15+$0x8320];
	v7 =	vsub.f32 $0.0e+00, v7;
	(erf) = vpow2.f32 v2  }
0x36e: {  	v2 =	vadd.f32 v11, v12;
	v12 =	vmul.f32 $1.442695020e+00, v1;
	v11 =	vld [tilespmem:s15+$0xA320];
	v4 =	vmul.f32 $1.442695020e+00, v4  }
0x36f: {  	v1 =	vadd.f32 v9, v10;
	v9 =	vld [tilespmem:s15+$0x8330];
	v7 =	vmul.f32 $1.442695020e+00, v7;
	(erf) = vpow2.f32 v5  }
0x370: {  	v5 =	vld [tilespmem:s15+$0xA330];
	(erf) = vpow2.f32 v6  }
0x371: {  	v15 =	vld [tilespmem:s15+$0x8340];
	v8 =	vadd.f32 v13, v8;
	(erf) = vpow2.f32 v3  }
0x372: {  	v13 =	vld [tilespmem:s15+$0xA340];
	(erf) = vpow2.f32 v12;
	v10 =	vpop (erf)  }
.Ltmp4:
0x373: {  	v3 =	vadd.f32 v11, v14;
	v6 =	vld [tilespmem:s15+$0x8350];
	v10 =	vmul.f32 v10, v8;
	(erf) = vpow2.f32 v4;
	(pc) =	sbr.rel @p0 .LBB2_11-.Ltmp4, $4  }
0x374: {  	v8 =	vld [tilespmem:s15+$0xA350];
	(erf) = vpow2.f32 v7  }
0x375: {  	v4 =	vadd.f32 v5, v9;
	v7 =	vld [tilespmem:s15+$0x8360];
	[tilespmem:s15+$0xB370] =	vst v10  }
0x376: {  	s6 =	sshra.s32 s7, $0x2;
	v9 =	vld [tilespmem:s15+$0xA360];
	v5 =	vpop (erf)  }
0x377: {  	s7 =	sadd.s32 $0x200, s7;
	v10 =	vld [tilespmem:s6+$0x6370];
	v11 =	vadd.f32 $1.000000000e+00, v5;
	v5 =	vadd.f32 v13, v15  }
0x378: {  	v12 =	vld [tilespmem:s6+$0x7370];
	v14 =	vpop (erf)  }
0x379: {  	v13 =	vld [tilespmem:s6+$0x6300];
	(erf) = vrcp.f32 v11;
	v14 =	vadd.f32 $1.000000000e+00, v14  }
0x37a: {  	v46 =	vld [tilespmem:s6+$0x9370]  }
0x37b: {  	v15 =	vld [tilespmem:s6+$0x7300];
	(erf) = vrcp.f32 v14  }
0x37c: {  	v17 =	vld [tilespmem:s6+$0x6310]  }
0x37d: {  	v47 =	vld [tilespmem:s6+$0x7310];
	v16 =	vpop (erf)  }
0x37e: {  	v19 =	vld [tilespmem:s6+$0x6320];
	v16 =	vadd.f32 $1.000000000e+00, v16;
	v18 =	vpop (erf)  }
0x37f: {  	v48 =	vld [tilespmem:s6+$0x7320];
	v18 =	vadd.f32 $1.000000000e+00, v18;
	v20 =	vpop (erf)  }
0x380: {  	v21 =	vld [tilespmem:s6+$0x6330];
	(erf) = vrcp.f32 v16;
	v20 =	vadd.f32 $1.000000000e+00, v20;
	v22 =	vpop (erf)  }
0x381: {  	v49 =	vld [tilespmem:s6+$0x7330];
	(erf) = vrcp.f32 v18;
	v23 =	vpop (erf);
	v10 =	vadd.f32 v12, v10  }
0x382: {  	v24 =	vld [tilespmem:s6+$0x6340];
	(erf) = vrcp.f32 v20;
	v50 =	vpop (erf)  }
0x383: {  	v25 =	vld [tilespmem:s6+$0x7340];
	v10 =	vadd.f32 v46, v10;
	v2 =	vmul.f32 v50, v2  }
0x384: {  	v51 =	vld [tilespmem:s6+$0x6350];
	v22 =	vadd.f32 $1.000000000e+00, v22;
	v54 =	vpop (erf)  }
0x385: {  	v53 =	vld [tilespmem:s6+$0x7350];
	v52 =	vadd.f32 $1.000000000e+00, v23;
	v10 =	vsub.f32 $0.0e+00, v10;
	[tilespmem:s15+$0xB300] =	vst v2;
	v1 =	vmul.f32 v54, v1  }
0x386: {  	(erf) = vrcp.f32 v22;
	v2 =	vld [tilespmem:s6+$0x6360]  }
0x387: {  	(erf) = vrcp.f32 v52;
	v56 =	vld [tilespmem:s6+$0x7360];
	[tilespmem:s15+$0xB310] =	vst v1;
	v1 =	vmul.f32 $1.442695020e+00, v10;
	_ =	sdelay $0x1  }
0x388: {  	v55 =	vpop (erf)  }
0x389: {  	v57 =	vpop (erf)  }
0x38a: {  	v3 =	vmul.f32 v55, v3;
	(erf) = vpow2.f32 v1;
	v1 =	vpop (erf)  }
0x38b: {  	v4 =	vmul.f32 v57, v4;
	v1 =	vmul.f32 v1, v5  }
0x38c: {  	v58 =	vld [tilespmem:s6+$0x9300];
	[tilespmem:s15+$0xB320] =	vst v3  }
0x38d: {  	v6 =	vadd.f32 v8, v6;
	v3 =	vld [tilespmem:s6+$0x9310];
	[tilespmem:s15+$0xB330] =	vst v4  }
0x38e: {  	v7 =	vadd.f32 v9, v7;
	v60 =	vld [tilespmem:s6+$0x9320];
	v59 =	vpop (erf)  }
0x38f: {  	v62 =	vadd.f32 v15, v13;
	v4 =	vmul.f32 v59, v6;
	[tilespmem:s15+$0xB340] =	vst v1;
	v1 =	vpop (erf)  }
0x390: {  	v63 =	vadd.f32 v47, v17;
	v17 =	vadd.f32 v48, v19;
	v1 =	vmul.f32 v1, v7  }
0x391: {  	v26 =	vadd.f32 v25, v24;
	v23 =	vadd.f32 v49, v21;
	v61 =	vld [tilespmem:s6+$0x9330];
	[tilespmem:s15+$0xB350] =	vst v4  }
0x392: {  	v8 =	vadd.f32 v58, v62;
	v3 =	vadd.f32 v3, v63;
	v19 =	vld [tilespmem:s6+$0x9340];
	[tilespmem:s15+$0xB360] =	vst v1  }
0x393: {  	v2 =	vadd.f32 v56, v2;
	v5 =	vadd.f32 v60, v17;
	v27 =	vld [tilespmem:s6+$0x9350]  }
0x394: {  	v8 =	vsub.f32 $0.0e+00, v8;
	v3 =	vsub.f32 $0.0e+00, v3;
	v28 =	vld [tilespmem:s6+$0x9360]  }
0x395: {  	v5 =	vsub.f32 $0.0e+00, v5;
	v29 =	vpop (erf);
	v1 =	vadd.f32 v53, v51  }
0x396: {  	v31 =	vmul.f32 $1.442695020e+00, v8;
	v30 =	vadd.f32 $1.000000000e+00, v29;
	v6 =	vadd.f32 v61, v23  }
0x397: {  	v3 =	vmul.f32 $1.442695020e+00, v3;
	v32 =	vmul.f32 $1.442695020e+00, v5;
	v9 =	vadd.f32 v19, v26  }
0x398: {  	(erf) = vrcp.f32 v30;
	v6 =	vsub.f32 $0.0e+00, v6;
	v1 =	vadd.f32 v27, v1  }
0x399: {  	(erf) = vpow2.f32 v31;
	v33 =	vsub.f32 $0.0e+00, v9;
	v2 =	vadd.f32 v28, v2  }
0x39a: {  	(erf) = vpow2.f32 v3;
	v6 =	vmul.f32 $1.442695020e+00, v6;
	v1 =	vsub.f32 $0.0e+00, v1  }
0x39b: {  	(erf) = vpow2.f32 v32;
	v3 =	vmul.f32 $1.442695020e+00, v33;
	v2 =	vsub.f32 $0.0e+00, v2  }
0x39c: {  	(erf) = vpow2.f32 v6;
	v1 =	vmul.f32 $1.442695020e+00, v1  }
0x39d: {  	(erf) = vpow2.f32 v3;
	v2 =	vmul.f32 $1.442695020e+00, v2  }
0x39e: {  	(erf) = vpow2.f32 v1  }
0x39f: {  	v35 =	vld [tilespmem:s6+$0xA310];
	(erf) = vpow2.f32 v2  }
0x3a0: {  	v36 =	vld [tilespmem:s6+$0x8370]  }
0x3a1: {  	v37 =	vld [tilespmem:s6+$0xA370];
	v34 =	vpop (erf)  }
0x3a2: {  	v39 =	vld [tilespmem:s6+$0x8320];
	v7 =	vpop (erf)  }
0x3a3: {  	v41 =	vld [tilespmem:s6+$0xA320];
	v7 =	vadd.f32 $1.000000000e+00, v7;
	v38 =	vpop (erf)  }
0x3a4: {  	v44 =	vld [tilespmem:s6+$0x8330];
	v9 =	vadd.f32 $1.000000000e+00, v38;
	v40 =	vpop (erf)  }
0x3a5: {  	v46 =	vld [tilespmem:s6+$0xA330];
	(erf) = vrcp.f32 v7;
	v42 =	vadd.f32 $1.000000000e+00, v40;
	v43 =	vpop (erf)  }
0x3a6: {  	v48 =	vld [tilespmem:s6+$0x8340];
	(erf) = vrcp.f32 v9;
	v11 =	vadd.f32 $1.000000000e+00, v43;
	v45 =	vpop (erf)  }
0x3a7: {  	v3 =	vld [tilespmem:s6+$0x8300];
	(erf) = vrcp.f32 v42;
	v9 =	vadd.f32 $1.000000000e+00, v45;
	v47 =	vpop (erf)  }
0x3a8: {  	v1 =	vld [tilespmem:s6+$0xA300];
	(erf) = vrcp.f32 v11;
	v7 =	vadd.f32 $1.000000000e+00, v47;
	v49 =	vpop (erf)  }
0x3a9: {  	v2 =	vld [tilespmem:s6+$0x8310];
	(erf) = vrcp.f32 v9;
	v11 =	vadd.f32 $1.000000000e+00, v49  }
0x3aa: {  	v50 =	vld [tilespmem:s6+$0xA340];
	(erf) = vrcp.f32 v7  }
0x3ab: {  	v51 =	vld [tilespmem:s6+$0x8350];
	(erf) = vrcp.f32 v11  }
0x3ac: {  	v52 =	vld [tilespmem:s6+$0xA350];
	v6 =	vadd.f32 v37, v36  }
0x3ad: {  	v53 =	vld [tilespmem:s6+$0x8360];
	v1 =	vadd.f32 v1, v3  }
0x3ae: {  	v4 =	vmul.f32 v34, v6;
	v3 =	vld [tilespmem:s6+$0xA360];
	v2 =	vadd.f32 v35, v2;
	v54 =	vpop (erf)  }
0x3af: {  	v55 =	vadd.f32 v41, v39;
	v1 =	vmul.f32 v54, v1;
	v56 =	vpop (erf)  }
0x3b0: {  	v57 =	vadd.f32 v46, v44;
	[tilespmem:s6+$0xB370] =	vst v4;
	v2 =	vmul.f32 v56, v2;
	v58 =	vpop (erf)  }
0x3b1: {  	v8 =	vadd.f32 v50, v48;
	[tilespmem:s6+$0xB300] =	vst v1;
	v1 =	vmul.f32 v58, v55;
	v59 =	vpop (erf)  }
0x3b2: {  	v60 =	vadd.f32 v52, v51;
	[tilespmem:s6+$0xB310] =	vst v2;
	v2 =	vmul.f32 v59, v57;
	v61 =	vpop (erf)  }
0x3b3: {  	v3 =	vadd.f32 v3, v53;
	[tilespmem:s6+$0xB320] =	vst v1;
	v1 =	vmul.f32 v61, v8;
	v62 =	vpop (erf)  }
0x3b4: {  	[tilespmem:s6+$0xB330] =	vst v2;
	v2 =	vmul.f32 v62, v60;
	v63 =	vpop (erf)  }
0x3b5: {  	[tilespmem:s6+$0xB340] =	vst v1;
	v1 =	vmul.f32 v63, v3  }
0x3b6: {  	[tilespmem:s6+$0xB350] =	vst v2  }
0x3b7: {  	[tilespmem:s6+$0xB360] =	vst v1  }
0x3b8: {  	s6 =	sadd.s32 $0x5, s14;
	v1 =	vld [tilespmem:$0x6180]  }
0x3b9: {  	v2 =	vld [tilespmem:$0x6190];
	s7 =	smulhi.u32 $0x342DA7F3, s6;
	_ =	sdelay $0x1  }
0x3ba: {  	s7 =	sshrl.u32 s7, $0x6  }
0x3bb: {  	s7 =	smul.u32 $0x13A, s7  }
0x3bc: {  	[tilespmem:$0x6280] =	vst v1  }
0x3bd: {  	s9 =	simm.s32 $0x6280;
	s15 =	simm.s32 $0xB300;
	[tilespmem:$0x6290] =	vst v2;
	s6 =	ssub.s32 s6, s7  }
0x3be: {  	[spmem:s22] =	stream.indirect.scatter.add.f32 [tilespmem:s15], [sflag:$0x6], $0x80, s9, s8, $0xb8;
	[tilespmem:$0x1FF00] =	vst v63  }
0x3bf: {  	s23 =	sadd.s32 $0x1, s23;
	s6 =	sshll.u32 s6, $0x5  }
0x3c0: {  	p0 =	sne.s32 s23, $0x9C;
	s6 =	sadd.s32 s12, s6  }
.Ltmp5:
0x3c1: {  	s6 =	sshrl.u32 s6, $0x3;
	(pc) =	sbr.rel @p0 .LBB2_8-.Ltmp5, $4  }
0x3c2: {  	s15 =	sadd.s32 s31, s6  }
0x3c3: {  	[tilespmem:s3], [sflag:$0x4] =	stream.linear.gather [hbm4b:s15+s1], $0x20, $0x38;
	[tilespmem:$0x1FF00] =	vst v63  }
0x3c4: {  	s6 =	sadd.s32 s21, s6  }
0x3c5: {  	[tilespmem:s4], [sflag:$0x4] =	stream.linear.gather [hbm4b:s6+s1], $0x20, $0x38;
	[tilespmem:$0x1FF00] =	vst v63  }
0x3c6: {  	_ =	swait.ge [sflag:s18], $0x1000  }
0x3c7: {  	[sflag:s18] =	ssyncset.done $0x0  }
0x3c8: {  	[sflag:s18] =	ssyncadd.s32 $0xFFFFF000  }
0x3c9: {  	_ =	swait.ge [sflag:s18], $0x1000  }
0x3ca: {  	[sflag:s18] =	ssyncset.done $0x0  }
0x3cb: {  	[sflag:s18] =	ssyncadd.s32 $0xFFFFF000  }
0x3cc: {  	_ =	swait.ge [sflag:s18], $0x1000  }
0x3cd: {  	[sflag:s18] =	ssyncset.done $0x0  }
0x3ce: {  	[sflag:s18] =	ssyncadd.s32 $0xFFFFF000  }
0x3cf: {  	_ =	swait.ge [sflag:s18], $0x1000  }
0x3d0: {  	[sflag:s18] =	ssyncset.done $0x0  }
0x3d1: {  	[sflag:s18] =	ssyncadd.s32 $0xFFFFF000  }
0x3d2: {  	_ =	swait.ge [sflag:s18], $0x1000  }
0x3d3: {  	[sflag:s18] =	ssyncset.done $0x0  }
0x3d4: {  	[sflag:s18] =	ssyncadd.s32 $0xFFFFF000  }
0x3d5: {  	_ =	swait.ge [sflag:s11], $0x20  }
0x3d6: {  	[sflag:s11] =	ssyncset.done $0x0  }
0x3d7: {  	[sflag:s11] =	ssyncadd.s32 $0xFFFFFFE0  }
0x3d8: {  	_ =	swait.ge [sflag:s11], $0x20  }
0x3d9: {  	[sflag:s11] =	ssyncset.done $0x0  }
0x3da: {  	[sflag:s11] =	ssyncadd.s32 $0xFFFFFFE0  }
0x3db: {  	_ =	swait.ge [sflag:s16], $0x1000  }
0x3dc: {  	[sflag:s16] =	ssyncset.done $0x0  }
0x3dd: {  	[sflag:s16] =	ssyncadd.s32 $0xFFFFF000  }
0x3de: {  	_ =	swait.ge [sflag:s17], $0x1000  }
0x3df: {  	[sflag:s17] =	ssyncset.done $0x0  }
0x3e0: {  	[sflag:s17] =	ssyncadd.s32 $0xFFFFF000  }
0x3e1: {  	[bflag:$0x0] =	sbarrier.arrive $0xFFFF  }
0x3e2: {  	s6 =	rddreg [dreg:$0x18]  }
0x3e3: {  	[tilespmem:s20], [sflag:$0x7] =	stream.linear.gather [spmem:s6], $0x1000, $0x38;
	[tilespmem:$0x1FF00] =	vst v63  }
0x3e4: {  	_ =	swait.ge [sflag:s0], $0x1000  }
0x3e5: {  	[sflag:s0] =	ssyncset.done $0x0  }
0x3e6: {  	s23 =	rddreg [dreg:$0x4];
	[sflag:s0] =	ssyncadd.s32 $0xFFFFF000  }
0x3e7: {  	[hbm4b:s23+s1] =	stream.linear.scatter [tilespmem:s20], [sflag:$0x7], $0x1000, $0x38;
	[tilespmem:$0x1FF00] =	vst v63  }
0x3e8: {  	_ =	swait.ge [sflag:s0], $0x1000  }
0x3e9: {  	[sflag:s0] =	ssyncset.done $0x0  }
0x3ea: {  	s7 =	rddreg [dreg:$0x19];
	[sflag:s0] =	ssyncadd.s32 $0xFFFFF000  }
0x3eb: {  	[tilespmem:s20], [sflag:$0x7] =	stream.linear.gather [spmem:s7], $0x1000, $0x38;
	[tilespmem:$0x1FF00] =	vst v63  }
0x3ec: {  	_ =	swait.ge [sflag:s0], $0x1000  }
0x3ed: {  	[sflag:s0] =	ssyncset.done $0x0  }
0x3ee: {  	s9 =	rddreg [dreg:$0x5];
	[sflag:s0] =	ssyncadd.s32 $0xFFFFF000  }
0x3ef: {  	[hbm4b:s9+s1] =	stream.linear.scatter [tilespmem:s20], [sflag:$0x7], $0x1000, $0x38;
	[tilespmem:$0x1FF00] =	vst v63  }
0x3f0: {  	_ =	swait.ge [sflag:s0], $0x1000  }
0x3f1: {  	[sflag:s0] =	ssyncset.done $0x0  }
0x3f2: {  	s14 =	rddreg [dreg:$0x1a];
	[sflag:s0] =	ssyncadd.s32 $0xFFFFF000  }
0x3f3: {  	[tilespmem:s20], [sflag:$0x7] =	stream.linear.gather [spmem:s14], $0x1000, $0x38;
	[tilespmem:$0x1FF00] =	vst v63  }
0x3f4: {  	_ =	swait.ge [sflag:s0], $0x1000  }
0x3f5: {  	[sflag:s0] =	ssyncset.done $0x0  }
0x3f6: {  	s15 =	rddreg [dreg:$0x6];
	[sflag:s0] =	ssyncadd.s32 $0xFFFFF000  }
0x3f7: {  	[hbm4b:s15+s1] =	stream.linear.scatter [tilespmem:s20], [sflag:$0x7], $0x1000, $0x38;
	[tilespmem:$0x1FF00] =	vst v63  }
0x3f8: {  	_ =	swait.ge [sflag:s0], $0x1000  }
0x3f9: {  	[sflag:s0] =	ssyncset.done $0x0  }
0x3fa: {  	s19 =	rddreg [dreg:$0x1b];
	[sflag:s0] =	ssyncadd.s32 $0xFFFFF000  }
0x3fb: {  	[tilespmem:s20], [sflag:$0x7] =	stream.linear.gather [spmem:s19], $0x1000, $0x38;
	[tilespmem:$0x1FF00] =	vst v63  }
0x3fc: {  	_ =	swait.ge [sflag:s0], $0x1000  }
0x3fd: {  	[sflag:s0] =	ssyncset.done $0x0  }
0x3fe: {  	s23 =	rddreg [dreg:$0x7];
	[sflag:s0] =	ssyncadd.s32 $0xFFFFF000  }
0x3ff: {  	[hbm4b:s23+s1] =	stream.linear.scatter [tilespmem:s20], [sflag:$0x7], $0x1000, $0x38;
	[tilespmem:$0x1FF00] =	vst v63  }
0x400: {  	_ =	swait.ge [sflag:s0], $0x1000  }
0x401: {  	[sflag:s0] =	ssyncset.done $0x0  }
0x402: {  	s7 =	rddreg [dreg:$0x1c];
	[sflag:s0] =	ssyncadd.s32 $0xFFFFF000  }
0x403: {  	[tilespmem:s20], [sflag:$0x7] =	stream.linear.gather [spmem:s7], $0x1000, $0x38;
	[tilespmem:$0x1FF00] =	vst v63  }
0x404: {  	_ =	swait.ge [sflag:s0], $0x1000  }
0x405: {  	[sflag:s0] =	ssyncset.done $0x0  }
0x406: {  	s9 =	rddreg [dreg:$0x8];
	[sflag:s0] =	ssyncadd.s32 $0xFFFFF000  }
0x407: {  	[hbm4b:s9+s1] =	stream.linear.scatter [tilespmem:s20], [sflag:$0x7], $0x1000, $0x38;
	[tilespmem:$0x1FF00] =	vst v63  }
0x408: {  	_ =	swait.ge [sflag:s0], $0x1000  }
0x409: {  	[sflag:s0] =	ssyncset.done $0x0  }
0x40a: {  	s14 =	rddreg [dreg:$0x1d];
	[sflag:s0] =	ssyncadd.s32 $0xFFFFF000  }
0x40b: {  	[tilespmem:s20], [sflag:$0x7] =	stream.linear.gather [spmem:s14], $0x1000, $0x38;
	[tilespmem:$0x1FF00] =	vst v63  }
0x40c: {  	_ =	swait.ge [sflag:s0], $0x1000  }
0x40d: {  	[sflag:s0] =	ssyncset.done $0x0  }
0x40e: {  	s15 =	rddreg [dreg:$0x9];
	[sflag:s0] =	ssyncadd.s32 $0xFFFFF000  }
0x40f: {  	[hbm4b:s15+s1] =	stream.linear.scatter [tilespmem:s20], [sflag:$0x7], $0x1000, $0x38;
	[tilespmem:$0x1FF00] =	vst v63  }
0x410: {  	_ =	swait.ge [sflag:s0], $0x1000  }
0x411: {  	[sflag:s0] =	ssyncset.done $0x0  }
0x412: {  	s9 =	rddreg [dreg:$0x1e];
	[sflag:s0] =	ssyncadd.s32 $0xFFFFF000  }
0x413: {  	[tilespmem:s20], [sflag:$0x7] =	stream.linear.gather [spmem:s9], $0x1000, $0x38;
	[tilespmem:$0x1FF00] =	vst v63  }
0x414: {  	_ =	swait.ge [sflag:s0], $0x1000  }
0x415: {  	[sflag:s0] =	ssyncset.done $0x0  }
0x416: {  	s19 =	rddreg [dreg:$0xa];
	[sflag:s0] =	ssyncadd.s32 $0xFFFFF000  }
0x417: {  	[hbm4b:s19+s1] =	stream.linear.scatter [tilespmem:s20], [sflag:$0x7], $0x1000, $0x38;
	[tilespmem:$0x1FF00] =	vst v63  }
0x418: {  	_ =	swait.ge [sflag:s0], $0x1000  }
0x419: {  	[sflag:s0] =	ssyncset.done $0x0  }
0x41a: {  	s14 =	rddreg [dreg:$0x1f];
	[sflag:s0] =	ssyncadd.s32 $0xFFFFF000  }
0x41b: {  	[tilespmem:s20], [sflag:$0x7] =	stream.linear.gather [spmem:s14], $0x1000, $0x38;
	[tilespmem:$0x1FF00] =	vst v63  }
0x41c: {  	_ =	swait.ge [sflag:s0], $0x1000  }
0x41d: {  	[sflag:s0] =	ssyncset.done $0x0  }
0x41e: {  	s23 =	rddreg [dreg:$0xb];
	[sflag:s0] =	ssyncadd.s32 $0xFFFFF000  }
0x41f: {  	[hbm4b:s23+s1] =	stream.linear.scatter [tilespmem:s20], [sflag:$0x7], $0x1000, $0x38;
	[tilespmem:$0x1FF00] =	vst v63  }
0x420: {  	_ =	swait.ge [sflag:s0], $0x1000  }
0x421: {  	s15 =	sld [smem:$0x7FB]  }
0x422: {  	[sflag:s0] =	ssyncset.done $0x0  }
0x423: {  	[sflag:s0] =	ssyncadd.s32 $0xFFFFF000  }
0x424: {  	[tilespmem:s20], [sflag:$0x7] =	stream.linear.gather [spmem:s15], $0x1000, $0x38;
	[tilespmem:$0x1FF00] =	vst v63  }
0x425: {  	_ =	swait.ge [sflag:s0], $0x1000  }
0x426: {  	[sflag:s0] =	ssyncset.done $0x0  }
0x427: {  	s7 =	rddreg [dreg:$0xc];
	[sflag:s0] =	ssyncadd.s32 $0xFFFFF000  }
0x428: {  	[hbm4b:s7+s1] =	stream.linear.scatter [tilespmem:s20], [sflag:$0x7], $0x1000, $0x38;
	[tilespmem:$0x1FF00] =	vst v63  }
0x429: {  	_ =	swait.ge [sflag:s0], $0x1000  }
0x42a: {  	s19 =	sld [smem:$0x7E2]  }
0x42b: {  	[sflag:s0] =	ssyncset.done $0x0  }
0x42c: {  	[sflag:s0] =	ssyncadd.s32 $0xFFFFF000  }
0x42d: {  	[tilespmem:s20], [sflag:$0x7] =	stream.linear.gather [spmem:s19], $0x1000, $0x38;
	[tilespmem:$0x1FF00] =	vst v63  }
0x42e: {  	_ =	swait.ge [sflag:s0], $0x1000  }
0x42f: {  	[sflag:s0] =	ssyncset.done $0x0  }
0x430: {  	s23 =	rddreg [dreg:$0xd];
	[sflag:s0] =	ssyncadd.s32 $0xFFFFF000  }
0x431: {  	[hbm4b:s23+s1] =	stream.linear.scatter [tilespmem:s20], [sflag:$0x7], $0x1000, $0x38;
	[tilespmem:$0x1FF00] =	vst v63  }
0x432: {  	_ =	swait.ge [sflag:s0], $0x1000  }
0x433: {  	s7 =	sld [smem:$0x7E3]  }
0x434: {  	[sflag:s0] =	ssyncset.done $0x0  }
0x435: {  	[sflag:s0] =	ssyncadd.s32 $0xFFFFF000  }
0x436: {  	[tilespmem:s20], [sflag:$0x7] =	stream.linear.gather [spmem:s7], $0x1000, $0x38;
	[tilespmem:$0x1FF00] =	vst v63  }
0x437: {  	_ =	swait.ge [sflag:s0], $0x1000  }
0x438: {  	[sflag:s0] =	ssyncset.done $0x0  }
0x439: {  	s19 =	rddreg [dreg:$0xe];
	[sflag:s0] =	ssyncadd.s32 $0xFFFFF000  }
0x43a: {  	[hbm4b:s19+s1] =	stream.linear.scatter [tilespmem:s20], [sflag:$0x7], $0x1000, $0x38;
	[tilespmem:$0x1FF00] =	vst v63  }
0x43b: {  	_ =	swait.ge [sflag:s0], $0x1000  }
0x43c: {  	s19 =	sld [smem:$0x7FC]  }
0x43d: {  	[sflag:s0] =	ssyncset.done $0x0  }
0x43e: {  	[sflag:s0] =	ssyncadd.s32 $0xFFFFF000  }
0x43f: {  	[tilespmem:s20], [sflag:$0x7] =	stream.linear.gather [spmem:s19], $0x1000, $0x38;
	[tilespmem:$0x1FF00] =	vst v63  }
0x440: {  	_ =	swait.ge [sflag:s0], $0x1000  }
0x441: {  	[sflag:s0] =	ssyncset.done $0x0  }
0x442: {  	s23 =	rddreg [dreg:$0xf];
	[sflag:s0] =	ssyncadd.s32 $0xFFFFF000  }
0x443: {  	[hbm4b:s23+s1] =	stream.linear.scatter [tilespmem:s20], [sflag:$0x7], $0x1000, $0x38;
	[tilespmem:$0x1FF00] =	vst v63  }
0x444: {  	_ =	swait.ge [sflag:s0], $0x1000  }
0x445: {  	s7 =	sld [smem:$0x7E4]  }
0x446: {  	[sflag:s0] =	ssyncset.done $0x0  }
0x447: {  	[sflag:s0] =	ssyncadd.s32 $0xFFFFF000  }
0x448: {  	[tilespmem:s20], [sflag:$0x7] =	stream.linear.gather [spmem:s7], $0x1000, $0x38;
	[tilespmem:$0x1FF00] =	vst v63  }
0x449: {  	_ =	swait.ge [sflag:s0], $0x1000  }
0x44a: {  	[sflag:s0] =	ssyncset.done $0x0  }
0x44b: {  	s23 =	rddreg [dreg:$0x10];
	[sflag:s0] =	ssyncadd.s32 $0xFFFFF000  }
0x44c: {  	[hbm4b:s23+s1] =	stream.linear.scatter [tilespmem:s20], [sflag:$0x7], $0x1000, $0x38;
	[tilespmem:$0x1FF00] =	vst v63  }
0x44d: {  	_ =	swait.ge [sflag:s0], $0x1000  }
0x44e: {  	s7 =	sld [smem:$0x7E5]  }
0x44f: {  	[sflag:s0] =	ssyncset.done $0x0  }
0x450: {  	[sflag:s0] =	ssyncadd.s32 $0xFFFFF000  }
0x451: {  	[tilespmem:s20], [sflag:$0x7] =	stream.linear.gather [spmem:s7], $0x1000, $0x38;
	[tilespmem:$0x1FF00] =	vst v63  }
0x452: {  	_ =	swait.ge [sflag:s0], $0x1000  }
0x453: {  	[sflag:s0] =	ssyncset.done $0x0  }
0x454: {  	s23 =	rddreg [dreg:$0x11];
	[sflag:s0] =	ssyncadd.s32 $0xFFFFF000  }
0x455: {  	[hbm4b:s23+s1] =	stream.linear.scatter [tilespmem:s20], [sflag:$0x7], $0x1000, $0x38;
	[tilespmem:$0x1FF00] =	vst v63  }
0x456: {  	_ =	swait.ge [sflag:s0], $0x1000  }
0x457: {  	s7 =	sld [smem:$0x7E6]  }
0x458: {  	[sflag:s0] =	ssyncset.done $0x0  }
0x459: {  	[sflag:s0] =	ssyncadd.s32 $0xFFFFF000  }
0x45a: {  	[tilespmem:s20], [sflag:$0x7] =	stream.linear.gather [spmem:s7], $0x1000, $0x38;
	[tilespmem:$0x1FF00] =	vst v63  }
0x45b: {  	_ =	swait.ge [sflag:s0], $0x1000  }
0x45c: {  	[sflag:s0] =	ssyncset.done $0x0  }
0x45d: {  	s23 =	rddreg [dreg:$0x12];
	[sflag:s0] =	ssyncadd.s32 $0xFFFFF000  }
0x45e: {  	[hbm4b:s23+s1] =	stream.linear.scatter [tilespmem:s20], [sflag:$0x7], $0x1000, $0x38;
	[tilespmem:$0x1FF00] =	vst v63  }
0x45f: {  	_ =	swait.ge [sflag:s0], $0x1000  }
0x460: {  	s7 =	sld [smem:$0x7E7]  }
0x461: {  	[sflag:s0] =	ssyncset.done $0x0  }
0x462: {  	[sflag:s0] =	ssyncadd.s32 $0xFFFFF000  }
0x463: {  	[tilespmem:s20], [sflag:$0x7] =	stream.linear.gather [spmem:s7], $0x1000, $0x38;
	[tilespmem:$0x1FF00] =	vst v63  }
0x464: {  	_ =	swait.ge [sflag:s0], $0x1000  }
0x465: {  	[sflag:s0] =	ssyncset.done $0x0  }
0x466: {  	s23 =	rddreg [dreg:$0x13];
	[sflag:s0] =	ssyncadd.s32 $0xFFFFF000  }
0x467: {  	[hbm4b:s23+s1] =	stream.linear.scatter [tilespmem:s20], [sflag:$0x7], $0x1000, $0x38;
	[tilespmem:$0x1FF00] =	vst v63  }
0x468: {  	_ =	swait.ge [sflag:s0], $0x1000  }
0x469: {  	s23 =	sld [smem:$0x7FD]  }
0x46a: {  	[sflag:s0] =	ssyncset.done $0x0  }
0x46b: {  	[sflag:s0] =	ssyncadd.s32 $0xFFFFF000  }
0x46c: {  	[tilespmem:s20], [sflag:$0x7] =	stream.linear.gather [spmem:s23], $0x1000, $0x38;
	[tilespmem:$0x1FF00] =	vst v63  }
0x46d: {  	_ =	swait.ge [sflag:s0], $0x1000  }
0x46e: {  	[sflag:s0] =	ssyncset.done $0x0  }
0x46f: {  	s7 =	rddreg [dreg:$0x14];
	[sflag:s0] =	ssyncadd.s32 $0xFFFFF000  }
0x470: {  	[hbm4b:s7+s1] =	stream.linear.scatter [tilespmem:s20], [sflag:$0x7], $0x1000, $0x38;
	[tilespmem:$0x1FF00] =	vst v63  }
0x471: {  	_ =	swait.ge [sflag:s0], $0x1000  }
0x472: {  	s7 =	sld [smem:$0x7E8]  }
0x473: {  	[sflag:s0] =	ssyncset.done $0x0  }
0x474: {  	[sflag:s0] =	ssyncadd.s32 $0xFFFFF000  }
0x475: {  	[tilespmem:s20], [sflag:$0x7] =	stream.linear.gather [spmem:s7], $0x1000, $0x38;
	[tilespmem:$0x1FF00] =	vst v63  }
0x476: {  	_ =	swait.ge [sflag:s0], $0x1000  }
0x477: {  	[sflag:s0] =	ssyncset.done $0x0  }
0x478: {  	s7 =	rddreg [dreg:$0x15];
	[sflag:s0] =	ssyncadd.s32 $0xFFFFF000  }
0x479: {  	[hbm4b:s7+s1] =	stream.linear.scatter [tilespmem:s20], [sflag:$0x7], $0x1000, $0x38;
	[tilespmem:$0x1FF00] =	vst v63  }
0x47a: {  	_ =	swait.ge [sflag:s0], $0x1000  }
0x47b: {  	s7 =	sld [smem:$0x7E9]  }
0x47c: {  	[sflag:s0] =	ssyncset.done $0x0  }
0x47d: {  	[sflag:s0] =	ssyncadd.s32 $0xFFFFF000  }
0x47e: {  	[tilespmem:s20], [sflag:$0x7] =	stream.linear.gather [spmem:s7], $0x1000, $0x38;
	[tilespmem:$0x1FF00] =	vst v63  }
0x47f: {  	_ =	swait.ge [sflag:s0], $0x1000  }
0x480: {  	[sflag:s0] =	ssyncset.done $0x0  }
0x481: {  	s7 =	rddreg [dreg:$0x16];
	[sflag:s0] =	ssyncadd.s32 $0xFFFFF000  }
0x482: {  	[hbm4b:s7+s1] =	stream.linear.scatter [tilespmem:s20], [sflag:$0x7], $0x1000, $0x38;
	[tilespmem:$0x1FF00] =	vst v63  }
0x483: {  	_ =	swait.ge [sflag:s0], $0x1000  }
0x484: {  	s7 =	sld [smem:$0x7EA]  }
0x485: {  	[sflag:s0] =	ssyncset.done $0x0  }
0x486: {  	[sflag:s0] =	ssyncadd.s32 $0xFFFFF000  }
0x487: {  	[tilespmem:s20], [sflag:$0x7] =	stream.linear.gather [spmem:s7], $0xC00, $0x38;
	[tilespmem:$0x1FF00] =	vst v63  }
0x488: {  	_ =	swait.ge [sflag:s0], $0xC00  }
0x489: {  	[sflag:s0] =	ssyncset.done $0x0  }
0x48a: {  	s7 =	rddreg [dreg:$0x17];
	[sflag:s0] =	ssyncadd.s32 $0xFFFFF400  }
0x48b: {  	[hbm4b:s7+s1] =	stream.linear.scatter [tilespmem:s20], [sflag:$0x7], $0xC00, $0x38;
	[tilespmem:$0x1FF00] =	vst v63  }
0x48c: {  	_ =	swait.ge [sflag:s0], $0xC00  }
0x48d: {  	s7 =	sld [smem:$0x7E1]  }
0x48e: {  	s6 =	sld [smem:$0x7FA];
	_ =	sdelay $0x1  }
0x48f: {  	s7 =	sadd.s32 $0x1, s7  }
0x490: {  	p0 =	sne.s32 s7, s6  }
.Ltmp6:
0x491: {  	_ = 	snop;
	(pc) =	sbr.rel @p0 .LBB2_1-.Ltmp6, $3  }
0x492: {  	_ =	sdelay $0x1  }
0x493: {  	[sflag:s0] =	ssyncset.done $0x0  }
0x494: {  	[sflag:s0] =	ssyncadd.s32 $0xFFFFF400  }
0x495: {  	_ =	sfence.sel $0x180000  }
0x496: {  	[bflag:$0x0] =	sbarrier.arrive $0xFFFF  }
0x497: {  	_ =	strace $0x90000047  }
0x498: {  	s0 =	stileid.u32;
	[bflag:$0x2] =	sbarrier.arrive $0xFFFF  }
0x499: {  	p0 =	sne.s32 s0, $0x0;
	s0 =	rddreg [dreg:$0x3]  }
0x49a: {  	s0 =	sadd.s32 @!p0 $0x100000, s0  }
0x49b: {  	[sflag:s0] =	ssyncadd.tile.s32 @!p0 $0x1;
	_ =	shalt  }
.Lfunc_end2:
_tile_overlayer_lowered:
.L_overlay_start_2:
0x49c: {  	(tag) =	ssettag $0x2  }
0x49d: {  	s0 =	rddreg [dreg:$0x0];
	s2 =	stileid.u32  }
0x49e: {  	s1 =	rddreg [dreg:$0x1];
	p0 =	sne.s32 s2, $0x0  }
0x49f: {  	s3 =	rddreg [dreg:$0x2];
	[bflag:$0x3] =	sbarrier.arrive $0xFFFF;
	s2 =	simm.s32 @!p0 $0x1C07  }
0x4a0: {  	[timem:s3], [sflag:s2] =	dma.local @!p0 [hbm:s0], s1  }
0x4a1: {  	s0 =	simm.s32 @!p0 $0x7  }
0x4a2: {  	_ =	swait.ge @!p0 [sflag:s0], s1  }
0x4a3: {  	s1 =	ssub.s32 @!p0 $0x0, s1;
	[sflag:s0] =	ssyncset.done @!p0 $0x0  }
0x4a4: {  	[sflag:s0] =	ssyncadd.s32 @!p0 s1  }
0x4a5: {  	[bflag:$0x3] =	sbarrier.arrive $0xFFFF  }
0x4a6: {  	_ =	shalt  }

</sc_bundles>
